<compile_context>
chip_gen: v7x
topology: tpu7x:2x2x1
jax: 0.10.2.dev20260603
libtpu: 0.0.44.dev20260713+nightly
codegen_flags: <defaults>
</compile_context>

<pallas_src>
import functools

import jax
import jax.numpy as jnp
from jax import lax
from jax.experimental import pallas as pl
from jax.experimental.pallas import tpu as pltpu
from jax.experimental.pallas import tpu_sc as plsc

N_NODES = 50000
N_PAD = 50176
HALF = 32
GROUP = 128
G_INFLIGHT = 4
G_IDX = 8
GROUPS_PER_TILE = 400
E_PAD = 16 * GROUPS_PER_TILE * GROUP
N_SUPER = GROUPS_PER_TILE // G_IDX
ROWS_PER_TILE = N_PAD // 16
STAGE_ROWS = 98
N_STAGE = ROWS_PER_TILE // STAGE_ROWS



def _make_segsum(with_deg):
  mesh = plsc.VectorSubcoreMesh(core_axis_name="c", subcore_axis_name="s")
  out_type = [jax.ShapeDtypeStruct((2 * N_PAD, HALF), jnp.float32)]
  if with_deg:
    out_type.append(jax.ShapeDtypeStruct((N_PAD,), jnp.float32))
  scratch = [
      pltpu.VMEM((2, G_IDX, GROUP), jnp.int32),
      pltpu.VMEM((2, G_IDX, GROUP), jnp.int32),
      pltpu.VMEM((2, 2, GROUP, HALF), jnp.float32),
      pltpu.VMEM((STAGE_ROWS, HALF), jnp.float32),
      pltpu.VMEM((ROWS_PER_TILE,), jnp.float32),
      pltpu.VMEM((GROUP,), jnp.float32),
      pltpu.VMEM_SHARED((N_PAD, HALF), jnp.float32),
      pltpu.VMEM_SHARED((N_PAD,), jnp.float32),
      pltpu.SemaphoreType.DMA,
      pltpu.SemaphoreType.DMA,
      pltpu.SemaphoreType.DMA,
      pltpu.SemaphoreType.DMA,
  ]

  def body(h_flat, srcp, dstp, *rest):
    if with_deg:
      msum_out, deg_out = rest[0], rest[1]
      rest = rest[2:]
    else:
      msum_out, deg_out = rest[0], None
      rest = rest[1:]
    (srcbuf, dstbuf, rows, stage, dstage, ones, acc, accd,
     gsem, ssem, dsem, isem) = rest

    c = lax.axis_index("c")
    s = lax.axis_index("s")
    base = s * ROWS_PER_TILE
    gbase = s * GROUPS_PER_TILE
    off = c * N_PAD

    zv = jnp.zeros((16,), jnp.float32)

    def _zrow(i, carry):
      stage[i, 0:16] = zv
      stage[i, 16:32] = zv
      return carry

    lax.fori_loop(0, STAGE_ROWS, _zrow, 0)

    def _zacc(j, carry):
      pltpu.sync_copy(stage, acc.at[pl.ds(base + j * STAGE_ROWS, STAGE_ROWS)])
      return carry

    lax.fori_loop(0, N_STAGE, _zacc, 0)
    if with_deg:
      @pl.when(c == 0)
      def _deg_init():
        def _zd(i, carry):
          dstage[pl.ds(i * 16, 16)] = zv
          return carry
        lax.fori_loop(0, ROWS_PER_TILE // 16, _zd, 0)
        pltpu.sync_copy(dstage, accd.at[pl.ds(base, ROWS_PER_TILE)])
        ov = jnp.ones((16,), jnp.float32)
        for g in range(GROUP // 16):
          ones[pl.ds(g * 16, 16)] = ov
    plsc.subcore_barrier()

    def idx_issue(i_sc, q):
      pltpu.async_copy(srcp.at[pl.ds(gbase + i_sc * G_IDX, G_IDX)],
                       srcbuf.at[q], isem)
      pltpu.async_copy(dstp.at[pl.ds(gbase + i_sc * G_IDX, G_IDX)],
                       dstbuf.at[q], isem)

    def idx_wait(q):
      for _ in range(2):
        pltpu.make_async_copy(srcp.at[pl.ds(gbase, G_IDX)],
                              srcbuf.at[q], isem).wait()

    def add_off(q):
      for g in range(G_IDX):
        def _addoff(j, carry2, g=g):
          srcbuf[q, g, pl.ds(j * 16, 16)] = (
              srcbuf[q, g, pl.ds(j * 16, 16)] + off)
          return carry2
        lax.fori_loop(0, GROUP // 16, _addoff, 0)

    def g_issue(q, k, b):
      for g2 in range(2):
        pltpu.async_copy(h_flat.at[srcbuf.at[q, 2 * k + g2]],
                         rows.at[b, g2], gsem)

    def g_wait():
      for g2 in range(2):
        pltpu.make_async_copy(h_flat.at[pl.ds(0, GROUP)],
                              rows.at[0, g2], gsem).wait()

    def s_issue(q, k, b):
      for g2 in range(2):
        pltpu.async_copy(rows.at[b, g2], acc.at[dstbuf.at[q, 2 * k + g2]],
                         ssem, add=True)
      if with_deg:
        @pl.when(c == 0)
        def _():
          for g2 in range(2):
            pltpu.async_copy(ones, accd.at[dstbuf.at[q, 2 * k + g2]], dsem,
                             add=True)

    def s_wait():
      for g2 in range(2):
        pltpu.make_async_copy(h_flat.at[pl.ds(0, GROUP)],
                              acc.at[pl.ds(0, GROUP)], ssem).wait()

    def drain_prev():
      s_wait()
      s_wait()
      if with_deg:
        @pl.when(c == 0)
        def _():
          pltpu.make_async_copy(deg_out.at[pl.ds(0, 1024)],
                                accd.at[pl.ds(0, 1024)], dsem).wait()

    def proc(q, notfirst, have_next, i_sc):
      idx_wait(q)
      if notfirst is None:
        drain_prev()
      else:
        @pl.when(notfirst)
        def _():
          drain_prev()
      if have_next is None:
        idx_issue(i_sc + 1, 1 - q)
      else:
        @pl.when(have_next)
        def _():
          idx_issue(i_sc + 1, 1 - q)
      add_off(q)
      g_issue(q, 0, 0)
      g_issue(q, 1, 1)
      g_wait()
      s_issue(q, 0, 0)
      g_wait()
      s_issue(q, 1, 1)
      s_wait()
      g_issue(q, 2, 0)
      s_wait()
      g_issue(q, 3, 1)
      g_wait()
      s_issue(q, 2, 0)
      g_wait()
      s_issue(q, 3, 1)

    idx_issue(0, 0)

    def super2(i2, carry):
      i_sc0 = 2 * i2
      proc(0, i_sc0 > 0, None, i_sc0)
      proc(1, None, i2 < (N_SUPER // 2 - 1), i_sc0 + 1)
      return carry

    lax.fori_loop(0, N_SUPER // 2, super2, 0)
    drain_prev()
    plsc.subcore_barrier()

    def _out(j, carry):
      pltpu.sync_copy(acc.at[pl.ds(base + j * STAGE_ROWS, STAGE_ROWS)], stage)
      pltpu.sync_copy(
          stage,
          msum_out.at[pl.ds(off + base + j * STAGE_ROWS, STAGE_ROWS)])
      return carry

    lax.fori_loop(0, N_STAGE, _out, 0)
    if with_deg:
      @pl.when(c == 0)
      def _deg_out():
        pltpu.sync_copy(accd.at[pl.ds(base, ROWS_PER_TILE)], dstage)
        pltpu.sync_copy(dstage, deg_out.at[pl.ds(base, ROWS_PER_TILE)])

  return pl.kernel(body, out_type=tuple(out_type), mesh=mesh,
                   scratch_types=scratch,
                   compiler_params=pltpu.CompilerParams(
                       use_tc_tiling_on_sc=False))



_R = 1792
_GRID = N_PAD // _R


def _proj_body(x_ref, t_ref, w1_ref, b1_ref, w2_ref, b2_ref, out_ref):
  x = x_ref[...]
  t = t_ref[...]
  h1 = jnp.dot(x, w1_ref[...]) + b1_ref[...]
  h1 = jnp.maximum(h1, 0.0)
  tcol = lax.broadcasted_iota(jnp.int32, (1, 192), 1) // 64
  h1m = jnp.where(t == tcol, h1, 0.0)
  oneh = (t == lax.broadcasted_iota(jnp.int32, (1, 3), 1)).astype(jnp.float32)
  out_ref[...] = jnp.dot(h1m, w2_ref[0]) + jnp.dot(oneh, b2_ref[0])


def _sage_body(relu, hl_ref, hh_ref, ml_ref, mh_ref, d_ref,
               ws_ref, wn_ref, b_ref, out_ref):
  h = jnp.concatenate([hl_ref[...], hh_ref[...]], axis=1)
  m = jnp.concatenate([ml_ref[...], mh_ref[...]], axis=1)
  deg = jnp.maximum(d_ref[...], 1.0)
  hn = m / deg
  o = jnp.dot(h, ws_ref[0]) + jnp.dot(hn, wn_ref[0]) + b_ref[0]
  if relu:
    o = jnp.maximum(o, 0.0)
  out_ref[...] = o


def _final_body(hl_ref, hh_ref, ml_ref, mh_ref, d_ref, ws_ref, wn_ref, b_ref,
                cw0, cb0, cw1, cb1, cw2, cb2, cw3, cb3,
                rw0, rb0, rw1, rb1, rw2, rb2, rw3, rb3,
                c_out, r_out):
  h = jnp.concatenate([hl_ref[...], hh_ref[...]], axis=1)
  m = jnp.concatenate([ml_ref[...], mh_ref[...]], axis=1)
  deg = jnp.maximum(d_ref[...], 1.0)
  hn = m / deg
  h2 = jnp.dot(h, ws_ref[...]) + jnp.dot(hn, wn_ref[...]) + b_ref[...]
  cc = h2
  for i, (w, b) in enumerate([(cw0, cb0), (cw1, cb1), (cw2, cb2), (cw3, cb3)]):
    cc = jnp.dot(cc, w[...]) + b[...]
    if i != 3:
      cc = jnp.maximum(cc, 0.0)
  rr = h2
  for i, (w, b) in enumerate([(rw0, rb0), (rw1, rb1), (rw2, rb2),
                              (rw3, rb3)]):
    rr = jnp.dot(rr, w[...]) + b[...]
    if i != 3:
      rr = jnp.maximum(rr, 0.0)
  c_out[...] = cc
  r_out[...] = rr


def _full(shape):
  return pl.BlockSpec(shape, lambda *a: tuple(0 for _ in shape))


def _call_proj(xp, tp, w1, b1, w2, b2):
  return pl.pallas_call(
      _proj_body,
      grid=(2, _GRID),
      in_specs=[
          pl.BlockSpec((_R, 16), lambda j, i: (i, 0)),
          pl.BlockSpec((_R, 1), lambda j, i: (i, 0)),
          pl.BlockSpec((16, 192), lambda j, i: (0, 0)),
          pl.BlockSpec((1, 192), lambda j, i: (0, 0)),
          pl.BlockSpec((1, 192, HALF), lambda j, i: (j, 0, 0)),
          pl.BlockSpec((1, 3, HALF), lambda j, i: (j, 0, 0)),
      ],
      out_specs=pl.BlockSpec((_R, HALF), lambda j, i: (j * _GRID + i, 0)),
      out_shape=jax.ShapeDtypeStruct((2 * N_PAD, HALF), jnp.float32),
  )(xp, tp, w1, b1, w2, b2)


def _call_sage(relu, h, msum, deg, ws, wn, b):
  return pl.pallas_call(
      functools.partial(_sage_body, relu),
      grid=(2, _GRID),
      in_specs=[
          pl.BlockSpec((_R, HALF), lambda j, i: (i, 0)),
          pl.BlockSpec((_R, HALF), lambda j, i: (_GRID + i, 0)),
          pl.BlockSpec((_R, HALF), lambda j, i: (i, 0)),
          pl.BlockSpec((_R, HALF), lambda j, i: (_GRID + i, 0)),
          pl.BlockSpec((_R, 1), lambda j, i: (i, 0)),
          pl.BlockSpec((1, 64, HALF), lambda j, i: (j, 0, 0)),
          pl.BlockSpec((1, 64, HALF), lambda j, i: (j, 0, 0)),
          pl.BlockSpec((1, 1, HALF), lambda j, i: (j, 0, 0)),
      ],
      out_specs=pl.BlockSpec((_R, HALF), lambda j, i: (j * _GRID + i, 0)),
      out_shape=jax.ShapeDtypeStruct((2 * N_PAD, HALF), jnp.float32),
  )(h, h, msum, msum, deg, ws, wn, b)


def _call_final(h, msum, deg, ws, wn, b, cws, rws):
  in_specs = [
      pl.BlockSpec((_R, HALF), lambda i: (i, 0)),
      pl.BlockSpec((_R, HALF), lambda i: (_GRID + i, 0)),
      pl.BlockSpec((_R, HALF), lambda i: (i, 0)),
      pl.BlockSpec((_R, HALF), lambda i: (_GRID + i, 0)),
      pl.BlockSpec((_R, 1), lambda i: (i, 0)),
      _full((64, 64)), _full((64, 64)), _full((1, 64)),
  ]
  args = [h, h, msum, msum, deg, ws, wn, b]
  for (w, bb) in cws:
    in_specs += [_full(w.shape), _full(bb.shape)]
    args += [w, bb]
  for (w, bb) in rws:
    in_specs += [_full(w.shape), _full(bb.shape)]
    args += [w, bb]
  return pl.pallas_call(
      _final_body,
      grid=(_GRID,),
      in_specs=in_specs,
      out_specs=[pl.BlockSpec((_R, 8), lambda i: (i, 0)),
                 pl.BlockSpec((_R, 1), lambda i: (i, 0))],
      out_shape=[jax.ShapeDtypeStruct((N_NODES, 8), jnp.float32),
                 jax.ShapeDtypeStruct((N_NODES, 1), jnp.float32)],
  )(*args)



def kernel(feats, params, ntypes, edge_index, dim_list):
  n = feats.shape[0]
  e = edge_index.shape[1]

  tp = ntypes.astype(jnp.int32)[:, None]

  src = edge_index[0].astype(jnp.int32).reshape(e // GROUP, GROUP)
  dst = edge_index[1].astype(jnp.int32).reshape(e // GROUP, GROUP)
  npad_g = E_PAD // GROUP - e // GROUP
  ar = jnp.arange(npad_g * GROUP, dtype=jnp.int32)
  pad_src = (ar % n).reshape(npad_g, GROUP)
  pad_dst = (n + (ar % 128)).reshape(npad_g, GROUP)
  srcp = jnp.concatenate([src, pad_src], axis=0)
  dstp = jnp.concatenate([dst, pad_dst], axis=0)

  def halves(w):
    return jnp.stack([w[..., :HALF], w[..., HALF:]], axis=0)

  pj = params["proj"]
  w1 = jnp.concatenate([pj[t]["l1"]["W"] for t in range(3)], axis=1)
  b1 = jnp.concatenate([pj[t]["l1"]["b"] for t in range(3)])[None, :]
  w2 = halves(jnp.concatenate([pj[t]["l2"]["W"] for t in range(3)], axis=0))
  b2 = halves(jnp.stack([pj[t]["l2"]["b"] for t in range(3)], axis=0))
  sg = params["sage"]
  cws = [(p["W"], p["b"][None, :]) for p in params["cmlp"]]
  rws = [(p["W"], p["b"][None, :]) for p in params["reg"]]

  segsum_deg = _make_segsum(True)
  segsum = _make_segsum(False)

  h0 = _call_proj(feats[:, :16], tp, w1, b1, w2, b2)
  msum0, deg2 = segsum_deg(h0, srcp, dstp)
  deg = deg2[:, None]
  h1 = _call_sage(True, h0, msum0, deg,
                  halves(sg[0]["Wself"]), halves(sg[0]["Wneigh"]),
                  halves(sg[0]["b"][None, :]))
  msum1 = segsum(h1, srcp, dstp)
  if isinstance(msum1, (tuple, list)):
    msum1 = msum1[0]
  cc, rr = _call_final(h1, msum1, deg,
                       sg[1]["Wself"], sg[1]["Wneigh"], sg[1]["b"][None, :],
                       cws, rws)
  return cc, rr

# --- scband reference (transcript-rebuilt; emitter-appended) ---
"""Pipeline reference for scband-net-cap-predictor-59219009077913 (READ-ONLY COPY).

The authoritative reference and input builder live on the scoring server;
editing this copy changes nothing except your own understanding.
"""

import jax, jax.numpy as jnp
import numpy as np

N_NODES = 50000
N_EDGES = 800000
D_IN = 16
D_H = 64
NUM_CLASSES = 8
CMLP_DIMS = [64, 64, 64, 64]
REG_DIMS = [64, 128, 128, 64, 1]


def _linear(key, din, dout):
    W = jax.random.normal(key, (din, dout), dtype=jnp.float32) * 0.02
    b = jnp.zeros((dout,), dtype=jnp.float32)
    return {"W": W, "b": b}


def _make_params(key):
    keys = jax.random.split(key, 32)
    i = 0
    params = {"proj": [], "sage": [], "cmlp": [], "reg": []}
    for t in range(3):
        l1 = _linear(keys[i], D_IN, D_H); i += 1
        l2 = _linear(keys[i], D_H, D_H); i += 1
        params["proj"].append({"l1": l1, "l2": l2})
    for _ in range(2):
        Wself = jax.random.normal(keys[i], (D_H, D_H), dtype=jnp.float32) * 0.02; i += 1
        Wneigh = jax.random.normal(keys[i], (D_H, D_H), dtype=jnp.float32) * 0.02; i += 1
        params["sage"].append({"Wself": Wself, "Wneigh": Wneigh, "b": jnp.zeros((D_H,), jnp.float32)})
    cdims = CMLP_DIMS + [NUM_CLASSES]
    for j in range(len(cdims) - 1):
        params["cmlp"].append(_linear(keys[i], cdims[j], cdims[j + 1])); i += 1
    for j in range(len(REG_DIMS) - 1):
        params["reg"].append(_linear(keys[i], REG_DIMS[j], REG_DIMS[j + 1])); i += 1
    return params


def _forward(feats, params, ntypes, edge_index):
    N = feats.shape[0]
    # Hete2HomoLayer: per-node-type 2-layer MLP projection to common 64-dim
    # space (ReLU on hidden, no activation on final layer; dropout inert in eval).
    outs = []
    for t in range(3):
        p = params["proj"][t]
        x = feats[:, :D_IN]
        h = jax.nn.relu(x @ p["l1"]["W"] + p["l1"]["b"])
        h = h @ p["l2"]["W"] + p["l2"]["b"]
        outs.append(h)
    stacked = jnp.stack(outs, axis=0)  # [3, N, D_H]
    h = stacked[ntypes, jnp.arange(N)]  # scatter-by-type equivalent of h[ntypes==t] = ...
    # GraphSAGE (mean aggregator), 2 SAGEConv layers: fc_self(h) + fc_neigh(mean_neigh(h))
    src = edge_index[0]
    dst = edge_index[1]
    deg = jax.ops.segment_sum(jnp.ones((src.shape[0],), jnp.float32), dst, num_segments=N)
    deg = jnp.maximum(deg, 1.0)[:, None]
    for li, p in enumerate(params["sage"]):
        msum = jax.ops.segment_sum(h[src], dst, num_segments=N)
        hn = msum / deg
        h = h @ p["Wself"] + hn @ p["Wneigh"] + p["b"]
        if li != len(params["sage"]) - 1:
            h = jax.nn.relu(h)
    # classification MLP head (MLPN, ReLU hidden, linear output)
    c = h
    for j, p in enumerate(params["cmlp"]):
        c = c @ p["W"] + p["b"]
        if j != len(params["cmlp"]) - 1:
            c = jax.nn.relu(c)
    # regression MLP head (net cap prediction)
    r = h
    for j, p in enumerate(params["reg"]):
        r = r @ p["W"] + p["b"]
        if j != len(params["reg"]) - 1:
            r = jax.nn.relu(r)
    return c, r


def setup_inputs(seed: int = 0):
    key = jax.random.key(seed)
    k1, k2, k3, k4 = jax.random.split(key, 4)
    feats = jax.random.normal(k1, (N_NODES, D_IN), dtype=jnp.float32)
    ntypes = jax.random.randint(k2, (N_NODES,), 0, 3)
    edge_index = jax.random.randint(k3, (2, N_EDGES), 0, N_NODES)
    dim_list = np.array([16, 16, 16])
    params = _make_params(k4)
    return {"feats": feats, "params": params, "ntypes": ntypes, "edge_index": edge_index, "dim_list": dim_list}


def reference(feats, params, ntypes, edge_index, dim_list):
    # dim_list = [16,16,16]: all type slices cover full feature width here.
    return _forward(feats, params, ntypes, edge_index)

if __name__ == "__main__":
    import jax
    _d = setup_inputs()
    print(jax.jit(kernel)(*tuple(_d.values())))

</pallas_src>

<mosaic_0001>
#map = affine_map<(d0, d1) -> (0, 0)>
#map1 = affine_map<(d0, d1) -> (0)>
module attributes {stable_mosaic.version = 14 : i64} {
  func.func @body(%arg0: i32, %arg1: i32, %arg2: memref<100352x32xf32, #tpu.memory_space<hbm>>, %arg3: memref<6400x128xi32, #tpu.memory_space<hbm>>, %arg4: memref<6400x128xi32, #tpu.memory_space<hbm>>, %arg5: memref<100352x32xf32, #tpu.memory_space<hbm>>, %arg6: memref<50176xf32, #tpu.memory_space<hbm>>, %arg7: memref<2x8x128xi32, #tpu.memory_space<vmem>>, %arg8: memref<2x8x128xi32, #tpu.memory_space<vmem>>, %arg9: memref<2x2x128x32xf32, #tpu.memory_space<vmem>>, %arg10: memref<98x32xf32, #tpu.memory_space<vmem>>, %arg11: memref<3136xf32, #tpu.memory_space<vmem>>, %arg12: memref<128xf32, #tpu.memory_space<vmem>>, %arg13: memref<50176x32xf32, #tpu.memory_space<vmem_shared>>, %arg14: memref<50176xf32, #tpu.memory_space<vmem_shared>>, %arg15: memref<!tpu.dma_semaphore, #tpu.memory_space<semaphore_mem>>, %arg16: memref<!tpu.dma_semaphore, #tpu.memory_space<semaphore_mem>>, %arg17: memref<!tpu.dma_semaphore, #tpu.memory_space<semaphore_mem>>, %arg18: memref<!tpu.dma_semaphore, #tpu.memory_space<semaphore_mem>>) attributes {dimension_semantics = [#tpu.dimension_semantics<core_parallel>, #tpu.dimension_semantics<subcore_parallel>], iteration_bounds = array<i64: 2, 16>, scalar_prefetch = 0 : i64, scratch_operands = 12 : i64, tpu.core_type = #tpu.core_type<sc_vector_subcore>, window_params = [{transform_indices = #map}, {transform_indices = #map}, {transform_indices = #map}, {transform_indices = #map}, {transform_indices = #map1}]} {
    %mul3A = arith.constant 3136 : i32
    %mul3A_0 = arith.muli %arg1, %mul3A : i32
    %mul3A_1 = arith.constant 400 : i32
    %mul3A_2 = arith.muli %arg1, %mul3A_1 : i32
    %mul3A_3 = arith.constant 50176 : i32
    %mul3A_4 = arith.muli %arg0, %mul3A_3 : i32
    %broadcast_in_dim3A = arith.constant 0.000000e+00 : f32
    %broadcast_in_dim3A_5 = vector.broadcast %broadcast_in_dim3A : f32 to vector<16xf32>
    %scan3A = arith.constant 0 : i32
    %scan3A_6 = arith.constant 0 : i32
    %scan3A_7 = arith.constant 98 : i32
    %scan3A_8 = arith.addi %scan3A_6, %scan3A_7 : i32
    %scan3A_9 = arith.constant 1 : i32
    scf.for %scan3A_93 = %scan3A_6 to %scan3A_8 step %scan3A_9  : i32 {
      %swap3A = arith.index_cast %scan3A_93 : i32 to index
      %swap3A_94 = arith.constant 0 : index
      %swap3A_95 = tpu.vector_load %arg10[%swap3A, %swap3A_94] {strides = array<i32>} : memref<98x32xf32, #tpu.memory_space<vmem>>, vector<1x16xf32>,
      %swap3A_96 = vector.shape_cast %swap3A_95 : vector<1x16xf32> to vector<16xf32>
      %swap3A_97 = vector.shape_cast %broadcast_in_dim3A_5 : vector<16xf32> to vector<1x16xf32>
      tpu.vector_store %arg10[%swap3A, %swap3A_94], %swap3A_97 {strides = array<i32>} : memref<98x32xf32, #tpu.memory_space<vmem>>, vector<1x16xf32>,
      %swap3A_98 = arith.index_cast %scan3A_93 : i32 to index
      %swap3A_99 = arith.constant 16 : index
      %swap3A_100 = tpu.vector_load %arg10[%swap3A_98, %swap3A_99] {strides = array<i32>} : memref<98x32xf32, #tpu.memory_space<vmem>>, vector<1x16xf32>,
      %swap3A_101 = vector.shape_cast %swap3A_100 : vector<1x16xf32> to vector<16xf32>
      %swap3A_102 = vector.shape_cast %broadcast_in_dim3A_5 : vector<16xf32> to vector<1x16xf32>
      tpu.vector_store %arg10[%swap3A_98, %swap3A_99], %swap3A_102 {strides = array<i32>} : memref<98x32xf32, #tpu.memory_space<vmem>>, vector<1x16xf32>,
    }
    %scan3A_10 = arith.constant 98 : i32
    %scan3A_11 = arith.constant 0 : i32
    %scan3A_12 = arith.constant 0 : i32
    %scan3A_13 = arith.constant 32 : i32
    %scan3A_14 = arith.addi %scan3A_12, %scan3A_13 : i32
    %scan3A_15 = arith.constant 1 : i32
    scf.for %scan3A_93 = %scan3A_12 to %scan3A_14 step %scan3A_15  : i32 {
      %mul3A_94 = arith.constant 98 : i32
      %mul3A_95 = arith.muli %scan3A_93, %mul3A_94 : i32
      %add3A_96 = arith.addi %mul3A_0, %mul3A_95 : i32
      "tpu.region"() ({
        %run_scoped3A = tpu.sem_alloc : memref<!tpu.dma_semaphore, #tpu.memory_space<semaphore_mem>>
        %dma_start3A_97 = arith.constant 0 : i32
        %dma_start3A_98 = tpu.memref_slice %arg13[%add3A_96, %dma_start3A_97] : memref<50176x32xf32, #tpu.memory_space<vmem_shared>> -> memref<98x32xf32, #tpu.memory_space<vmem_shared>>
        %dma_start3A_99 = arith.constant 0 : i32
        %dma_start3A_100 = tpu.memref_slice %arg13[%add3A_96, %dma_start3A_99] : memref<50176x32xf32, #tpu.memory_space<vmem_shared>> -> memref<98x32xf32, #tpu.memory_space<vmem_shared>>
        tpu.enqueue_dma source(%arg10 : memref<98x32xf32, #tpu.memory_space<vmem>>) target(%dma_start3A_100 : memref<98x32xf32, #tpu.memory_space<vmem_shared>>) target_semaphore(%run_scoped3A : memref<!tpu.dma_semaphore, #tpu.memory_space<semaphore_mem>>)
        %dma_wait3A_101 = arith.constant 0 : i32
        %dma_wait3A_102 = tpu.memref_slice %arg13[%add3A_96, %dma_wait3A_101] : memref<50176x32xf32, #tpu.memory_space<vmem_shared>> -> memref<98x32xf32, #tpu.memory_space<vmem_shared>>
        %dma_wait3A_103 = arith.constant 0 : i32
        %dma_wait3A_104 = tpu.memref_slice %arg13[%add3A_96, %dma_wait3A_103] : memref<50176x32xf32, #tpu.memory_space<vmem_shared>> -> memref<98x32xf32, #tpu.memory_space<vmem_shared>>
        tpu.wait_dma2 semaphore(%run_scoped3A : memref<!tpu.dma_semaphore, #tpu.memory_space<semaphore_mem>>) src(%arg10 : memref<98x32xf32, #tpu.memory_space<vmem>>) dst(%dma_wait3A_104 : memref<98x32xf32, #tpu.memory_space<vmem_shared>>)
        tpu.yield
      }) : () -> ()
    }
    %scan3A_16 = arith.constant 32 : i32
    %eq3A = arith.constant 0 : i32
    %eq3A_17 = arith.cmpi eq, %arg0, %eq3A : i32
    %convert_element_type3A = arith.extui %eq3A_17 : i1 to i32
    %cond3A = arith.constant 0 : i32
    %cond3A_18 = arith.cmpi ne, %convert_element_type3A, %cond3A : i32
    scf.if %cond3A_18 {
      %scan3A_93 = arith.constant 0 : i32
      %scan3A_94 = arith.constant 0 : i32
      %scan3A_95 = arith.constant 196 : i32
      %scan3A_96 = arith.addi %scan3A_94, %scan3A_95 : i32
      %scan3A_97 = arith.constant 1 : i32
      scf.for %scan3A_132 = %scan3A_94 to %scan3A_96 step %scan3A_97  : i32 {
        %mul3A_133 = arith.constant 16 : i32
        %mul3A_134 = arith.muli %scan3A_132, %mul3A_133 : i32
        %swap3A_135 = arith.index_cast %mul3A_134 : i32 to index
        %swap3A_136 = tpu.vector_load %arg11[%swap3A_135] {strides = array<i32>} : memref<3136xf32, #tpu.memory_space<vmem>>, vector<16xf32>,
        %swap3A_137 = vector.shape_cast %swap3A_136 : vector<16xf32> to vector<16xf32>
        %swap3A_138 = vector.shape_cast %broadcast_in_dim3A_5 : vector<16xf32> to vector<16xf32>
        tpu.vector_store %arg11[%swap3A_135], %swap3A_138 {strides = array<i32>} : memref<3136xf32, #tpu.memory_space<vmem>>, vector<16xf32>,
      }
      %scan3A_98 = arith.constant 196 : i32
      "tpu.region"() ({
        %run_scoped3A = tpu.sem_alloc : memref<!tpu.dma_semaphore, #tpu.memory_space<semaphore_mem>>
        %dma_start3A_132 = tpu.memref_slice %arg14[%mul3A_0] : memref<50176xf32, #tpu.memory_space<vmem_shared>> -> memref<3136xf32, #tpu.memory_space<vmem_shared>>
        %dma_start3A_133 = tpu.memref_slice %arg14[%mul3A_0] : memref<50176xf32, #tpu.memory_space<vmem_shared>> -> memref<3136xf32, #tpu.memory_space<vmem_shared>>
        tpu.enqueue_dma source(%arg11 : memref<3136xf32, #tpu.memory_space<vmem>>) target(%dma_start3A_133 : memref<3136xf32, #tpu.memory_space<vmem_shared>>) target_semaphore(%run_scoped3A : memref<!tpu.dma_semaphore, #tpu.memory_space<semaphore_mem>>)
        %dma_wait3A_134 = tpu.memref_slice %arg14[%mul3A_0] : memref<50176xf32, #tpu.memory_space<vmem_shared>> -> memref<3136xf32, #tpu.memory_space<vmem_shared>>
        %dma_wait3A_135 = tpu.memref_slice %arg14[%mul3A_0] : memref<50176xf32, #tpu.memory_space<vmem_shared>> -> memref<3136xf32, #tpu.memory_space<vmem_shared>>
        tpu.wait_dma2 semaphore(%run_scoped3A : memref<!tpu.dma_semaphore, #tpu.memory_space<semaphore_mem>>) src(%arg11 : memref<3136xf32, #tpu.memory_space<vmem>>) dst(%dma_wait3A_135 : memref<3136xf32, #tpu.memory_space<vmem_shared>>)
        tpu.yield
      }) : () -> ()
      %broadcast_in_dim3A_99 = arith.constant 1.000000e+00 : f32
      %broadcast_in_dim3A_100 = vector.broadcast %broadcast_in_dim3A_99 : f32 to vector<16xf32>
      %swap3A = arith.constant 0 : index
      %swap3A_101 = tpu.vector_load %arg12[%swap3A] {strides = array<i32>} : memref<128xf32, #tpu.memory_space<vmem>>, vector<16xf32>,
      %swap3A_102 = vector.shape_cast %swap3A_101 : vector<16xf32> to vector<16xf32>
      %swap3A_103 = vector.shape_cast %broadcast_in_dim3A_100 : vector<16xf32> to vector<16xf32>
      tpu.vector_store %arg12[%swap3A], %swap3A_103 {strides = array<i32>} : memref<128xf32, #tpu.memory_space<vmem>>, vector<16xf32>,
      %swap3A_104 = arith.constant 16 : index
      %swap3A_105 = tpu.vector_load %arg12[%swap3A_104] {strides = array<i32>} : memref<128xf32, #tpu.memory_space<vmem>>, vector<16xf32>,
      %swap3A_106 = vector.shape_cast %swap3A_105 : vector<16xf32> to vector<16xf32>
      %swap3A_107 = vector.shape_cast %broadcast_in_dim3A_100 : vector<16xf32> to vector<16xf32>
      tpu.vector_store %arg12[%swap3A_104], %swap3A_107 {strides = array<i32>} : memref<128xf32, #tpu.memory_space<vmem>>, vector<16xf32>,
      %swap3A_108 = arith.constant 32 : index
      %swap3A_109 = tpu.vector_load %arg12[%swap3A_108] {strides = array<i32>} : memref<128xf32, #tpu.memory_space<vmem>>, vector<16xf32>,
      %swap3A_110 = vector.shape_cast %swap3A_109 : vector<16xf32> to vector<16xf32>
      %swap3A_111 = vector.shape_cast %broadcast_in_dim3A_100 : vector<16xf32> to vector<16xf32>
      tpu.vector_store %arg12[%swap3A_108], %swap3A_111 {strides = array<i32>} : memref<128xf32, #tpu.memory_space<vmem>>, vector<16xf32>,
      %swap3A_112 = arith.constant 48 : index
      %swap3A_113 = tpu.vector_load %arg12[%swap3A_112] {strides = array<i32>} : memref<128xf32, #tpu.memory_space<vmem>>, vector<16xf32>,
      %swap3A_114 = vector.shape_cast %swap3A_113 : vector<16xf32> to vector<16xf32>
      %swap3A_115 = vector.shape_cast %broadcast_in_dim3A_100 : vector<16xf32> to vector<16xf32>
      tpu.vector_store %arg12[%swap3A_112], %swap3A_115 {strides = array<i32>} : memref<128xf32, #tpu.memory_space<vmem>>, vector<16xf32>,
      %swap3A_116 = arith.constant 64 : index
      %swap3A_117 = tpu.vector_load %arg12[%swap3A_116] {strides = array<i32>} : memref<128xf32, #tpu.memory_space<vmem>>, vector<16xf32>,
      %swap3A_118 = vector.shape_cast %swap3A_117 : vector<16xf32> to vector<16xf32>
      %swap3A_119 = vector.shape_cast %broadcast_in_dim3A_100 : vector<16xf32> to vector<16xf32>
      tpu.vector_store %arg12[%swap3A_116], %swap3A_119 {strides = array<i32>} : memref<128xf32, #tpu.memory_space<vmem>>, vector<16xf32>,
      %swap3A_120 = arith.constant 80 : index
      %swap3A_121 = tpu.vector_load %arg12[%swap3A_120] {strides = array<i32>} : memref<128xf32, #tpu.memory_space<vmem>>, vector<16xf32>,
      %swap3A_122 = vector.shape_cast %swap3A_121 : vector<16xf32> to vector<16xf32>
      %swap3A_123 = vector.shape_cast %broadcast_in_dim3A_100 : vector<16xf32> to vector<16xf32>
      tpu.vector_store %arg12[%swap3A_120], %swap3A_123 {strides = array<i32>} : memref<128xf32, #tpu.memory_space<vmem>>, vector<16xf32>,
      %swap3A_124 = arith.constant 96 : index
      %swap3A_125 = tpu.vector_load %arg12[%swap3A_124] {strides = array<i32>} : memref<128xf32, #tpu.memory_space<vmem>>, vector<16xf32>,
      %swap3A_126 = vector.shape_cast %swap3A_125 : vector<16xf32> to vector<16xf32>
      %swap3A_127 = vector.shape_cast %broadcast_in_dim3A_100 : vector<16xf32> to vector<16xf32>
      tpu.vector_store %arg12[%swap3A_124], %swap3A_127 {strides = array<i32>} : memref<128xf32, #tpu.memory_space<vmem>>, vector<16xf32>,
      %swap3A_128 = arith.constant 112 : index
      %swap3A_129 = tpu.vector_load %arg12[%swap3A_128] {strides = array<i32>} : memref<128xf32, #tpu.memory_space<vmem>>, vector<16xf32>,
      %swap3A_130 = vector.shape_cast %swap3A_129 : vector<16xf32> to vector<16xf32>
      %swap3A_131 = vector.shape_cast %broadcast_in_dim3A_100 : vector<16xf32> to vector<16xf32>
      tpu.vector_store %arg12[%swap3A_128], %swap3A_131 {strides = array<i32>} : memref<128xf32, #tpu.memory_space<vmem>>, vector<16xf32>,
    } else {
    }
    %barrier3A = arith.constant 0 : index
    tpu.barrier barrier_id(%barrier3A)
    %add3A = arith.constant 0 : i32
    %add3A_19 = arith.addi %mul3A_2, %add3A : i32
    %dma_start3A = arith.constant 0 : i32
    %dma_start3A_20 = arith.constant 0 : i32
    %dma_start3A_21 = arith.constant 0 : i32
    %dma_start3A_22 = tpu.memref_slice %arg7[%dma_start3A, %dma_start3A_20, %dma_start3A_21] : memref<2x8x128xi32, #tpu.memory_space<vmem>> -> memref<1x8x128xi32, #tpu.memory_space<vmem>>
    %dma_start3A_23 = tpu.memref_squeeze %dma_start3A_22 : memref<1x8x128xi32, #tpu.memory_space<vmem>> -> memref<8x128xi32, #tpu.memory_space<vmem>>
    %dma_start3A_24 = arith.constant 0 : i32
    %dma_start3A_25 = tpu.memref_slice %arg3[%add3A_19, %dma_start3A_24] : memref<6400x128xi32, #tpu.memory_space<hbm>> -> memref<8x128xi32, #tpu.memory_space<hbm>>
    %dma_start3A_26 = arith.constant 0 : i32
    %dma_start3A_27 = arith.constant 0 : i32
    %dma_start3A_28 = tpu.memref_slice %arg7[%dma_start3A, %dma_start3A_26, %dma_start3A_27] : memref<2x8x128xi32, #tpu.memory_space<vmem>> -> memref<1x8x128xi32, #tpu.memory_space<vmem>>
    %dma_start3A_29 = tpu.memref_squeeze %dma_start3A_28 : memref<1x8x128xi32, #tpu.memory_space<vmem>> -> memref<8x128xi32, #tpu.memory_space<vmem>>
    %dma_start3A_30 = arith.constant 0 : i32
    %dma_start3A_31 = tpu.memref_slice %arg3[%add3A_19, %dma_start3A_30] : memref<6400x128xi32, #tpu.memory_space<hbm>> -> memref<8x128xi32, #tpu.memory_space<hbm>>
    tpu.enqueue_dma source(%dma_start3A_31 : memref<8x128xi32, #tpu.memory_space<hbm>>) target(%dma_start3A_29 : memref<8x128xi32, #tpu.memory_space<vmem>>) target_semaphore(%arg18 : memref<!tpu.dma_semaphore, #tpu.memory_space<semaphore_mem>>)
    %add3A_32 = arith.constant 0 : i32
    %add3A_33 = arith.addi %mul3A_2, %add3A_32 : i32
    %dma_start3A_34 = arith.constant 0 : i32
    %dma_start3A_35 = arith.constant 0 : i32
    %dma_start3A_36 = arith.constant 0 : i32
    %dma_start3A_37 = tpu.memref_slice %arg8[%dma_start3A_34, %dma_start3A_35, %dma_start3A_36] : memref<2x8x128xi32, #tpu.memory_space<vmem>> -> memref<1x8x128xi32, #tpu.memory_space<vmem>>
    %dma_start3A_38 = tpu.memref_squeeze %dma_start3A_37 : memref<1x8x128xi32, #tpu.memory_space<vmem>> -> memref<8x128xi32, #tpu.memory_space<vmem>>
    %dma_start3A_39 = arith.constant 0 : i32
    %dma_start3A_40 = tpu.memref_slice %arg4[%add3A_33, %dma_start3A_39] : memref<6400x128xi32, #tpu.memory_space<hbm>> -> memref<8x128xi32, #tpu.memory_space<hbm>>
    %dma_start3A_41 = arith.constant 0 : i32
    %dma_start3A_42 = arith.constant 0 : i32
    %dma_start3A_43 = tpu.memref_slice %arg8[%dma_start3A_34, %dma_start3A_41, %dma_start3A_42] : memref<2x8x128xi32, #tpu.memory_space<vmem>> -> memref<1x8x128xi32, #tpu.memory_space<vmem>>
    %dma_start3A_44 = tpu.memref_squeeze %dma_start3A_43 : memref<1x8x128xi32, #tpu.memory_space<vmem>> -> memref<8x128xi32, #tpu.memory_space<vmem>>
    %dma_start3A_45 = arith.constant 0 : i32
    %dma_start3A_46 = tpu.memref_slice %arg4[%add3A_33, %dma_start3A_45] : memref<6400x128xi32, #tpu.memory_space<hbm>> -> memref<8x128xi32, #tpu.memory_space<hbm>>
    tpu.enqueue_dma source(%dma_start3A_46 : memref<8x128xi32, #tpu.memory_space<hbm>>) target(%dma_start3A_44 : memref<8x128xi32, #tpu.memory_space<vmem>>) target_semaphore(%arg18 : memref<!tpu.dma_semaphore, #tpu.memory_space<semaphore_mem>>)
    %scan3A_47 = arith.constant 0 : i32
    %scan3A_48 = arith.constant 0 : i32
    %scan3A_49 = arith.constant 25 : i32
    %scan3A_50 = arith.addi %scan3A_48, %scan3A_49 : i32
    %scan3A_51 = arith.constant 1 : i32
    scf.for %scan3A_93 = %scan3A_48 to %scan3A_50 step %scan3A_51  : i32 {
      %mul3A_94 = arith.constant 2 : i32
      %mul3A_95 = arith.muli %mul3A_94, %scan3A_93 : i32
      %gt3A = arith.constant 0 : i32
      %gt3A_96 = arith.cmpi sgt, %mul3A_95, %gt3A : i32
      %dma_wait3A_97 = arith.constant 0 : i32
      %dma_wait3A_98 = arith.constant 0 : i32
      %dma_wait3A_99 = arith.constant 0 : i32
      %dma_wait3A_100 = tpu.memref_slice %arg7[%dma_wait3A_97, %dma_wait3A_98, %dma_wait3A_99] : memref<2x8x128xi32, #tpu.memory_space<vmem>> -> memref<1x8x128xi32, #tpu.memory_space<vmem>>
      %dma_wait3A_101 = tpu.memref_squeeze %dma_wait3A_100 : memref<1x8x128xi32, #tpu.memory_space<vmem>> -> memref<8x128xi32, #tpu.memory_space<vmem>>
      %dma_wait3A_102 = arith.constant 0 : i32
      %dma_wait3A_103 = tpu.memref_slice %arg3[%mul3A_2, %dma_wait3A_102] : memref<6400x128xi32, #tpu.memory_space<hbm>> -> memref<8x128xi32, #tpu.memory_space<hbm>>
      %dma_wait3A_104 = arith.constant 0 : i32
      %dma_wait3A_105 = arith.constant 0 : i32
      %dma_wait3A_106 = tpu.memref_slice %arg7[%dma_wait3A_97, %dma_wait3A_104, %dma_wait3A_105] : memref<2x8x128xi32, #tpu.memory_space<vmem>> -> memref<1x8x128xi32, #tpu.memory_space<vmem>>
      %dma_wait3A_107 = tpu.memref_squeeze %dma_wait3A_106 : memref<1x8x128xi32, #tpu.memory_space<vmem>> -> memref<8x128xi32, #tpu.memory_space<vmem>>
      %dma_wait3A_108 = arith.constant 0 : i32
      %dma_wait3A_109 = tpu.memref_slice %arg3[%mul3A_2, %dma_wait3A_108] : memref<6400x128xi32, #tpu.memory_space<hbm>> -> memref<8x128xi32, #tpu.memory_space<hbm>>
      tpu.wait_dma2 semaphore(%arg18 : memref<!tpu.dma_semaphore, #tpu.memory_space<semaphore_mem>>) src(%dma_wait3A_109 : memref<8x128xi32, #tpu.memory_space<hbm>>) dst(%dma_wait3A_107 : memref<8x128xi32, #tpu.memory_space<vmem>>)
      %dma_wait3A_110 = arith.constant 0 : i32
      %dma_wait3A_111 = arith.constant 0 : i32
      %dma_wait3A_112 = arith.constant 0 : i32
      %dma_wait3A_113 = tpu.memref_slice %arg7[%dma_wait3A_110, %dma_wait3A_111, %dma_wait3A_112] : memref<2x8x128xi32, #tpu.memory_space<vmem>> -> memref<1x8x128xi32, #tpu.memory_space<vmem>>
      %dma_wait3A_114 = tpu.memref_squeeze %dma_wait3A_113 : memref<1x8x128xi32, #tpu.memory_space<vmem>> -> memref<8x128xi32, #tpu.memory_space<vmem>>
      %dma_wait3A_115 = arith.constant 0 : i32
      %dma_wait3A_116 = tpu.memref_slice %arg3[%mul3A_2, %dma_wait3A_115] : memref<6400x128xi32, #tpu.memory_space<hbm>> -> memref<8x128xi32, #tpu.memory_space<hbm>>
      %dma_wait3A_117 = arith.constant 0 : i32
      %dma_wait3A_118 = arith.constant 0 : i32
      %dma_wait3A_119 = tpu.memref_slice %arg7[%dma_wait3A_110, %dma_wait3A_117, %dma_wait3A_118] : memref<2x8x128xi32, #tpu.memory_space<vmem>> -> memref<1x8x128xi32, #tpu.memory_space<vmem>>
      %dma_wait3A_120 = tpu.memref_squeeze %dma_wait3A_119 : memref<1x8x128xi32, #tpu.memory_space<vmem>> -> memref<8x128xi32, #tpu.memory_space<vmem>>
      %dma_wait3A_121 = arith.constant 0 : i32
      %dma_wait3A_122 = tpu.memref_slice %arg3[%mul3A_2, %dma_wait3A_121] : memref<6400x128xi32, #tpu.memory_space<hbm>> -> memref<8x128xi32, #tpu.memory_space<hbm>>
      tpu.wait_dma2 semaphore(%arg18 : memref<!tpu.dma_semaphore, #tpu.memory_space<semaphore_mem>>) src(%dma_wait3A_122 : memref<8x128xi32, #tpu.memory_space<hbm>>) dst(%dma_wait3A_120 : memref<8x128xi32, #tpu.memory_space<vmem>>)
      %convert_element_type3A_123 = arith.extui %gt3A_96 : i1 to i32
      %cond3A_124 = arith.constant 0 : i32
      %cond3A_125 = arith.cmpi ne, %convert_element_type3A_123, %cond3A_124 : i32
      scf.if %cond3A_125 {
        %dma_wait3A_1109 = arith.constant 0 : i32
        %dma_wait3A_1110 = arith.constant 0 : i32
        %dma_wait3A_1111 = tpu.memref_slice %arg13[%dma_wait3A_1109, %dma_wait3A_1110] : memref<50176x32xf32, #tpu.memory_space<vmem_shared>> -> memref<128x32xf32, #tpu.memory_space<vmem_shared>>
        %dma_wait3A_1112 = arith.constant 0 : i32
        %dma_wait3A_1113 = arith.constant 0 : i32
        %dma_wait3A_1114 = tpu.memref_slice %arg2[%dma_wait3A_1112, %dma_wait3A_1113] : memref<100352x32xf32, #tpu.memory_space<hbm>> -> memref<128x32xf32, #tpu.memory_space<hbm>>
        tpu.wait_dma2 semaphore(%arg16 : memref<!tpu.dma_semaphore, #tpu.memory_space<semaphore_mem>>) src(%dma_wait3A_1114 : memref<128x32xf32, #tpu.memory_space<hbm>>) dst(%dma_wait3A_1111 : memref<128x32xf32, #tpu.memory_space<vmem_shared>>)
        %dma_wait3A_1115 = arith.constant 0 : i32
        %dma_wait3A_1116 = arith.constant 0 : i32
        %dma_wait3A_1117 = tpu.memref_slice %arg13[%dma_wait3A_1115, %dma_wait3A_1116] : memref<50176x32xf32, #tpu.memory_space<vmem_shared>> -> memref<128x32xf32, #tpu.memory_space<vmem_shared>>
        %dma_wait3A_1118 = arith.constant 0 : i32
        %dma_wait3A_1119 = arith.constant 0 : i32
        %dma_wait3A_1120 = tpu.memref_slice %arg2[%dma_wait3A_1118, %dma_wait3A_1119] : memref<100352x32xf32, #tpu.memory_space<hbm>> -> memref<128x32xf32, #tpu.memory_space<hbm>>
        tpu.wait_dma2 semaphore(%arg16 : memref<!tpu.dma_semaphore, #tpu.memory_space<semaphore_mem>>) src(%dma_wait3A_1120 : memref<128x32xf32, #tpu.memory_space<hbm>>) dst(%dma_wait3A_1117 : memref<128x32xf32, #tpu.memory_space<vmem_shared>>)
        %dma_wait3A_1121 = arith.constant 0 : i32
        %dma_wait3A_1122 = arith.constant 0 : i32
        %dma_wait3A_1123 = tpu.memref_slice %arg13[%dma_wait3A_1121, %dma_wait3A_1122] : memref<50176x32xf32, #tpu.memory_space<vmem_shared>> -> memref<128x32xf32, #tpu.memory_space<vmem_shared>>
        %dma_wait3A_1124 = arith.constant 0 : i32
        %dma_wait3A_1125 = arith.constant 0 : i32
        %dma_wait3A_1126 = tpu.memref_slice %arg2[%dma_wait3A_1124, %dma_wait3A_1125] : memref<100352x32xf32, #tpu.memory_space<hbm>> -> memref<128x32xf32, #tpu.memory_space<hbm>>
        tpu.wait_dma2 semaphore(%arg16 : memref<!tpu.dma_semaphore, #tpu.memory_space<semaphore_mem>>) src(%dma_wait3A_1126 : memref<128x32xf32, #tpu.memory_space<hbm>>) dst(%dma_wait3A_1123 : memref<128x32xf32, #tpu.memory_space<vmem_shared>>)
        %dma_wait3A_1127 = arith.constant 0 : i32
        %dma_wait3A_1128 = arith.constant 0 : i32
        %dma_wait3A_1129 = tpu.memref_slice %arg13[%dma_wait3A_1127, %dma_wait3A_1128] : memref<50176x32xf32, #tpu.memory_space<vmem_shared>> -> memref<128x32xf32, #tpu.memory_space<vmem_shared>>
        %dma_wait3A_1130 = arith.constant 0 : i32
        %dma_wait3A_1131 = arith.constant 0 : i32
        %dma_wait3A_1132 = tpu.memref_slice %arg2[%dma_wait3A_1130, %dma_wait3A_1131] : memref<100352x32xf32, #tpu.memory_space<hbm>> -> memref<128x32xf32, #tpu.memory_space<hbm>>
        tpu.wait_dma2 semaphore(%arg16 : memref<!tpu.dma_semaphore, #tpu.memory_space<semaphore_mem>>) src(%dma_wait3A_1132 : memref<128x32xf32, #tpu.memory_space<hbm>>) dst(%dma_wait3A_1129 : memref<128x32xf32, #tpu.memory_space<vmem_shared>>)
        %eq3A_1133 = arith.constant 0 : i32
        %eq3A_1134 = arith.cmpi eq, %arg0, %eq3A_1133 : i32
        %convert_element_type3A_1135 = arith.extui %eq3A_1134 : i1 to i32
        %cond3A_1136 = arith.constant 0 : i32
        %cond3A_1137 = arith.cmpi ne, %convert_element_type3A_1135, %cond3A_1136 : i32
        scf.if %cond3A_1137 {
          %dma_wait3A_1138 = arith.constant 0 : i32
          %dma_wait3A_1139 = tpu.memref_slice %arg14[%dma_wait3A_1138] : memref<50176xf32, #tpu.memory_space<vmem_shared>> -> memref<1024xf32, #tpu.memory_space<vmem_shared>>
          %dma_wait3A_1140 = arith.constant 0 : i32
          %dma_wait3A_1141 = tpu.memref_slice %arg6[%dma_wait3A_1140] : memref<50176xf32, #tpu.memory_space<hbm>> -> memref<1024xf32, #tpu.memory_space<hbm>>
          tpu.wait_dma2 semaphore(%arg17 : memref<!tpu.dma_semaphore, #tpu.memory_space<semaphore_mem>>) src(%dma_wait3A_1141 : memref<1024xf32, #tpu.memory_space<hbm>>) dst(%dma_wait3A_1139 : memref<1024xf32, #tpu.memory_space<vmem_shared>>)
        } else {
        }
      } else {
      }
      %add3A_126 = arith.constant 1 : i32
      %add3A_127 = arith.addi %mul3A_95, %add3A_126 : i32
      %mul3A_128 = arith.constant 8 : i32
      %mul3A_129 = arith.muli %add3A_127, %mul3A_128 : i32
      %add3A_130 = arith.addi %mul3A_2, %mul3A_129 : i32
      %dma_start3A_131 = arith.constant 1 : i32
      %dma_start3A_132 = arith.constant 0 : i32
      %dma_start3A_133 = arith.constant 0 : i32
      %dma_start3A_134 = tpu.memref_slice %arg7[%dma_start3A_131, %dma_start3A_132, %dma_start3A_133] : memref<2x8x128xi32, #tpu.memory_space<vmem>> -> memref<1x8x128xi32, #tpu.memory_space<vmem>>
      %dma_start3A_135 = tpu.memref_squeeze %dma_start3A_134 : memref<1x8x128xi32, #tpu.memory_space<vmem>> -> memref<8x128xi32, #tpu.memory_space<vmem>>
      %dma_start3A_136 = arith.constant 0 : i32
      %dma_start3A_137 = tpu.memref_slice %arg3[%add3A_130, %dma_start3A_136] : memref<6400x128xi32, #tpu.memory_space<hbm>> -> memref<8x128xi32, #tpu.memory_space<hbm>>
      %dma_start3A_138 = arith.constant 0 : i32
      %dma_start3A_139 = arith.constant 0 : i32
      %dma_start3A_140 = tpu.memref_slice %arg7[%dma_start3A_131, %dma_start3A_138, %dma_start3A_139] : memref<2x8x128xi32, #tpu.memory_space<vmem>> -> memref<1x8x128xi32, #tpu.memory_space<vmem>>
      %dma_start3A_141 = tpu.memref_squeeze %dma_start3A_140 : memref<1x8x128xi32, #tpu.memory_space<vmem>> -> memref<8x128xi32, #tpu.memory_space<vmem>>
      %dma_start3A_142 = arith.constant 0 : i32
      %dma_start3A_143 = tpu.memref_slice %arg3[%add3A_130, %dma_start3A_142] : memref<6400x128xi32, #tpu.memory_space<hbm>> -> memref<8x128xi32, #tpu.memory_space<hbm>>
      tpu.enqueue_dma source(%dma_start3A_143 : memref<8x128xi32, #tpu.memory_space<hbm>>) target(%dma_start3A_141 : memref<8x128xi32, #tpu.memory_space<vmem>>) target_semaphore(%arg18 : memref<!tpu.dma_semaphore, #tpu.memory_space<semaphore_mem>>)
      %mul3A_144 = arith.constant 8 : i32
      %mul3A_145 = arith.muli %add3A_127, %mul3A_144 : i32
      %add3A_146 = arith.addi %mul3A_2, %mul3A_145 : i32
      %dma_start3A_147 = arith.constant 1 : i32
      %dma_start3A_148 = arith.constant 0 : i32
      %dma_start3A_149 = arith.constant 0 : i32
      %dma_start3A_150 = tpu.memref_slice %arg8[%dma_start3A_147, %dma_start3A_148, %dma_start3A_149] : memref<2x8x128xi32, #tpu.memory_space<vmem>> -> memref<1x8x128xi32, #tpu.memory_space<vmem>>
      %dma_start3A_151 = tpu.memref_squeeze %dma_start3A_150 : memref<1x8x128xi32, #tpu.memory_space<vmem>> -> memref<8x128xi32, #tpu.memory_space<vmem>>
      %dma_start3A_152 = arith.constant 0 : i32
      %dma_start3A_153 = tpu.memref_slice %arg4[%add3A_146, %dma_start3A_152] : memref<6400x128xi32, #tpu.memory_space<hbm>> -> memref<8x128xi32, #tpu.memory_space<hbm>>
      %dma_start3A_154 = arith.constant 0 : i32
      %dma_start3A_155 = arith.constant 0 : i32
      %dma_start3A_156 = tpu.memref_slice %arg8[%dma_start3A_147, %dma_start3A_154, %dma_start3A_155] : memref<2x8x128xi32, #tpu.memory_space<vmem>> -> memref<1x8x128xi32, #tpu.memory_space<vmem>>
      %dma_start3A_157 = tpu.memref_squeeze %dma_start3A_156 : memref<1x8x128xi32, #tpu.memory_space<vmem>> -> memref<8x128xi32, #tpu.memory_space<vmem>>
      %dma_start3A_158 = arith.constant 0 : i32
      %dma_start3A_159 = tpu.memref_slice %arg4[%add3A_146, %dma_start3A_158] : memref<6400x128xi32, #tpu.memory_space<hbm>> -> memref<8x128xi32, #tpu.memory_space<hbm>>
      tpu.enqueue_dma source(%dma_start3A_159 : memref<8x128xi32, #tpu.memory_space<hbm>>) target(%dma_start3A_157 : memref<8x128xi32, #tpu.memory_space<vmem>>) target_semaphore(%arg18 : memref<!tpu.dma_semaphore, #tpu.memory_space<semaphore_mem>>)
      %scan3A_160 = arith.constant 0 : i32
      %scan3A_161 = arith.constant 0 : i32
      %scan3A_162 = arith.constant 8 : i32
      %scan3A_163 = arith.addi %scan3A_161, %scan3A_162 : i32
      %scan3A_164 = arith.constant 1 : i32
      scf.for %scan3A_1109 = %scan3A_161 to %scan3A_163 step %scan3A_164  : i32 {
        %mul3A_1110 = arith.constant 16 : i32
        %mul3A_1111 = arith.muli %scan3A_1109, %mul3A_1110 : i32
        %get3A = arith.constant 0 : i32
        %get3A_1112 = arith.constant 0 : i32
        %get3A_1113 = arith.index_cast %get3A : i32 to index
        %get3A_1114 = arith.index_cast %get3A_1112 : i32 to index
        %get3A_1115 = arith.index_cast %mul3A_1111 : i32 to index
        %get3A_1116 = tpu.vector_load %arg7[%get3A_1113, %get3A_1114, %get3A_1115] {strides = array<i32>} : memref<2x8x128xi32, #tpu.memory_space<vmem>>, vector<1x1x16xi32>,
        %get3A_1117 = vector.shape_cast %get3A_1116 : vector<1x1x16xi32> to vector<16xi32>
        %add3A_1118 = vector.broadcast %mul3A_4 : i32 to vector<16xi32>
        %add3A_1119 = arith.addi %get3A_1117, %add3A_1118 : vector<16xi32>
        %mul3A_1120 = arith.constant 16 : i32
        %mul3A_1121 = arith.muli %scan3A_1109, %mul3A_1120 : i32
        %swap3A = arith.constant 0 : i32
        %swap3A_1122 = arith.constant 0 : i32
        %swap3A_1123 = arith.index_cast %swap3A : i32 to index
        %swap3A_1124 = arith.index_cast %swap3A_1122 : i32 to index
        %swap3A_1125 = arith.index_cast %mul3A_1121 : i32 to index
        %swap3A_1126 = tpu.vector_load %arg7[%swap3A_1123, %swap3A_1124, %swap3A_1125] {strides = array<i32>} : memref<2x8x128xi32, #tpu.memory_space<vmem>>, vector<1x1x16xi32>,
        %swap3A_1127 = vector.shape_cast %swap3A_1126 : vector<1x1x16xi32> to vector<16xi32>
        %swap3A_1128 = vector.shape_cast %add3A_1119 : vector<16xi32> to vector<1x1x16xi32>
        tpu.vector_store %arg7[%swap3A_1123, %swap3A_1124, %swap3A_1125], %swap3A_1128 {strides = array<i32>} : memref<2x8x128xi32, #tpu.memory_space<vmem>>, vector<1x1x16xi32>,
      }
      %scan3A_165 = arith.constant 8 : i32
      %scan3A_166 = arith.constant 0 : i32
      %scan3A_167 = arith.constant 0 : i32
      %scan3A_168 = arith.constant 8 : i32
      %scan3A_169 = arith.addi %scan3A_167, %scan3A_168 : i32
      %scan3A_170 = arith.constant 1 : i32
      scf.for %scan3A_1109 = %scan3A_167 to %scan3A_169 step %scan3A_170  : i32 {
        %mul3A_1110 = arith.constant 16 : i32
        %mul3A_1111 = arith.muli %scan3A_1109, %mul3A_1110 : i32
        %get3A = arith.constant 0 : i32
        %get3A_1112 = arith.constant 1 : i32
        %get3A_1113 = arith.index_cast %get3A : i32 to index
        %get3A_1114 = arith.index_cast %get3A_1112 : i32 to index
        %get3A_1115 = arith.index_cast %mul3A_1111 : i32 to index
        %get3A_1116 = tpu.vector_load %arg7[%get3A_1113, %get3A_1114, %get3A_1115] {strides = array<i32>} : memref<2x8x128xi32, #tpu.memory_space<vmem>>, vector<1x1x16xi32>,
        %get3A_1117 = vector.shape_cast %get3A_1116 : vector<1x1x16xi32> to vector<16xi32>
        %add3A_1118 = vector.broadcast %mul3A_4 : i32 to vector<16xi32>
        %add3A_1119 = arith.addi %get3A_1117, %add3A_1118 : vector<16xi32>
        %mul3A_1120 = arith.constant 16 : i32
        %mul3A_1121 = arith.muli %scan3A_1109, %mul3A_1120 : i32
        %swap3A = arith.constant 0 : i32
        %swap3A_1122 = arith.constant 1 : i32
        %swap3A_1123 = arith.index_cast %swap3A : i32 to index
        %swap3A_1124 = arith.index_cast %swap3A_1122 : i32 to index
        %swap3A_1125 = arith.index_cast %mul3A_1121 : i32 to index
        %swap3A_1126 = tpu.vector_load %arg7[%swap3A_1123, %swap3A_1124, %swap3A_1125] {strides = array<i32>} : memref<2x8x128xi32, #tpu.memory_space<vmem>>, vector<1x1x16xi32>,
        %swap3A_1127 = vector.shape_cast %swap3A_1126 : vector<1x1x16xi32> to vector<16xi32>
        %swap3A_1128 = vector.shape_cast %add3A_1119 : vector<16xi32> to vector<1x1x16xi32>
        tpu.vector_store %arg7[%swap3A_1123, %swap3A_1124, %swap3A_1125], %swap3A_1128 {strides = array<i32>} : memref<2x8x128xi32, #tpu.memory_space<vmem>>, vector<1x1x16xi32>,
      }
      %scan3A_171 = arith.constant 8 : i32
      %scan3A_172 = arith.constant 0 : i32
      %scan3A_173 = arith.constant 0 : i32
      %scan3A_174 = arith.constant 8 : i32
      %scan3A_175 = arith.addi %scan3A_173, %scan3A_174 : i32
      %scan3A_176 = arith.constant 1 : i32
      scf.for %scan3A_1109 = %scan3A_173 to %scan3A_175 step %scan3A_176  : i32 {
        %mul3A_1110 = arith.constant 16 : i32
        %mul3A_1111 = arith.muli %scan3A_1109, %mul3A_1110 : i32
        %get3A = arith.constant 0 : i32
        %get3A_1112 = arith.constant 2 : i32
        %get3A_1113 = arith.index_cast %get3A : i32 to index
        %get3A_1114 = arith.index_cast %get3A_1112 : i32 to index
        %get3A_1115 = arith.index_cast %mul3A_1111 : i32 to index
        %get3A_1116 = tpu.vector_load %arg7[%get3A_1113, %get3A_1114, %get3A_1115] {strides = array<i32>} : memref<2x8x128xi32, #tpu.memory_space<vmem>>, vector<1x1x16xi32>,
        %get3A_1117 = vector.shape_cast %get3A_1116 : vector<1x1x16xi32> to vector<16xi32>
        %add3A_1118 = vector.broadcast %mul3A_4 : i32 to vector<16xi32>
        %add3A_1119 = arith.addi %get3A_1117, %add3A_1118 : vector<16xi32>
        %mul3A_1120 = arith.constant 16 : i32
        %mul3A_1121 = arith.muli %scan3A_1109, %mul3A_1120 : i32
        %swap3A = arith.constant 0 : i32
        %swap3A_1122 = arith.constant 2 : i32
        %swap3A_1123 = arith.index_cast %swap3A : i32 to index
        %swap3A_1124 = arith.index_cast %swap3A_1122 : i32 to index
        %swap3A_1125 = arith.index_cast %mul3A_1121 : i32 to index
        %swap3A_1126 = tpu.vector_load %arg7[%swap3A_1123, %swap3A_1124, %swap3A_1125] {strides = array<i32>} : memref<2x8x128xi32, #tpu.memory_space<vmem>>, vector<1x1x16xi32>,
        %swap3A_1127 = vector.shape_cast %swap3A_1126 : vector<1x1x16xi32> to vector<16xi32>
        %swap3A_1128 = vector.shape_cast %add3A_1119 : vector<16xi32> to vector<1x1x16xi32>
        tpu.vector_store %arg7[%swap3A_1123, %swap3A_1124, %swap3A_1125], %swap3A_1128 {strides = array<i32>} : memref<2x8x128xi32, #tpu.memory_space<vmem>>, vector<1x1x16xi32>,
      }
      %scan3A_177 = arith.constant 8 : i32
      %scan3A_178 = arith.constant 0 : i32
      %scan3A_179 = arith.constant 0 : i32
      %scan3A_180 = arith.constant 8 : i32
      %scan3A_181 = arith.addi %scan3A_179, %scan3A_180 : i32
      %scan3A_182 = arith.constant 1 : i32
      scf.for %scan3A_1109 = %scan3A_179 to %scan3A_181 step %scan3A_182  : i32 {
        %mul3A_1110 = arith.constant 16 : i32
        %mul3A_1111 = arith.muli %scan3A_1109, %mul3A_1110 : i32
        %get3A = arith.constant 0 : i32
        %get3A_1112 = arith.constant 3 : i32
        %get3A_1113 = arith.index_cast %get3A : i32 to index
        %get3A_1114 = arith.index_cast %get3A_1112 : i32 to index
        %get3A_1115 = arith.index_cast %mul3A_1111 : i32 to index
        %get3A_1116 = tpu.vector_load %arg7[%get3A_1113, %get3A_1114, %get3A_1115] {strides = array<i32>} : memref<2x8x128xi32, #tpu.memory_space<vmem>>, vector<1x1x16xi32>,
        %get3A_1117 = vector.shape_cast %get3A_1116 : vector<1x1x16xi32> to vector<16xi32>
        %add3A_1118 = vector.broadcast %mul3A_4 : i32 to vector<16xi32>
        %add3A_1119 = arith.addi %get3A_1117, %add3A_1118 : vector<16xi32>
        %mul3A_1120 = arith.constant 16 : i32
        %mul3A_1121 = arith.muli %scan3A_1109, %mul3A_1120 : i32
        %swap3A = arith.constant 0 : i32
        %swap3A_1122 = arith.constant 3 : i32
        %swap3A_1123 = arith.index_cast %swap3A : i32 to index
        %swap3A_1124 = arith.index_cast %swap3A_1122 : i32 to index
        %swap3A_1125 = arith.index_cast %mul3A_1121 : i32 to index
        %swap3A_1126 = tpu.vector_load %arg7[%swap3A_1123, %swap3A_1124, %swap3A_1125] {strides = array<i32>} : memref<2x8x128xi32, #tpu.memory_space<vmem>>, vector<1x1x16xi32>,
        %swap3A_1127 = vector.shape_cast %swap3A_1126 : vector<1x1x16xi32> to vector<16xi32>
        %swap3A_1128 = vector.shape_cast %add3A_1119 : vector<16xi32> to vector<1x1x16xi32>
        tpu.vector_store %arg7[%swap3A_1123, %swap3A_1124, %swap3A_1125], %swap3A_1128 {strides = array<i32>} : memref<2x8x128xi32, #tpu.memory_space<vmem>>, vector<1x1x16xi32>,
      }
      %scan3A_183 = arith.constant 8 : i32
      %scan3A_184 = arith.constant 0 : i32
      %scan3A_185 = arith.constant 0 : i32
      %scan3A_186 = arith.constant 8 : i32
      %scan3A_187 = arith.addi %scan3A_185, %scan3A_186 : i32
      %scan3A_188 = arith.constant 1 : i32
      scf.for %scan3A_1109 = %scan3A_185 to %scan3A_187 step %scan3A_188  : i32 {
        %mul3A_1110 = arith.constant 16 : i32
        %mul3A_1111 = arith.muli %scan3A_1109, %mul3A_1110 : i32
        %get3A = arith.constant 0 : i32
        %get3A_1112 = arith.constant 4 : i32
        %get3A_1113 = arith.index_cast %get3A : i32 to index
        %get3A_1114 = arith.index_cast %get3A_1112 : i32 to index
        %get3A_1115 = arith.index_cast %mul3A_1111 : i32 to index
        %get3A_1116 = tpu.vector_load %arg7[%get3A_1113, %get3A_1114, %get3A_1115] {strides = array<i32>} : memref<2x8x128xi32, #tpu.memory_space<vmem>>, vector<1x1x16xi32>,
        %get3A_1117 = vector.shape_cast %get3A_1116 : vector<1x1x16xi32> to vector<16xi32>
        %add3A_1118 = vector.broadcast %mul3A_4 : i32 to vector<16xi32>
        %add3A_1119 = arith.addi %get3A_1117, %add3A_1118 : vector<16xi32>
        %mul3A_1120 = arith.constant 16 : i32
        %mul3A_1121 = arith.muli %scan3A_1109, %mul3A_1120 : i32
        %swap3A = arith.constant 0 : i32
        %swap3A_1122 = arith.constant 4 : i32
        %swap3A_1123 = arith.index_cast %swap3A : i32 to index
        %swap3A_1124 = arith.index_cast %swap3A_1122 : i32 to index
        %swap3A_1125 = arith.index_cast %mul3A_1121 : i32 to index
        %swap3A_1126 = tpu.vector_load %arg7[%swap3A_1123, %swap3A_1124, %swap3A_1125] {strides = array<i32>} : memref<2x8x128xi32, #tpu.memory_space<vmem>>, vector<1x1x16xi32>,
        %swap3A_1127 = vector.shape_cast %swap3A_1126 : vector<1x1x16xi32> to vector<16xi32>
        %swap3A_1128 = vector.shape_cast %add3A_1119 : vector<16xi32> to vector<1x1x16xi32>
        tpu.vector_store %arg7[%swap3A_1123, %swap3A_1124, %swap3A_1125], %swap3A_1128 {strides = array<i32>} : memref<2x8x128xi32, #tpu.memory_space<vmem>>, vector<1x1x16xi32>,
      }
      %scan3A_189 = arith.constant 8 : i32
      %scan3A_190 = arith.constant 0 : i32
      %scan3A_191 = arith.constant 0 : i32
      %scan3A_192 = arith.constant 8 : i32
      %scan3A_193 = arith.addi %scan3A_191, %scan3A_192 : i32
      %scan3A_194 = arith.constant 1 : i32
      scf.for %scan3A_1109 = %scan3A_191 to %scan3A_193 step %scan3A_194  : i32 {
        %mul3A_1110 = arith.constant 16 : i32
        %mul3A_1111 = arith.muli %scan3A_1109, %mul3A_1110 : i32
        %get3A = arith.constant 0 : i32
        %get3A_1112 = arith.constant 5 : i32
        %get3A_1113 = arith.index_cast %get3A : i32 to index
        %get3A_1114 = arith.index_cast %get3A_1112 : i32 to index
        %get3A_1115 = arith.index_cast %mul3A_1111 : i32 to index
        %get3A_1116 = tpu.vector_load %arg7[%get3A_1113, %get3A_1114, %get3A_1115] {strides = array<i32>} : memref<2x8x128xi32, #tpu.memory_space<vmem>>, vector<1x1x16xi32>,
        %get3A_1117 = vector.shape_cast %get3A_1116 : vector<1x1x16xi32> to vector<16xi32>
        %add3A_1118 = vector.broadcast %mul3A_4 : i32 to vector<16xi32>
        %add3A_1119 = arith.addi %get3A_1117, %add3A_1118 : vector<16xi32>
        %mul3A_1120 = arith.constant 16 : i32
        %mul3A_1121 = arith.muli %scan3A_1109, %mul3A_1120 : i32
        %swap3A = arith.constant 0 : i32
        %swap3A_1122 = arith.constant 5 : i32
        %swap3A_1123 = arith.index_cast %swap3A : i32 to index
        %swap3A_1124 = arith.index_cast %swap3A_1122 : i32 to index
        %swap3A_1125 = arith.index_cast %mul3A_1121 : i32 to index
        %swap3A_1126 = tpu.vector_load %arg7[%swap3A_1123, %swap3A_1124, %swap3A_1125] {strides = array<i32>} : memref<2x8x128xi32, #tpu.memory_space<vmem>>, vector<1x1x16xi32>,
        %swap3A_1127 = vector.shape_cast %swap3A_1126 : vector<1x1x16xi32> to vector<16xi32>
        %swap3A_1128 = vector.shape_cast %add3A_1119 : vector<16xi32> to vector<1x1x16xi32>
        tpu.vector_store %arg7[%swap3A_1123, %swap3A_1124, %swap3A_1125], %swap3A_1128 {strides = array<i32>} : memref<2x8x128xi32, #tpu.memory_space<vmem>>, vector<1x1x16xi32>,
      }
      %scan3A_195 = arith.constant 8 : i32
      %scan3A_196 = arith.constant 0 : i32
      %scan3A_197 = arith.constant 0 : i32
      %scan3A_198 = arith.constant 8 : i32
      %scan3A_199 = arith.addi %scan3A_197, %scan3A_198 : i32
      %scan3A_200 = arith.constant 1 : i32
      scf.for %scan3A_1109 = %scan3A_197 to %scan3A_199 step %scan3A_200  : i32 {
        %mul3A_1110 = arith.constant 16 : i32
        %mul3A_1111 = arith.muli %scan3A_1109, %mul3A_1110 : i32
        %get3A = arith.constant 0 : i32
        %get3A_1112 = arith.constant 6 : i32
        %get3A_1113 = arith.index_cast %get3A : i32 to index
        %get3A_1114 = arith.index_cast %get3A_1112 : i32 to index
        %get3A_1115 = arith.index_cast %mul3A_1111 : i32 to index
        %get3A_1116 = tpu.vector_load %arg7[%get3A_1113, %get3A_1114, %get3A_1115] {strides = array<i32>} : memref<2x8x128xi32, #tpu.memory_space<vmem>>, vector<1x1x16xi32>,
        %get3A_1117 = vector.shape_cast %get3A_1116 : vector<1x1x16xi32> to vector<16xi32>
        %add3A_1118 = vector.broadcast %mul3A_4 : i32 to vector<16xi32>
        %add3A_1119 = arith.addi %get3A_1117, %add3A_1118 : vector<16xi32>
        %mul3A_1120 = arith.constant 16 : i32
        %mul3A_1121 = arith.muli %scan3A_1109, %mul3A_1120 : i32
        %swap3A = arith.constant 0 : i32
        %swap3A_1122 = arith.constant 6 : i32
        %swap3A_1123 = arith.index_cast %swap3A : i32 to index
        %swap3A_1124 = arith.index_cast %swap3A_1122 : i32 to index
        %swap3A_1125 = arith.index_cast %mul3A_1121 : i32 to index
        %swap3A_1126 = tpu.vector_load %arg7[%swap3A_1123, %swap3A_1124, %swap3A_1125] {strides = array<i32>} : memref<2x8x128xi32, #tpu.memory_space<vmem>>, vector<1x1x16xi32>,
        %swap3A_1127 = vector.shape_cast %swap3A_1126 : vector<1x1x16xi32> to vector<16xi32>
        %swap3A_1128 = vector.shape_cast %add3A_1119 : vector<16xi32> to vector<1x1x16xi32>
        tpu.vector_store %arg7[%swap3A_1123, %swap3A_1124, %swap3A_1125], %swap3A_1128 {strides = array<i32>} : memref<2x8x128xi32, #tpu.memory_space<vmem>>, vector<1x1x16xi32>,
      }
      %scan3A_201 = arith.constant 8 : i32
      %scan3A_202 = arith.constant 0 : i32
      %scan3A_203 = arith.constant 0 : i32
      %scan3A_204 = arith.constant 8 : i32
      %scan3A_205 = arith.addi %scan3A_203, %scan3A_204 : i32
      %scan3A_206 = arith.constant 1 : i32
      scf.for %scan3A_1109 = %scan3A_203 to %scan3A_205 step %scan3A_206  : i32 {
        %mul3A_1110 = arith.constant 16 : i32
        %mul3A_1111 = arith.muli %scan3A_1109, %mul3A_1110 : i32
        %get3A = arith.constant 0 : i32
        %get3A_1112 = arith.constant 7 : i32
        %get3A_1113 = arith.index_cast %get3A : i32 to index
        %get3A_1114 = arith.index_cast %get3A_1112 : i32 to index
        %get3A_1115 = arith.index_cast %mul3A_1111 : i32 to index
        %get3A_1116 = tpu.vector_load %arg7[%get3A_1113, %get3A_1114, %get3A_1115] {strides = array<i32>} : memref<2x8x128xi32, #tpu.memory_space<vmem>>, vector<1x1x16xi32>,
        %get3A_1117 = vector.shape_cast %get3A_1116 : vector<1x1x16xi32> to vector<16xi32>
        %add3A_1118 = vector.broadcast %mul3A_4 : i32 to vector<16xi32>
        %add3A_1119 = arith.addi %get3A_1117, %add3A_1118 : vector<16xi32>
        %mul3A_1120 = arith.constant 16 : i32
        %mul3A_1121 = arith.muli %scan3A_1109, %mul3A_1120 : i32
        %swap3A = arith.constant 0 : i32
        %swap3A_1122 = arith.constant 7 : i32
        %swap3A_1123 = arith.index_cast %swap3A : i32 to index
        %swap3A_1124 = arith.index_cast %swap3A_1122 : i32 to index
        %swap3A_1125 = arith.index_cast %mul3A_1121 : i32 to index
        %swap3A_1126 = tpu.vector_load %arg7[%swap3A_1123, %swap3A_1124, %swap3A_1125] {strides = array<i32>} : memref<2x8x128xi32, #tpu.memory_space<vmem>>, vector<1x1x16xi32>,
        %swap3A_1127 = vector.shape_cast %swap3A_1126 : vector<1x1x16xi32> to vector<16xi32>
        %swap3A_1128 = vector.shape_cast %add3A_1119 : vector<16xi32> to vector<1x1x16xi32>
        tpu.vector_store %arg7[%swap3A_1123, %swap3A_1124, %swap3A_1125], %swap3A_1128 {strides = array<i32>} : memref<2x8x128xi32, #tpu.memory_space<vmem>>, vector<1x1x16xi32>,
      }
      %scan3A_207 = arith.constant 8 : i32
      %dma_start3A_208 = arith.constant 0 : i32
      %dma_start3A_209 = arith.constant 0 : i32
      %dma_start3A_210 = arith.constant 0 : i32
      %dma_start3A_211 = arith.constant 0 : i32
      %dma_start3A_212 = arith.constant 0 : i32
      %dma_start3A_213 = arith.constant 0 : i32
      %dma_start3A_214 = tpu.memref_slice %arg9[%dma_start3A_210, %dma_start3A_211, %dma_start3A_212, %dma_start3A_213] : memref<2x2x128x32xf32, #tpu.memory_space<vmem>> -> memref<1x1x128x32xf32, #tpu.memory_space<vmem>>
      %dma_start3A_215 = tpu.memref_squeeze %dma_start3A_214 : memref<1x1x128x32xf32, #tpu.memory_space<vmem>> -> memref<128x32xf32, #tpu.memory_space<vmem>>
      %dma_start3A_216 = arith.constant 0 : i32
      %dma_start3A_217 = tpu.memref_slice %arg7[%dma_start3A_208, %dma_start3A_209, %dma_start3A_216] : memref<2x8x128xi32, #tpu.memory_space<vmem>> -> memref<1x1x128xi32, #tpu.memory_space<vmem>>
      %dma_start3A_218 = tpu.memref_squeeze %dma_start3A_217 : memref<1x1x128xi32, #tpu.memory_space<vmem>> -> memref<128xi32, #tpu.memory_space<vmem>>
      %dma_start3A_219 = arith.constant 0 : i32
      %dma_start3A_220 = arith.constant 0 : i32
      %dma_start3A_221 = tpu.memref_slice %arg2[%dma_start3A_219, %dma_start3A_220] : memref<100352x32xf32, #tpu.memory_space<hbm>> -> memref<100352x32xf32, #tpu.memory_space<hbm>>
      tpu.enqueue_indirect_dma source(%dma_start3A_221 : memref<100352x32xf32, #tpu.memory_space<hbm>>) target(%dma_start3A_215 : memref<128x32xf32, #tpu.memory_space<vmem>>) offsets(%dma_start3A_218 : memref<128xi32, #tpu.memory_space<vmem>>) semaphore(%arg15 : memref<!tpu.dma_semaphore, #tpu.memory_space<semaphore_mem>>)
      %dma_start3A_222 = arith.constant 0 : i32
      %dma_start3A_223 = arith.constant 1 : i32
      %dma_start3A_224 = arith.constant 0 : i32
      %dma_start3A_225 = arith.constant 1 : i32
      %dma_start3A_226 = arith.constant 0 : i32
      %dma_start3A_227 = arith.constant 0 : i32
      %dma_start3A_228 = tpu.memref_slice %arg9[%dma_start3A_224, %dma_start3A_225, %dma_start3A_226, %dma_start3A_227] : memref<2x2x128x32xf32, #tpu.memory_space<vmem>> -> memref<1x1x128x32xf32, #tpu.memory_space<vmem>>
      %dma_start3A_229 = tpu.memref_squeeze %dma_start3A_228 : memref<1x1x128x32xf32, #tpu.memory_space<vmem>> -> memref<128x32xf32, #tpu.memory_space<vmem>>
      %dma_start3A_230 = arith.constant 0 : i32
      %dma_start3A_231 = tpu.memref_slice %arg7[%dma_start3A_222, %dma_start3A_223, %dma_start3A_230] : memref<2x8x128xi32, #tpu.memory_space<vmem>> -> memref<1x1x128xi32, #tpu.memory_space<vmem>>
      %dma_start3A_232 = tpu.memref_squeeze %dma_start3A_231 : memref<1x1x128xi32, #tpu.memory_space<vmem>> -> memref<128xi32, #tpu.memory_space<vmem>>
      %dma_start3A_233 = arith.constant 0 : i32
      %dma_start3A_234 = arith.constant 0 : i32
      %dma_start3A_235 = tpu.memref_slice %arg2[%dma_start3A_233, %dma_start3A_234] : memref<100352x32xf32, #tpu.memory_space<hbm>> -> memref<100352x32xf32, #tpu.memory_space<hbm>>
      tpu.enqueue_indirect_dma source(%dma_start3A_235 : memref<100352x32xf32, #tpu.memory_space<hbm>>) target(%dma_start3A_229 : memref<128x32xf32, #tpu.memory_space<vmem>>) offsets(%dma_start3A_232 : memref<128xi32, #tpu.memory_space<vmem>>) semaphore(%arg15 : memref<!tpu.dma_semaphore, #tpu.memory_space<semaphore_mem>>)
      %dma_start3A_236 = arith.constant 0 : i32
      %dma_start3A_237 = arith.constant 2 : i32
      %dma_start3A_238 = arith.constant 1 : i32
      %dma_start3A_239 = arith.constant 0 : i32
      %dma_start3A_240 = arith.constant 0 : i32
      %dma_start3A_241 = arith.constant 0 : i32
      %dma_start3A_242 = tpu.memref_slice %arg9[%dma_start3A_238, %dma_start3A_239, %dma_start3A_240, %dma_start3A_241] : memref<2x2x128x32xf32, #tpu.memory_space<vmem>> -> memref<1x1x128x32xf32, #tpu.memory_space<vmem>>
      %dma_start3A_243 = tpu.memref_squeeze %dma_start3A_242 : memref<1x1x128x32xf32, #tpu.memory_space<vmem>> -> memref<128x32xf32, #tpu.memory_space<vmem>>
      %dma_start3A_244 = arith.constant 0 : i32
      %dma_start3A_245 = tpu.memref_slice %arg7[%dma_start3A_236, %dma_start3A_237, %dma_start3A_244] : memref<2x8x128xi32, #tpu.memory_space<vmem>> -> memref<1x1x128xi32, #tpu.memory_space<vmem>>
      %dma_start3A_246 = tpu.memref_squeeze %dma_start3A_245 : memref<1x1x128xi32, #tpu.memory_space<vmem>> -> memref<128xi32, #tpu.memory_space<vmem>>
      %dma_start3A_247 = arith.constant 0 : i32
      %dma_start3A_248 = arith.constant 0 : i32
      %dma_start3A_249 = tpu.memref_slice %arg2[%dma_start3A_247, %dma_start3A_248] : memref<100352x32xf32, #tpu.memory_space<hbm>> -> memref<100352x32xf32, #tpu.memory_space<hbm>>
      tpu.enqueue_indirect_dma source(%dma_start3A_249 : memref<100352x32xf32, #tpu.memory_space<hbm>>) target(%dma_start3A_243 : memref<128x32xf32, #tpu.memory_space<vmem>>) offsets(%dma_start3A_246 : memref<128xi32, #tpu.memory_space<vmem>>) semaphore(%arg15 : memref<!tpu.dma_semaphore, #tpu.memory_space<semaphore_mem>>)
      %dma_start3A_250 = arith.constant 0 : i32
      %dma_start3A_251 = arith.constant 3 : i32
      %dma_start3A_252 = arith.constant 1 : i32
      %dma_start3A_253 = arith.constant 1 : i32
      %dma_start3A_254 = arith.constant 0 : i32
      %dma_start3A_255 = arith.constant 0 : i32
      %dma_start3A_256 = tpu.memref_slice %arg9[%dma_start3A_252, %dma_start3A_253, %dma_start3A_254, %dma_start3A_255] : memref<2x2x128x32xf32, #tpu.memory_space<vmem>> -> memref<1x1x128x32xf32, #tpu.memory_space<vmem>>
      %dma_start3A_257 = tpu.memref_squeeze %dma_start3A_256 : memref<1x1x128x32xf32, #tpu.memory_space<vmem>> -> memref<128x32xf32, #tpu.memory_space<vmem>>
      %dma_start3A_258 = arith.constant 0 : i32
      %dma_start3A_259 = tpu.memref_slice %arg7[%dma_start3A_250, %dma_start3A_251, %dma_start3A_258] : memref<2x8x128xi32, #tpu.memory_space<vmem>> -> memref<1x1x128xi32, #tpu.memory_space<vmem>>
      %dma_start3A_260 = tpu.memref_squeeze %dma_start3A_259 : memref<1x1x128xi32, #tpu.memory_space<vmem>> -> memref<128xi32, #tpu.memory_space<vmem>>
      %dma_start3A_261 = arith.constant 0 : i32
      %dma_start3A_262 = arith.constant 0 : i32
      %dma_start3A_263 = tpu.memref_slice %arg2[%dma_start3A_261, %dma_start3A_262] : memref<100352x32xf32, #tpu.memory_space<hbm>> -> memref<100352x32xf32, #tpu.memory_space<hbm>>
      tpu.enqueue_indirect_dma source(%dma_start3A_263 : memref<100352x32xf32, #tpu.memory_space<hbm>>) target(%dma_start3A_257 : memref<128x32xf32, #tpu.memory_space<vmem>>) offsets(%dma_start3A_260 : memref<128xi32, #tpu.memory_space<vmem>>) semaphore(%arg15 : memref<!tpu.dma_semaphore, #tpu.memory_space<semaphore_mem>>)
      %dma_wait3A_264 = arith.constant 0 : i32
      %dma_wait3A_265 = arith.constant 0 : i32
      %dma_wait3A_266 = arith.constant 0 : i32
      %dma_wait3A_267 = arith.constant 0 : i32
      %dma_wait3A_268 = tpu.memref_slice %arg9[%dma_wait3A_264, %dma_wait3A_265, %dma_wait3A_266, %dma_wait3A_267] : memref<2x2x128x32xf32, #tpu.memory_space<vmem>> -> memref<1x1x128x32xf32, #tpu.memory_space<vmem>>
      %dma_wait3A_269 = tpu.memref_squeeze %dma_wait3A_268 : memref<1x1x128x32xf32, #tpu.memory_space<vmem>> -> memref<128x32xf32, #tpu.memory_space<vmem>>
      %dma_wait3A_270 = arith.constant 0 : i32
      %dma_wait3A_271 = arith.constant 0 : i32
      %dma_wait3A_272 = tpu.memref_slice %arg2[%dma_wait3A_270, %dma_wait3A_271] : memref<100352x32xf32, #tpu.memory_space<hbm>> -> memref<128x32xf32, #tpu.memory_space<hbm>>
      %dma_wait3A_273 = arith.constant 0 : i32
      %dma_wait3A_274 = arith.constant 0 : i32
      %dma_wait3A_275 = tpu.memref_slice %arg9[%dma_wait3A_264, %dma_wait3A_265, %dma_wait3A_273, %dma_wait3A_274] : memref<2x2x128x32xf32, #tpu.memory_space<vmem>> -> memref<1x1x128x32xf32, #tpu.memory_space<vmem>>
      %dma_wait3A_276 = tpu.memref_squeeze %dma_wait3A_275 : memref<1x1x128x32xf32, #tpu.memory_space<vmem>> -> memref<128x32xf32, #tpu.memory_space<vmem>>
      %dma_wait3A_277 = arith.constant 0 : i32
      %dma_wait3A_278 = arith.constant 0 : i32
      %dma_wait3A_279 = tpu.memref_slice %arg2[%dma_wait3A_277, %dma_wait3A_278] : memref<100352x32xf32, #tpu.memory_space<hbm>> -> memref<128x32xf32, #tpu.memory_space<hbm>>
      tpu.wait_dma2 semaphore(%arg15 : memref<!tpu.dma_semaphore, #tpu.memory_space<semaphore_mem>>) src(%dma_wait3A_279 : memref<128x32xf32, #tpu.memory_space<hbm>>) dst(%dma_wait3A_276 : memref<128x32xf32, #tpu.memory_space<vmem>>)
      %dma_wait3A_280 = arith.constant 0 : i32
      %dma_wait3A_281 = arith.constant 1 : i32
      %dma_wait3A_282 = arith.constant 0 : i32
      %dma_wait3A_283 = arith.constant 0 : i32
      %dma_wait3A_284 = tpu.memref_slice %arg9[%dma_wait3A_280, %dma_wait3A_281, %dma_wait3A_282, %dma_wait3A_283] : memref<2x2x128x32xf32, #tpu.memory_space<vmem>> -> memref<1x1x128x32xf32, #tpu.memory_space<vmem>>
      %dma_wait3A_285 = tpu.memref_squeeze %dma_wait3A_284 : memref<1x1x128x32xf32, #tpu.memory_space<vmem>> -> memref<128x32xf32, #tpu.memory_space<vmem>>
      %dma_wait3A_286 = arith.constant 0 : i32
      %dma_wait3A_287 = arith.constant 0 : i32
      %dma_wait3A_288 = tpu.memref_slice %arg2[%dma_wait3A_286, %dma_wait3A_287] : memref<100352x32xf32, #tpu.memory_space<hbm>> -> memref<128x32xf32, #tpu.memory_space<hbm>>
      %dma_wait3A_289 = arith.constant 0 : i32
      %dma_wait3A_290 = arith.constant 0 : i32
      %dma_wait3A_291 = tpu.memref_slice %arg9[%dma_wait3A_280, %dma_wait3A_281, %dma_wait3A_289, %dma_wait3A_290] : memref<2x2x128x32xf32, #tpu.memory_space<vmem>> -> memref<1x1x128x32xf32, #tpu.memory_space<vmem>>
      %dma_wait3A_292 = tpu.memref_squeeze %dma_wait3A_291 : memref<1x1x128x32xf32, #tpu.memory_space<vmem>> -> memref<128x32xf32, #tpu.memory_space<vmem>>
      %dma_wait3A_293 = arith.constant 0 : i32
      %dma_wait3A_294 = arith.constant 0 : i32
      %dma_wait3A_295 = tpu.memref_slice %arg2[%dma_wait3A_293, %dma_wait3A_294] : memref<100352x32xf32, #tpu.memory_space<hbm>> -> memref<128x32xf32, #tpu.memory_space<hbm>>
      tpu.wait_dma2 semaphore(%arg15 : memref<!tpu.dma_semaphore, #tpu.memory_space<semaphore_mem>>) src(%dma_wait3A_295 : memref<128x32xf32, #tpu.memory_space<hbm>>) dst(%dma_wait3A_292 : memref<128x32xf32, #tpu.memory_space<vmem>>)
      %dma_start3A_296 = arith.constant 0 : i32
      %dma_start3A_297 = arith.constant 0 : i32
      %dma_start3A_298 = arith.constant 0 : i32
      %dma_start3A_299 = arith.constant 0 : i32
      %dma_start3A_300 = arith.constant 0 : i32
      %dma_start3A_301 = arith.constant 0 : i32
      %dma_start3A_302 = tpu.memref_slice %arg9[%dma_start3A_296, %dma_start3A_297, %dma_start3A_300, %dma_start3A_301] : memref<2x2x128x32xf32, #tpu.memory_space<vmem>> -> memref<1x1x128x32xf32, #tpu.memory_space<vmem>>
      %dma_start3A_303 = tpu.memref_squeeze %dma_start3A_302 : memref<1x1x128x32xf32, #tpu.memory_space<vmem>> -> memref<128x32xf32, #tpu.memory_space<vmem>>
      %dma_start3A_304 = arith.constant 0 : i32
      %dma_start3A_305 = tpu.memref_slice %arg8[%dma_start3A_298, %dma_start3A_299, %dma_start3A_304] : memref<2x8x128xi32, #tpu.memory_space<vmem>> -> memref<1x1x128xi32, #tpu.memory_space<vmem>>
      %dma_start3A_306 = tpu.memref_squeeze %dma_start3A_305 : memref<1x1x128xi32, #tpu.memory_space<vmem>> -> memref<128xi32, #tpu.memory_space<vmem>>
      %dma_start3A_307 = arith.constant 0 : i32
      %dma_start3A_308 = arith.constant 0 : i32
      %dma_start3A_309 = tpu.memref_slice %arg13[%dma_start3A_307, %dma_start3A_308] : memref<50176x32xf32, #tpu.memory_space<vmem_shared>> -> memref<50176x32xf32, #tpu.memory_space<vmem_shared>>
      tpu.enqueue_indirect_dma source(%dma_start3A_303 : memref<128x32xf32, #tpu.memory_space<vmem>>) target(%dma_start3A_309 : memref<50176x32xf32, #tpu.memory_space<vmem_shared>>) offsets(%dma_start3A_306 : memref<128xi32, #tpu.memory_space<vmem>>) semaphore(%arg16 : memref<!tpu.dma_semaphore, #tpu.memory_space<semaphore_mem>>) {add = true}
      %dma_start3A_310 = arith.constant 0 : i32
      %dma_start3A_311 = arith.constant 1 : i32
      %dma_start3A_312 = arith.constant 0 : i32
      %dma_start3A_313 = arith.constant 1 : i32
      %dma_start3A_314 = arith.constant 0 : i32
      %dma_start3A_315 = arith.constant 0 : i32
      %dma_start3A_316 = tpu.memref_slice %arg9[%dma_start3A_310, %dma_start3A_311, %dma_start3A_314, %dma_start3A_315] : memref<2x2x128x32xf32, #tpu.memory_space<vmem>> -> memref<1x1x128x32xf32, #tpu.memory_space<vmem>>
      %dma_start3A_317 = tpu.memref_squeeze %dma_start3A_316 : memref<1x1x128x32xf32, #tpu.memory_space<vmem>> -> memref<128x32xf32, #tpu.memory_space<vmem>>
      %dma_start3A_318 = arith.constant 0 : i32
      %dma_start3A_319 = tpu.memref_slice %arg8[%dma_start3A_312, %dma_start3A_313, %dma_start3A_318] : memref<2x8x128xi32, #tpu.memory_space<vmem>> -> memref<1x1x128xi32, #tpu.memory_space<vmem>>
      %dma_start3A_320 = tpu.memref_squeeze %dma_start3A_319 : memref<1x1x128xi32, #tpu.memory_space<vmem>> -> memref<128xi32, #tpu.memory_space<vmem>>
      %dma_start3A_321 = arith.constant 0 : i32
      %dma_start3A_322 = arith.constant 0 : i32
      %dma_start3A_323 = tpu.memref_slice %arg13[%dma_start3A_321, %dma_start3A_322] : memref<50176x32xf32, #tpu.memory_space<vmem_shared>> -> memref<50176x32xf32, #tpu.memory_space<vmem_shared>>
      tpu.enqueue_indirect_dma source(%dma_start3A_317 : memref<128x32xf32, #tpu.memory_space<vmem>>) target(%dma_start3A_323 : memref<50176x32xf32, #tpu.memory_space<vmem_shared>>) offsets(%dma_start3A_320 : memref<128xi32, #tpu.memory_space<vmem>>) semaphore(%arg16 : memref<!tpu.dma_semaphore, #tpu.memory_space<semaphore_mem>>) {add = true}
      %eq3A_324 = arith.constant 0 : i32
      %eq3A_325 = arith.cmpi eq, %arg0, %eq3A_324 : i32
      %convert_element_type3A_326 = arith.extui %eq3A_325 : i1 to i32
      %cond3A_327 = arith.constant 0 : i32
      %cond3A_328 = arith.cmpi ne, %convert_element_type3A_326, %cond3A_327 : i32
      scf.if %cond3A_328 {
        %dma_start3A_1109 = arith.constant 0 : i32
        %dma_start3A_1110 = arith.constant 0 : i32
        %dma_start3A_1111 = arith.constant 0 : i32
        %dma_start3A_1112 = tpu.memref_slice %arg8[%dma_start3A_1109, %dma_start3A_1110, %dma_start3A_1111] : memref<2x8x128xi32, #tpu.memory_space<vmem>> -> memref<1x1x128xi32, #tpu.memory_space<vmem>>
        %dma_start3A_1113 = tpu.memref_squeeze %dma_start3A_1112 : memref<1x1x128xi32, #tpu.memory_space<vmem>> -> memref<128xi32, #tpu.memory_space<vmem>>
        %dma_start3A_1114 = arith.constant 0 : i32
        %dma_start3A_1115 = tpu.memref_slice %arg14[%dma_start3A_1114] : memref<50176xf32, #tpu.memory_space<vmem_shared>> -> memref<50176xf32, #tpu.memory_space<vmem_shared>>
        tpu.enqueue_indirect_dma source(%arg12 : memref<128xf32, #tpu.memory_space<vmem>>) target(%dma_start3A_1115 : memref<50176xf32, #tpu.memory_space<vmem_shared>>) offsets(%dma_start3A_1113 : memref<128xi32, #tpu.memory_space<vmem>>) semaphore(%arg17 : memref<!tpu.dma_semaphore, #tpu.memory_space<semaphore_mem>>) {add = true}
        %dma_start3A_1116 = arith.constant 0 : i32
        %dma_start3A_1117 = arith.constant 1 : i32
        %dma_start3A_1118 = arith.constant 0 : i32
        %dma_start3A_1119 = tpu.memref_slice %arg8[%dma_start3A_1116, %dma_start3A_1117, %dma_start3A_1118] : memref<2x8x128xi32, #tpu.memory_space<vmem>> -> memref<1x1x128xi32, #tpu.memory_space<vmem>>
        %dma_start3A_1120 = tpu.memref_squeeze %dma_start3A_1119 : memref<1x1x128xi32, #tpu.memory_space<vmem>> -> memref<128xi32, #tpu.memory_space<vmem>>
        %dma_start3A_1121 = arith.constant 0 : i32
        %dma_start3A_1122 = tpu.memref_slice %arg14[%dma_start3A_1121] : memref<50176xf32, #tpu.memory_space<vmem_shared>> -> memref<50176xf32, #tpu.memory_space<vmem_shared>>
        tpu.enqueue_indirect_dma source(%arg12 : memref<128xf32, #tpu.memory_space<vmem>>) target(%dma_start3A_1122 : memref<50176xf32, #tpu.memory_space<vmem_shared>>) offsets(%dma_start3A_1120 : memref<128xi32, #tpu.memory_space<vmem>>) semaphore(%arg17 : memref<!tpu.dma_semaphore, #tpu.memory_space<semaphore_mem>>) {add = true}
      } else {
      }
      %dma_wait3A_329 = arith.constant 0 : i32
      %dma_wait3A_330 = arith.constant 0 : i32
      %dma_wait3A_331 = arith.constant 0 : i32
      %dma_wait3A_332 = arith.constant 0 : i32
      %dma_wait3A_333 = tpu.memref_slice %arg9[%dma_wait3A_329, %dma_wait3A_330, %dma_wait3A_331, %dma_wait3A_332] : memref<2x2x128x32xf32, #tpu.memory_space<vmem>> -> memref<1x1x128x32xf32, #tpu.memory_space<vmem>>
      %dma_wait3A_334 = tpu.memref_squeeze %dma_wait3A_333 : memref<1x1x128x32xf32, #tpu.memory_space<vmem>> -> memref<128x32xf32, #tpu.memory_space<vmem>>
      %dma_wait3A_335 = arith.constant 0 : i32
      %dma_wait3A_336 = arith.constant 0 : i32
      %dma_wait3A_337 = tpu.memref_slice %arg2[%dma_wait3A_335, %dma_wait3A_336] : memref<100352x32xf32, #tpu.memory_space<hbm>> -> memref<128x32xf32, #tpu.memory_space<hbm>>
      %dma_wait3A_338 = arith.constant 0 : i32
      %dma_wait3A_339 = arith.constant 0 : i32
      %dma_wait3A_340 = tpu.memref_slice %arg9[%dma_wait3A_329, %dma_wait3A_330, %dma_wait3A_338, %dma_wait3A_339] : memref<2x2x128x32xf32, #tpu.memory_space<vmem>> -> memref<1x1x128x32xf32, #tpu.memory_space<vmem>>
      %dma_wait3A_341 = tpu.memref_squeeze %dma_wait3A_340 : memref<1x1x128x32xf32, #tpu.memory_space<vmem>> -> memref<128x32xf32, #tpu.memory_space<vmem>>
      %dma_wait3A_342 = arith.constant 0 : i32
      %dma_wait3A_343 = arith.constant 0 : i32
      %dma_wait3A_344 = tpu.memref_slice %arg2[%dma_wait3A_342, %dma_wait3A_343] : memref<100352x32xf32, #tpu.memory_space<hbm>> -> memref<128x32xf32, #tpu.memory_space<hbm>>
      tpu.wait_dma2 semaphore(%arg15 : memref<!tpu.dma_semaphore, #tpu.memory_space<semaphore_mem>>) src(%dma_wait3A_344 : memref<128x32xf32, #tpu.memory_space<hbm>>) dst(%dma_wait3A_341 : memref<128x32xf32, #tpu.memory_space<vmem>>)
      %dma_wait3A_345 = arith.constant 0 : i32
      %dma_wait3A_346 = arith.constant 1 : i32
      %dma_wait3A_347 = arith.constant 0 : i32
      %dma_wait3A_348 = arith.constant 0 : i32
      %dma_wait3A_349 = tpu.memref_slice %arg9[%dma_wait3A_345, %dma_wait3A_346, %dma_wait3A_347, %dma_wait3A_348] : memref<2x2x128x32xf32, #tpu.memory_space<vmem>> -> memref<1x1x128x32xf32, #tpu.memory_space<vmem>>
      %dma_wait3A_350 = tpu.memref_squeeze %dma_wait3A_349 : memref<1x1x128x32xf32, #tpu.memory_space<vmem>> -> memref<128x32xf32, #tpu.memory_space<vmem>>
      %dma_wait3A_351 = arith.constant 0 : i32
      %dma_wait3A_352 = arith.constant 0 : i32
      %dma_wait3A_353 = tpu.memref_slice %arg2[%dma_wait3A_351, %dma_wait3A_352] : memref<100352x32xf32, #tpu.memory_space<hbm>> -> memref<128x32xf32, #tpu.memory_space<hbm>>
      %dma_wait3A_354 = arith.constant 0 : i32
      %dma_wait3A_355 = arith.constant 0 : i32
      %dma_wait3A_356 = tpu.memref_slice %arg9[%dma_wait3A_345, %dma_wait3A_346, %dma_wait3A_354, %dma_wait3A_355] : memref<2x2x128x32xf32, #tpu.memory_space<vmem>> -> memref<1x1x128x32xf32, #tpu.memory_space<vmem>>
      %dma_wait3A_357 = tpu.memref_squeeze %dma_wait3A_356 : memref<1x1x128x32xf32, #tpu.memory_space<vmem>> -> memref<128x32xf32, #tpu.memory_space<vmem>>
      %dma_wait3A_358 = arith.constant 0 : i32
      %dma_wait3A_359 = arith.constant 0 : i32
      %dma_wait3A_360 = tpu.memref_slice %arg2[%dma_wait3A_358, %dma_wait3A_359] : memref<100352x32xf32, #tpu.memory_space<hbm>> -> memref<128x32xf32, #tpu.memory_space<hbm>>
      tpu.wait_dma2 semaphore(%arg15 : memref<!tpu.dma_semaphore, #tpu.memory_space<semaphore_mem>>) src(%dma_wait3A_360 : memref<128x32xf32, #tpu.memory_space<hbm>>) dst(%dma_wait3A_357 : memref<128x32xf32, #tpu.memory_space<vmem>>)
      %dma_start3A_361 = arith.constant 1 : i32
      %dma_start3A_362 = arith.constant 0 : i32
      %dma_start3A_363 = arith.constant 0 : i32
      %dma_start3A_364 = arith.constant 2 : i32
      %dma_start3A_365 = arith.constant 0 : i32
      %dma_start3A_366 = arith.constant 0 : i32
      %dma_start3A_367 = tpu.memref_slice %arg9[%dma_start3A_361, %dma_start3A_362, %dma_start3A_365, %dma_start3A_366] : memref<2x2x128x32xf32, #tpu.memory_space<vmem>> -> memref<1x1x128x32xf32, #tpu.memory_space<vmem>>
      %dma_start3A_368 = tpu.memref_squeeze %dma_start3A_367 : memref<1x1x128x32xf32, #tpu.memory_space<vmem>> -> memref<128x32xf32, #tpu.memory_space<vmem>>
      %dma_start3A_369 = arith.constant 0 : i32
      %dma_start3A_370 = tpu.memref_slice %arg8[%dma_start3A_363, %dma_start3A_364, %dma_start3A_369] : memref<2x8x128xi32, #tpu.memory_space<vmem>> -> memref<1x1x128xi32, #tpu.memory_space<vmem>>
      %dma_start3A_371 = tpu.memref_squeeze %dma_start3A_370 : memref<1x1x128xi32, #tpu.memory_space<vmem>> -> memref<128xi32, #tpu.memory_space<vmem>>
      %dma_start3A_372 = arith.constant 0 : i32
      %dma_start3A_373 = arith.constant 0 : i32
      %dma_start3A_374 = tpu.memref_slice %arg13[%dma_start3A_372, %dma_start3A_373] : memref<50176x32xf32, #tpu.memory_space<vmem_shared>> -> memref<50176x32xf32, #tpu.memory_space<vmem_shared>>
      tpu.enqueue_indirect_dma source(%dma_start3A_368 : memref<128x32xf32, #tpu.memory_space<vmem>>) target(%dma_start3A_374 : memref<50176x32xf32, #tpu.memory_space<vmem_shared>>) offsets(%dma_start3A_371 : memref<128xi32, #tpu.memory_space<vmem>>) semaphore(%arg16 : memref<!tpu.dma_semaphore, #tpu.memory_space<semaphore_mem>>) {add = true}
      %dma_start3A_375 = arith.constant 1 : i32
      %dma_start3A_376 = arith.constant 1 : i32
      %dma_start3A_377 = arith.constant 0 : i32
      %dma_start3A_378 = arith.constant 3 : i32
      %dma_start3A_379 = arith.constant 0 : i32
      %dma_start3A_380 = arith.constant 0 : i32
      %dma_start3A_381 = tpu.memref_slice %arg9[%dma_start3A_375, %dma_start3A_376, %dma_start3A_379, %dma_start3A_380] : memref<2x2x128x32xf32, #tpu.memory_space<vmem>> -> memref<1x1x128x32xf32, #tpu.memory_space<vmem>>
      %dma_start3A_382 = tpu.memref_squeeze %dma_start3A_381 : memref<1x1x128x32xf32, #tpu.memory_space<vmem>> -> memref<128x32xf32, #tpu.memory_space<vmem>>
      %dma_start3A_383 = arith.constant 0 : i32
      %dma_start3A_384 = tpu.memref_slice %arg8[%dma_start3A_377, %dma_start3A_378, %dma_start3A_383] : memref<2x8x128xi32, #tpu.memory_space<vmem>> -> memref<1x1x128xi32, #tpu.memory_space<vmem>>
      %dma_start3A_385 = tpu.memref_squeeze %dma_start3A_384 : memref<1x1x128xi32, #tpu.memory_space<vmem>> -> memref<128xi32, #tpu.memory_space<vmem>>
      %dma_start3A_386 = arith.constant 0 : i32
      %dma_start3A_387 = arith.constant 0 : i32
      %dma_start3A_388 = tpu.memref_slice %arg13[%dma_start3A_386, %dma_start3A_387] : memref<50176x32xf32, #tpu.memory_space<vmem_shared>> -> memref<50176x32xf32, #tpu.memory_space<vmem_shared>>
      tpu.enqueue_indirect_dma source(%dma_start3A_382 : memref<128x32xf32, #tpu.memory_space<vmem>>) target(%dma_start3A_388 : memref<50176x32xf32, #tpu.memory_space<vmem_shared>>) offsets(%dma_start3A_385 : memref<128xi32, #tpu.memory_space<vmem>>) semaphore(%arg16 : memref<!tpu.dma_semaphore, #tpu.memory_space<semaphore_mem>>) {add = true}
      %eq3A_389 = arith.constant 0 : i32
      %eq3A_390 = arith.cmpi eq, %arg0, %eq3A_389 : i32
      %convert_element_type3A_391 = arith.extui %eq3A_390 : i1 to i32
      %cond3A_392 = arith.constant 0 : i32
      %cond3A_393 = arith.cmpi ne, %convert_element_type3A_391, %cond3A_392 : i32
      scf.if %cond3A_393 {
        %dma_start3A_1109 = arith.constant 0 : i32
        %dma_start3A_1110 = arith.constant 2 : i32
        %dma_start3A_1111 = arith.constant 0 : i32
        %dma_start3A_1112 = tpu.memref_slice %arg8[%dma_start3A_1109, %dma_start3A_1110, %dma_start3A_1111] : memref<2x8x128xi32, #tpu.memory_space<vmem>> -> memref<1x1x128xi32, #tpu.memory_space<vmem>>
        %dma_start3A_1113 = tpu.memref_squeeze %dma_start3A_1112 : memref<1x1x128xi32, #tpu.memory_space<vmem>> -> memref<128xi32, #tpu.memory_space<vmem>>
        %dma_start3A_1114 = arith.constant 0 : i32
        %dma_start3A_1115 = tpu.memref_slice %arg14[%dma_start3A_1114] : memref<50176xf32, #tpu.memory_space<vmem_shared>> -> memref<50176xf32, #tpu.memory_space<vmem_shared>>
        tpu.enqueue_indirect_dma source(%arg12 : memref<128xf32, #tpu.memory_space<vmem>>) target(%dma_start3A_1115 : memref<50176xf32, #tpu.memory_space<vmem_shared>>) offsets(%dma_start3A_1113 : memref<128xi32, #tpu.memory_space<vmem>>) semaphore(%arg17 : memref<!tpu.dma_semaphore, #tpu.memory_space<semaphore_mem>>) {add = true}
        %dma_start3A_1116 = arith.constant 0 : i32
        %dma_start3A_1117 = arith.constant 3 : i32
        %dma_start3A_1118 = arith.constant 0 : i32
        %dma_start3A_1119 = tpu.memref_slice %arg8[%dma_start3A_1116, %dma_start3A_1117, %dma_start3A_1118] : memref<2x8x128xi32, #tpu.memory_space<vmem>> -> memref<1x1x128xi32, #tpu.memory_space<vmem>>
        %dma_start3A_1120 = tpu.memref_squeeze %dma_start3A_1119 : memref<1x1x128xi32, #tpu.memory_space<vmem>> -> memref<128xi32, #tpu.memory_space<vmem>>
        %dma_start3A_1121 = arith.constant 0 : i32
        %dma_start3A_1122 = tpu.memref_slice %arg14[%dma_start3A_1121] : memref<50176xf32, #tpu.memory_space<vmem_shared>> -> memref<50176xf32, #tpu.memory_space<vmem_shared>>
        tpu.enqueue_indirect_dma source(%arg12 : memref<128xf32, #tpu.memory_space<vmem>>) target(%dma_start3A_1122 : memref<50176xf32, #tpu.memory_space<vmem_shared>>) offsets(%dma_start3A_1120 : memref<128xi32, #tpu.memory_space<vmem>>) semaphore(%arg17 : memref<!tpu.dma_semaphore, #tpu.memory_space<semaphore_mem>>) {add = true}
      } else {
      }
      %dma_wait3A_394 = arith.constant 0 : i32
      %dma_wait3A_395 = arith.constant 0 : i32
      %dma_wait3A_396 = tpu.memref_slice %arg13[%dma_wait3A_394, %dma_wait3A_395] : memref<50176x32xf32, #tpu.memory_space<vmem_shared>> -> memref<128x32xf32, #tpu.memory_space<vmem_shared>>
      %dma_wait3A_397 = arith.constant 0 : i32
      %dma_wait3A_398 = arith.constant 0 : i32
      %dma_wait3A_399 = tpu.memref_slice %arg2[%dma_wait3A_397, %dma_wait3A_398] : memref<100352x32xf32, #tpu.memory_space<hbm>> -> memref<128x32xf32, #tpu.memory_space<hbm>>
      tpu.wait_dma2 semaphore(%arg16 : memref<!tpu.dma_semaphore, #tpu.memory_space<semaphore_mem>>) src(%dma_wait3A_399 : memref<128x32xf32, #tpu.memory_space<hbm>>) dst(%dma_wait3A_396 : memref<128x32xf32, #tpu.memory_space<vmem_shared>>)
      %dma_wait3A_400 = arith.constant 0 : i32
      %dma_wait3A_401 = arith.constant 0 : i32
      %dma_wait3A_402 = tpu.memref_slice %arg13[%dma_wait3A_400, %dma_wait3A_401] : memref<50176x32xf32, #tpu.memory_space<vmem_shared>> -> memref<128x32xf32, #tpu.memory_space<vmem_shared>>
      %dma_wait3A_403 = arith.constant 0 : i32
      %dma_wait3A_404 = arith.constant 0 : i32
      %dma_wait3A_405 = tpu.memref_slice %arg2[%dma_wait3A_403, %dma_wait3A_404] : memref<100352x32xf32, #tpu.memory_space<hbm>> -> memref<128x32xf32, #tpu.memory_space<hbm>>
      tpu.wait_dma2 semaphore(%arg16 : memref<!tpu.dma_semaphore, #tpu.memory_space<semaphore_mem>>) src(%dma_wait3A_405 : memref<128x32xf32, #tpu.memory_space<hbm>>) dst(%dma_wait3A_402 : memref<128x32xf32, #tpu.memory_space<vmem_shared>>)
      %dma_start3A_406 = arith.constant 0 : i32
      %dma_start3A_407 = arith.constant 4 : i32
      %dma_start3A_408 = arith.constant 0 : i32
      %dma_start3A_409 = arith.constant 0 : i32
      %dma_start3A_410 = arith.constant 0 : i32
      %dma_start3A_411 = arith.constant 0 : i32
      %dma_start3A_412 = tpu.memref_slice %arg9[%dma_start3A_408, %dma_start3A_409, %dma_start3A_410, %dma_start3A_411] : memref<2x2x128x32xf32, #tpu.memory_space<vmem>> -> memref<1x1x128x32xf32, #tpu.memory_space<vmem>>
      %dma_start3A_413 = tpu.memref_squeeze %dma_start3A_412 : memref<1x1x128x32xf32, #tpu.memory_space<vmem>> -> memref<128x32xf32, #tpu.memory_space<vmem>>
      %dma_start3A_414 = arith.constant 0 : i32
      %dma_start3A_415 = tpu.memref_slice %arg7[%dma_start3A_406, %dma_start3A_407, %dma_start3A_414] : memref<2x8x128xi32, #tpu.memory_space<vmem>> -> memref<1x1x128xi32, #tpu.memory_space<vmem>>
      %dma_start3A_416 = tpu.memref_squeeze %dma_start3A_415 : memref<1x1x128xi32, #tpu.memory_space<vmem>> -> memref<128xi32, #tpu.memory_space<vmem>>
      %dma_start3A_417 = arith.constant 0 : i32
      %dma_start3A_418 = arith.constant 0 : i32
      %dma_start3A_419 = tpu.memref_slice %arg2[%dma_start3A_417, %dma_start3A_418] : memref<100352x32xf32, #tpu.memory_space<hbm>> -> memref<100352x32xf32, #tpu.memory_space<hbm>>
      tpu.enqueue_indirect_dma source(%dma_start3A_419 : memref<100352x32xf32, #tpu.memory_space<hbm>>) target(%dma_start3A_413 : memref<128x32xf32, #tpu.memory_space<vmem>>) offsets(%dma_start3A_416 : memref<128xi32, #tpu.memory_space<vmem>>) semaphore(%arg15 : memref<!tpu.dma_semaphore, #tpu.memory_space<semaphore_mem>>)
      %dma_start3A_420 = arith.constant 0 : i32
      %dma_start3A_421 = arith.constant 5 : i32
      %dma_start3A_422 = arith.constant 0 : i32
      %dma_start3A_423 = arith.constant 1 : i32
      %dma_start3A_424 = arith.constant 0 : i32
      %dma_start3A_425 = arith.constant 0 : i32
      %dma_start3A_426 = tpu.memref_slice %arg9[%dma_start3A_422, %dma_start3A_423, %dma_start3A_424, %dma_start3A_425] : memref<2x2x128x32xf32, #tpu.memory_space<vmem>> -> memref<1x1x128x32xf32, #tpu.memory_space<vmem>>
      %dma_start3A_427 = tpu.memref_squeeze %dma_start3A_426 : memref<1x1x128x32xf32, #tpu.memory_space<vmem>> -> memref<128x32xf32, #tpu.memory_space<vmem>>
      %dma_start3A_428 = arith.constant 0 : i32
      %dma_start3A_429 = tpu.memref_slice %arg7[%dma_start3A_420, %dma_start3A_421, %dma_start3A_428] : memref<2x8x128xi32, #tpu.memory_space<vmem>> -> memref<1x1x128xi32, #tpu.memory_space<vmem>>
      %dma_start3A_430 = tpu.memref_squeeze %dma_start3A_429 : memref<1x1x128xi32, #tpu.memory_space<vmem>> -> memref<128xi32, #tpu.memory_space<vmem>>
      %dma_start3A_431 = arith.constant 0 : i32
      %dma_start3A_432 = arith.constant 0 : i32
      %dma_start3A_433 = tpu.memref_slice %arg2[%dma_start3A_431, %dma_start3A_432] : memref<100352x32xf32, #tpu.memory_space<hbm>> -> memref<100352x32xf32, #tpu.memory_space<hbm>>
      tpu.enqueue_indirect_dma source(%dma_start3A_433 : memref<100352x32xf32, #tpu.memory_space<hbm>>) target(%dma_start3A_427 : memref<128x32xf32, #tpu.memory_space<vmem>>) offsets(%dma_start3A_430 : memref<128xi32, #tpu.memory_space<vmem>>) semaphore(%arg15 : memref<!tpu.dma_semaphore, #tpu.memory_space<semaphore_mem>>)
      %dma_wait3A_434 = arith.constant 0 : i32
      %dma_wait3A_435 = arith.constant 0 : i32
      %dma_wait3A_436 = tpu.memref_slice %arg13[%dma_wait3A_434, %dma_wait3A_435] : memref<50176x32xf32, #tpu.memory_space<vmem_shared>> -> memref<128x32xf32, #tpu.memory_space<vmem_shared>>
      %dma_wait3A_437 = arith.constant 0 : i32
      %dma_wait3A_438 = arith.constant 0 : i32
      %dma_wait3A_439 = tpu.memref_slice %arg2[%dma_wait3A_437, %dma_wait3A_438] : memref<100352x32xf32, #tpu.memory_space<hbm>> -> memref<128x32xf32, #tpu.memory_space<hbm>>
      tpu.wait_dma2 semaphore(%arg16 : memref<!tpu.dma_semaphore, #tpu.memory_space<semaphore_mem>>) src(%dma_wait3A_439 : memref<128x32xf32, #tpu.memory_space<hbm>>) dst(%dma_wait3A_436 : memref<128x32xf32, #tpu.memory_space<vmem_shared>>)
      %dma_wait3A_440 = arith.constant 0 : i32
      %dma_wait3A_441 = arith.constant 0 : i32
      %dma_wait3A_442 = tpu.memref_slice %arg13[%dma_wait3A_440, %dma_wait3A_441] : memref<50176x32xf32, #tpu.memory_space<vmem_shared>> -> memref<128x32xf32, #tpu.memory_space<vmem_shared>>
      %dma_wait3A_443 = arith.constant 0 : i32
      %dma_wait3A_444 = arith.constant 0 : i32
      %dma_wait3A_445 = tpu.memref_slice %arg2[%dma_wait3A_443, %dma_wait3A_444] : memref<100352x32xf32, #tpu.memory_space<hbm>> -> memref<128x32xf32, #tpu.memory_space<hbm>>
      tpu.wait_dma2 semaphore(%arg16 : memref<!tpu.dma_semaphore, #tpu.memory_space<semaphore_mem>>) src(%dma_wait3A_445 : memref<128x32xf32, #tpu.memory_space<hbm>>) dst(%dma_wait3A_442 : memref<128x32xf32, #tpu.memory_space<vmem_shared>>)
      %dma_start3A_446 = arith.constant 0 : i32
      %dma_start3A_447 = arith.constant 6 : i32
      %dma_start3A_448 = arith.constant 1 : i32
      %dma_start3A_449 = arith.constant 0 : i32
      %dma_start3A_450 = arith.constant 0 : i32
      %dma_start3A_451 = arith.constant 0 : i32
      %dma_start3A_452 = tpu.memref_slice %arg9[%dma_start3A_448, %dma_start3A_449, %dma_start3A_450, %dma_start3A_451] : memref<2x2x128x32xf32, #tpu.memory_space<vmem>> -> memref<1x1x128x32xf32, #tpu.memory_space<vmem>>
      %dma_start3A_453 = tpu.memref_squeeze %dma_start3A_452 : memref<1x1x128x32xf32, #tpu.memory_space<vmem>> -> memref<128x32xf32, #tpu.memory_space<vmem>>
      %dma_start3A_454 = arith.constant 0 : i32
      %dma_start3A_455 = tpu.memref_slice %arg7[%dma_start3A_446, %dma_start3A_447, %dma_start3A_454] : memref<2x8x128xi32, #tpu.memory_space<vmem>> -> memref<1x1x128xi32, #tpu.memory_space<vmem>>
      %dma_start3A_456 = tpu.memref_squeeze %dma_start3A_455 : memref<1x1x128xi32, #tpu.memory_space<vmem>> -> memref<128xi32, #tpu.memory_space<vmem>>
      %dma_start3A_457 = arith.constant 0 : i32
      %dma_start3A_458 = arith.constant 0 : i32
      %dma_start3A_459 = tpu.memref_slice %arg2[%dma_start3A_457, %dma_start3A_458] : memref<100352x32xf32, #tpu.memory_space<hbm>> -> memref<100352x32xf32, #tpu.memory_space<hbm>>
      tpu.enqueue_indirect_dma source(%dma_start3A_459 : memref<100352x32xf32, #tpu.memory_space<hbm>>) target(%dma_start3A_453 : memref<128x32xf32, #tpu.memory_space<vmem>>) offsets(%dma_start3A_456 : memref<128xi32, #tpu.memory_space<vmem>>) semaphore(%arg15 : memref<!tpu.dma_semaphore, #tpu.memory_space<semaphore_mem>>)
      %dma_start3A_460 = arith.constant 0 : i32
      %dma_start3A_461 = arith.constant 7 : i32
      %dma_start3A_462 = arith.constant 1 : i32
      %dma_start3A_463 = arith.constant 1 : i32
      %dma_start3A_464 = arith.constant 0 : i32
      %dma_start3A_465 = arith.constant 0 : i32
      %dma_start3A_466 = tpu.memref_slice %arg9[%dma_start3A_462, %dma_start3A_463, %dma_start3A_464, %dma_start3A_465] : memref<2x2x128x32xf32, #tpu.memory_space<vmem>> -> memref<1x1x128x32xf32, #tpu.memory_space<vmem>>
      %dma_start3A_467 = tpu.memref_squeeze %dma_start3A_466 : memref<1x1x128x32xf32, #tpu.memory_space<vmem>> -> memref<128x32xf32, #tpu.memory_space<vmem>>
      %dma_start3A_468 = arith.constant 0 : i32
      %dma_start3A_469 = tpu.memref_slice %arg7[%dma_start3A_460, %dma_start3A_461, %dma_start3A_468] : memref<2x8x128xi32, #tpu.memory_space<vmem>> -> memref<1x1x128xi32, #tpu.memory_space<vmem>>
      %dma_start3A_470 = tpu.memref_squeeze %dma_start3A_469 : memref<1x1x128xi32, #tpu.memory_space<vmem>> -> memref<128xi32, #tpu.memory_space<vmem>>
      %dma_start3A_471 = arith.constant 0 : i32
      %dma_start3A_472 = arith.constant 0 : i32
      %dma_start3A_473 = tpu.memref_slice %arg2[%dma_start3A_471, %dma_start3A_472] : memref<100352x32xf32, #tpu.memory_space<hbm>> -> memref<100352x32xf32, #tpu.memory_space<hbm>>
      tpu.enqueue_indirect_dma source(%dma_start3A_473 : memref<100352x32xf32, #tpu.memory_space<hbm>>) target(%dma_start3A_467 : memref<128x32xf32, #tpu.memory_space<vmem>>) offsets(%dma_start3A_470 : memref<128xi32, #tpu.memory_space<vmem>>) semaphore(%arg15 : memref<!tpu.dma_semaphore, #tpu.memory_space<semaphore_mem>>)
      %dma_wait3A_474 = arith.constant 0 : i32
      %dma_wait3A_475 = arith.constant 0 : i32
      %dma_wait3A_476 = arith.constant 0 : i32
      %dma_wait3A_477 = arith.constant 0 : i32
      %dma_wait3A_478 = tpu.memref_slice %arg9[%dma_wait3A_474, %dma_wait3A_475, %dma_wait3A_476, %dma_wait3A_477] : memref<2x2x128x32xf32, #tpu.memory_space<vmem>> -> memref<1x1x128x32xf32, #tpu.memory_space<vmem>>
      %dma_wait3A_479 = tpu.memref_squeeze %dma_wait3A_478 : memref<1x1x128x32xf32, #tpu.memory_space<vmem>> -> memref<128x32xf32, #tpu.memory_space<vmem>>
      %dma_wait3A_480 = arith.constant 0 : i32
      %dma_wait3A_481 = arith.constant 0 : i32
      %dma_wait3A_482 = tpu.memref_slice %arg2[%dma_wait3A_480, %dma_wait3A_481] : memref<100352x32xf32, #tpu.memory_space<hbm>> -> memref<128x32xf32, #tpu.memory_space<hbm>>
      %dma_wait3A_483 = arith.constant 0 : i32
      %dma_wait3A_484 = arith.constant 0 : i32
      %dma_wait3A_485 = tpu.memref_slice %arg9[%dma_wait3A_474, %dma_wait3A_475, %dma_wait3A_483, %dma_wait3A_484] : memref<2x2x128x32xf32, #tpu.memory_space<vmem>> -> memref<1x1x128x32xf32, #tpu.memory_space<vmem>>
      %dma_wait3A_486 = tpu.memref_squeeze %dma_wait3A_485 : memref<1x1x128x32xf32, #tpu.memory_space<vmem>> -> memref<128x32xf32, #tpu.memory_space<vmem>>
      %dma_wait3A_487 = arith.constant 0 : i32
      %dma_wait3A_488 = arith.constant 0 : i32
      %dma_wait3A_489 = tpu.memref_slice %arg2[%dma_wait3A_487, %dma_wait3A_488] : memref<100352x32xf32, #tpu.memory_space<hbm>> -> memref<128x32xf32, #tpu.memory_space<hbm>>
      tpu.wait_dma2 semaphore(%arg15 : memref<!tpu.dma_semaphore, #tpu.memory_space<semaphore_mem>>) src(%dma_wait3A_489 : memref<128x32xf32, #tpu.memory_space<hbm>>) dst(%dma_wait3A_486 : memref<128x32xf32, #tpu.memory_space<vmem>>)
      %dma_wait3A_490 = arith.constant 0 : i32
      %dma_wait3A_491 = arith.constant 1 : i32
      %dma_wait3A_492 = arith.constant 0 : i32
      %dma_wait3A_493 = arith.constant 0 : i32
      %dma_wait3A_494 = tpu.memref_slice %arg9[%dma_wait3A_490, %dma_wait3A_491, %dma_wait3A_492, %dma_wait3A_493] : memref<2x2x128x32xf32, #tpu.memory_space<vmem>> -> memref<1x1x128x32xf32, #tpu.memory_space<vmem>>
      %dma_wait3A_495 = tpu.memref_squeeze %dma_wait3A_494 : memref<1x1x128x32xf32, #tpu.memory_space<vmem>> -> memref<128x32xf32, #tpu.memory_space<vmem>>
      %dma_wait3A_496 = arith.constant 0 : i32
      %dma_wait3A_497 = arith.constant 0 : i32
      %dma_wait3A_498 = tpu.memref_slice %arg2[%dma_wait3A_496, %dma_wait3A_497] : memref<100352x32xf32, #tpu.memory_space<hbm>> -> memref<128x32xf32, #tpu.memory_space<hbm>>
      %dma_wait3A_499 = arith.constant 0 : i32
      %dma_wait3A_500 = arith.constant 0 : i32
      %dma_wait3A_501 = tpu.memref_slice %arg9[%dma_wait3A_490, %dma_wait3A_491, %dma_wait3A_499, %dma_wait3A_500] : memref<2x2x128x32xf32, #tpu.memory_space<vmem>> -> memref<1x1x128x32xf32, #tpu.memory_space<vmem>>
      %dma_wait3A_502 = tpu.memref_squeeze %dma_wait3A_501 : memref<1x1x128x32xf32, #tpu.memory_space<vmem>> -> memref<128x32xf32, #tpu.memory_space<vmem>>
      %dma_wait3A_503 = arith.constant 0 : i32
      %dma_wait3A_504 = arith.constant 0 : i32
      %dma_wait3A_505 = tpu.memref_slice %arg2[%dma_wait3A_503, %dma_wait3A_504] : memref<100352x32xf32, #tpu.memory_space<hbm>> -> memref<128x32xf32, #tpu.memory_space<hbm>>
      tpu.wait_dma2 semaphore(%arg15 : memref<!tpu.dma_semaphore, #tpu.memory_space<semaphore_mem>>) src(%dma_wait3A_505 : memref<128x32xf32, #tpu.memory_space<hbm>>) dst(%dma_wait3A_502 : memref<128x32xf32, #tpu.memory_space<vmem>>)
      %dma_start3A_506 = arith.constant 0 : i32
      %dma_start3A_507 = arith.constant 0 : i32
      %dma_start3A_508 = arith.constant 0 : i32
      %dma_start3A_509 = arith.constant 4 : i32
      %dma_start3A_510 = arith.constant 0 : i32
      %dma_start3A_511 = arith.constant 0 : i32
      %dma_start3A_512 = tpu.memref_slice %arg9[%dma_start3A_506, %dma_start3A_507, %dma_start3A_510, %dma_start3A_511] : memref<2x2x128x32xf32, #tpu.memory_space<vmem>> -> memref<1x1x128x32xf32, #tpu.memory_space<vmem>>
      %dma_start3A_513 = tpu.memref_squeeze %dma_start3A_512 : memref<1x1x128x32xf32, #tpu.memory_space<vmem>> -> memref<128x32xf32, #tpu.memory_space<vmem>>
      %dma_start3A_514 = arith.constant 0 : i32
      %dma_start3A_515 = tpu.memref_slice %arg8[%dma_start3A_508, %dma_start3A_509, %dma_start3A_514] : memref<2x8x128xi32, #tpu.memory_space<vmem>> -> memref<1x1x128xi32, #tpu.memory_space<vmem>>
      %dma_start3A_516 = tpu.memref_squeeze %dma_start3A_515 : memref<1x1x128xi32, #tpu.memory_space<vmem>> -> memref<128xi32, #tpu.memory_space<vmem>>
      %dma_start3A_517 = arith.constant 0 : i32
      %dma_start3A_518 = arith.constant 0 : i32
      %dma_start3A_519 = tpu.memref_slice %arg13[%dma_start3A_517, %dma_start3A_518] : memref<50176x32xf32, #tpu.memory_space<vmem_shared>> -> memref<50176x32xf32, #tpu.memory_space<vmem_shared>>
      tpu.enqueue_indirect_dma source(%dma_start3A_513 : memref<128x32xf32, #tpu.memory_space<vmem>>) target(%dma_start3A_519 : memref<50176x32xf32, #tpu.memory_space<vmem_shared>>) offsets(%dma_start3A_516 : memref<128xi32, #tpu.memory_space<vmem>>) semaphore(%arg16 : memref<!tpu.dma_semaphore, #tpu.memory_space<semaphore_mem>>) {add = true}
      %dma_start3A_520 = arith.constant 0 : i32
      %dma_start3A_521 = arith.constant 1 : i32
      %dma_start3A_522 = arith.constant 0 : i32
      %dma_start3A_523 = arith.constant 5 : i32
      %dma_start3A_524 = arith.constant 0 : i32
      %dma_start3A_525 = arith.constant 0 : i32
      %dma_start3A_526 = tpu.memref_slice %arg9[%dma_start3A_520, %dma_start3A_521, %dma_start3A_524, %dma_start3A_525] : memref<2x2x128x32xf32, #tpu.memory_space<vmem>> -> memref<1x1x128x32xf32, #tpu.memory_space<vmem>>
      %dma_start3A_527 = tpu.memref_squeeze %dma_start3A_526 : memref<1x1x128x32xf32, #tpu.memory_space<vmem>> -> memref<128x32xf32, #tpu.memory_space<vmem>>
      %dma_start3A_528 = arith.constant 0 : i32
      %dma_start3A_529 = tpu.memref_slice %arg8[%dma_start3A_522, %dma_start3A_523, %dma_start3A_528] : memref<2x8x128xi32, #tpu.memory_space<vmem>> -> memref<1x1x128xi32, #tpu.memory_space<vmem>>
      %dma_start3A_530 = tpu.memref_squeeze %dma_start3A_529 : memref<1x1x128xi32, #tpu.memory_space<vmem>> -> memref<128xi32, #tpu.memory_space<vmem>>
      %dma_start3A_531 = arith.constant 0 : i32
      %dma_start3A_532 = arith.constant 0 : i32
      %dma_start3A_533 = tpu.memref_slice %arg13[%dma_start3A_531, %dma_start3A_532] : memref<50176x32xf32, #tpu.memory_space<vmem_shared>> -> memref<50176x32xf32, #tpu.memory_space<vmem_shared>>
      tpu.enqueue_indirect_dma source(%dma_start3A_527 : memref<128x32xf32, #tpu.memory_space<vmem>>) target(%dma_start3A_533 : memref<50176x32xf32, #tpu.memory_space<vmem_shared>>) offsets(%dma_start3A_530 : memref<128xi32, #tpu.memory_space<vmem>>) semaphore(%arg16 : memref<!tpu.dma_semaphore, #tpu.memory_space<semaphore_mem>>) {add = true}
      %eq3A_534 = arith.constant 0 : i32
      %eq3A_535 = arith.cmpi eq, %arg0, %eq3A_534 : i32
      %convert_element_type3A_536 = arith.extui %eq3A_535 : i1 to i32
      %cond3A_537 = arith.constant 0 : i32
      %cond3A_538 = arith.cmpi ne, %convert_element_type3A_536, %cond3A_537 : i32
      scf.if %cond3A_538 {
        %dma_start3A_1109 = arith.constant 0 : i32
        %dma_start3A_1110 = arith.constant 4 : i32
        %dma_start3A_1111 = arith.constant 0 : i32
        %dma_start3A_1112 = tpu.memref_slice %arg8[%dma_start3A_1109, %dma_start3A_1110, %dma_start3A_1111] : memref<2x8x128xi32, #tpu.memory_space<vmem>> -> memref<1x1x128xi32, #tpu.memory_space<vmem>>
        %dma_start3A_1113 = tpu.memref_squeeze %dma_start3A_1112 : memref<1x1x128xi32, #tpu.memory_space<vmem>> -> memref<128xi32, #tpu.memory_space<vmem>>
        %dma_start3A_1114 = arith.constant 0 : i32
        %dma_start3A_1115 = tpu.memref_slice %arg14[%dma_start3A_1114] : memref<50176xf32, #tpu.memory_space<vmem_shared>> -> memref<50176xf32, #tpu.memory_space<vmem_shared>>
        tpu.enqueue_indirect_dma source(%arg12 : memref<128xf32, #tpu.memory_space<vmem>>) target(%dma_start3A_1115 : memref<50176xf32, #tpu.memory_space<vmem_shared>>) offsets(%dma_start3A_1113 : memref<128xi32, #tpu.memory_space<vmem>>) semaphore(%arg17 : memref<!tpu.dma_semaphore, #tpu.memory_space<semaphore_mem>>) {add = true}
        %dma_start3A_1116 = arith.constant 0 : i32
        %dma_start3A_1117 = arith.constant 5 : i32
        %dma_start3A_1118 = arith.constant 0 : i32
        %dma_start3A_1119 = tpu.memref_slice %arg8[%dma_start3A_1116, %dma_start3A_1117, %dma_start3A_1118] : memref<2x8x128xi32, #tpu.memory_space<vmem>> -> memref<1x1x128xi32, #tpu.memory_space<vmem>>
        %dma_start3A_1120 = tpu.memref_squeeze %dma_start3A_1119 : memref<1x1x128xi32, #tpu.memory_space<vmem>> -> memref<128xi32, #tpu.memory_space<vmem>>
        %dma_start3A_1121 = arith.constant 0 : i32
        %dma_start3A_1122 = tpu.memref_slice %arg14[%dma_start3A_1121] : memref<50176xf32, #tpu.memory_space<vmem_shared>> -> memref<50176xf32, #tpu.memory_space<vmem_shared>>
        tpu.enqueue_indirect_dma source(%arg12 : memref<128xf32, #tpu.memory_space<vmem>>) target(%dma_start3A_1122 : memref<50176xf32, #tpu.memory_space<vmem_shared>>) offsets(%dma_start3A_1120 : memref<128xi32, #tpu.memory_space<vmem>>) semaphore(%arg17 : memref<!tpu.dma_semaphore, #tpu.memory_space<semaphore_mem>>) {add = true}
      } else {
      }
      %dma_wait3A_539 = arith.constant 0 : i32
      %dma_wait3A_540 = arith.constant 0 : i32
      %dma_wait3A_541 = arith.constant 0 : i32
      %dma_wait3A_542 = arith.constant 0 : i32
      %dma_wait3A_543 = tpu.memref_slice %arg9[%dma_wait3A_539, %dma_wait3A_540, %dma_wait3A_541, %dma_wait3A_542] : memref<2x2x128x32xf32, #tpu.memory_space<vmem>> -> memref<1x1x128x32xf32, #tpu.memory_space<vmem>>
      %dma_wait3A_544 = tpu.memref_squeeze %dma_wait3A_543 : memref<1x1x128x32xf32, #tpu.memory_space<vmem>> -> memref<128x32xf32, #tpu.memory_space<vmem>>
      %dma_wait3A_545 = arith.constant 0 : i32
      %dma_wait3A_546 = arith.constant 0 : i32
      %dma_wait3A_547 = tpu.memref_slice %arg2[%dma_wait3A_545, %dma_wait3A_546] : memref<100352x32xf32, #tpu.memory_space<hbm>> -> memref<128x32xf32, #tpu.memory_space<hbm>>
      %dma_wait3A_548 = arith.constant 0 : i32
      %dma_wait3A_549 = arith.constant 0 : i32
      %dma_wait3A_550 = tpu.memref_slice %arg9[%dma_wait3A_539, %dma_wait3A_540, %dma_wait3A_548, %dma_wait3A_549] : memref<2x2x128x32xf32, #tpu.memory_space<vmem>> -> memref<1x1x128x32xf32, #tpu.memory_space<vmem>>
      %dma_wait3A_551 = tpu.memref_squeeze %dma_wait3A_550 : memref<1x1x128x32xf32, #tpu.memory_space<vmem>> -> memref<128x32xf32, #tpu.memory_space<vmem>>
      %dma_wait3A_552 = arith.constant 0 : i32
      %dma_wait3A_553 = arith.constant 0 : i32
      %dma_wait3A_554 = tpu.memref_slice %arg2[%dma_wait3A_552, %dma_wait3A_553] : memref<100352x32xf32, #tpu.memory_space<hbm>> -> memref<128x32xf32, #tpu.memory_space<hbm>>
      tpu.wait_dma2 semaphore(%arg15 : memref<!tpu.dma_semaphore, #tpu.memory_space<semaphore_mem>>) src(%dma_wait3A_554 : memref<128x32xf32, #tpu.memory_space<hbm>>) dst(%dma_wait3A_551 : memref<128x32xf32, #tpu.memory_space<vmem>>)
      %dma_wait3A_555 = arith.constant 0 : i32
      %dma_wait3A_556 = arith.constant 1 : i32
      %dma_wait3A_557 = arith.constant 0 : i32
      %dma_wait3A_558 = arith.constant 0 : i32
      %dma_wait3A_559 = tpu.memref_slice %arg9[%dma_wait3A_555, %dma_wait3A_556, %dma_wait3A_557, %dma_wait3A_558] : memref<2x2x128x32xf32, #tpu.memory_space<vmem>> -> memref<1x1x128x32xf32, #tpu.memory_space<vmem>>
      %dma_wait3A_560 = tpu.memref_squeeze %dma_wait3A_559 : memref<1x1x128x32xf32, #tpu.memory_space<vmem>> -> memref<128x32xf32, #tpu.memory_space<vmem>>
      %dma_wait3A_561 = arith.constant 0 : i32
      %dma_wait3A_562 = arith.constant 0 : i32
      %dma_wait3A_563 = tpu.memref_slice %arg2[%dma_wait3A_561, %dma_wait3A_562] : memref<100352x32xf32, #tpu.memory_space<hbm>> -> memref<128x32xf32, #tpu.memory_space<hbm>>
      %dma_wait3A_564 = arith.constant 0 : i32
      %dma_wait3A_565 = arith.constant 0 : i32
      %dma_wait3A_566 = tpu.memref_slice %arg9[%dma_wait3A_555, %dma_wait3A_556, %dma_wait3A_564, %dma_wait3A_565] : memref<2x2x128x32xf32, #tpu.memory_space<vmem>> -> memref<1x1x128x32xf32, #tpu.memory_space<vmem>>
      %dma_wait3A_567 = tpu.memref_squeeze %dma_wait3A_566 : memref<1x1x128x32xf32, #tpu.memory_space<vmem>> -> memref<128x32xf32, #tpu.memory_space<vmem>>
      %dma_wait3A_568 = arith.constant 0 : i32
      %dma_wait3A_569 = arith.constant 0 : i32
      %dma_wait3A_570 = tpu.memref_slice %arg2[%dma_wait3A_568, %dma_wait3A_569] : memref<100352x32xf32, #tpu.memory_space<hbm>> -> memref<128x32xf32, #tpu.memory_space<hbm>>
      tpu.wait_dma2 semaphore(%arg15 : memref<!tpu.dma_semaphore, #tpu.memory_space<semaphore_mem>>) src(%dma_wait3A_570 : memref<128x32xf32, #tpu.memory_space<hbm>>) dst(%dma_wait3A_567 : memref<128x32xf32, #tpu.memory_space<vmem>>)
      %dma_start3A_571 = arith.constant 1 : i32
      %dma_start3A_572 = arith.constant 0 : i32
      %dma_start3A_573 = arith.constant 0 : i32
      %dma_start3A_574 = arith.constant 6 : i32
      %dma_start3A_575 = arith.constant 0 : i32
      %dma_start3A_576 = arith.constant 0 : i32
      %dma_start3A_577 = tpu.memref_slice %arg9[%dma_start3A_571, %dma_start3A_572, %dma_start3A_575, %dma_start3A_576] : memref<2x2x128x32xf32, #tpu.memory_space<vmem>> -> memref<1x1x128x32xf32, #tpu.memory_space<vmem>>
      %dma_start3A_578 = tpu.memref_squeeze %dma_start3A_577 : memref<1x1x128x32xf32, #tpu.memory_space<vmem>> -> memref<128x32xf32, #tpu.memory_space<vmem>>
      %dma_start3A_579 = arith.constant 0 : i32
      %dma_start3A_580 = tpu.memref_slice %arg8[%dma_start3A_573, %dma_start3A_574, %dma_start3A_579] : memref<2x8x128xi32, #tpu.memory_space<vmem>> -> memref<1x1x128xi32, #tpu.memory_space<vmem>>
      %dma_start3A_581 = tpu.memref_squeeze %dma_start3A_580 : memref<1x1x128xi32, #tpu.memory_space<vmem>> -> memref<128xi32, #tpu.memory_space<vmem>>
      %dma_start3A_582 = arith.constant 0 : i32
      %dma_start3A_583 = arith.constant 0 : i32
      %dma_start3A_584 = tpu.memref_slice %arg13[%dma_start3A_582, %dma_start3A_583] : memref<50176x32xf32, #tpu.memory_space<vmem_shared>> -> memref<50176x32xf32, #tpu.memory_space<vmem_shared>>
      tpu.enqueue_indirect_dma source(%dma_start3A_578 : memref<128x32xf32, #tpu.memory_space<vmem>>) target(%dma_start3A_584 : memref<50176x32xf32, #tpu.memory_space<vmem_shared>>) offsets(%dma_start3A_581 : memref<128xi32, #tpu.memory_space<vmem>>) semaphore(%arg16 : memref<!tpu.dma_semaphore, #tpu.memory_space<semaphore_mem>>) {add = true}
      %dma_start3A_585 = arith.constant 1 : i32
      %dma_start3A_586 = arith.constant 1 : i32
      %dma_start3A_587 = arith.constant 0 : i32
      %dma_start3A_588 = arith.constant 7 : i32
      %dma_start3A_589 = arith.constant 0 : i32
      %dma_start3A_590 = arith.constant 0 : i32
      %dma_start3A_591 = tpu.memref_slice %arg9[%dma_start3A_585, %dma_start3A_586, %dma_start3A_589, %dma_start3A_590] : memref<2x2x128x32xf32, #tpu.memory_space<vmem>> -> memref<1x1x128x32xf32, #tpu.memory_space<vmem>>
      %dma_start3A_592 = tpu.memref_squeeze %dma_start3A_591 : memref<1x1x128x32xf32, #tpu.memory_space<vmem>> -> memref<128x32xf32, #tpu.memory_space<vmem>>
      %dma_start3A_593 = arith.constant 0 : i32
      %dma_start3A_594 = tpu.memref_slice %arg8[%dma_start3A_587, %dma_start3A_588, %dma_start3A_593] : memref<2x8x128xi32, #tpu.memory_space<vmem>> -> memref<1x1x128xi32, #tpu.memory_space<vmem>>
      %dma_start3A_595 = tpu.memref_squeeze %dma_start3A_594 : memref<1x1x128xi32, #tpu.memory_space<vmem>> -> memref<128xi32, #tpu.memory_space<vmem>>
      %dma_start3A_596 = arith.constant 0 : i32
      %dma_start3A_597 = arith.constant 0 : i32
      %dma_start3A_598 = tpu.memref_slice %arg13[%dma_start3A_596, %dma_start3A_597] : memref<50176x32xf32, #tpu.memory_space<vmem_shared>> -> memref<50176x32xf32, #tpu.memory_space<vmem_shared>>
      tpu.enqueue_indirect_dma source(%dma_start3A_592 : memref<128x32xf32, #tpu.memory_space<vmem>>) target(%dma_start3A_598 : memref<50176x32xf32, #tpu.memory_space<vmem_shared>>) offsets(%dma_start3A_595 : memref<128xi32, #tpu.memory_space<vmem>>) semaphore(%arg16 : memref<!tpu.dma_semaphore, #tpu.memory_space<semaphore_mem>>) {add = true}
      %eq3A_599 = arith.constant 0 : i32
      %eq3A_600 = arith.cmpi eq, %arg0, %eq3A_599 : i32
      %convert_element_type3A_601 = arith.extui %eq3A_600 : i1 to i32
      %cond3A_602 = arith.constant 0 : i32
      %cond3A_603 = arith.cmpi ne, %convert_element_type3A_601, %cond3A_602 : i32
      scf.if %cond3A_603 {
        %dma_start3A_1109 = arith.constant 0 : i32
        %dma_start3A_1110 = arith.constant 6 : i32
        %dma_start3A_1111 = arith.constant 0 : i32
        %dma_start3A_1112 = tpu.memref_slice %arg8[%dma_start3A_1109, %dma_start3A_1110, %dma_start3A_1111] : memref<2x8x128xi32, #tpu.memory_space<vmem>> -> memref<1x1x128xi32, #tpu.memory_space<vmem>>
        %dma_start3A_1113 = tpu.memref_squeeze %dma_start3A_1112 : memref<1x1x128xi32, #tpu.memory_space<vmem>> -> memref<128xi32, #tpu.memory_space<vmem>>
        %dma_start3A_1114 = arith.constant 0 : i32
        %dma_start3A_1115 = tpu.memref_slice %arg14[%dma_start3A_1114] : memref<50176xf32, #tpu.memory_space<vmem_shared>> -> memref<50176xf32, #tpu.memory_space<vmem_shared>>
        tpu.enqueue_indirect_dma source(%arg12 : memref<128xf32, #tpu.memory_space<vmem>>) target(%dma_start3A_1115 : memref<50176xf32, #tpu.memory_space<vmem_shared>>) offsets(%dma_start3A_1113 : memref<128xi32, #tpu.memory_space<vmem>>) semaphore(%arg17 : memref<!tpu.dma_semaphore, #tpu.memory_space<semaphore_mem>>) {add = true}
        %dma_start3A_1116 = arith.constant 0 : i32
        %dma_start3A_1117 = arith.constant 7 : i32
        %dma_start3A_1118 = arith.constant 0 : i32
        %dma_start3A_1119 = tpu.memref_slice %arg8[%dma_start3A_1116, %dma_start3A_1117, %dma_start3A_1118] : memref<2x8x128xi32, #tpu.memory_space<vmem>> -> memref<1x1x128xi32, #tpu.memory_space<vmem>>
        %dma_start3A_1120 = tpu.memref_squeeze %dma_start3A_1119 : memref<1x1x128xi32, #tpu.memory_space<vmem>> -> memref<128xi32, #tpu.memory_space<vmem>>
        %dma_start3A_1121 = arith.constant 0 : i32
        %dma_start3A_1122 = tpu.memref_slice %arg14[%dma_start3A_1121] : memref<50176xf32, #tpu.memory_space<vmem_shared>> -> memref<50176xf32, #tpu.memory_space<vmem_shared>>
        tpu.enqueue_indirect_dma source(%arg12 : memref<128xf32, #tpu.memory_space<vmem>>) target(%dma_start3A_1122 : memref<50176xf32, #tpu.memory_space<vmem_shared>>) offsets(%dma_start3A_1120 : memref<128xi32, #tpu.memory_space<vmem>>) semaphore(%arg17 : memref<!tpu.dma_semaphore, #tpu.memory_space<semaphore_mem>>) {add = true}
      } else {
      }
      %lt3A = arith.constant 24 : i32
      %lt3A_604 = arith.cmpi slt, %scan3A_93, %lt3A : i32
      %add3A_605 = arith.constant 1 : i32
      %add3A_606 = arith.addi %mul3A_95, %add3A_605 : i32
      %dma_wait3A_607 = arith.constant 1 : i32
      %dma_wait3A_608 = arith.constant 0 : i32
      %dma_wait3A_609 = arith.constant 0 : i32
      %dma_wait3A_610 = tpu.memref_slice %arg7[%dma_wait3A_607, %dma_wait3A_608, %dma_wait3A_609] : memref<2x8x128xi32, #tpu.memory_space<vmem>> -> memref<1x8x128xi32, #tpu.memory_space<vmem>>
      %dma_wait3A_611 = tpu.memref_squeeze %dma_wait3A_610 : memref<1x8x128xi32, #tpu.memory_space<vmem>> -> memref<8x128xi32, #tpu.memory_space<vmem>>
      %dma_wait3A_612 = arith.constant 0 : i32
      %dma_wait3A_613 = tpu.memref_slice %arg3[%mul3A_2, %dma_wait3A_612] : memref<6400x128xi32, #tpu.memory_space<hbm>> -> memref<8x128xi32, #tpu.memory_space<hbm>>
      %dma_wait3A_614 = arith.constant 0 : i32
      %dma_wait3A_615 = arith.constant 0 : i32
      %dma_wait3A_616 = tpu.memref_slice %arg7[%dma_wait3A_607, %dma_wait3A_614, %dma_wait3A_615] : memref<2x8x128xi32, #tpu.memory_space<vmem>> -> memref<1x8x128xi32, #tpu.memory_space<vmem>>
      %dma_wait3A_617 = tpu.memref_squeeze %dma_wait3A_616 : memref<1x8x128xi32, #tpu.memory_space<vmem>> -> memref<8x128xi32, #tpu.memory_space<vmem>>
      %dma_wait3A_618 = arith.constant 0 : i32
      %dma_wait3A_619 = tpu.memref_slice %arg3[%mul3A_2, %dma_wait3A_618] : memref<6400x128xi32, #tpu.memory_space<hbm>> -> memref<8x128xi32, #tpu.memory_space<hbm>>
      tpu.wait_dma2 semaphore(%arg18 : memref<!tpu.dma_semaphore, #tpu.memory_space<semaphore_mem>>) src(%dma_wait3A_619 : memref<8x128xi32, #tpu.memory_space<hbm>>) dst(%dma_wait3A_617 : memref<8x128xi32, #tpu.memory_space<vmem>>)
      %dma_wait3A_620 = arith.constant 1 : i32
      %dma_wait3A_621 = arith.constant 0 : i32
      %dma_wait3A_622 = arith.constant 0 : i32
      %dma_wait3A_623 = tpu.memref_slice %arg7[%dma_wait3A_620, %dma_wait3A_621, %dma_wait3A_622] : memref<2x8x128xi32, #tpu.memory_space<vmem>> -> memref<1x8x128xi32, #tpu.memory_space<vmem>>
      %dma_wait3A_624 = tpu.memref_squeeze %dma_wait3A_623 : memref<1x8x128xi32, #tpu.memory_space<vmem>> -> memref<8x128xi32, #tpu.memory_space<vmem>>
      %dma_wait3A_625 = arith.constant 0 : i32
      %dma_wait3A_626 = tpu.memref_slice %arg3[%mul3A_2, %dma_wait3A_625] : memref<6400x128xi32, #tpu.memory_space<hbm>> -> memref<8x128xi32, #tpu.memory_space<hbm>>
      %dma_wait3A_627 = arith.constant 0 : i32
      %dma_wait3A_628 = arith.constant 0 : i32
      %dma_wait3A_629 = tpu.memref_slice %arg7[%dma_wait3A_620, %dma_wait3A_627, %dma_wait3A_628] : memref<2x8x128xi32, #tpu.memory_space<vmem>> -> memref<1x8x128xi32, #tpu.memory_space<vmem>>
      %dma_wait3A_630 = tpu.memref_squeeze %dma_wait3A_629 : memref<1x8x128xi32, #tpu.memory_space<vmem>> -> memref<8x128xi32, #tpu.memory_space<vmem>>
      %dma_wait3A_631 = arith.constant 0 : i32
      %dma_wait3A_632 = tpu.memref_slice %arg3[%mul3A_2, %dma_wait3A_631] : memref<6400x128xi32, #tpu.memory_space<hbm>> -> memref<8x128xi32, #tpu.memory_space<hbm>>
      tpu.wait_dma2 semaphore(%arg18 : memref<!tpu.dma_semaphore, #tpu.memory_space<semaphore_mem>>) src(%dma_wait3A_632 : memref<8x128xi32, #tpu.memory_space<hbm>>) dst(%dma_wait3A_630 : memref<8x128xi32, #tpu.memory_space<vmem>>)
      %dma_wait3A_633 = arith.constant 0 : i32
      %dma_wait3A_634 = arith.constant 0 : i32
      %dma_wait3A_635 = tpu.memref_slice %arg13[%dma_wait3A_633, %dma_wait3A_634] : memref<50176x32xf32, #tpu.memory_space<vmem_shared>> -> memref<128x32xf32, #tpu.memory_space<vmem_shared>>
      %dma_wait3A_636 = arith.constant 0 : i32
      %dma_wait3A_637 = arith.constant 0 : i32
      %dma_wait3A_638 = tpu.memref_slice %arg2[%dma_wait3A_636, %dma_wait3A_637] : memref<100352x32xf32, #tpu.memory_space<hbm>> -> memref<128x32xf32, #tpu.memory_space<hbm>>
      tpu.wait_dma2 semaphore(%arg16 : memref<!tpu.dma_semaphore, #tpu.memory_space<semaphore_mem>>) src(%dma_wait3A_638 : memref<128x32xf32, #tpu.memory_space<hbm>>) dst(%dma_wait3A_635 : memref<128x32xf32, #tpu.memory_space<vmem_shared>>)
      %dma_wait3A_639 = arith.constant 0 : i32
      %dma_wait3A_640 = arith.constant 0 : i32
      %dma_wait3A_641 = tpu.memref_slice %arg13[%dma_wait3A_639, %dma_wait3A_640] : memref<50176x32xf32, #tpu.memory_space<vmem_shared>> -> memref<128x32xf32, #tpu.memory_space<vmem_shared>>
      %dma_wait3A_642 = arith.constant 0 : i32
      %dma_wait3A_643 = arith.constant 0 : i32
      %dma_wait3A_644 = tpu.memref_slice %arg2[%dma_wait3A_642, %dma_wait3A_643] : memref<100352x32xf32, #tpu.memory_space<hbm>> -> memref<128x32xf32, #tpu.memory_space<hbm>>
      tpu.wait_dma2 semaphore(%arg16 : memref<!tpu.dma_semaphore, #tpu.memory_space<semaphore_mem>>) src(%dma_wait3A_644 : memref<128x32xf32, #tpu.memory_space<hbm>>) dst(%dma_wait3A_641 : memref<128x32xf32, #tpu.memory_space<vmem_shared>>)
      %dma_wait3A_645 = arith.constant 0 : i32
      %dma_wait3A_646 = arith.constant 0 : i32
      %dma_wait3A_647 = tpu.memref_slice %arg13[%dma_wait3A_645, %dma_wait3A_646] : memref<50176x32xf32, #tpu.memory_space<vmem_shared>> -> memref<128x32xf32, #tpu.memory_space<vmem_shared>>
      %dma_wait3A_648 = arith.constant 0 : i32
      %dma_wait3A_649 = arith.constant 0 : i32
      %dma_wait3A_650 = tpu.memref_slice %arg2[%dma_wait3A_648, %dma_wait3A_649] : memref<100352x32xf32, #tpu.memory_space<hbm>> -> memref<128x32xf32, #tpu.memory_space<hbm>>
      tpu.wait_dma2 semaphore(%arg16 : memref<!tpu.dma_semaphore, #tpu.memory_space<semaphore_mem>>) src(%dma_wait3A_650 : memref<128x32xf32, #tpu.memory_space<hbm>>) dst(%dma_wait3A_647 : memref<128x32xf32, #tpu.memory_space<vmem_shared>>)
      %dma_wait3A_651 = arith.constant 0 : i32
      %dma_wait3A_652 = arith.constant 0 : i32
      %dma_wait3A_653 = tpu.memref_slice %arg13[%dma_wait3A_651, %dma_wait3A_652] : memref<50176x32xf32, #tpu.memory_space<vmem_shared>> -> memref<128x32xf32, #tpu.memory_space<vmem_shared>>
      %dma_wait3A_654 = arith.constant 0 : i32
      %dma_wait3A_655 = arith.constant 0 : i32
      %dma_wait3A_656 = tpu.memref_slice %arg2[%dma_wait3A_654, %dma_wait3A_655] : memref<100352x32xf32, #tpu.memory_space<hbm>> -> memref<128x32xf32, #tpu.memory_space<hbm>>
      tpu.wait_dma2 semaphore(%arg16 : memref<!tpu.dma_semaphore, #tpu.memory_space<semaphore_mem>>) src(%dma_wait3A_656 : memref<128x32xf32, #tpu.memory_space<hbm>>) dst(%dma_wait3A_653 : memref<128x32xf32, #tpu.memory_space<vmem_shared>>)
      %eq3A_657 = arith.constant 0 : i32
      %eq3A_658 = arith.cmpi eq, %arg0, %eq3A_657 : i32
      %convert_element_type3A_659 = arith.extui %eq3A_658 : i1 to i32
      %cond3A_660 = arith.constant 0 : i32
      %cond3A_661 = arith.cmpi ne, %convert_element_type3A_659, %cond3A_660 : i32
      scf.if %cond3A_661 {
        %dma_wait3A_1109 = arith.constant 0 : i32
        %dma_wait3A_1110 = tpu.memref_slice %arg14[%dma_wait3A_1109] : memref<50176xf32, #tpu.memory_space<vmem_shared>> -> memref<1024xf32, #tpu.memory_space<vmem_shared>>
        %dma_wait3A_1111 = arith.constant 0 : i32
        %dma_wait3A_1112 = tpu.memref_slice %arg6[%dma_wait3A_1111] : memref<50176xf32, #tpu.memory_space<hbm>> -> memref<1024xf32, #tpu.memory_space<hbm>>
        tpu.wait_dma2 semaphore(%arg17 : memref<!tpu.dma_semaphore, #tpu.memory_space<semaphore_mem>>) src(%dma_wait3A_1112 : memref<1024xf32, #tpu.memory_space<hbm>>) dst(%dma_wait3A_1110 : memref<1024xf32, #tpu.memory_space<vmem_shared>>)
      } else {
      }
      %convert_element_type3A_662 = arith.extui %lt3A_604 : i1 to i32
      %cond3A_663 = arith.constant 0 : i32
      %cond3A_664 = arith.cmpi ne, %convert_element_type3A_662, %cond3A_663 : i32
      scf.if %cond3A_664 {
        %add3A_1109 = arith.constant 1 : i32
        %add3A_1110 = arith.addi %add3A_606, %add3A_1109 : i32
        %mul3A_1111 = arith.constant 8 : i32
        %mul3A_1112 = arith.muli %add3A_1110, %mul3A_1111 : i32
        %add3A_1113 = arith.addi %mul3A_2, %mul3A_1112 : i32
        %dma_start3A_1114 = arith.constant 0 : i32
        %dma_start3A_1115 = arith.constant 0 : i32
        %dma_start3A_1116 = arith.constant 0 : i32
        %dma_start3A_1117 = tpu.memref_slice %arg7[%dma_start3A_1114, %dma_start3A_1115, %dma_start3A_1116] : memref<2x8x128xi32, #tpu.memory_space<vmem>> -> memref<1x8x128xi32, #tpu.memory_space<vmem>>
        %dma_start3A_1118 = tpu.memref_squeeze %dma_start3A_1117 : memref<1x8x128xi32, #tpu.memory_space<vmem>> -> memref<8x128xi32, #tpu.memory_space<vmem>>
        %dma_start3A_1119 = arith.constant 0 : i32
        %dma_start3A_1120 = tpu.memref_slice %arg3[%add3A_1113, %dma_start3A_1119] : memref<6400x128xi32, #tpu.memory_space<hbm>> -> memref<8x128xi32, #tpu.memory_space<hbm>>
        %dma_start3A_1121 = arith.constant 0 : i32
        %dma_start3A_1122 = arith.constant 0 : i32
        %dma_start3A_1123 = tpu.memref_slice %arg7[%dma_start3A_1114, %dma_start3A_1121, %dma_start3A_1122] : memref<2x8x128xi32, #tpu.memory_space<vmem>> -> memref<1x8x128xi32, #tpu.memory_space<vmem>>
        %dma_start3A_1124 = tpu.memref_squeeze %dma_start3A_1123 : memref<1x8x128xi32, #tpu.memory_space<vmem>> -> memref<8x128xi32, #tpu.memory_space<vmem>>
        %dma_start3A_1125 = arith.constant 0 : i32
        %dma_start3A_1126 = tpu.memref_slice %arg3[%add3A_1113, %dma_start3A_1125] : memref<6400x128xi32, #tpu.memory_space<hbm>> -> memref<8x128xi32, #tpu.memory_space<hbm>>
        tpu.enqueue_dma source(%dma_start3A_1126 : memref<8x128xi32, #tpu.memory_space<hbm>>) target(%dma_start3A_1124 : memref<8x128xi32, #tpu.memory_space<vmem>>) target_semaphore(%arg18 : memref<!tpu.dma_semaphore, #tpu.memory_space<semaphore_mem>>)
        %mul3A_1127 = arith.constant 8 : i32
        %mul3A_1128 = arith.muli %add3A_1110, %mul3A_1127 : i32
        %add3A_1129 = arith.addi %mul3A_2, %mul3A_1128 : i32
        %dma_start3A_1130 = arith.constant 0 : i32
        %dma_start3A_1131 = arith.constant 0 : i32
        %dma_start3A_1132 = arith.constant 0 : i32
        %dma_start3A_1133 = tpu.memref_slice %arg8[%dma_start3A_1130, %dma_start3A_1131, %dma_start3A_1132] : memref<2x8x128xi32, #tpu.memory_space<vmem>> -> memref<1x8x128xi32, #tpu.memory_space<vmem>>
        %dma_start3A_1134 = tpu.memref_squeeze %dma_start3A_1133 : memref<1x8x128xi32, #tpu.memory_space<vmem>> -> memref<8x128xi32, #tpu.memory_space<vmem>>
        %dma_start3A_1135 = arith.constant 0 : i32
        %dma_start3A_1136 = tpu.memref_slice %arg4[%add3A_1129, %dma_start3A_1135] : memref<6400x128xi32, #tpu.memory_space<hbm>> -> memref<8x128xi32, #tpu.memory_space<hbm>>
        %dma_start3A_1137 = arith.constant 0 : i32
        %dma_start3A_1138 = arith.constant 0 : i32
        %dma_start3A_1139 = tpu.memref_slice %arg8[%dma_start3A_1130, %dma_start3A_1137, %dma_start3A_1138] : memref<2x8x128xi32, #tpu.memory_space<vmem>> -> memref<1x8x128xi32, #tpu.memory_space<vmem>>
        %dma_start3A_1140 = tpu.memref_squeeze %dma_start3A_1139 : memref<1x8x128xi32, #tpu.memory_space<vmem>> -> memref<8x128xi32, #tpu.memory_space<vmem>>
        %dma_start3A_1141 = arith.constant 0 : i32
        %dma_start3A_1142 = tpu.memref_slice %arg4[%add3A_1129, %dma_start3A_1141] : memref<6400x128xi32, #tpu.memory_space<hbm>> -> memref<8x128xi32, #tpu.memory_space<hbm>>
        tpu.enqueue_dma source(%dma_start3A_1142 : memref<8x128xi32, #tpu.memory_space<hbm>>) target(%dma_start3A_1140 : memref<8x128xi32, #tpu.memory_space<vmem>>) target_semaphore(%arg18 : memref<!tpu.dma_semaphore, #tpu.memory_space<semaphore_mem>>)
      } else {
      }
      %scan3A_665 = arith.constant 0 : i32
      %scan3A_666 = arith.constant 0 : i32
      %scan3A_667 = arith.constant 8 : i32
      %scan3A_668 = arith.addi %scan3A_666, %scan3A_667 : i32
      %scan3A_669 = arith.constant 1 : i32
      scf.for %scan3A_1109 = %scan3A_666 to %scan3A_668 step %scan3A_669  : i32 {
        %mul3A_1110 = arith.constant 16 : i32
        %mul3A_1111 = arith.muli %scan3A_1109, %mul3A_1110 : i32
        %get3A = arith.constant 1 : i32
        %get3A_1112 = arith.constant 0 : i32
        %get3A_1113 = arith.index_cast %get3A : i32 to index
        %get3A_1114 = arith.index_cast %get3A_1112 : i32 to index
        %get3A_1115 = arith.index_cast %mul3A_1111 : i32 to index
        %get3A_1116 = tpu.vector_load %arg7[%get3A_1113, %get3A_1114, %get3A_1115] {strides = array<i32>} : memref<2x8x128xi32, #tpu.memory_space<vmem>>, vector<1x1x16xi32>,
        %get3A_1117 = vector.shape_cast %get3A_1116 : vector<1x1x16xi32> to vector<16xi32>
        %add3A_1118 = vector.broadcast %mul3A_4 : i32 to vector<16xi32>
        %add3A_1119 = arith.addi %get3A_1117, %add3A_1118 : vector<16xi32>
        %mul3A_1120 = arith.constant 16 : i32
        %mul3A_1121 = arith.muli %scan3A_1109, %mul3A_1120 : i32
        %swap3A = arith.constant 1 : i32
        %swap3A_1122 = arith.constant 0 : i32
        %swap3A_1123 = arith.index_cast %swap3A : i32 to index
        %swap3A_1124 = arith.index_cast %swap3A_1122 : i32 to index
        %swap3A_1125 = arith.index_cast %mul3A_1121 : i32 to index
        %swap3A_1126 = tpu.vector_load %arg7[%swap3A_1123, %swap3A_1124, %swap3A_1125] {strides = array<i32>} : memref<2x8x128xi32, #tpu.memory_space<vmem>>, vector<1x1x16xi32>,
        %swap3A_1127 = vector.shape_cast %swap3A_1126 : vector<1x1x16xi32> to vector<16xi32>
        %swap3A_1128 = vector.shape_cast %add3A_1119 : vector<16xi32> to vector<1x1x16xi32>
        tpu.vector_store %arg7[%swap3A_1123, %swap3A_1124, %swap3A_1125], %swap3A_1128 {strides = array<i32>} : memref<2x8x128xi32, #tpu.memory_space<vmem>>, vector<1x1x16xi32>,
      }
      %scan3A_670 = arith.constant 8 : i32
      %scan3A_671 = arith.constant 0 : i32
      %scan3A_672 = arith.constant 0 : i32
      %scan3A_673 = arith.constant 8 : i32
      %scan3A_674 = arith.addi %scan3A_672, %scan3A_673 : i32
      %scan3A_675 = arith.constant 1 : i32
      scf.for %scan3A_1109 = %scan3A_672 to %scan3A_674 step %scan3A_675  : i32 {
        %mul3A_1110 = arith.constant 16 : i32
        %mul3A_1111 = arith.muli %scan3A_1109, %mul3A_1110 : i32
        %get3A = arith.constant 1 : i32
        %get3A_1112 = arith.constant 1 : i32
        %get3A_1113 = arith.index_cast %get3A : i32 to index
        %get3A_1114 = arith.index_cast %get3A_1112 : i32 to index
        %get3A_1115 = arith.index_cast %mul3A_1111 : i32 to index
        %get3A_1116 = tpu.vector_load %arg7[%get3A_1113, %get3A_1114, %get3A_1115] {strides = array<i32>} : memref<2x8x128xi32, #tpu.memory_space<vmem>>, vector<1x1x16xi32>,
        %get3A_1117 = vector.shape_cast %get3A_1116 : vector<1x1x16xi32> to vector<16xi32>
        %add3A_1118 = vector.broadcast %mul3A_4 : i32 to vector<16xi32>
        %add3A_1119 = arith.addi %get3A_1117, %add3A_1118 : vector<16xi32>
        %mul3A_1120 = arith.constant 16 : i32
        %mul3A_1121 = arith.muli %scan3A_1109, %mul3A_1120 : i32
        %swap3A = arith.constant 1 : i32
        %swap3A_1122 = arith.constant 1 : i32
        %swap3A_1123 = arith.index_cast %swap3A : i32 to index
        %swap3A_1124 = arith.index_cast %swap3A_1122 : i32 to index
        %swap3A_1125 = arith.index_cast %mul3A_1121 : i32 to index
        %swap3A_1126 = tpu.vector_load %arg7[%swap3A_1123, %swap3A_1124, %swap3A_1125] {strides = array<i32>} : memref<2x8x128xi32, #tpu.memory_space<vmem>>, vector<1x1x16xi32>,
        %swap3A_1127 = vector.shape_cast %swap3A_1126 : vector<1x1x16xi32> to vector<16xi32>
        %swap3A_1128 = vector.shape_cast %add3A_1119 : vector<16xi32> to vector<1x1x16xi32>
        tpu.vector_store %arg7[%swap3A_1123, %swap3A_1124, %swap3A_1125], %swap3A_1128 {strides = array<i32>} : memref<2x8x128xi32, #tpu.memory_space<vmem>>, vector<1x1x16xi32>,
      }
      %scan3A_676 = arith.constant 8 : i32
      %scan3A_677 = arith.constant 0 : i32
      %scan3A_678 = arith.constant 0 : i32
      %scan3A_679 = arith.constant 8 : i32
      %scan3A_680 = arith.addi %scan3A_678, %scan3A_679 : i32
      %scan3A_681 = arith.constant 1 : i32
      scf.for %scan3A_1109 = %scan3A_678 to %scan3A_680 step %scan3A_681  : i32 {
        %mul3A_1110 = arith.constant 16 : i32
        %mul3A_1111 = arith.muli %scan3A_1109, %mul3A_1110 : i32
        %get3A = arith.constant 1 : i32
        %get3A_1112 = arith.constant 2 : i32
        %get3A_1113 = arith.index_cast %get3A : i32 to index
        %get3A_1114 = arith.index_cast %get3A_1112 : i32 to index
        %get3A_1115 = arith.index_cast %mul3A_1111 : i32 to index
        %get3A_1116 = tpu.vector_load %arg7[%get3A_1113, %get3A_1114, %get3A_1115] {strides = array<i32>} : memref<2x8x128xi32, #tpu.memory_space<vmem>>, vector<1x1x16xi32>,
        %get3A_1117 = vector.shape_cast %get3A_1116 : vector<1x1x16xi32> to vector<16xi32>
        %add3A_1118 = vector.broadcast %mul3A_4 : i32 to vector<16xi32>
        %add3A_1119 = arith.addi %get3A_1117, %add3A_1118 : vector<16xi32>
        %mul3A_1120 = arith.constant 16 : i32
        %mul3A_1121 = arith.muli %scan3A_1109, %mul3A_1120 : i32
        %swap3A = arith.constant 1 : i32
        %swap3A_1122 = arith.constant 2 : i32
        %swap3A_1123 = arith.index_cast %swap3A : i32 to index
        %swap3A_1124 = arith.index_cast %swap3A_1122 : i32 to index
        %swap3A_1125 = arith.index_cast %mul3A_1121 : i32 to index
        %swap3A_1126 = tpu.vector_load %arg7[%swap3A_1123, %swap3A_1124, %swap3A_1125] {strides = array<i32>} : memref<2x8x128xi32, #tpu.memory_space<vmem>>, vector<1x1x16xi32>,
        %swap3A_1127 = vector.shape_cast %swap3A_1126 : vector<1x1x16xi32> to vector<16xi32>
        %swap3A_1128 = vector.shape_cast %add3A_1119 : vector<16xi32> to vector<1x1x16xi32>
        tpu.vector_store %arg7[%swap3A_1123, %swap3A_1124, %swap3A_1125], %swap3A_1128 {strides = array<i32>} : memref<2x8x128xi32, #tpu.memory_space<vmem>>, vector<1x1x16xi32>,
      }
      %scan3A_682 = arith.constant 8 : i32
      %scan3A_683 = arith.constant 0 : i32
      %scan3A_684 = arith.constant 0 : i32
      %scan3A_685 = arith.constant 8 : i32
      %scan3A_686 = arith.addi %scan3A_684, %scan3A_685 : i32
      %scan3A_687 = arith.constant 1 : i32
      scf.for %scan3A_1109 = %scan3A_684 to %scan3A_686 step %scan3A_687  : i32 {
        %mul3A_1110 = arith.constant 16 : i32
        %mul3A_1111 = arith.muli %scan3A_1109, %mul3A_1110 : i32
        %get3A = arith.constant 1 : i32
        %get3A_1112 = arith.constant 3 : i32
        %get3A_1113 = arith.index_cast %get3A : i32 to index
        %get3A_1114 = arith.index_cast %get3A_1112 : i32 to index
        %get3A_1115 = arith.index_cast %mul3A_1111 : i32 to index
        %get3A_1116 = tpu.vector_load %arg7[%get3A_1113, %get3A_1114, %get3A_1115] {strides = array<i32>} : memref<2x8x128xi32, #tpu.memory_space<vmem>>, vector<1x1x16xi32>,
        %get3A_1117 = vector.shape_cast %get3A_1116 : vector<1x1x16xi32> to vector<16xi32>
        %add3A_1118 = vector.broadcast %mul3A_4 : i32 to vector<16xi32>
        %add3A_1119 = arith.addi %get3A_1117, %add3A_1118 : vector<16xi32>
        %mul3A_1120 = arith.constant 16 : i32
        %mul3A_1121 = arith.muli %scan3A_1109, %mul3A_1120 : i32
        %swap3A = arith.constant 1 : i32
        %swap3A_1122 = arith.constant 3 : i32
        %swap3A_1123 = arith.index_cast %swap3A : i32 to index
        %swap3A_1124 = arith.index_cast %swap3A_1122 : i32 to index
        %swap3A_1125 = arith.index_cast %mul3A_1121 : i32 to index
        %swap3A_1126 = tpu.vector_load %arg7[%swap3A_1123, %swap3A_1124, %swap3A_1125] {strides = array<i32>} : memref<2x8x128xi32, #tpu.memory_space<vmem>>, vector<1x1x16xi32>,
        %swap3A_1127 = vector.shape_cast %swap3A_1126 : vector<1x1x16xi32> to vector<16xi32>
        %swap3A_1128 = vector.shape_cast %add3A_1119 : vector<16xi32> to vector<1x1x16xi32>
        tpu.vector_store %arg7[%swap3A_1123, %swap3A_1124, %swap3A_1125], %swap3A_1128 {strides = array<i32>} : memref<2x8x128xi32, #tpu.memory_space<vmem>>, vector<1x1x16xi32>,
      }
      %scan3A_688 = arith.constant 8 : i32
      %scan3A_689 = arith.constant 0 : i32
      %scan3A_690 = arith.constant 0 : i32
      %scan3A_691 = arith.constant 8 : i32
      %scan3A_692 = arith.addi %scan3A_690, %scan3A_691 : i32
      %scan3A_693 = arith.constant 1 : i32
      scf.for %scan3A_1109 = %scan3A_690 to %scan3A_692 step %scan3A_693  : i32 {
        %mul3A_1110 = arith.constant 16 : i32
        %mul3A_1111 = arith.muli %scan3A_1109, %mul3A_1110 : i32
        %get3A = arith.constant 1 : i32
        %get3A_1112 = arith.constant 4 : i32
        %get3A_1113 = arith.index_cast %get3A : i32 to index
        %get3A_1114 = arith.index_cast %get3A_1112 : i32 to index
        %get3A_1115 = arith.index_cast %mul3A_1111 : i32 to index
        %get3A_1116 = tpu.vector_load %arg7[%get3A_1113, %get3A_1114, %get3A_1115] {strides = array<i32>} : memref<2x8x128xi32, #tpu.memory_space<vmem>>, vector<1x1x16xi32>,
        %get3A_1117 = vector.shape_cast %get3A_1116 : vector<1x1x16xi32> to vector<16xi32>
        %add3A_1118 = vector.broadcast %mul3A_4 : i32 to vector<16xi32>
        %add3A_1119 = arith.addi %get3A_1117, %add3A_1118 : vector<16xi32>
        %mul3A_1120 = arith.constant 16 : i32
        %mul3A_1121 = arith.muli %scan3A_1109, %mul3A_1120 : i32
        %swap3A = arith.constant 1 : i32
        %swap3A_1122 = arith.constant 4 : i32
        %swap3A_1123 = arith.index_cast %swap3A : i32 to index
        %swap3A_1124 = arith.index_cast %swap3A_1122 : i32 to index
        %swap3A_1125 = arith.index_cast %mul3A_1121 : i32 to index
        %swap3A_1126 = tpu.vector_load %arg7[%swap3A_1123, %swap3A_1124, %swap3A_1125] {strides = array<i32>} : memref<2x8x128xi32, #tpu.memory_space<vmem>>, vector<1x1x16xi32>,
        %swap3A_1127 = vector.shape_cast %swap3A_1126 : vector<1x1x16xi32> to vector<16xi32>
        %swap3A_1128 = vector.shape_cast %add3A_1119 : vector<16xi32> to vector<1x1x16xi32>
        tpu.vector_store %arg7[%swap3A_1123, %swap3A_1124, %swap3A_1125], %swap3A_1128 {strides = array<i32>} : memref<2x8x128xi32, #tpu.memory_space<vmem>>, vector<1x1x16xi32>,
      }
      %scan3A_694 = arith.constant 8 : i32
      %scan3A_695 = arith.constant 0 : i32
      %scan3A_696 = arith.constant 0 : i32
      %scan3A_697 = arith.constant 8 : i32
      %scan3A_698 = arith.addi %scan3A_696, %scan3A_697 : i32
      %scan3A_699 = arith.constant 1 : i32
      scf.for %scan3A_1109 = %scan3A_696 to %scan3A_698 step %scan3A_699  : i32 {
        %mul3A_1110 = arith.constant 16 : i32
        %mul3A_1111 = arith.muli %scan3A_1109, %mul3A_1110 : i32
        %get3A = arith.constant 1 : i32
        %get3A_1112 = arith.constant 5 : i32
        %get3A_1113 = arith.index_cast %get3A : i32 to index
        %get3A_1114 = arith.index_cast %get3A_1112 : i32 to index
        %get3A_1115 = arith.index_cast %mul3A_1111 : i32 to index
        %get3A_1116 = tpu.vector_load %arg7[%get3A_1113, %get3A_1114, %get3A_1115] {strides = array<i32>} : memref<2x8x128xi32, #tpu.memory_space<vmem>>, vector<1x1x16xi32>,
        %get3A_1117 = vector.shape_cast %get3A_1116 : vector<1x1x16xi32> to vector<16xi32>
        %add3A_1118 = vector.broadcast %mul3A_4 : i32 to vector<16xi32>
        %add3A_1119 = arith.addi %get3A_1117, %add3A_1118 : vector<16xi32>
        %mul3A_1120 = arith.constant 16 : i32
        %mul3A_1121 = arith.muli %scan3A_1109, %mul3A_1120 : i32
        %swap3A = arith.constant 1 : i32
        %swap3A_1122 = arith.constant 5 : i32
        %swap3A_1123 = arith.index_cast %swap3A : i32 to index
        %swap3A_1124 = arith.index_cast %swap3A_1122 : i32 to index
        %swap3A_1125 = arith.index_cast %mul3A_1121 : i32 to index
        %swap3A_1126 = tpu.vector_load %arg7[%swap3A_1123, %swap3A_1124, %swap3A_1125] {strides = array<i32>} : memref<2x8x128xi32, #tpu.memory_space<vmem>>, vector<1x1x16xi32>,
        %swap3A_1127 = vector.shape_cast %swap3A_1126 : vector<1x1x16xi32> to vector<16xi32>
        %swap3A_1128 = vector.shape_cast %add3A_1119 : vector<16xi32> to vector<1x1x16xi32>
        tpu.vector_store %arg7[%swap3A_1123, %swap3A_1124, %swap3A_1125], %swap3A_1128 {strides = array<i32>} : memref<2x8x128xi32, #tpu.memory_space<vmem>>, vector<1x1x16xi32>,
      }
      %scan3A_700 = arith.constant 8 : i32
      %scan3A_701 = arith.constant 0 : i32
      %scan3A_702 = arith.constant 0 : i32
      %scan3A_703 = arith.constant 8 : i32
      %scan3A_704 = arith.addi %scan3A_702, %scan3A_703 : i32
      %scan3A_705 = arith.constant 1 : i32
      scf.for %scan3A_1109 = %scan3A_702 to %scan3A_704 step %scan3A_705  : i32 {
        %mul3A_1110 = arith.constant 16 : i32
        %mul3A_1111 = arith.muli %scan3A_1109, %mul3A_1110 : i32
        %get3A = arith.constant 1 : i32
        %get3A_1112 = arith.constant 6 : i32
        %get3A_1113 = arith.index_cast %get3A : i32 to index
        %get3A_1114 = arith.index_cast %get3A_1112 : i32 to index
        %get3A_1115 = arith.index_cast %mul3A_1111 : i32 to index
        %get3A_1116 = tpu.vector_load %arg7[%get3A_1113, %get3A_1114, %get3A_1115] {strides = array<i32>} : memref<2x8x128xi32, #tpu.memory_space<vmem>>, vector<1x1x16xi32>,
        %get3A_1117 = vector.shape_cast %get3A_1116 : vector<1x1x16xi32> to vector<16xi32>
        %add3A_1118 = vector.broadcast %mul3A_4 : i32 to vector<16xi32>
        %add3A_1119 = arith.addi %get3A_1117, %add3A_1118 : vector<16xi32>
        %mul3A_1120 = arith.constant 16 : i32
        %mul3A_1121 = arith.muli %scan3A_1109, %mul3A_1120 : i32
        %swap3A = arith.constant 1 : i32
        %swap3A_1122 = arith.constant 6 : i32
        %swap3A_1123 = arith.index_cast %swap3A : i32 to index
        %swap3A_1124 = arith.index_cast %swap3A_1122 : i32 to index
        %swap3A_1125 = arith.index_cast %mul3A_1121 : i32 to index
        %swap3A_1126 = tpu.vector_load %arg7[%swap3A_1123, %swap3A_1124, %swap3A_1125] {strides = array<i32>} : memref<2x8x128xi32, #tpu.memory_space<vmem>>, vector<1x1x16xi32>,
        %swap3A_1127 = vector.shape_cast %swap3A_1126 : vector<1x1x16xi32> to vector<16xi32>
        %swap3A_1128 = vector.shape_cast %add3A_1119 : vector<16xi32> to vector<1x1x16xi32>
        tpu.vector_store %arg7[%swap3A_1123, %swap3A_1124, %swap3A_1125], %swap3A_1128 {strides = array<i32>} : memref<2x8x128xi32, #tpu.memory_space<vmem>>, vector<1x1x16xi32>,
      }
      %scan3A_706 = arith.constant 8 : i32
      %scan3A_707 = arith.constant 0 : i32
      %scan3A_708 = arith.constant 0 : i32
      %scan3A_709 = arith.constant 8 : i32
      %scan3A_710 = arith.addi %scan3A_708, %scan3A_709 : i32
      %scan3A_711 = arith.constant 1 : i32
      scf.for %scan3A_1109 = %scan3A_708 to %scan3A_710 step %scan3A_711  : i32 {
        %mul3A_1110 = arith.constant 16 : i32
        %mul3A_1111 = arith.muli %scan3A_1109, %mul3A_1110 : i32
        %get3A = arith.constant 1 : i32
        %get3A_1112 = arith.constant 7 : i32
        %get3A_1113 = arith.index_cast %get3A : i32 to index
        %get3A_1114 = arith.index_cast %get3A_1112 : i32 to index
        %get3A_1115 = arith.index_cast %mul3A_1111 : i32 to index
        %get3A_1116 = tpu.vector_load %arg7[%get3A_1113, %get3A_1114, %get3A_1115] {strides = array<i32>} : memref<2x8x128xi32, #tpu.memory_space<vmem>>, vector<1x1x16xi32>,
        %get3A_1117 = vector.shape_cast %get3A_1116 : vector<1x1x16xi32> to vector<16xi32>
        %add3A_1118 = vector.broadcast %mul3A_4 : i32 to vector<16xi32>
        %add3A_1119 = arith.addi %get3A_1117, %add3A_1118 : vector<16xi32>
        %mul3A_1120 = arith.constant 16 : i32
        %mul3A_1121 = arith.muli %scan3A_1109, %mul3A_1120 : i32
        %swap3A = arith.constant 1 : i32
        %swap3A_1122 = arith.constant 7 : i32
        %swap3A_1123 = arith.index_cast %swap3A : i32 to index
        %swap3A_1124 = arith.index_cast %swap3A_1122 : i32 to index
        %swap3A_1125 = arith.index_cast %mul3A_1121 : i32 to index
        %swap3A_1126 = tpu.vector_load %arg7[%swap3A_1123, %swap3A_1124, %swap3A_1125] {strides = array<i32>} : memref<2x8x128xi32, #tpu.memory_space<vmem>>, vector<1x1x16xi32>,
        %swap3A_1127 = vector.shape_cast %swap3A_1126 : vector<1x1x16xi32> to vector<16xi32>
        %swap3A_1128 = vector.shape_cast %add3A_1119 : vector<16xi32> to vector<1x1x16xi32>
        tpu.vector_store %arg7[%swap3A_1123, %swap3A_1124, %swap3A_1125], %swap3A_1128 {strides = array<i32>} : memref<2x8x128xi32, #tpu.memory_space<vmem>>, vector<1x1x16xi32>,
      }
      %scan3A_712 = arith.constant 8 : i32
      %dma_start3A_713 = arith.constant 1 : i32
      %dma_start3A_714 = arith.constant 0 : i32
      %dma_start3A_715 = arith.constant 0 : i32
      %dma_start3A_716 = arith.constant 0 : i32
      %dma_start3A_717 = arith.constant 0 : i32
      %dma_start3A_718 = arith.constant 0 : i32
      %dma_start3A_719 = tpu.memref_slice %arg9[%dma_start3A_715, %dma_start3A_716, %dma_start3A_717, %dma_start3A_718] : memref<2x2x128x32xf32, #tpu.memory_space<vmem>> -> memref<1x1x128x32xf32, #tpu.memory_space<vmem>>
      %dma_start3A_720 = tpu.memref_squeeze %dma_start3A_719 : memref<1x1x128x32xf32, #tpu.memory_space<vmem>> -> memref<128x32xf32, #tpu.memory_space<vmem>>
      %dma_start3A_721 = arith.constant 0 : i32
      %dma_start3A_722 = tpu.memref_slice %arg7[%dma_start3A_713, %dma_start3A_714, %dma_start3A_721] : memref<2x8x128xi32, #tpu.memory_space<vmem>> -> memref<1x1x128xi32, #tpu.memory_space<vmem>>
      %dma_start3A_723 = tpu.memref_squeeze %dma_start3A_722 : memref<1x1x128xi32, #tpu.memory_space<vmem>> -> memref<128xi32, #tpu.memory_space<vmem>>
      %dma_start3A_724 = arith.constant 0 : i32
      %dma_start3A_725 = arith.constant 0 : i32
      %dma_start3A_726 = tpu.memref_slice %arg2[%dma_start3A_724, %dma_start3A_725] : memref<100352x32xf32, #tpu.memory_space<hbm>> -> memref<100352x32xf32, #tpu.memory_space<hbm>>
      tpu.enqueue_indirect_dma source(%dma_start3A_726 : memref<100352x32xf32, #tpu.memory_space<hbm>>) target(%dma_start3A_720 : memref<128x32xf32, #tpu.memory_space<vmem>>) offsets(%dma_start3A_723 : memref<128xi32, #tpu.memory_space<vmem>>) semaphore(%arg15 : memref<!tpu.dma_semaphore, #tpu.memory_space<semaphore_mem>>)
      %dma_start3A_727 = arith.constant 1 : i32
      %dma_start3A_728 = arith.constant 1 : i32
      %dma_start3A_729 = arith.constant 0 : i32
      %dma_start3A_730 = arith.constant 1 : i32
      %dma_start3A_731 = arith.constant 0 : i32
      %dma_start3A_732 = arith.constant 0 : i32
      %dma_start3A_733 = tpu.memref_slice %arg9[%dma_start3A_729, %dma_start3A_730, %dma_start3A_731, %dma_start3A_732] : memref<2x2x128x32xf32, #tpu.memory_space<vmem>> -> memref<1x1x128x32xf32, #tpu.memory_space<vmem>>
      %dma_start3A_734 = tpu.memref_squeeze %dma_start3A_733 : memref<1x1x128x32xf32, #tpu.memory_space<vmem>> -> memref<128x32xf32, #tpu.memory_space<vmem>>
      %dma_start3A_735 = arith.constant 0 : i32
      %dma_start3A_736 = tpu.memref_slice %arg7[%dma_start3A_727, %dma_start3A_728, %dma_start3A_735] : memref<2x8x128xi32, #tpu.memory_space<vmem>> -> memref<1x1x128xi32, #tpu.memory_space<vmem>>
      %dma_start3A_737 = tpu.memref_squeeze %dma_start3A_736 : memref<1x1x128xi32, #tpu.memory_space<vmem>> -> memref<128xi32, #tpu.memory_space<vmem>>
      %dma_start3A_738 = arith.constant 0 : i32
      %dma_start3A_739 = arith.constant 0 : i32
      %dma_start3A_740 = tpu.memref_slice %arg2[%dma_start3A_738, %dma_start3A_739] : memref<100352x32xf32, #tpu.memory_space<hbm>> -> memref<100352x32xf32, #tpu.memory_space<hbm>>
      tpu.enqueue_indirect_dma source(%dma_start3A_740 : memref<100352x32xf32, #tpu.memory_space<hbm>>) target(%dma_start3A_734 : memref<128x32xf32, #tpu.memory_space<vmem>>) offsets(%dma_start3A_737 : memref<128xi32, #tpu.memory_space<vmem>>) semaphore(%arg15 : memref<!tpu.dma_semaphore, #tpu.memory_space<semaphore_mem>>)
      %dma_start3A_741 = arith.constant 1 : i32
      %dma_start3A_742 = arith.constant 2 : i32
      %dma_start3A_743 = arith.constant 1 : i32
      %dma_start3A_744 = arith.constant 0 : i32
      %dma_start3A_745 = arith.constant 0 : i32
      %dma_start3A_746 = arith.constant 0 : i32
      %dma_start3A_747 = tpu.memref_slice %arg9[%dma_start3A_743, %dma_start3A_744, %dma_start3A_745, %dma_start3A_746] : memref<2x2x128x32xf32, #tpu.memory_space<vmem>> -> memref<1x1x128x32xf32, #tpu.memory_space<vmem>>
      %dma_start3A_748 = tpu.memref_squeeze %dma_start3A_747 : memref<1x1x128x32xf32, #tpu.memory_space<vmem>> -> memref<128x32xf32, #tpu.memory_space<vmem>>
      %dma_start3A_749 = arith.constant 0 : i32
      %dma_start3A_750 = tpu.memref_slice %arg7[%dma_start3A_741, %dma_start3A_742, %dma_start3A_749] : memref<2x8x128xi32, #tpu.memory_space<vmem>> -> memref<1x1x128xi32, #tpu.memory_space<vmem>>
      %dma_start3A_751 = tpu.memref_squeeze %dma_start3A_750 : memref<1x1x128xi32, #tpu.memory_space<vmem>> -> memref<128xi32, #tpu.memory_space<vmem>>
      %dma_start3A_752 = arith.constant 0 : i32
      %dma_start3A_753 = arith.constant 0 : i32
      %dma_start3A_754 = tpu.memref_slice %arg2[%dma_start3A_752, %dma_start3A_753] : memref<100352x32xf32, #tpu.memory_space<hbm>> -> memref<100352x32xf32, #tpu.memory_space<hbm>>
      tpu.enqueue_indirect_dma source(%dma_start3A_754 : memref<100352x32xf32, #tpu.memory_space<hbm>>) target(%dma_start3A_748 : memref<128x32xf32, #tpu.memory_space<vmem>>) offsets(%dma_start3A_751 : memref<128xi32, #tpu.memory_space<vmem>>) semaphore(%arg15 : memref<!tpu.dma_semaphore, #tpu.memory_space<semaphore_mem>>)
      %dma_start3A_755 = arith.constant 1 : i32
      %dma_start3A_756 = arith.constant 3 : i32
      %dma_start3A_757 = arith.constant 1 : i32
      %dma_start3A_758 = arith.constant 1 : i32
      %dma_start3A_759 = arith.constant 0 : i32
      %dma_start3A_760 = arith.constant 0 : i32
      %dma_start3A_761 = tpu.memref_slice %arg9[%dma_start3A_757, %dma_start3A_758, %dma_start3A_759, %dma_start3A_760] : memref<2x2x128x32xf32, #tpu.memory_space<vmem>> -> memref<1x1x128x32xf32, #tpu.memory_space<vmem>>
      %dma_start3A_762 = tpu.memref_squeeze %dma_start3A_761 : memref<1x1x128x32xf32, #tpu.memory_space<vmem>> -> memref<128x32xf32, #tpu.memory_space<vmem>>
      %dma_start3A_763 = arith.constant 0 : i32
      %dma_start3A_764 = tpu.memref_slice %arg7[%dma_start3A_755, %dma_start3A_756, %dma_start3A_763] : memref<2x8x128xi32, #tpu.memory_space<vmem>> -> memref<1x1x128xi32, #tpu.memory_space<vmem>>
      %dma_start3A_765 = tpu.memref_squeeze %dma_start3A_764 : memref<1x1x128xi32, #tpu.memory_space<vmem>> -> memref<128xi32, #tpu.memory_space<vmem>>
      %dma_start3A_766 = arith.constant 0 : i32
      %dma_start3A_767 = arith.constant 0 : i32
      %dma_start3A_768 = tpu.memref_slice %arg2[%dma_start3A_766, %dma_start3A_767] : memref<100352x32xf32, #tpu.memory_space<hbm>> -> memref<100352x32xf32, #tpu.memory_space<hbm>>
      tpu.enqueue_indirect_dma source(%dma_start3A_768 : memref<100352x32xf32, #tpu.memory_space<hbm>>) target(%dma_start3A_762 : memref<128x32xf32, #tpu.memory_space<vmem>>) offsets(%dma_start3A_765 : memref<128xi32, #tpu.memory_space<vmem>>) semaphore(%arg15 : memref<!tpu.dma_semaphore, #tpu.memory_space<semaphore_mem>>)
      %dma_wait3A_769 = arith.constant 0 : i32
      %dma_wait3A_770 = arith.constant 0 : i32
      %dma_wait3A_771 = arith.constant 0 : i32
      %dma_wait3A_772 = arith.constant 0 : i32
      %dma_wait3A_773 = tpu.memref_slice %arg9[%dma_wait3A_769, %dma_wait3A_770, %dma_wait3A_771, %dma_wait3A_772] : memref<2x2x128x32xf32, #tpu.memory_space<vmem>> -> memref<1x1x128x32xf32, #tpu.memory_space<vmem>>
      %dma_wait3A_774 = tpu.memref_squeeze %dma_wait3A_773 : memref<1x1x128x32xf32, #tpu.memory_space<vmem>> -> memref<128x32xf32, #tpu.memory_space<vmem>>
      %dma_wait3A_775 = arith.constant 0 : i32
      %dma_wait3A_776 = arith.constant 0 : i32
      %dma_wait3A_777 = tpu.memref_slice %arg2[%dma_wait3A_775, %dma_wait3A_776] : memref<100352x32xf32, #tpu.memory_space<hbm>> -> memref<128x32xf32, #tpu.memory_space<hbm>>
      %dma_wait3A_778 = arith.constant 0 : i32
      %dma_wait3A_779 = arith.constant 0 : i32
      %dma_wait3A_780 = tpu.memref_slice %arg9[%dma_wait3A_769, %dma_wait3A_770, %dma_wait3A_778, %dma_wait3A_779] : memref<2x2x128x32xf32, #tpu.memory_space<vmem>> -> memref<1x1x128x32xf32, #tpu.memory_space<vmem>>
      %dma_wait3A_781 = tpu.memref_squeeze %dma_wait3A_780 : memref<1x1x128x32xf32, #tpu.memory_space<vmem>> -> memref<128x32xf32, #tpu.memory_space<vmem>>
      %dma_wait3A_782 = arith.constant 0 : i32
      %dma_wait3A_783 = arith.constant 0 : i32
      %dma_wait3A_784 = tpu.memref_slice %arg2[%dma_wait3A_782, %dma_wait3A_783] : memref<100352x32xf32, #tpu.memory_space<hbm>> -> memref<128x32xf32, #tpu.memory_space<hbm>>
      tpu.wait_dma2 semaphore(%arg15 : memref<!tpu.dma_semaphore, #tpu.memory_space<semaphore_mem>>) src(%dma_wait3A_784 : memref<128x32xf32, #tpu.memory_space<hbm>>) dst(%dma_wait3A_781 : memref<128x32xf32, #tpu.memory_space<vmem>>)
      %dma_wait3A_785 = arith.constant 0 : i32
      %dma_wait3A_786 = arith.constant 1 : i32
      %dma_wait3A_787 = arith.constant 0 : i32
      %dma_wait3A_788 = arith.constant 0 : i32
      %dma_wait3A_789 = tpu.memref_slice %arg9[%dma_wait3A_785, %dma_wait3A_786, %dma_wait3A_787, %dma_wait3A_788] : memref<2x2x128x32xf32, #tpu.memory_space<vmem>> -> memref<1x1x128x32xf32, #tpu.memory_space<vmem>>
      %dma_wait3A_790 = tpu.memref_squeeze %dma_wait3A_789 : memref<1x1x128x32xf32, #tpu.memory_space<vmem>> -> memref<128x32xf32, #tpu.memory_space<vmem>>
      %dma_wait3A_791 = arith.constant 0 : i32
      %dma_wait3A_792 = arith.constant 0 : i32
      %dma_wait3A_793 = tpu.memref_slice %arg2[%dma_wait3A_791, %dma_wait3A_792] : memref<100352x32xf32, #tpu.memory_space<hbm>> -> memref<128x32xf32, #tpu.memory_space<hbm>>
      %dma_wait3A_794 = arith.constant 0 : i32
      %dma_wait3A_795 = arith.constant 0 : i32
      %dma_wait3A_796 = tpu.memref_slice %arg9[%dma_wait3A_785, %dma_wait3A_786, %dma_wait3A_794, %dma_wait3A_795] : memref<2x2x128x32xf32, #tpu.memory_space<vmem>> -> memref<1x1x128x32xf32, #tpu.memory_space<vmem>>
      %dma_wait3A_797 = tpu.memref_squeeze %dma_wait3A_796 : memref<1x1x128x32xf32, #tpu.memory_space<vmem>> -> memref<128x32xf32, #tpu.memory_space<vmem>>
      %dma_wait3A_798 = arith.constant 0 : i32
      %dma_wait3A_799 = arith.constant 0 : i32
      %dma_wait3A_800 = tpu.memref_slice %arg2[%dma_wait3A_798, %dma_wait3A_799] : memref<100352x32xf32, #tpu.memory_space<hbm>> -> memref<128x32xf32, #tpu.memory_space<hbm>>
      tpu.wait_dma2 semaphore(%arg15 : memref<!tpu.dma_semaphore, #tpu.memory_space<semaphore_mem>>) src(%dma_wait3A_800 : memref<128x32xf32, #tpu.memory_space<hbm>>) dst(%dma_wait3A_797 : memref<128x32xf32, #tpu.memory_space<vmem>>)
      %dma_start3A_801 = arith.constant 0 : i32
      %dma_start3A_802 = arith.constant 0 : i32
      %dma_start3A_803 = arith.constant 1 : i32
      %dma_start3A_804 = arith.constant 0 : i32
      %dma_start3A_805 = arith.constant 0 : i32
      %dma_start3A_806 = arith.constant 0 : i32
      %dma_start3A_807 = tpu.memref_slice %arg9[%dma_start3A_801, %dma_start3A_802, %dma_start3A_805, %dma_start3A_806] : memref<2x2x128x32xf32, #tpu.memory_space<vmem>> -> memref<1x1x128x32xf32, #tpu.memory_space<vmem>>
      %dma_start3A_808 = tpu.memref_squeeze %dma_start3A_807 : memref<1x1x128x32xf32, #tpu.memory_space<vmem>> -> memref<128x32xf32, #tpu.memory_space<vmem>>
      %dma_start3A_809 = arith.constant 0 : i32
      %dma_start3A_810 = tpu.memref_slice %arg8[%dma_start3A_803, %dma_start3A_804, %dma_start3A_809] : memref<2x8x128xi32, #tpu.memory_space<vmem>> -> memref<1x1x128xi32, #tpu.memory_space<vmem>>
      %dma_start3A_811 = tpu.memref_squeeze %dma_start3A_810 : memref<1x1x128xi32, #tpu.memory_space<vmem>> -> memref<128xi32, #tpu.memory_space<vmem>>
      %dma_start3A_812 = arith.constant 0 : i32
      %dma_start3A_813 = arith.constant 0 : i32
      %dma_start3A_814 = tpu.memref_slice %arg13[%dma_start3A_812, %dma_start3A_813] : memref<50176x32xf32, #tpu.memory_space<vmem_shared>> -> memref<50176x32xf32, #tpu.memory_space<vmem_shared>>
      tpu.enqueue_indirect_dma source(%dma_start3A_808 : memref<128x32xf32, #tpu.memory_space<vmem>>) target(%dma_start3A_814 : memref<50176x32xf32, #tpu.memory_space<vmem_shared>>) offsets(%dma_start3A_811 : memref<128xi32, #tpu.memory_space<vmem>>) semaphore(%arg16 : memref<!tpu.dma_semaphore, #tpu.memory_space<semaphore_mem>>) {add = true}
      %dma_start3A_815 = arith.constant 0 : i32
      %dma_start3A_816 = arith.constant 1 : i32
      %dma_start3A_817 = arith.constant 1 : i32
      %dma_start3A_818 = arith.constant 1 : i32
      %dma_start3A_819 = arith.constant 0 : i32
      %dma_start3A_820 = arith.constant 0 : i32
      %dma_start3A_821 = tpu.memref_slice %arg9[%dma_start3A_815, %dma_start3A_816, %dma_start3A_819, %dma_start3A_820] : memref<2x2x128x32xf32, #tpu.memory_space<vmem>> -> memref<1x1x128x32xf32, #tpu.memory_space<vmem>>
      %dma_start3A_822 = tpu.memref_squeeze %dma_start3A_821 : memref<1x1x128x32xf32, #tpu.memory_space<vmem>> -> memref<128x32xf32, #tpu.memory_space<vmem>>
      %dma_start3A_823 = arith.constant 0 : i32
      %dma_start3A_824 = tpu.memref_slice %arg8[%dma_start3A_817, %dma_start3A_818, %dma_start3A_823] : memref<2x8x128xi32, #tpu.memory_space<vmem>> -> memref<1x1x128xi32, #tpu.memory_space<vmem>>
      %dma_start3A_825 = tpu.memref_squeeze %dma_start3A_824 : memref<1x1x128xi32, #tpu.memory_space<vmem>> -> memref<128xi32, #tpu.memory_space<vmem>>
      %dma_start3A_826 = arith.constant 0 : i32
      %dma_start3A_827 = arith.constant 0 : i32
      %dma_start3A_828 = tpu.memref_slice %arg13[%dma_start3A_826, %dma_start3A_827] : memref<50176x32xf32, #tpu.memory_space<vmem_shared>> -> memref<50176x32xf32, #tpu.memory_space<vmem_shared>>
      tpu.enqueue_indirect_dma source(%dma_start3A_822 : memref<128x32xf32, #tpu.memory_space<vmem>>) target(%dma_start3A_828 : memref<50176x32xf32, #tpu.memory_space<vmem_shared>>) offsets(%dma_start3A_825 : memref<128xi32, #tpu.memory_space<vmem>>) semaphore(%arg16 : memref<!tpu.dma_semaphore, #tpu.memory_space<semaphore_mem>>) {add = true}
      %eq3A_829 = arith.constant 0 : i32
      %eq3A_830 = arith.cmpi eq, %arg0, %eq3A_829 : i32
      %convert_element_type3A_831 = arith.extui %eq3A_830 : i1 to i32
      %cond3A_832 = arith.constant 0 : i32
      %cond3A_833 = arith.cmpi ne, %convert_element_type3A_831, %cond3A_832 : i32
      scf.if %cond3A_833 {
        %dma_start3A_1109 = arith.constant 1 : i32
        %dma_start3A_1110 = arith.constant 0 : i32
        %dma_start3A_1111 = arith.constant 0 : i32
        %dma_start3A_1112 = tpu.memref_slice %arg8[%dma_start3A_1109, %dma_start3A_1110, %dma_start3A_1111] : memref<2x8x128xi32, #tpu.memory_space<vmem>> -> memref<1x1x128xi32, #tpu.memory_space<vmem>>
        %dma_start3A_1113 = tpu.memref_squeeze %dma_start3A_1112 : memref<1x1x128xi32, #tpu.memory_space<vmem>> -> memref<128xi32, #tpu.memory_space<vmem>>
        %dma_start3A_1114 = arith.constant 0 : i32
        %dma_start3A_1115 = tpu.memref_slice %arg14[%dma_start3A_1114] : memref<50176xf32, #tpu.memory_space<vmem_shared>> -> memref<50176xf32, #tpu.memory_space<vmem_shared>>
        tpu.enqueue_indirect_dma source(%arg12 : memref<128xf32, #tpu.memory_space<vmem>>) target(%dma_start3A_1115 : memref<50176xf32, #tpu.memory_space<vmem_shared>>) offsets(%dma_start3A_1113 : memref<128xi32, #tpu.memory_space<vmem>>) semaphore(%arg17 : memref<!tpu.dma_semaphore, #tpu.memory_space<semaphore_mem>>) {add = true}
        %dma_start3A_1116 = arith.constant 1 : i32
        %dma_start3A_1117 = arith.constant 1 : i32
        %dma_start3A_1118 = arith.constant 0 : i32
        %dma_start3A_1119 = tpu.memref_slice %arg8[%dma_start3A_1116, %dma_start3A_1117, %dma_start3A_1118] : memref<2x8x128xi32, #tpu.memory_space<vmem>> -> memref<1x1x128xi32, #tpu.memory_space<vmem>>
        %dma_start3A_1120 = tpu.memref_squeeze %dma_start3A_1119 : memref<1x1x128xi32, #tpu.memory_space<vmem>> -> memref<128xi32, #tpu.memory_space<vmem>>
        %dma_start3A_1121 = arith.constant 0 : i32
        %dma_start3A_1122 = tpu.memref_slice %arg14[%dma_start3A_1121] : memref<50176xf32, #tpu.memory_space<vmem_shared>> -> memref<50176xf32, #tpu.memory_space<vmem_shared>>
        tpu.enqueue_indirect_dma source(%arg12 : memref<128xf32, #tpu.memory_space<vmem>>) target(%dma_start3A_1122 : memref<50176xf32, #tpu.memory_space<vmem_shared>>) offsets(%dma_start3A_1120 : memref<128xi32, #tpu.memory_space<vmem>>) semaphore(%arg17 : memref<!tpu.dma_semaphore, #tpu.memory_space<semaphore_mem>>) {add = true}
      } else {
      }
      %dma_wait3A_834 = arith.constant 0 : i32
      %dma_wait3A_835 = arith.constant 0 : i32
      %dma_wait3A_836 = arith.constant 0 : i32
      %dma_wait3A_837 = arith.constant 0 : i32
      %dma_wait3A_838 = tpu.memref_slice %arg9[%dma_wait3A_834, %dma_wait3A_835, %dma_wait3A_836, %dma_wait3A_837] : memref<2x2x128x32xf32, #tpu.memory_space<vmem>> -> memref<1x1x128x32xf32, #tpu.memory_space<vmem>>
      %dma_wait3A_839 = tpu.memref_squeeze %dma_wait3A_838 : memref<1x1x128x32xf32, #tpu.memory_space<vmem>> -> memref<128x32xf32, #tpu.memory_space<vmem>>
      %dma_wait3A_840 = arith.constant 0 : i32
      %dma_wait3A_841 = arith.constant 0 : i32
      %dma_wait3A_842 = tpu.memref_slice %arg2[%dma_wait3A_840, %dma_wait3A_841] : memref<100352x32xf32, #tpu.memory_space<hbm>> -> memref<128x32xf32, #tpu.memory_space<hbm>>
      %dma_wait3A_843 = arith.constant 0 : i32
      %dma_wait3A_844 = arith.constant 0 : i32
      %dma_wait3A_845 = tpu.memref_slice %arg9[%dma_wait3A_834, %dma_wait3A_835, %dma_wait3A_843, %dma_wait3A_844] : memref<2x2x128x32xf32, #tpu.memory_space<vmem>> -> memref<1x1x128x32xf32, #tpu.memory_space<vmem>>
      %dma_wait3A_846 = tpu.memref_squeeze %dma_wait3A_845 : memref<1x1x128x32xf32, #tpu.memory_space<vmem>> -> memref<128x32xf32, #tpu.memory_space<vmem>>
      %dma_wait3A_847 = arith.constant 0 : i32
      %dma_wait3A_848 = arith.constant 0 : i32
      %dma_wait3A_849 = tpu.memref_slice %arg2[%dma_wait3A_847, %dma_wait3A_848] : memref<100352x32xf32, #tpu.memory_space<hbm>> -> memref<128x32xf32, #tpu.memory_space<hbm>>
      tpu.wait_dma2 semaphore(%arg15 : memref<!tpu.dma_semaphore, #tpu.memory_space<semaphore_mem>>) src(%dma_wait3A_849 : memref<128x32xf32, #tpu.memory_space<hbm>>) dst(%dma_wait3A_846 : memref<128x32xf32, #tpu.memory_space<vmem>>)
      %dma_wait3A_850 = arith.constant 0 : i32
      %dma_wait3A_851 = arith.constant 1 : i32
      %dma_wait3A_852 = arith.constant 0 : i32
      %dma_wait3A_853 = arith.constant 0 : i32
      %dma_wait3A_854 = tpu.memref_slice %arg9[%dma_wait3A_850, %dma_wait3A_851, %dma_wait3A_852, %dma_wait3A_853] : memref<2x2x128x32xf32, #tpu.memory_space<vmem>> -> memref<1x1x128x32xf32, #tpu.memory_space<vmem>>
      %dma_wait3A_855 = tpu.memref_squeeze %dma_wait3A_854 : memref<1x1x128x32xf32, #tpu.memory_space<vmem>> -> memref<128x32xf32, #tpu.memory_space<vmem>>
      %dma_wait3A_856 = arith.constant 0 : i32
      %dma_wait3A_857 = arith.constant 0 : i32
      %dma_wait3A_858 = tpu.memref_slice %arg2[%dma_wait3A_856, %dma_wait3A_857] : memref<100352x32xf32, #tpu.memory_space<hbm>> -> memref<128x32xf32, #tpu.memory_space<hbm>>
      %dma_wait3A_859 = arith.constant 0 : i32
      %dma_wait3A_860 = arith.constant 0 : i32
      %dma_wait3A_861 = tpu.memref_slice %arg9[%dma_wait3A_850, %dma_wait3A_851, %dma_wait3A_859, %dma_wait3A_860] : memref<2x2x128x32xf32, #tpu.memory_space<vmem>> -> memref<1x1x128x32xf32, #tpu.memory_space<vmem>>
      %dma_wait3A_862 = tpu.memref_squeeze %dma_wait3A_861 : memref<1x1x128x32xf32, #tpu.memory_space<vmem>> -> memref<128x32xf32, #tpu.memory_space<vmem>>
      %dma_wait3A_863 = arith.constant 0 : i32
      %dma_wait3A_864 = arith.constant 0 : i32
      %dma_wait3A_865 = tpu.memref_slice %arg2[%dma_wait3A_863, %dma_wait3A_864] : memref<100352x32xf32, #tpu.memory_space<hbm>> -> memref<128x32xf32, #tpu.memory_space<hbm>>
      tpu.wait_dma2 semaphore(%arg15 : memref<!tpu.dma_semaphore, #tpu.memory_space<semaphore_mem>>) src(%dma_wait3A_865 : memref<128x32xf32, #tpu.memory_space<hbm>>) dst(%dma_wait3A_862 : memref<128x32xf32, #tpu.memory_space<vmem>>)
      %dma_start3A_866 = arith.constant 1 : i32
      %dma_start3A_867 = arith.constant 0 : i32
      %dma_start3A_868 = arith.constant 1 : i32
      %dma_start3A_869 = arith.constant 2 : i32
      %dma_start3A_870 = arith.constant 0 : i32
      %dma_start3A_871 = arith.constant 0 : i32
      %dma_start3A_872 = tpu.memref_slice %arg9[%dma_start3A_866, %dma_start3A_867, %dma_start3A_870, %dma_start3A_871] : memref<2x2x128x32xf32, #tpu.memory_space<vmem>> -> memref<1x1x128x32xf32, #tpu.memory_space<vmem>>
      %dma_start3A_873 = tpu.memref_squeeze %dma_start3A_872 : memref<1x1x128x32xf32, #tpu.memory_space<vmem>> -> memref<128x32xf32, #tpu.memory_space<vmem>>
      %dma_start3A_874 = arith.constant 0 : i32
      %dma_start3A_875 = tpu.memref_slice %arg8[%dma_start3A_868, %dma_start3A_869, %dma_start3A_874] : memref<2x8x128xi32, #tpu.memory_space<vmem>> -> memref<1x1x128xi32, #tpu.memory_space<vmem>>
      %dma_start3A_876 = tpu.memref_squeeze %dma_start3A_875 : memref<1x1x128xi32, #tpu.memory_space<vmem>> -> memref<128xi32, #tpu.memory_space<vmem>>
      %dma_start3A_877 = arith.constant 0 : i32
      %dma_start3A_878 = arith.constant 0 : i32
      %dma_start3A_879 = tpu.memref_slice %arg13[%dma_start3A_877, %dma_start3A_878] : memref<50176x32xf32, #tpu.memory_space<vmem_shared>> -> memref<50176x32xf32, #tpu.memory_space<vmem_shared>>
      tpu.enqueue_indirect_dma source(%dma_start3A_873 : memref<128x32xf32, #tpu.memory_space<vmem>>) target(%dma_start3A_879 : memref<50176x32xf32, #tpu.memory_space<vmem_shared>>) offsets(%dma_start3A_876 : memref<128xi32, #tpu.memory_space<vmem>>) semaphore(%arg16 : memref<!tpu.dma_semaphore, #tpu.memory_space<semaphore_mem>>) {add = true}
      %dma_start3A_880 = arith.constant 1 : i32
      %dma_start3A_881 = arith.constant 1 : i32
      %dma_start3A_882 = arith.constant 1 : i32
      %dma_start3A_883 = arith.constant 3 : i32
      %dma_start3A_884 = arith.constant 0 : i32
      %dma_start3A_885 = arith.constant 0 : i32
      %dma_start3A_886 = tpu.memref_slice %arg9[%dma_start3A_880, %dma_start3A_881, %dma_start3A_884, %dma_start3A_885] : memref<2x2x128x32xf32, #tpu.memory_space<vmem>> -> memref<1x1x128x32xf32, #tpu.memory_space<vmem>>
      %dma_start3A_887 = tpu.memref_squeeze %dma_start3A_886 : memref<1x1x128x32xf32, #tpu.memory_space<vmem>> -> memref<128x32xf32, #tpu.memory_space<vmem>>
      %dma_start3A_888 = arith.constant 0 : i32
      %dma_start3A_889 = tpu.memref_slice %arg8[%dma_start3A_882, %dma_start3A_883, %dma_start3A_888] : memref<2x8x128xi32, #tpu.memory_space<vmem>> -> memref<1x1x128xi32, #tpu.memory_space<vmem>>
      %dma_start3A_890 = tpu.memref_squeeze %dma_start3A_889 : memref<1x1x128xi32, #tpu.memory_space<vmem>> -> memref<128xi32, #tpu.memory_space<vmem>>
      %dma_start3A_891 = arith.constant 0 : i32
      %dma_start3A_892 = arith.constant 0 : i32
      %dma_start3A_893 = tpu.memref_slice %arg13[%dma_start3A_891, %dma_start3A_892] : memref<50176x32xf32, #tpu.memory_space<vmem_shared>> -> memref<50176x32xf32, #tpu.memory_space<vmem_shared>>
      tpu.enqueue_indirect_dma source(%dma_start3A_887 : memref<128x32xf32, #tpu.memory_space<vmem>>) target(%dma_start3A_893 : memref<50176x32xf32, #tpu.memory_space<vmem_shared>>) offsets(%dma_start3A_890 : memref<128xi32, #tpu.memory_space<vmem>>) semaphore(%arg16 : memref<!tpu.dma_semaphore, #tpu.memory_space<semaphore_mem>>) {add = true}
      %eq3A_894 = arith.constant 0 : i32
      %eq3A_895 = arith.cmpi eq, %arg0, %eq3A_894 : i32
      %convert_element_type3A_896 = arith.extui %eq3A_895 : i1 to i32
      %cond3A_897 = arith.constant 0 : i32
      %cond3A_898 = arith.cmpi ne, %convert_element_type3A_896, %cond3A_897 : i32
      scf.if %cond3A_898 {
        %dma_start3A_1109 = arith.constant 1 : i32
        %dma_start3A_1110 = arith.constant 2 : i32
        %dma_start3A_1111 = arith.constant 0 : i32
        %dma_start3A_1112 = tpu.memref_slice %arg8[%dma_start3A_1109, %dma_start3A_1110, %dma_start3A_1111] : memref<2x8x128xi32, #tpu.memory_space<vmem>> -> memref<1x1x128xi32, #tpu.memory_space<vmem>>
        %dma_start3A_1113 = tpu.memref_squeeze %dma_start3A_1112 : memref<1x1x128xi32, #tpu.memory_space<vmem>> -> memref<128xi32, #tpu.memory_space<vmem>>
        %dma_start3A_1114 = arith.constant 0 : i32
        %dma_start3A_1115 = tpu.memref_slice %arg14[%dma_start3A_1114] : memref<50176xf32, #tpu.memory_space<vmem_shared>> -> memref<50176xf32, #tpu.memory_space<vmem_shared>>
        tpu.enqueue_indirect_dma source(%arg12 : memref<128xf32, #tpu.memory_space<vmem>>) target(%dma_start3A_1115 : memref<50176xf32, #tpu.memory_space<vmem_shared>>) offsets(%dma_start3A_1113 : memref<128xi32, #tpu.memory_space<vmem>>) semaphore(%arg17 : memref<!tpu.dma_semaphore, #tpu.memory_space<semaphore_mem>>) {add = true}
        %dma_start3A_1116 = arith.constant 1 : i32
        %dma_start3A_1117 = arith.constant 3 : i32
        %dma_start3A_1118 = arith.constant 0 : i32
        %dma_start3A_1119 = tpu.memref_slice %arg8[%dma_start3A_1116, %dma_start3A_1117, %dma_start3A_1118] : memref<2x8x128xi32, #tpu.memory_space<vmem>> -> memref<1x1x128xi32, #tpu.memory_space<vmem>>
        %dma_start3A_1120 = tpu.memref_squeeze %dma_start3A_1119 : memref<1x1x128xi32, #tpu.memory_space<vmem>> -> memref<128xi32, #tpu.memory_space<vmem>>
        %dma_start3A_1121 = arith.constant 0 : i32
        %dma_start3A_1122 = tpu.memref_slice %arg14[%dma_start3A_1121] : memref<50176xf32, #tpu.memory_space<vmem_shared>> -> memref<50176xf32, #tpu.memory_space<vmem_shared>>
        tpu.enqueue_indirect_dma source(%arg12 : memref<128xf32, #tpu.memory_space<vmem>>) target(%dma_start3A_1122 : memref<50176xf32, #tpu.memory_space<vmem_shared>>) offsets(%dma_start3A_1120 : memref<128xi32, #tpu.memory_space<vmem>>) semaphore(%arg17 : memref<!tpu.dma_semaphore, #tpu.memory_space<semaphore_mem>>) {add = true}
      } else {
      }
      %dma_wait3A_899 = arith.constant 0 : i32
      %dma_wait3A_900 = arith.constant 0 : i32
      %dma_wait3A_901 = tpu.memref_slice %arg13[%dma_wait3A_899, %dma_wait3A_900] : memref<50176x32xf32, #tpu.memory_space<vmem_shared>> -> memref<128x32xf32, #tpu.memory_space<vmem_shared>>
      %dma_wait3A_902 = arith.constant 0 : i32
      %dma_wait3A_903 = arith.constant 0 : i32
      %dma_wait3A_904 = tpu.memref_slice %arg2[%dma_wait3A_902, %dma_wait3A_903] : memref<100352x32xf32, #tpu.memory_space<hbm>> -> memref<128x32xf32, #tpu.memory_space<hbm>>
      tpu.wait_dma2 semaphore(%arg16 : memref<!tpu.dma_semaphore, #tpu.memory_space<semaphore_mem>>) src(%dma_wait3A_904 : memref<128x32xf32, #tpu.memory_space<hbm>>) dst(%dma_wait3A_901 : memref<128x32xf32, #tpu.memory_space<vmem_shared>>)
      %dma_wait3A_905 = arith.constant 0 : i32
      %dma_wait3A_906 = arith.constant 0 : i32
      %dma_wait3A_907 = tpu.memref_slice %arg13[%dma_wait3A_905, %dma_wait3A_906] : memref<50176x32xf32, #tpu.memory_space<vmem_shared>> -> memref<128x32xf32, #tpu.memory_space<vmem_shared>>
      %dma_wait3A_908 = arith.constant 0 : i32
      %dma_wait3A_909 = arith.constant 0 : i32
      %dma_wait3A_910 = tpu.memref_slice %arg2[%dma_wait3A_908, %dma_wait3A_909] : memref<100352x32xf32, #tpu.memory_space<hbm>> -> memref<128x32xf32, #tpu.memory_space<hbm>>
      tpu.wait_dma2 semaphore(%arg16 : memref<!tpu.dma_semaphore, #tpu.memory_space<semaphore_mem>>) src(%dma_wait3A_910 : memref<128x32xf32, #tpu.memory_space<hbm>>) dst(%dma_wait3A_907 : memref<128x32xf32, #tpu.memory_space<vmem_shared>>)
      %dma_start3A_911 = arith.constant 1 : i32
      %dma_start3A_912 = arith.constant 4 : i32
      %dma_start3A_913 = arith.constant 0 : i32
      %dma_start3A_914 = arith.constant 0 : i32
      %dma_start3A_915 = arith.constant 0 : i32
      %dma_start3A_916 = arith.constant 0 : i32
      %dma_start3A_917 = tpu.memref_slice %arg9[%dma_start3A_913, %dma_start3A_914, %dma_start3A_915, %dma_start3A_916] : memref<2x2x128x32xf32, #tpu.memory_space<vmem>> -> memref<1x1x128x32xf32, #tpu.memory_space<vmem>>
      %dma_start3A_918 = tpu.memref_squeeze %dma_start3A_917 : memref<1x1x128x32xf32, #tpu.memory_space<vmem>> -> memref<128x32xf32, #tpu.memory_space<vmem>>
      %dma_start3A_919 = arith.constant 0 : i32
      %dma_start3A_920 = tpu.memref_slice %arg7[%dma_start3A_911, %dma_start3A_912, %dma_start3A_919] : memref<2x8x128xi32, #tpu.memory_space<vmem>> -> memref<1x1x128xi32, #tpu.memory_space<vmem>>
      %dma_start3A_921 = tpu.memref_squeeze %dma_start3A_920 : memref<1x1x128xi32, #tpu.memory_space<vmem>> -> memref<128xi32, #tpu.memory_space<vmem>>
      %dma_start3A_922 = arith.constant 0 : i32
      %dma_start3A_923 = arith.constant 0 : i32
      %dma_start3A_924 = tpu.memref_slice %arg2[%dma_start3A_922, %dma_start3A_923] : memref<100352x32xf32, #tpu.memory_space<hbm>> -> memref<100352x32xf32, #tpu.memory_space<hbm>>
      tpu.enqueue_indirect_dma source(%dma_start3A_924 : memref<100352x32xf32, #tpu.memory_space<hbm>>) target(%dma_start3A_918 : memref<128x32xf32, #tpu.memory_space<vmem>>) offsets(%dma_start3A_921 : memref<128xi32, #tpu.memory_space<vmem>>) semaphore(%arg15 : memref<!tpu.dma_semaphore, #tpu.memory_space<semaphore_mem>>)
      %dma_start3A_925 = arith.constant 1 : i32
      %dma_start3A_926 = arith.constant 5 : i32
      %dma_start3A_927 = arith.constant 0 : i32
      %dma_start3A_928 = arith.constant 1 : i32
      %dma_start3A_929 = arith.constant 0 : i32
      %dma_start3A_930 = arith.constant 0 : i32
      %dma_start3A_931 = tpu.memref_slice %arg9[%dma_start3A_927, %dma_start3A_928, %dma_start3A_929, %dma_start3A_930] : memref<2x2x128x32xf32, #tpu.memory_space<vmem>> -> memref<1x1x128x32xf32, #tpu.memory_space<vmem>>
      %dma_start3A_932 = tpu.memref_squeeze %dma_start3A_931 : memref<1x1x128x32xf32, #tpu.memory_space<vmem>> -> memref<128x32xf32, #tpu.memory_space<vmem>>
      %dma_start3A_933 = arith.constant 0 : i32
      %dma_start3A_934 = tpu.memref_slice %arg7[%dma_start3A_925, %dma_start3A_926, %dma_start3A_933] : memref<2x8x128xi32, #tpu.memory_space<vmem>> -> memref<1x1x128xi32, #tpu.memory_space<vmem>>
      %dma_start3A_935 = tpu.memref_squeeze %dma_start3A_934 : memref<1x1x128xi32, #tpu.memory_space<vmem>> -> memref<128xi32, #tpu.memory_space<vmem>>
      %dma_start3A_936 = arith.constant 0 : i32
      %dma_start3A_937 = arith.constant 0 : i32
      %dma_start3A_938 = tpu.memref_slice %arg2[%dma_start3A_936, %dma_start3A_937] : memref<100352x32xf32, #tpu.memory_space<hbm>> -> memref<100352x32xf32, #tpu.memory_space<hbm>>
      tpu.enqueue_indirect_dma source(%dma_start3A_938 : memref<100352x32xf32, #tpu.memory_space<hbm>>) target(%dma_start3A_932 : memref<128x32xf32, #tpu.memory_space<vmem>>) offsets(%dma_start3A_935 : memref<128xi32, #tpu.memory_space<vmem>>) semaphore(%arg15 : memref<!tpu.dma_semaphore, #tpu.memory_space<semaphore_mem>>)
      %dma_wait3A_939 = arith.constant 0 : i32
      %dma_wait3A_940 = arith.constant 0 : i32
      %dma_wait3A_941 = tpu.memref_slice %arg13[%dma_wait3A_939, %dma_wait3A_940] : memref<50176x32xf32, #tpu.memory_space<vmem_shared>> -> memref<128x32xf32, #tpu.memory_space<vmem_shared>>
      %dma_wait3A_942 = arith.constant 0 : i32
      %dma_wait3A_943 = arith.constant 0 : i32
      %dma_wait3A_944 = tpu.memref_slice %arg2[%dma_wait3A_942, %dma_wait3A_943] : memref<100352x32xf32, #tpu.memory_space<hbm>> -> memref<128x32xf32, #tpu.memory_space<hbm>>
      tpu.wait_dma2 semaphore(%arg16 : memref<!tpu.dma_semaphore, #tpu.memory_space<semaphore_mem>>) src(%dma_wait3A_944 : memref<128x32xf32, #tpu.memory_space<hbm>>) dst(%dma_wait3A_941 : memref<128x32xf32, #tpu.memory_space<vmem_shared>>)
      %dma_wait3A_945 = arith.constant 0 : i32
      %dma_wait3A_946 = arith.constant 0 : i32
      %dma_wait3A_947 = tpu.memref_slice %arg13[%dma_wait3A_945, %dma_wait3A_946] : memref<50176x32xf32, #tpu.memory_space<vmem_shared>> -> memref<128x32xf32, #tpu.memory_space<vmem_shared>>
      %dma_wait3A_948 = arith.constant 0 : i32
      %dma_wait3A_949 = arith.constant 0 : i32
      %dma_wait3A_950 = tpu.memref_slice %arg2[%dma_wait3A_948, %dma_wait3A_949] : memref<100352x32xf32, #tpu.memory_space<hbm>> -> memref<128x32xf32, #tpu.memory_space<hbm>>
      tpu.wait_dma2 semaphore(%arg16 : memref<!tpu.dma_semaphore, #tpu.memory_space<semaphore_mem>>) src(%dma_wait3A_950 : memref<128x32xf32, #tpu.memory_space<hbm>>) dst(%dma_wait3A_947 : memref<128x32xf32, #tpu.memory_space<vmem_shared>>)
      %dma_start3A_951 = arith.constant 1 : i32
      %dma_start3A_952 = arith.constant 6 : i32
      %dma_start3A_953 = arith.constant 1 : i32
      %dma_start3A_954 = arith.constant 0 : i32
      %dma_start3A_955 = arith.constant 0 : i32
      %dma_start3A_956 = arith.constant 0 : i32
      %dma_start3A_957 = tpu.memref_slice %arg9[%dma_start3A_953, %dma_start3A_954, %dma_start3A_955, %dma_start3A_956] : memref<2x2x128x32xf32, #tpu.memory_space<vmem>> -> memref<1x1x128x32xf32, #tpu.memory_space<vmem>>
      %dma_start3A_958 = tpu.memref_squeeze %dma_start3A_957 : memref<1x1x128x32xf32, #tpu.memory_space<vmem>> -> memref<128x32xf32, #tpu.memory_space<vmem>>
      %dma_start3A_959 = arith.constant 0 : i32
      %dma_start3A_960 = tpu.memref_slice %arg7[%dma_start3A_951, %dma_start3A_952, %dma_start3A_959] : memref<2x8x128xi32, #tpu.memory_space<vmem>> -> memref<1x1x128xi32, #tpu.memory_space<vmem>>
      %dma_start3A_961 = tpu.memref_squeeze %dma_start3A_960 : memref<1x1x128xi32, #tpu.memory_space<vmem>> -> memref<128xi32, #tpu.memory_space<vmem>>
      %dma_start3A_962 = arith.constant 0 : i32
      %dma_start3A_963 = arith.constant 0 : i32
      %dma_start3A_964 = tpu.memref_slice %arg2[%dma_start3A_962, %dma_start3A_963] : memref<100352x32xf32, #tpu.memory_space<hbm>> -> memref<100352x32xf32, #tpu.memory_space<hbm>>
      tpu.enqueue_indirect_dma source(%dma_start3A_964 : memref<100352x32xf32, #tpu.memory_space<hbm>>) target(%dma_start3A_958 : memref<128x32xf32, #tpu.memory_space<vmem>>) offsets(%dma_start3A_961 : memref<128xi32, #tpu.memory_space<vmem>>) semaphore(%arg15 : memref<!tpu.dma_semaphore, #tpu.memory_space<semaphore_mem>>)
      %dma_start3A_965 = arith.constant 1 : i32
      %dma_start3A_966 = arith.constant 7 : i32
      %dma_start3A_967 = arith.constant 1 : i32
      %dma_start3A_968 = arith.constant 1 : i32
      %dma_start3A_969 = arith.constant 0 : i32
      %dma_start3A_970 = arith.constant 0 : i32
      %dma_start3A_971 = tpu.memref_slice %arg9[%dma_start3A_967, %dma_start3A_968, %dma_start3A_969, %dma_start3A_970] : memref<2x2x128x32xf32, #tpu.memory_space<vmem>> -> memref<1x1x128x32xf32, #tpu.memory_space<vmem>>
      %dma_start3A_972 = tpu.memref_squeeze %dma_start3A_971 : memref<1x1x128x32xf32, #tpu.memory_space<vmem>> -> memref<128x32xf32, #tpu.memory_space<vmem>>
      %dma_start3A_973 = arith.constant 0 : i32
      %dma_start3A_974 = tpu.memref_slice %arg7[%dma_start3A_965, %dma_start3A_966, %dma_start3A_973] : memref<2x8x128xi32, #tpu.memory_space<vmem>> -> memref<1x1x128xi32, #tpu.memory_space<vmem>>
      %dma_start3A_975 = tpu.memref_squeeze %dma_start3A_974 : memref<1x1x128xi32, #tpu.memory_space<vmem>> -> memref<128xi32, #tpu.memory_space<vmem>>
      %dma_start3A_976 = arith.constant 0 : i32
      %dma_start3A_977 = arith.constant 0 : i32
      %dma_start3A_978 = tpu.memref_slice %arg2[%dma_start3A_976, %dma_start3A_977] : memref<100352x32xf32, #tpu.memory_space<hbm>> -> memref<100352x32xf32, #tpu.memory_space<hbm>>
      tpu.enqueue_indirect_dma source(%dma_start3A_978 : memref<100352x32xf32, #tpu.memory_space<hbm>>) target(%dma_start3A_972 : memref<128x32xf32, #tpu.memory_space<vmem>>) offsets(%dma_start3A_975 : memref<128xi32, #tpu.memory_space<vmem>>) semaphore(%arg15 : memref<!tpu.dma_semaphore, #tpu.memory_space<semaphore_mem>>)
      %dma_wait3A_979 = arith.constant 0 : i32
      %dma_wait3A_980 = arith.constant 0 : i32
      %dma_wait3A_981 = arith.constant 0 : i32
      %dma_wait3A_982 = arith.constant 0 : i32
      %dma_wait3A_983 = tpu.memref_slice %arg9[%dma_wait3A_979, %dma_wait3A_980, %dma_wait3A_981, %dma_wait3A_982] : memref<2x2x128x32xf32, #tpu.memory_space<vmem>> -> memref<1x1x128x32xf32, #tpu.memory_space<vmem>>
      %dma_wait3A_984 = tpu.memref_squeeze %dma_wait3A_983 : memref<1x1x128x32xf32, #tpu.memory_space<vmem>> -> memref<128x32xf32, #tpu.memory_space<vmem>>
      %dma_wait3A_985 = arith.constant 0 : i32
      %dma_wait3A_986 = arith.constant 0 : i32
      %dma_wait3A_987 = tpu.memref_slice %arg2[%dma_wait3A_985, %dma_wait3A_986] : memref<100352x32xf32, #tpu.memory_space<hbm>> -> memref<128x32xf32, #tpu.memory_space<hbm>>
      %dma_wait3A_988 = arith.constant 0 : i32
      %dma_wait3A_989 = arith.constant 0 : i32
      %dma_wait3A_990 = tpu.memref_slice %arg9[%dma_wait3A_979, %dma_wait3A_980, %dma_wait3A_988, %dma_wait3A_989] : memref<2x2x128x32xf32, #tpu.memory_space<vmem>> -> memref<1x1x128x32xf32, #tpu.memory_space<vmem>>
      %dma_wait3A_991 = tpu.memref_squeeze %dma_wait3A_990 : memref<1x1x128x32xf32, #tpu.memory_space<vmem>> -> memref<128x32xf32, #tpu.memory_space<vmem>>
      %dma_wait3A_992 = arith.constant 0 : i32
      %dma_wait3A_993 = arith.constant 0 : i32
      %dma_wait3A_994 = tpu.memref_slice %arg2[%dma_wait3A_992, %dma_wait3A_993] : memref<100352x32xf32, #tpu.memory_space<hbm>> -> memref<128x32xf32, #tpu.memory_space<hbm>>
      tpu.wait_dma2 semaphore(%arg15 : memref<!tpu.dma_semaphore, #tpu.memory_space<semaphore_mem>>) src(%dma_wait3A_994 : memref<128x32xf32, #tpu.memory_space<hbm>>) dst(%dma_wait3A_991 : memref<128x32xf32, #tpu.memory_space<vmem>>)
      %dma_wait3A_995 = arith.constant 0 : i32
      %dma_wait3A_996 = arith.constant 1 : i32
      %dma_wait3A_997 = arith.constant 0 : i32
      %dma_wait3A_998 = arith.constant 0 : i32
      %dma_wait3A_999 = tpu.memref_slice %arg9[%dma_wait3A_995, %dma_wait3A_996, %dma_wait3A_997, %dma_wait3A_998] : memref<2x2x128x32xf32, #tpu.memory_space<vmem>> -> memref<1x1x128x32xf32, #tpu.memory_space<vmem>>
      %dma_wait3A_1000 = tpu.memref_squeeze %dma_wait3A_999 : memref<1x1x128x32xf32, #tpu.memory_space<vmem>> -> memref<128x32xf32, #tpu.memory_space<vmem>>
      %dma_wait3A_1001 = arith.constant 0 : i32
      %dma_wait3A_1002 = arith.constant 0 : i32
      %dma_wait3A_1003 = tpu.memref_slice %arg2[%dma_wait3A_1001, %dma_wait3A_1002] : memref<100352x32xf32, #tpu.memory_space<hbm>> -> memref<128x32xf32, #tpu.memory_space<hbm>>
      %dma_wait3A_1004 = arith.constant 0 : i32
      %dma_wait3A_1005 = arith.constant 0 : i32
      %dma_wait3A_1006 = tpu.memref_slice %arg9[%dma_wait3A_995, %dma_wait3A_996, %dma_wait3A_1004, %dma_wait3A_1005] : memref<2x2x128x32xf32, #tpu.memory_space<vmem>> -> memref<1x1x128x32xf32, #tpu.memory_space<vmem>>
      %dma_wait3A_1007 = tpu.memref_squeeze %dma_wait3A_1006 : memref<1x1x128x32xf32, #tpu.memory_space<vmem>> -> memref<128x32xf32, #tpu.memory_space<vmem>>
      %dma_wait3A_1008 = arith.constant 0 : i32
      %dma_wait3A_1009 = arith.constant 0 : i32
      %dma_wait3A_1010 = tpu.memref_slice %arg2[%dma_wait3A_1008, %dma_wait3A_1009] : memref<100352x32xf32, #tpu.memory_space<hbm>> -> memref<128x32xf32, #tpu.memory_space<hbm>>
      tpu.wait_dma2 semaphore(%arg15 : memref<!tpu.dma_semaphore, #tpu.memory_space<semaphore_mem>>) src(%dma_wait3A_1010 : memref<128x32xf32, #tpu.memory_space<hbm>>) dst(%dma_wait3A_1007 : memref<128x32xf32, #tpu.memory_space<vmem>>)
      %dma_start3A_1011 = arith.constant 0 : i32
      %dma_start3A_1012 = arith.constant 0 : i32
      %dma_start3A_1013 = arith.constant 1 : i32
      %dma_start3A_1014 = arith.constant 4 : i32
      %dma_start3A_1015 = arith.constant 0 : i32
      %dma_start3A_1016 = arith.constant 0 : i32
      %dma_start3A_1017 = tpu.memref_slice %arg9[%dma_start3A_1011, %dma_start3A_1012, %dma_start3A_1015, %dma_start3A_1016] : memref<2x2x128x32xf32, #tpu.memory_space<vmem>> -> memref<1x1x128x32xf32, #tpu.memory_space<vmem>>
      %dma_start3A_1018 = tpu.memref_squeeze %dma_start3A_1017 : memref<1x1x128x32xf32, #tpu.memory_space<vmem>> -> memref<128x32xf32, #tpu.memory_space<vmem>>
      %dma_start3A_1019 = arith.constant 0 : i32
      %dma_start3A_1020 = tpu.memref_slice %arg8[%dma_start3A_1013, %dma_start3A_1014, %dma_start3A_1019] : memref<2x8x128xi32, #tpu.memory_space<vmem>> -> memref<1x1x128xi32, #tpu.memory_space<vmem>>
      %dma_start3A_1021 = tpu.memref_squeeze %dma_start3A_1020 : memref<1x1x128xi32, #tpu.memory_space<vmem>> -> memref<128xi32, #tpu.memory_space<vmem>>
      %dma_start3A_1022 = arith.constant 0 : i32
      %dma_start3A_1023 = arith.constant 0 : i32
      %dma_start3A_1024 = tpu.memref_slice %arg13[%dma_start3A_1022, %dma_start3A_1023] : memref<50176x32xf32, #tpu.memory_space<vmem_shared>> -> memref<50176x32xf32, #tpu.memory_space<vmem_shared>>
      tpu.enqueue_indirect_dma source(%dma_start3A_1018 : memref<128x32xf32, #tpu.memory_space<vmem>>) target(%dma_start3A_1024 : memref<50176x32xf32, #tpu.memory_space<vmem_shared>>) offsets(%dma_start3A_1021 : memref<128xi32, #tpu.memory_space<vmem>>) semaphore(%arg16 : memref<!tpu.dma_semaphore, #tpu.memory_space<semaphore_mem>>) {add = true}
      %dma_start3A_1025 = arith.constant 0 : i32
      %dma_start3A_1026 = arith.constant 1 : i32
      %dma_start3A_1027 = arith.constant 1 : i32
      %dma_start3A_1028 = arith.constant 5 : i32
      %dma_start3A_1029 = arith.constant 0 : i32
      %dma_start3A_1030 = arith.constant 0 : i32
      %dma_start3A_1031 = tpu.memref_slice %arg9[%dma_start3A_1025, %dma_start3A_1026, %dma_start3A_1029, %dma_start3A_1030] : memref<2x2x128x32xf32, #tpu.memory_space<vmem>> -> memref<1x1x128x32xf32, #tpu.memory_space<vmem>>
      %dma_start3A_1032 = tpu.memref_squeeze %dma_start3A_1031 : memref<1x1x128x32xf32, #tpu.memory_space<vmem>> -> memref<128x32xf32, #tpu.memory_space<vmem>>
      %dma_start3A_1033 = arith.constant 0 : i32
      %dma_start3A_1034 = tpu.memref_slice %arg8[%dma_start3A_1027, %dma_start3A_1028, %dma_start3A_1033] : memref<2x8x128xi32, #tpu.memory_space<vmem>> -> memref<1x1x128xi32, #tpu.memory_space<vmem>>
      %dma_start3A_1035 = tpu.memref_squeeze %dma_start3A_1034 : memref<1x1x128xi32, #tpu.memory_space<vmem>> -> memref<128xi32, #tpu.memory_space<vmem>>
      %dma_start3A_1036 = arith.constant 0 : i32
      %dma_start3A_1037 = arith.constant 0 : i32
      %dma_start3A_1038 = tpu.memref_slice %arg13[%dma_start3A_1036, %dma_start3A_1037] : memref<50176x32xf32, #tpu.memory_space<vmem_shared>> -> memref<50176x32xf32, #tpu.memory_space<vmem_shared>>
      tpu.enqueue_indirect_dma source(%dma_start3A_1032 : memref<128x32xf32, #tpu.memory_space<vmem>>) target(%dma_start3A_1038 : memref<50176x32xf32, #tpu.memory_space<vmem_shared>>) offsets(%dma_start3A_1035 : memref<128xi32, #tpu.memory_space<vmem>>) semaphore(%arg16 : memref<!tpu.dma_semaphore, #tpu.memory_space<semaphore_mem>>) {add = true}
      %eq3A_1039 = arith.constant 0 : i32
      %eq3A_1040 = arith.cmpi eq, %arg0, %eq3A_1039 : i32
      %convert_element_type3A_1041 = arith.extui %eq3A_1040 : i1 to i32
      %cond3A_1042 = arith.constant 0 : i32
      %cond3A_1043 = arith.cmpi ne, %convert_element_type3A_1041, %cond3A_1042 : i32
      scf.if %cond3A_1043 {
        %dma_start3A_1109 = arith.constant 1 : i32
        %dma_start3A_1110 = arith.constant 4 : i32
        %dma_start3A_1111 = arith.constant 0 : i32
        %dma_start3A_1112 = tpu.memref_slice %arg8[%dma_start3A_1109, %dma_start3A_1110, %dma_start3A_1111] : memref<2x8x128xi32, #tpu.memory_space<vmem>> -> memref<1x1x128xi32, #tpu.memory_space<vmem>>
        %dma_start3A_1113 = tpu.memref_squeeze %dma_start3A_1112 : memref<1x1x128xi32, #tpu.memory_space<vmem>> -> memref<128xi32, #tpu.memory_space<vmem>>
        %dma_start3A_1114 = arith.constant 0 : i32
        %dma_start3A_1115 = tpu.memref_slice %arg14[%dma_start3A_1114] : memref<50176xf32, #tpu.memory_space<vmem_shared>> -> memref<50176xf32, #tpu.memory_space<vmem_shared>>
        tpu.enqueue_indirect_dma source(%arg12 : memref<128xf32, #tpu.memory_space<vmem>>) target(%dma_start3A_1115 : memref<50176xf32, #tpu.memory_space<vmem_shared>>) offsets(%dma_start3A_1113 : memref<128xi32, #tpu.memory_space<vmem>>) semaphore(%arg17 : memref<!tpu.dma_semaphore, #tpu.memory_space<semaphore_mem>>) {add = true}
        %dma_start3A_1116 = arith.constant 1 : i32
        %dma_start3A_1117 = arith.constant 5 : i32
        %dma_start3A_1118 = arith.constant 0 : i32
        %dma_start3A_1119 = tpu.memref_slice %arg8[%dma_start3A_1116, %dma_start3A_1117, %dma_start3A_1118] : memref<2x8x128xi32, #tpu.memory_space<vmem>> -> memref<1x1x128xi32, #tpu.memory_space<vmem>>
        %dma_start3A_1120 = tpu.memref_squeeze %dma_start3A_1119 : memref<1x1x128xi32, #tpu.memory_space<vmem>> -> memref<128xi32, #tpu.memory_space<vmem>>
        %dma_start3A_1121 = arith.constant 0 : i32
        %dma_start3A_1122 = tpu.memref_slice %arg14[%dma_start3A_1121] : memref<50176xf32, #tpu.memory_space<vmem_shared>> -> memref<50176xf32, #tpu.memory_space<vmem_shared>>
        tpu.enqueue_indirect_dma source(%arg12 : memref<128xf32, #tpu.memory_space<vmem>>) target(%dma_start3A_1122 : memref<50176xf32, #tpu.memory_space<vmem_shared>>) offsets(%dma_start3A_1120 : memref<128xi32, #tpu.memory_space<vmem>>) semaphore(%arg17 : memref<!tpu.dma_semaphore, #tpu.memory_space<semaphore_mem>>) {add = true}
      } else {
      }
      %dma_wait3A_1044 = arith.constant 0 : i32
      %dma_wait3A_1045 = arith.constant 0 : i32
      %dma_wait3A_1046 = arith.constant 0 : i32
      %dma_wait3A_1047 = arith.constant 0 : i32
      %dma_wait3A_1048 = tpu.memref_slice %arg9[%dma_wait3A_1044, %dma_wait3A_1045, %dma_wait3A_1046, %dma_wait3A_1047] : memref<2x2x128x32xf32, #tpu.memory_space<vmem>> -> memref<1x1x128x32xf32, #tpu.memory_space<vmem>>
      %dma_wait3A_1049 = tpu.memref_squeeze %dma_wait3A_1048 : memref<1x1x128x32xf32, #tpu.memory_space<vmem>> -> memref<128x32xf32, #tpu.memory_space<vmem>>
      %dma_wait3A_1050 = arith.constant 0 : i32
      %dma_wait3A_1051 = arith.constant 0 : i32
      %dma_wait3A_1052 = tpu.memref_slice %arg2[%dma_wait3A_1050, %dma_wait3A_1051] : memref<100352x32xf32, #tpu.memory_space<hbm>> -> memref<128x32xf32, #tpu.memory_space<hbm>>
      %dma_wait3A_1053 = arith.constant 0 : i32
      %dma_wait3A_1054 = arith.constant 0 : i32
      %dma_wait3A_1055 = tpu.memref_slice %arg9[%dma_wait3A_1044, %dma_wait3A_1045, %dma_wait3A_1053, %dma_wait3A_1054] : memref<2x2x128x32xf32, #tpu.memory_space<vmem>> -> memref<1x1x128x32xf32, #tpu.memory_space<vmem>>
      %dma_wait3A_1056 = tpu.memref_squeeze %dma_wait3A_1055 : memref<1x1x128x32xf32, #tpu.memory_space<vmem>> -> memref<128x32xf32, #tpu.memory_space<vmem>>
      %dma_wait3A_1057 = arith.constant 0 : i32
      %dma_wait3A_1058 = arith.constant 0 : i32
      %dma_wait3A_1059 = tpu.memref_slice %arg2[%dma_wait3A_1057, %dma_wait3A_1058] : memref<100352x32xf32, #tpu.memory_space<hbm>> -> memref<128x32xf32, #tpu.memory_space<hbm>>
      tpu.wait_dma2 semaphore(%arg15 : memref<!tpu.dma_semaphore, #tpu.memory_space<semaphore_mem>>) src(%dma_wait3A_1059 : memref<128x32xf32, #tpu.memory_space<hbm>>) dst(%dma_wait3A_1056 : memref<128x32xf32, #tpu.memory_space<vmem>>)
      %dma_wait3A_1060 = arith.constant 0 : i32
      %dma_wait3A_1061 = arith.constant 1 : i32
      %dma_wait3A_1062 = arith.constant 0 : i32
      %dma_wait3A_1063 = arith.constant 0 : i32
      %dma_wait3A_1064 = tpu.memref_slice %arg9[%dma_wait3A_1060, %dma_wait3A_1061, %dma_wait3A_1062, %dma_wait3A_1063] : memref<2x2x128x32xf32, #tpu.memory_space<vmem>> -> memref<1x1x128x32xf32, #tpu.memory_space<vmem>>
      %dma_wait3A_1065 = tpu.memref_squeeze %dma_wait3A_1064 : memref<1x1x128x32xf32, #tpu.memory_space<vmem>> -> memref<128x32xf32, #tpu.memory_space<vmem>>
      %dma_wait3A_1066 = arith.constant 0 : i32
      %dma_wait3A_1067 = arith.constant 0 : i32
      %dma_wait3A_1068 = tpu.memref_slice %arg2[%dma_wait3A_1066, %dma_wait3A_1067] : memref<100352x32xf32, #tpu.memory_space<hbm>> -> memref<128x32xf32, #tpu.memory_space<hbm>>
      %dma_wait3A_1069 = arith.constant 0 : i32
      %dma_wait3A_1070 = arith.constant 0 : i32
      %dma_wait3A_1071 = tpu.memref_slice %arg9[%dma_wait3A_1060, %dma_wait3A_1061, %dma_wait3A_1069, %dma_wait3A_1070] : memref<2x2x128x32xf32, #tpu.memory_space<vmem>> -> memref<1x1x128x32xf32, #tpu.memory_space<vmem>>
      %dma_wait3A_1072 = tpu.memref_squeeze %dma_wait3A_1071 : memref<1x1x128x32xf32, #tpu.memory_space<vmem>> -> memref<128x32xf32, #tpu.memory_space<vmem>>
      %dma_wait3A_1073 = arith.constant 0 : i32
      %dma_wait3A_1074 = arith.constant 0 : i32
      %dma_wait3A_1075 = tpu.memref_slice %arg2[%dma_wait3A_1073, %dma_wait3A_1074] : memref<100352x32xf32, #tpu.memory_space<hbm>> -> memref<128x32xf32, #tpu.memory_space<hbm>>
      tpu.wait_dma2 semaphore(%arg15 : memref<!tpu.dma_semaphore, #tpu.memory_space<semaphore_mem>>) src(%dma_wait3A_1075 : memref<128x32xf32, #tpu.memory_space<hbm>>) dst(%dma_wait3A_1072 : memref<128x32xf32, #tpu.memory_space<vmem>>)
      %dma_start3A_1076 = arith.constant 1 : i32
      %dma_start3A_1077 = arith.constant 0 : i32
      %dma_start3A_1078 = arith.constant 1 : i32
      %dma_start3A_1079 = arith.constant 6 : i32
      %dma_start3A_1080 = arith.constant 0 : i32
      %dma_start3A_1081 = arith.constant 0 : i32
      %dma_start3A_1082 = tpu.memref_slice %arg9[%dma_start3A_1076, %dma_start3A_1077, %dma_start3A_1080, %dma_start3A_1081] : memref<2x2x128x32xf32, #tpu.memory_space<vmem>> -> memref<1x1x128x32xf32, #tpu.memory_space<vmem>>
      %dma_start3A_1083 = tpu.memref_squeeze %dma_start3A_1082 : memref<1x1x128x32xf32, #tpu.memory_space<vmem>> -> memref<128x32xf32, #tpu.memory_space<vmem>>
      %dma_start3A_1084 = arith.constant 0 : i32
      %dma_start3A_1085 = tpu.memref_slice %arg8[%dma_start3A_1078, %dma_start3A_1079, %dma_start3A_1084] : memref<2x8x128xi32, #tpu.memory_space<vmem>> -> memref<1x1x128xi32, #tpu.memory_space<vmem>>
      %dma_start3A_1086 = tpu.memref_squeeze %dma_start3A_1085 : memref<1x1x128xi32, #tpu.memory_space<vmem>> -> memref<128xi32, #tpu.memory_space<vmem>>
      %dma_start3A_1087 = arith.constant 0 : i32
      %dma_start3A_1088 = arith.constant 0 : i32
      %dma_start3A_1089 = tpu.memref_slice %arg13[%dma_start3A_1087, %dma_start3A_1088] : memref<50176x32xf32, #tpu.memory_space<vmem_shared>> -> memref<50176x32xf32, #tpu.memory_space<vmem_shared>>
      tpu.enqueue_indirect_dma source(%dma_start3A_1083 : memref<128x32xf32, #tpu.memory_space<vmem>>) target(%dma_start3A_1089 : memref<50176x32xf32, #tpu.memory_space<vmem_shared>>) offsets(%dma_start3A_1086 : memref<128xi32, #tpu.memory_space<vmem>>) semaphore(%arg16 : memref<!tpu.dma_semaphore, #tpu.memory_space<semaphore_mem>>) {add = true}
      %dma_start3A_1090 = arith.constant 1 : i32
      %dma_start3A_1091 = arith.constant 1 : i32
      %dma_start3A_1092 = arith.constant 1 : i32
      %dma_start3A_1093 = arith.constant 7 : i32
      %dma_start3A_1094 = arith.constant 0 : i32
      %dma_start3A_1095 = arith.constant 0 : i32
      %dma_start3A_1096 = tpu.memref_slice %arg9[%dma_start3A_1090, %dma_start3A_1091, %dma_start3A_1094, %dma_start3A_1095] : memref<2x2x128x32xf32, #tpu.memory_space<vmem>> -> memref<1x1x128x32xf32, #tpu.memory_space<vmem>>
      %dma_start3A_1097 = tpu.memref_squeeze %dma_start3A_1096 : memref<1x1x128x32xf32, #tpu.memory_space<vmem>> -> memref<128x32xf32, #tpu.memory_space<vmem>>
      %dma_start3A_1098 = arith.constant 0 : i32
      %dma_start3A_1099 = tpu.memref_slice %arg8[%dma_start3A_1092, %dma_start3A_1093, %dma_start3A_1098] : memref<2x8x128xi32, #tpu.memory_space<vmem>> -> memref<1x1x128xi32, #tpu.memory_space<vmem>>
      %dma_start3A_1100 = tpu.memref_squeeze %dma_start3A_1099 : memref<1x1x128xi32, #tpu.memory_space<vmem>> -> memref<128xi32, #tpu.memory_space<vmem>>
      %dma_start3A_1101 = arith.constant 0 : i32
      %dma_start3A_1102 = arith.constant 0 : i32
      %dma_start3A_1103 = tpu.memref_slice %arg13[%dma_start3A_1101, %dma_start3A_1102] : memref<50176x32xf32, #tpu.memory_space<vmem_shared>> -> memref<50176x32xf32, #tpu.memory_space<vmem_shared>>
      tpu.enqueue_indirect_dma source(%dma_start3A_1097 : memref<128x32xf32, #tpu.memory_space<vmem>>) target(%dma_start3A_1103 : memref<50176x32xf32, #tpu.memory_space<vmem_shared>>) offsets(%dma_start3A_1100 : memref<128xi32, #tpu.memory_space<vmem>>) semaphore(%arg16 : memref<!tpu.dma_semaphore, #tpu.memory_space<semaphore_mem>>) {add = true}
      %eq3A_1104 = arith.constant 0 : i32
      %eq3A_1105 = arith.cmpi eq, %arg0, %eq3A_1104 : i32
      %convert_element_type3A_1106 = arith.extui %eq3A_1105 : i1 to i32
      %cond3A_1107 = arith.constant 0 : i32
      %cond3A_1108 = arith.cmpi ne, %convert_element_type3A_1106, %cond3A_1107 : i32
      scf.if %cond3A_1108 {
        %dma_start3A_1109 = arith.constant 1 : i32
        %dma_start3A_1110 = arith.constant 6 : i32
        %dma_start3A_1111 = arith.constant 0 : i32
        %dma_start3A_1112 = tpu.memref_slice %arg8[%dma_start3A_1109, %dma_start3A_1110, %dma_start3A_1111] : memref<2x8x128xi32, #tpu.memory_space<vmem>> -> memref<1x1x128xi32, #tpu.memory_space<vmem>>
        %dma_start3A_1113 = tpu.memref_squeeze %dma_start3A_1112 : memref<1x1x128xi32, #tpu.memory_space<vmem>> -> memref<128xi32, #tpu.memory_space<vmem>>
        %dma_start3A_1114 = arith.constant 0 : i32
        %dma_start3A_1115 = tpu.memref_slice %arg14[%dma_start3A_1114] : memref<50176xf32, #tpu.memory_space<vmem_shared>> -> memref<50176xf32, #tpu.memory_space<vmem_shared>>
        tpu.enqueue_indirect_dma source(%arg12 : memref<128xf32, #tpu.memory_space<vmem>>) target(%dma_start3A_1115 : memref<50176xf32, #tpu.memory_space<vmem_shared>>) offsets(%dma_start3A_1113 : memref<128xi32, #tpu.memory_space<vmem>>) semaphore(%arg17 : memref<!tpu.dma_semaphore, #tpu.memory_space<semaphore_mem>>) {add = true}
        %dma_start3A_1116 = arith.constant 1 : i32
        %dma_start3A_1117 = arith.constant 7 : i32
        %dma_start3A_1118 = arith.constant 0 : i32
        %dma_start3A_1119 = tpu.memref_slice %arg8[%dma_start3A_1116, %dma_start3A_1117, %dma_start3A_1118] : memref<2x8x128xi32, #tpu.memory_space<vmem>> -> memref<1x1x128xi32, #tpu.memory_space<vmem>>
        %dma_start3A_1120 = tpu.memref_squeeze %dma_start3A_1119 : memref<1x1x128xi32, #tpu.memory_space<vmem>> -> memref<128xi32, #tpu.memory_space<vmem>>
        %dma_start3A_1121 = arith.constant 0 : i32
        %dma_start3A_1122 = tpu.memref_slice %arg14[%dma_start3A_1121] : memref<50176xf32, #tpu.memory_space<vmem_shared>> -> memref<50176xf32, #tpu.memory_space<vmem_shared>>
        tpu.enqueue_indirect_dma source(%arg12 : memref<128xf32, #tpu.memory_space<vmem>>) target(%dma_start3A_1122 : memref<50176xf32, #tpu.memory_space<vmem_shared>>) offsets(%dma_start3A_1120 : memref<128xi32, #tpu.memory_space<vmem>>) semaphore(%arg17 : memref<!tpu.dma_semaphore, #tpu.memory_space<semaphore_mem>>) {add = true}
      } else {
      }
    }
    %scan3A_52 = arith.constant 25 : i32
    %dma_wait3A = arith.constant 0 : i32
    %dma_wait3A_53 = arith.constant 0 : i32
    %dma_wait3A_54 = tpu.memref_slice %arg13[%dma_wait3A, %dma_wait3A_53] : memref<50176x32xf32, #tpu.memory_space<vmem_shared>> -> memref<128x32xf32, #tpu.memory_space<vmem_shared>>
    %dma_wait3A_55 = arith.constant 0 : i32
    %dma_wait3A_56 = arith.constant 0 : i32
    %dma_wait3A_57 = tpu.memref_slice %arg2[%dma_wait3A_55, %dma_wait3A_56] : memref<100352x32xf32, #tpu.memory_space<hbm>> -> memref<128x32xf32, #tpu.memory_space<hbm>>
    tpu.wait_dma2 semaphore(%arg16 : memref<!tpu.dma_semaphore, #tpu.memory_space<semaphore_mem>>) src(%dma_wait3A_57 : memref<128x32xf32, #tpu.memory_space<hbm>>) dst(%dma_wait3A_54 : memref<128x32xf32, #tpu.memory_space<vmem_shared>>)
    %dma_wait3A_58 = arith.constant 0 : i32
    %dma_wait3A_59 = arith.constant 0 : i32
    %dma_wait3A_60 = tpu.memref_slice %arg13[%dma_wait3A_58, %dma_wait3A_59] : memref<50176x32xf32, #tpu.memory_space<vmem_shared>> -> memref<128x32xf32, #tpu.memory_space<vmem_shared>>
    %dma_wait3A_61 = arith.constant 0 : i32
    %dma_wait3A_62 = arith.constant 0 : i32
    %dma_wait3A_63 = tpu.memref_slice %arg2[%dma_wait3A_61, %dma_wait3A_62] : memref<100352x32xf32, #tpu.memory_space<hbm>> -> memref<128x32xf32, #tpu.memory_space<hbm>>
    tpu.wait_dma2 semaphore(%arg16 : memref<!tpu.dma_semaphore, #tpu.memory_space<semaphore_mem>>) src(%dma_wait3A_63 : memref<128x32xf32, #tpu.memory_space<hbm>>) dst(%dma_wait3A_60 : memref<128x32xf32, #tpu.memory_space<vmem_shared>>)
    %dma_wait3A_64 = arith.constant 0 : i32
    %dma_wait3A_65 = arith.constant 0 : i32
    %dma_wait3A_66 = tpu.memref_slice %arg13[%dma_wait3A_64, %dma_wait3A_65] : memref<50176x32xf32, #tpu.memory_space<vmem_shared>> -> memref<128x32xf32, #tpu.memory_space<vmem_shared>>
    %dma_wait3A_67 = arith.constant 0 : i32
    %dma_wait3A_68 = arith.constant 0 : i32
    %dma_wait3A_69 = tpu.memref_slice %arg2[%dma_wait3A_67, %dma_wait3A_68] : memref<100352x32xf32, #tpu.memory_space<hbm>> -> memref<128x32xf32, #tpu.memory_space<hbm>>
    tpu.wait_dma2 semaphore(%arg16 : memref<!tpu.dma_semaphore, #tpu.memory_space<semaphore_mem>>) src(%dma_wait3A_69 : memref<128x32xf32, #tpu.memory_space<hbm>>) dst(%dma_wait3A_66 : memref<128x32xf32, #tpu.memory_space<vmem_shared>>)
    %dma_wait3A_70 = arith.constant 0 : i32
    %dma_wait3A_71 = arith.constant 0 : i32
    %dma_wait3A_72 = tpu.memref_slice %arg13[%dma_wait3A_70, %dma_wait3A_71] : memref<50176x32xf32, #tpu.memory_space<vmem_shared>> -> memref<128x32xf32, #tpu.memory_space<vmem_shared>>
    %dma_wait3A_73 = arith.constant 0 : i32
    %dma_wait3A_74 = arith.constant 0 : i32
    %dma_wait3A_75 = tpu.memref_slice %arg2[%dma_wait3A_73, %dma_wait3A_74] : memref<100352x32xf32, #tpu.memory_space<hbm>> -> memref<128x32xf32, #tpu.memory_space<hbm>>
    tpu.wait_dma2 semaphore(%arg16 : memref<!tpu.dma_semaphore, #tpu.memory_space<semaphore_mem>>) src(%dma_wait3A_75 : memref<128x32xf32, #tpu.memory_space<hbm>>) dst(%dma_wait3A_72 : memref<128x32xf32, #tpu.memory_space<vmem_shared>>)
    %eq3A_76 = arith.constant 0 : i32
    %eq3A_77 = arith.cmpi eq, %arg0, %eq3A_76 : i32
    %convert_element_type3A_78 = arith.extui %eq3A_77 : i1 to i32
    %cond3A_79 = arith.constant 0 : i32
    %cond3A_80 = arith.cmpi ne, %convert_element_type3A_78, %cond3A_79 : i32
    scf.if %cond3A_80 {
      %dma_wait3A_93 = arith.constant 0 : i32
      %dma_wait3A_94 = tpu.memref_slice %arg14[%dma_wait3A_93] : memref<50176xf32, #tpu.memory_space<vmem_shared>> -> memref<1024xf32, #tpu.memory_space<vmem_shared>>
      %dma_wait3A_95 = arith.constant 0 : i32
      %dma_wait3A_96 = tpu.memref_slice %arg6[%dma_wait3A_95] : memref<50176xf32, #tpu.memory_space<hbm>> -> memref<1024xf32, #tpu.memory_space<hbm>>
      tpu.wait_dma2 semaphore(%arg17 : memref<!tpu.dma_semaphore, #tpu.memory_space<semaphore_mem>>) src(%dma_wait3A_96 : memref<1024xf32, #tpu.memory_space<hbm>>) dst(%dma_wait3A_94 : memref<1024xf32, #tpu.memory_space<vmem_shared>>)
    } else {
    }
    %barrier3A_81 = arith.constant 0 : index
    tpu.barrier barrier_id(%barrier3A_81)
    %scan3A_82 = arith.constant 0 : i32
    %scan3A_83 = arith.constant 0 : i32
    %scan3A_84 = arith.constant 32 : i32
    %scan3A_85 = arith.addi %scan3A_83, %scan3A_84 : i32
    %scan3A_86 = arith.constant 1 : i32
    scf.for %scan3A_93 = %scan3A_83 to %scan3A_85 step %scan3A_86  : i32 {
      %mul3A_94 = arith.constant 98 : i32
      %mul3A_95 = arith.muli %scan3A_93, %mul3A_94 : i32
      %add3A_96 = arith.addi %mul3A_0, %mul3A_95 : i32
      "tpu.region"() ({
        %run_scoped3A = tpu.sem_alloc : memref<!tpu.dma_semaphore, #tpu.memory_space<semaphore_mem>>
        %dma_start3A_101 = arith.constant 0 : i32
        %dma_start3A_102 = tpu.memref_slice %arg13[%add3A_96, %dma_start3A_101] : memref<50176x32xf32, #tpu.memory_space<vmem_shared>> -> memref<98x32xf32, #tpu.memory_space<vmem_shared>>
        %dma_start3A_103 = arith.constant 0 : i32
        %dma_start3A_104 = tpu.memref_slice %arg13[%add3A_96, %dma_start3A_103] : memref<50176x32xf32, #tpu.memory_space<vmem_shared>> -> memref<98x32xf32, #tpu.memory_space<vmem_shared>>
        tpu.enqueue_dma source(%dma_start3A_104 : memref<98x32xf32, #tpu.memory_space<vmem_shared>>) target(%arg10 : memref<98x32xf32, #tpu.memory_space<vmem>>) target_semaphore(%run_scoped3A : memref<!tpu.dma_semaphore, #tpu.memory_space<semaphore_mem>>)
        %dma_wait3A_105 = arith.constant 0 : i32
        %dma_wait3A_106 = tpu.memref_slice %arg13[%add3A_96, %dma_wait3A_105] : memref<50176x32xf32, #tpu.memory_space<vmem_shared>> -> memref<98x32xf32, #tpu.memory_space<vmem_shared>>
        %dma_wait3A_107 = arith.constant 0 : i32
        %dma_wait3A_108 = tpu.memref_slice %arg13[%add3A_96, %dma_wait3A_107] : memref<50176x32xf32, #tpu.memory_space<vmem_shared>> -> memref<98x32xf32, #tpu.memory_space<vmem_shared>>
        tpu.wait_dma2 semaphore(%run_scoped3A : memref<!tpu.dma_semaphore, #tpu.memory_space<semaphore_mem>>) src(%dma_wait3A_108 : memref<98x32xf32, #tpu.memory_space<vmem_shared>>) dst(%arg10 : memref<98x32xf32, #tpu.memory_space<vmem>>)
        tpu.yield
      }) : () -> ()
      %add3A_97 = arith.addi %mul3A_4, %mul3A_0 : i32
      %mul3A_98 = arith.constant 98 : i32
      %mul3A_99 = arith.muli %scan3A_93, %mul3A_98 : i32
      %add3A_100 = arith.addi %add3A_97, %mul3A_99 : i32
      "tpu.region"() ({
        %run_scoped3A = tpu.sem_alloc : memref<!tpu.dma_semaphore, #tpu.memory_space<semaphore_mem>>
        %dma_start3A_101 = arith.constant 0 : i32
        %dma_start3A_102 = tpu.memref_slice %arg5[%add3A_100, %dma_start3A_101] : memref<100352x32xf32, #tpu.memory_space<hbm>> -> memref<98x32xf32, #tpu.memory_space<hbm>>
        %dma_start3A_103 = arith.constant 0 : i32
        %dma_start3A_104 = tpu.memref_slice %arg5[%add3A_100, %dma_start3A_103] : memref<100352x32xf32, #tpu.memory_space<hbm>> -> memref<98x32xf32, #tpu.memory_space<hbm>>
        tpu.enqueue_dma source(%arg10 : memref<98x32xf32, #tpu.memory_space<vmem>>) target(%dma_start3A_104 : memref<98x32xf32, #tpu.memory_space<hbm>>) target_semaphore(%run_scoped3A : memref<!tpu.dma_semaphore, #tpu.memory_space<semaphore_mem>>)
        %dma_wait3A_105 = arith.constant 0 : i32
        %dma_wait3A_106 = tpu.memref_slice %arg5[%add3A_100, %dma_wait3A_105] : memref<100352x32xf32, #tpu.memory_space<hbm>> -> memref<98x32xf32, #tpu.memory_space<hbm>>
        %dma_wait3A_107 = arith.constant 0 : i32
        %dma_wait3A_108 = tpu.memref_slice %arg5[%add3A_100, %dma_wait3A_107] : memref<100352x32xf32, #tpu.memory_space<hbm>> -> memref<98x32xf32, #tpu.memory_space<hbm>>
        tpu.wait_dma2 semaphore(%run_scoped3A : memref<!tpu.dma_semaphore, #tpu.memory_space<semaphore_mem>>) src(%arg10 : memref<98x32xf32, #tpu.memory_space<vmem>>) dst(%dma_wait3A_108 : memref<98x32xf32, #tpu.memory_space<hbm>>)
        tpu.yield
      }) : () -> ()
    }
    %scan3A_87 = arith.constant 32 : i32
    %eq3A_88 = arith.constant 0 : i32
    %eq3A_89 = arith.cmpi eq, %arg0, %eq3A_88 : i32
    %convert_element_type3A_90 = arith.extui %eq3A_89 : i1 to i32
    %cond3A_91 = arith.constant 0 : i32
    %cond3A_92 = arith.cmpi ne, %convert_element_type3A_90, %cond3A_91 : i32
    scf.if %cond3A_92 {
      "tpu.region"() ({
        %run_scoped3A = tpu.sem_alloc : memref<!tpu.dma_semaphore, #tpu.memory_space<semaphore_mem>>
        %dma_start3A_93 = tpu.memref_slice %arg14[%mul3A_0] : memref<50176xf32, #tpu.memory_space<vmem_shared>> -> memref<3136xf32, #tpu.memory_space<vmem_shared>>
        %dma_start3A_94 = tpu.memref_slice %arg14[%mul3A_0] : memref<50176xf32, #tpu.memory_space<vmem_shared>> -> memref<3136xf32, #tpu.memory_space<vmem_shared>>
        tpu.enqueue_dma source(%dma_start3A_94 : memref<3136xf32, #tpu.memory_space<vmem_shared>>) target(%arg11 : memref<3136xf32, #tpu.memory_space<vmem>>) target_semaphore(%run_scoped3A : memref<!tpu.dma_semaphore, #tpu.memory_space<semaphore_mem>>)
        %dma_wait3A_95 = tpu.memref_slice %arg14[%mul3A_0] : memref<50176xf32, #tpu.memory_space<vmem_shared>> -> memref<3136xf32, #tpu.memory_space<vmem_shared>>
        %dma_wait3A_96 = tpu.memref_slice %arg14[%mul3A_0] : memref<50176xf32, #tpu.memory_space<vmem_shared>> -> memref<3136xf32, #tpu.memory_space<vmem_shared>>
        tpu.wait_dma2 semaphore(%run_scoped3A : memref<!tpu.dma_semaphore, #tpu.memory_space<semaphore_mem>>) src(%dma_wait3A_96 : memref<3136xf32, #tpu.memory_space<vmem_shared>>) dst(%arg11 : memref<3136xf32, #tpu.memory_space<vmem>>)
        tpu.yield
      }) : () -> ()
      "tpu.region"() ({
        %run_scoped3A = tpu.sem_alloc : memref<!tpu.dma_semaphore, #tpu.memory_space<semaphore_mem>>
        %dma_start3A_93 = tpu.memref_slice %arg6[%mul3A_0] : memref<50176xf32, #tpu.memory_space<hbm>> -> memref<3136xf32, #tpu.memory_space<hbm>>
        %dma_start3A_94 = tpu.memref_slice %arg6[%mul3A_0] : memref<50176xf32, #tpu.memory_space<hbm>> -> memref<3136xf32, #tpu.memory_space<hbm>>
        tpu.enqueue_dma source(%arg11 : memref<3136xf32, #tpu.memory_space<vmem>>) target(%dma_start3A_94 : memref<3136xf32, #tpu.memory_space<hbm>>) target_semaphore(%run_scoped3A : memref<!tpu.dma_semaphore, #tpu.memory_space<semaphore_mem>>)
        %dma_wait3A_95 = tpu.memref_slice %arg6[%mul3A_0] : memref<50176xf32, #tpu.memory_space<hbm>> -> memref<3136xf32, #tpu.memory_space<hbm>>
        %dma_wait3A_96 = tpu.memref_slice %arg6[%mul3A_0] : memref<50176xf32, #tpu.memory_space<hbm>> -> memref<3136xf32, #tpu.memory_space<hbm>>
        tpu.wait_dma2 semaphore(%run_scoped3A : memref<!tpu.dma_semaphore, #tpu.memory_space<semaphore_mem>>) src(%arg11 : memref<3136xf32, #tpu.memory_space<vmem>>) dst(%dma_wait3A_96 : memref<3136xf32, #tpu.memory_space<hbm>>)
        tpu.yield
      }) : () -> ()
    } else {
    }
    return
  }
}

#map = affine_map<(d0, d1) -> (0, 0)>
module attributes {stable_mosaic.version = 14 : i64} {
  func.func @body(%arg0: i32, %arg1: i32, %arg2: memref<100352x32xf32, #tpu.memory_space<hbm>>, %arg3: memref<6400x128xi32, #tpu.memory_space<hbm>>, %arg4: memref<6400x128xi32, #tpu.memory_space<hbm>>, %arg5: memref<100352x32xf32, #tpu.memory_space<hbm>>, %arg6: memref<2x8x128xi32, #tpu.memory_space<vmem>>, %arg7: memref<2x8x128xi32, #tpu.memory_space<vmem>>, %arg8: memref<2x2x128x32xf32, #tpu.memory_space<vmem>>, %arg9: memref<98x32xf32, #tpu.memory_space<vmem>>, %arg10: memref<3136xf32, #tpu.memory_space<vmem>>, %arg11: memref<128xf32, #tpu.memory_space<vmem>>, %arg12: memref<50176x32xf32, #tpu.memory_space<vmem_shared>>, %arg13: memref<50176xf32, #tpu.memory_space<vmem_shared>>, %arg14: memref<!tpu.dma_semaphore, #tpu.memory_space<semaphore_mem>>, %arg15: memref<!tpu.dma_semaphore, #tpu.memory_space<semaphore_mem>>, %arg16: memref<!tpu.dma_semaphore, #tpu.memory_space<semaphore_mem>>, %arg17: memref<!tpu.dma_semaphore, #tpu.memory_space<semaphore_mem>>) attributes {dimension_semantics = [#tpu.dimension_semantics<core_parallel>, #tpu.dimension_semantics<subcore_parallel>], iteration_bounds = array<i64: 2, 16>, scalar_prefetch = 0 : i64, scratch_operands = 12 : i64, tpu.core_type = #tpu.core_type<sc_vector_subcore>, window_params = [{transform_indices = #map}, {transform_indices = #map}, {transform_indices = #map}, {transform_indices = #map}]} {
    %mul3A = arith.constant 3136 : i32
    %mul3A_0 = arith.muli %arg1, %mul3A : i32
    %mul3A_1 = arith.constant 400 : i32
    %mul3A_2 = arith.muli %arg1, %mul3A_1 : i32
    %mul3A_3 = arith.constant 50176 : i32
    %mul3A_4 = arith.muli %arg0, %mul3A_3 : i32
    %broadcast_in_dim3A = arith.constant 0.000000e+00 : f32
    %broadcast_in_dim3A_5 = vector.broadcast %broadcast_in_dim3A : f32 to vector<16xf32>
    %scan3A = arith.constant 0 : i32
    %scan3A_6 = arith.constant 0 : i32
    %scan3A_7 = arith.constant 98 : i32
    %scan3A_8 = arith.addi %scan3A_6, %scan3A_7 : i32
    %scan3A_9 = arith.constant 1 : i32
    scf.for %scan3A_81 = %scan3A_6 to %scan3A_8 step %scan3A_9  : i32 {
      %swap3A = arith.index_cast %scan3A_81 : i32 to index
      %swap3A_82 = arith.constant 0 : index
      %swap3A_83 = tpu.vector_load %arg9[%swap3A, %swap3A_82] {strides = array<i32>} : memref<98x32xf32, #tpu.memory_space<vmem>>, vector<1x16xf32>,
      %swap3A_84 = vector.shape_cast %swap3A_83 : vector<1x16xf32> to vector<16xf32>
      %swap3A_85 = vector.shape_cast %broadcast_in_dim3A_5 : vector<16xf32> to vector<1x16xf32>
      tpu.vector_store %arg9[%swap3A, %swap3A_82], %swap3A_85 {strides = array<i32>} : memref<98x32xf32, #tpu.memory_space<vmem>>, vector<1x16xf32>,
      %swap3A_86 = arith.index_cast %scan3A_81 : i32 to index
      %swap3A_87 = arith.constant 16 : index
      %swap3A_88 = tpu.vector_load %arg9[%swap3A_86, %swap3A_87] {strides = array<i32>} : memref<98x32xf32, #tpu.memory_space<vmem>>, vector<1x16xf32>,
      %swap3A_89 = vector.shape_cast %swap3A_88 : vector<1x16xf32> to vector<16xf32>
      %swap3A_90 = vector.shape_cast %broadcast_in_dim3A_5 : vector<16xf32> to vector<1x16xf32>
      tpu.vector_store %arg9[%swap3A_86, %swap3A_87], %swap3A_90 {strides = array<i32>} : memref<98x32xf32, #tpu.memory_space<vmem>>, vector<1x16xf32>,
    }
    %scan3A_10 = arith.constant 98 : i32
    %scan3A_11 = arith.constant 0 : i32
    %scan3A_12 = arith.constant 0 : i32
    %scan3A_13 = arith.constant 32 : i32
    %scan3A_14 = arith.addi %scan3A_12, %scan3A_13 : i32
    %scan3A_15 = arith.constant 1 : i32
    scf.for %scan3A_81 = %scan3A_12 to %scan3A_14 step %scan3A_15  : i32 {
      %mul3A_82 = arith.constant 98 : i32
      %mul3A_83 = arith.muli %scan3A_81, %mul3A_82 : i32
      %add3A_84 = arith.addi %mul3A_0, %mul3A_83 : i32
      "tpu.region"() ({
        %run_scoped3A = tpu.sem_alloc : memref<!tpu.dma_semaphore, #tpu.memory_space<semaphore_mem>>
        %dma_start3A_85 = arith.constant 0 : i32
        %dma_start3A_86 = tpu.memref_slice %arg12[%add3A_84, %dma_start3A_85] : memref<50176x32xf32, #tpu.memory_space<vmem_shared>> -> memref<98x32xf32, #tpu.memory_space<vmem_shared>>
        %dma_start3A_87 = arith.constant 0 : i32
        %dma_start3A_88 = tpu.memref_slice %arg12[%add3A_84, %dma_start3A_87] : memref<50176x32xf32, #tpu.memory_space<vmem_shared>> -> memref<98x32xf32, #tpu.memory_space<vmem_shared>>
        tpu.enqueue_dma source(%arg9 : memref<98x32xf32, #tpu.memory_space<vmem>>) target(%dma_start3A_88 : memref<98x32xf32, #tpu.memory_space<vmem_shared>>) target_semaphore(%run_scoped3A : memref<!tpu.dma_semaphore, #tpu.memory_space<semaphore_mem>>)
        %dma_wait3A_89 = arith.constant 0 : i32
        %dma_wait3A_90 = tpu.memref_slice %arg12[%add3A_84, %dma_wait3A_89] : memref<50176x32xf32, #tpu.memory_space<vmem_shared>> -> memref<98x32xf32, #tpu.memory_space<vmem_shared>>
        %dma_wait3A_91 = arith.constant 0 : i32
        %dma_wait3A_92 = tpu.memref_slice %arg12[%add3A_84, %dma_wait3A_91] : memref<50176x32xf32, #tpu.memory_space<vmem_shared>> -> memref<98x32xf32, #tpu.memory_space<vmem_shared>>
        tpu.wait_dma2 semaphore(%run_scoped3A : memref<!tpu.dma_semaphore, #tpu.memory_space<semaphore_mem>>) src(%arg9 : memref<98x32xf32, #tpu.memory_space<vmem>>) dst(%dma_wait3A_92 : memref<98x32xf32, #tpu.memory_space<vmem_shared>>)
        tpu.yield
      }) : () -> ()
    }
    %scan3A_16 = arith.constant 32 : i32
    %barrier3A = arith.constant 0 : index
    tpu.barrier barrier_id(%barrier3A)
    %add3A = arith.constant 0 : i32
    %add3A_17 = arith.addi %mul3A_2, %add3A : i32
    %dma_start3A = arith.constant 0 : i32
    %dma_start3A_18 = arith.constant 0 : i32
    %dma_start3A_19 = arith.constant 0 : i32
    %dma_start3A_20 = tpu.memref_slice %arg6[%dma_start3A, %dma_start3A_18, %dma_start3A_19] : memref<2x8x128xi32, #tpu.memory_space<vmem>> -> memref<1x8x128xi32, #tpu.memory_space<vmem>>
    %dma_start3A_21 = tpu.memref_squeeze %dma_start3A_20 : memref<1x8x128xi32, #tpu.memory_space<vmem>> -> memref<8x128xi32, #tpu.memory_space<vmem>>
    %dma_start3A_22 = arith.constant 0 : i32
    %dma_start3A_23 = tpu.memref_slice %arg3[%add3A_17, %dma_start3A_22] : memref<6400x128xi32, #tpu.memory_space<hbm>> -> memref<8x128xi32, #tpu.memory_space<hbm>>
    %dma_start3A_24 = arith.constant 0 : i32
    %dma_start3A_25 = arith.constant 0 : i32
    %dma_start3A_26 = tpu.memref_slice %arg6[%dma_start3A, %dma_start3A_24, %dma_start3A_25] : memref<2x8x128xi32, #tpu.memory_space<vmem>> -> memref<1x8x128xi32, #tpu.memory_space<vmem>>
    %dma_start3A_27 = tpu.memref_squeeze %dma_start3A_26 : memref<1x8x128xi32, #tpu.memory_space<vmem>> -> memref<8x128xi32, #tpu.memory_space<vmem>>
    %dma_start3A_28 = arith.constant 0 : i32
    %dma_start3A_29 = tpu.memref_slice %arg3[%add3A_17, %dma_start3A_28] : memref<6400x128xi32, #tpu.memory_space<hbm>> -> memref<8x128xi32, #tpu.memory_space<hbm>>
    tpu.enqueue_dma source(%dma_start3A_29 : memref<8x128xi32, #tpu.memory_space<hbm>>) target(%dma_start3A_27 : memref<8x128xi32, #tpu.memory_space<vmem>>) target_semaphore(%arg17 : memref<!tpu.dma_semaphore, #tpu.memory_space<semaphore_mem>>)
    %add3A_30 = arith.constant 0 : i32
    %add3A_31 = arith.addi %mul3A_2, %add3A_30 : i32
    %dma_start3A_32 = arith.constant 0 : i32
    %dma_start3A_33 = arith.constant 0 : i32
    %dma_start3A_34 = arith.constant 0 : i32
    %dma_start3A_35 = tpu.memref_slice %arg7[%dma_start3A_32, %dma_start3A_33, %dma_start3A_34] : memref<2x8x128xi32, #tpu.memory_space<vmem>> -> memref<1x8x128xi32, #tpu.memory_space<vmem>>
    %dma_start3A_36 = tpu.memref_squeeze %dma_start3A_35 : memref<1x8x128xi32, #tpu.memory_space<vmem>> -> memref<8x128xi32, #tpu.memory_space<vmem>>
    %dma_start3A_37 = arith.constant 0 : i32
    %dma_start3A_38 = tpu.memref_slice %arg4[%add3A_31, %dma_start3A_37] : memref<6400x128xi32, #tpu.memory_space<hbm>> -> memref<8x128xi32, #tpu.memory_space<hbm>>
    %dma_start3A_39 = arith.constant 0 : i32
    %dma_start3A_40 = arith.constant 0 : i32
    %dma_start3A_41 = tpu.memref_slice %arg7[%dma_start3A_32, %dma_start3A_39, %dma_start3A_40] : memref<2x8x128xi32, #tpu.memory_space<vmem>> -> memref<1x8x128xi32, #tpu.memory_space<vmem>>
    %dma_start3A_42 = tpu.memref_squeeze %dma_start3A_41 : memref<1x8x128xi32, #tpu.memory_space<vmem>> -> memref<8x128xi32, #tpu.memory_space<vmem>>
    %dma_start3A_43 = arith.constant 0 : i32
    %dma_start3A_44 = tpu.memref_slice %arg4[%add3A_31, %dma_start3A_43] : memref<6400x128xi32, #tpu.memory_space<hbm>> -> memref<8x128xi32, #tpu.memory_space<hbm>>
    tpu.enqueue_dma source(%dma_start3A_44 : memref<8x128xi32, #tpu.memory_space<hbm>>) target(%dma_start3A_42 : memref<8x128xi32, #tpu.memory_space<vmem>>) target_semaphore(%arg17 : memref<!tpu.dma_semaphore, #tpu.memory_space<semaphore_mem>>)
    %scan3A_45 = arith.constant 0 : i32
    %scan3A_46 = arith.constant 0 : i32
    %scan3A_47 = arith.constant 25 : i32
    %scan3A_48 = arith.addi %scan3A_46, %scan3A_47 : i32
    %scan3A_49 = arith.constant 1 : i32
    scf.for %scan3A_81 = %scan3A_46 to %scan3A_48 step %scan3A_49  : i32 {
      %mul3A_82 = arith.constant 2 : i32
      %mul3A_83 = arith.muli %mul3A_82, %scan3A_81 : i32
      %gt3A = arith.constant 0 : i32
      %gt3A_84 = arith.cmpi sgt, %mul3A_83, %gt3A : i32
      %dma_wait3A_85 = arith.constant 0 : i32
      %dma_wait3A_86 = arith.constant 0 : i32
      %dma_wait3A_87 = arith.constant 0 : i32
      %dma_wait3A_88 = tpu.memref_slice %arg6[%dma_wait3A_85, %dma_wait3A_86, %dma_wait3A_87] : memref<2x8x128xi32, #tpu.memory_space<vmem>> -> memref<1x8x128xi32, #tpu.memory_space<vmem>>
      %dma_wait3A_89 = tpu.memref_squeeze %dma_wait3A_88 : memref<1x8x128xi32, #tpu.memory_space<vmem>> -> memref<8x128xi32, #tpu.memory_space<vmem>>
      %dma_wait3A_90 = arith.constant 0 : i32
      %dma_wait3A_91 = tpu.memref_slice %arg3[%mul3A_2, %dma_wait3A_90] : memref<6400x128xi32, #tpu.memory_space<hbm>> -> memref<8x128xi32, #tpu.memory_space<hbm>>
      %dma_wait3A_92 = arith.constant 0 : i32
      %dma_wait3A_93 = arith.constant 0 : i32
      %dma_wait3A_94 = tpu.memref_slice %arg6[%dma_wait3A_85, %dma_wait3A_92, %dma_wait3A_93] : memref<2x8x128xi32, #tpu.memory_space<vmem>> -> memref<1x8x128xi32, #tpu.memory_space<vmem>>
      %dma_wait3A_95 = tpu.memref_squeeze %dma_wait3A_94 : memref<1x8x128xi32, #tpu.memory_space<vmem>> -> memref<8x128xi32, #tpu.memory_space<vmem>>
      %dma_wait3A_96 = arith.constant 0 : i32
      %dma_wait3A_97 = tpu.memref_slice %arg3[%mul3A_2, %dma_wait3A_96] : memref<6400x128xi32, #tpu.memory_space<hbm>> -> memref<8x128xi32, #tpu.memory_space<hbm>>
      tpu.wait_dma2 semaphore(%arg17 : memref<!tpu.dma_semaphore, #tpu.memory_space<semaphore_mem>>) src(%dma_wait3A_97 : memref<8x128xi32, #tpu.memory_space<hbm>>) dst(%dma_wait3A_95 : memref<8x128xi32, #tpu.memory_space<vmem>>)
      %dma_wait3A_98 = arith.constant 0 : i32
      %dma_wait3A_99 = arith.constant 0 : i32
      %dma_wait3A_100 = arith.constant 0 : i32
      %dma_wait3A_101 = tpu.memref_slice %arg6[%dma_wait3A_98, %dma_wait3A_99, %dma_wait3A_100] : memref<2x8x128xi32, #tpu.memory_space<vmem>> -> memref<1x8x128xi32, #tpu.memory_space<vmem>>
      %dma_wait3A_102 = tpu.memref_squeeze %dma_wait3A_101 : memref<1x8x128xi32, #tpu.memory_space<vmem>> -> memref<8x128xi32, #tpu.memory_space<vmem>>
      %dma_wait3A_103 = arith.constant 0 : i32
      %dma_wait3A_104 = tpu.memref_slice %arg3[%mul3A_2, %dma_wait3A_103] : memref<6400x128xi32, #tpu.memory_space<hbm>> -> memref<8x128xi32, #tpu.memory_space<hbm>>
      %dma_wait3A_105 = arith.constant 0 : i32
      %dma_wait3A_106 = arith.constant 0 : i32
      %dma_wait3A_107 = tpu.memref_slice %arg6[%dma_wait3A_98, %dma_wait3A_105, %dma_wait3A_106] : memref<2x8x128xi32, #tpu.memory_space<vmem>> -> memref<1x8x128xi32, #tpu.memory_space<vmem>>
      %dma_wait3A_108 = tpu.memref_squeeze %dma_wait3A_107 : memref<1x8x128xi32, #tpu.memory_space<vmem>> -> memref<8x128xi32, #tpu.memory_space<vmem>>
      %dma_wait3A_109 = arith.constant 0 : i32
      %dma_wait3A_110 = tpu.memref_slice %arg3[%mul3A_2, %dma_wait3A_109] : memref<6400x128xi32, #tpu.memory_space<hbm>> -> memref<8x128xi32, #tpu.memory_space<hbm>>
      tpu.wait_dma2 semaphore(%arg17 : memref<!tpu.dma_semaphore, #tpu.memory_space<semaphore_mem>>) src(%dma_wait3A_110 : memref<8x128xi32, #tpu.memory_space<hbm>>) dst(%dma_wait3A_108 : memref<8x128xi32, #tpu.memory_space<vmem>>)
      %convert_element_type3A = arith.extui %gt3A_84 : i1 to i32
      %cond3A = arith.constant 0 : i32
      %cond3A_111 = arith.cmpi ne, %convert_element_type3A, %cond3A : i32
      scf.if %cond3A_111 {
        %dma_wait3A_1050 = arith.constant 0 : i32
        %dma_wait3A_1051 = arith.constant 0 : i32
        %dma_wait3A_1052 = tpu.memref_slice %arg12[%dma_wait3A_1050, %dma_wait3A_1051] : memref<50176x32xf32, #tpu.memory_space<vmem_shared>> -> memref<128x32xf32, #tpu.memory_space<vmem_shared>>
        %dma_wait3A_1053 = arith.constant 0 : i32
        %dma_wait3A_1054 = arith.constant 0 : i32
        %dma_wait3A_1055 = tpu.memref_slice %arg2[%dma_wait3A_1053, %dma_wait3A_1054] : memref<100352x32xf32, #tpu.memory_space<hbm>> -> memref<128x32xf32, #tpu.memory_space<hbm>>
        tpu.wait_dma2 semaphore(%arg15 : memref<!tpu.dma_semaphore, #tpu.memory_space<semaphore_mem>>) src(%dma_wait3A_1055 : memref<128x32xf32, #tpu.memory_space<hbm>>) dst(%dma_wait3A_1052 : memref<128x32xf32, #tpu.memory_space<vmem_shared>>)
        %dma_wait3A_1056 = arith.constant 0 : i32
        %dma_wait3A_1057 = arith.constant 0 : i32
        %dma_wait3A_1058 = tpu.memref_slice %arg12[%dma_wait3A_1056, %dma_wait3A_1057] : memref<50176x32xf32, #tpu.memory_space<vmem_shared>> -> memref<128x32xf32, #tpu.memory_space<vmem_shared>>
        %dma_wait3A_1059 = arith.constant 0 : i32
        %dma_wait3A_1060 = arith.constant 0 : i32
        %dma_wait3A_1061 = tpu.memref_slice %arg2[%dma_wait3A_1059, %dma_wait3A_1060] : memref<100352x32xf32, #tpu.memory_space<hbm>> -> memref<128x32xf32, #tpu.memory_space<hbm>>
        tpu.wait_dma2 semaphore(%arg15 : memref<!tpu.dma_semaphore, #tpu.memory_space<semaphore_mem>>) src(%dma_wait3A_1061 : memref<128x32xf32, #tpu.memory_space<hbm>>) dst(%dma_wait3A_1058 : memref<128x32xf32, #tpu.memory_space<vmem_shared>>)
        %dma_wait3A_1062 = arith.constant 0 : i32
        %dma_wait3A_1063 = arith.constant 0 : i32
        %dma_wait3A_1064 = tpu.memref_slice %arg12[%dma_wait3A_1062, %dma_wait3A_1063] : memref<50176x32xf32, #tpu.memory_space<vmem_shared>> -> memref<128x32xf32, #tpu.memory_space<vmem_shared>>
        %dma_wait3A_1065 = arith.constant 0 : i32
        %dma_wait3A_1066 = arith.constant 0 : i32
        %dma_wait3A_1067 = tpu.memref_slice %arg2[%dma_wait3A_1065, %dma_wait3A_1066] : memref<100352x32xf32, #tpu.memory_space<hbm>> -> memref<128x32xf32, #tpu.memory_space<hbm>>
        tpu.wait_dma2 semaphore(%arg15 : memref<!tpu.dma_semaphore, #tpu.memory_space<semaphore_mem>>) src(%dma_wait3A_1067 : memref<128x32xf32, #tpu.memory_space<hbm>>) dst(%dma_wait3A_1064 : memref<128x32xf32, #tpu.memory_space<vmem_shared>>)
        %dma_wait3A_1068 = arith.constant 0 : i32
        %dma_wait3A_1069 = arith.constant 0 : i32
        %dma_wait3A_1070 = tpu.memref_slice %arg12[%dma_wait3A_1068, %dma_wait3A_1069] : memref<50176x32xf32, #tpu.memory_space<vmem_shared>> -> memref<128x32xf32, #tpu.memory_space<vmem_shared>>
        %dma_wait3A_1071 = arith.constant 0 : i32
        %dma_wait3A_1072 = arith.constant 0 : i32
        %dma_wait3A_1073 = tpu.memref_slice %arg2[%dma_wait3A_1071, %dma_wait3A_1072] : memref<100352x32xf32, #tpu.memory_space<hbm>> -> memref<128x32xf32, #tpu.memory_space<hbm>>
        tpu.wait_dma2 semaphore(%arg15 : memref<!tpu.dma_semaphore, #tpu.memory_space<semaphore_mem>>) src(%dma_wait3A_1073 : memref<128x32xf32, #tpu.memory_space<hbm>>) dst(%dma_wait3A_1070 : memref<128x32xf32, #tpu.memory_space<vmem_shared>>)
      } else {
      }
      %add3A_112 = arith.constant 1 : i32
      %add3A_113 = arith.addi %mul3A_83, %add3A_112 : i32
      %mul3A_114 = arith.constant 8 : i32
      %mul3A_115 = arith.muli %add3A_113, %mul3A_114 : i32
      %add3A_116 = arith.addi %mul3A_2, %mul3A_115 : i32
      %dma_start3A_117 = arith.constant 1 : i32
      %dma_start3A_118 = arith.constant 0 : i32
      %dma_start3A_119 = arith.constant 0 : i32
      %dma_start3A_120 = tpu.memref_slice %arg6[%dma_start3A_117, %dma_start3A_118, %dma_start3A_119] : memref<2x8x128xi32, #tpu.memory_space<vmem>> -> memref<1x8x128xi32, #tpu.memory_space<vmem>>
      %dma_start3A_121 = tpu.memref_squeeze %dma_start3A_120 : memref<1x8x128xi32, #tpu.memory_space<vmem>> -> memref<8x128xi32, #tpu.memory_space<vmem>>
      %dma_start3A_122 = arith.constant 0 : i32
      %dma_start3A_123 = tpu.memref_slice %arg3[%add3A_116, %dma_start3A_122] : memref<6400x128xi32, #tpu.memory_space<hbm>> -> memref<8x128xi32, #tpu.memory_space<hbm>>
      %dma_start3A_124 = arith.constant 0 : i32
      %dma_start3A_125 = arith.constant 0 : i32
      %dma_start3A_126 = tpu.memref_slice %arg6[%dma_start3A_117, %dma_start3A_124, %dma_start3A_125] : memref<2x8x128xi32, #tpu.memory_space<vmem>> -> memref<1x8x128xi32, #tpu.memory_space<vmem>>
      %dma_start3A_127 = tpu.memref_squeeze %dma_start3A_126 : memref<1x8x128xi32, #tpu.memory_space<vmem>> -> memref<8x128xi32, #tpu.memory_space<vmem>>
      %dma_start3A_128 = arith.constant 0 : i32
      %dma_start3A_129 = tpu.memref_slice %arg3[%add3A_116, %dma_start3A_128] : memref<6400x128xi32, #tpu.memory_space<hbm>> -> memref<8x128xi32, #tpu.memory_space<hbm>>
      tpu.enqueue_dma source(%dma_start3A_129 : memref<8x128xi32, #tpu.memory_space<hbm>>) target(%dma_start3A_127 : memref<8x128xi32, #tpu.memory_space<vmem>>) target_semaphore(%arg17 : memref<!tpu.dma_semaphore, #tpu.memory_space<semaphore_mem>>)
      %mul3A_130 = arith.constant 8 : i32
      %mul3A_131 = arith.muli %add3A_113, %mul3A_130 : i32
      %add3A_132 = arith.addi %mul3A_2, %mul3A_131 : i32
      %dma_start3A_133 = arith.constant 1 : i32
      %dma_start3A_134 = arith.constant 0 : i32
      %dma_start3A_135 = arith.constant 0 : i32
      %dma_start3A_136 = tpu.memref_slice %arg7[%dma_start3A_133, %dma_start3A_134, %dma_start3A_135] : memref<2x8x128xi32, #tpu.memory_space<vmem>> -> memref<1x8x128xi32, #tpu.memory_space<vmem>>
      %dma_start3A_137 = tpu.memref_squeeze %dma_start3A_136 : memref<1x8x128xi32, #tpu.memory_space<vmem>> -> memref<8x128xi32, #tpu.memory_space<vmem>>
      %dma_start3A_138 = arith.constant 0 : i32
      %dma_start3A_139 = tpu.memref_slice %arg4[%add3A_132, %dma_start3A_138] : memref<6400x128xi32, #tpu.memory_space<hbm>> -> memref<8x128xi32, #tpu.memory_space<hbm>>
      %dma_start3A_140 = arith.constant 0 : i32
      %dma_start3A_141 = arith.constant 0 : i32
      %dma_start3A_142 = tpu.memref_slice %arg7[%dma_start3A_133, %dma_start3A_140, %dma_start3A_141] : memref<2x8x128xi32, #tpu.memory_space<vmem>> -> memref<1x8x128xi32, #tpu.memory_space<vmem>>
      %dma_start3A_143 = tpu.memref_squeeze %dma_start3A_142 : memref<1x8x128xi32, #tpu.memory_space<vmem>> -> memref<8x128xi32, #tpu.memory_space<vmem>>
      %dma_start3A_144 = arith.constant 0 : i32
      %dma_start3A_145 = tpu.memref_slice %arg4[%add3A_132, %dma_start3A_144] : memref<6400x128xi32, #tpu.memory_space<hbm>> -> memref<8x128xi32, #tpu.memory_space<hbm>>
      tpu.enqueue_dma source(%dma_start3A_145 : memref<8x128xi32, #tpu.memory_space<hbm>>) target(%dma_start3A_143 : memref<8x128xi32, #tpu.memory_space<vmem>>) target_semaphore(%arg17 : memref<!tpu.dma_semaphore, #tpu.memory_space<semaphore_mem>>)
      %scan3A_146 = arith.constant 0 : i32
      %scan3A_147 = arith.constant 0 : i32
      %scan3A_148 = arith.constant 8 : i32
      %scan3A_149 = arith.addi %scan3A_147, %scan3A_148 : i32
      %scan3A_150 = arith.constant 1 : i32
      scf.for %scan3A_1050 = %scan3A_147 to %scan3A_149 step %scan3A_150  : i32 {
        %mul3A_1051 = arith.constant 16 : i32
        %mul3A_1052 = arith.muli %scan3A_1050, %mul3A_1051 : i32
        %get3A = arith.constant 0 : i32
        %get3A_1053 = arith.constant 0 : i32
        %get3A_1054 = arith.index_cast %get3A : i32 to index
        %get3A_1055 = arith.index_cast %get3A_1053 : i32 to index
        %get3A_1056 = arith.index_cast %mul3A_1052 : i32 to index
        %get3A_1057 = tpu.vector_load %arg6[%get3A_1054, %get3A_1055, %get3A_1056] {strides = array<i32>} : memref<2x8x128xi32, #tpu.memory_space<vmem>>, vector<1x1x16xi32>,
        %get3A_1058 = vector.shape_cast %get3A_1057 : vector<1x1x16xi32> to vector<16xi32>
        %add3A_1059 = vector.broadcast %mul3A_4 : i32 to vector<16xi32>
        %add3A_1060 = arith.addi %get3A_1058, %add3A_1059 : vector<16xi32>
        %mul3A_1061 = arith.constant 16 : i32
        %mul3A_1062 = arith.muli %scan3A_1050, %mul3A_1061 : i32
        %swap3A = arith.constant 0 : i32
        %swap3A_1063 = arith.constant 0 : i32
        %swap3A_1064 = arith.index_cast %swap3A : i32 to index
        %swap3A_1065 = arith.index_cast %swap3A_1063 : i32 to index
        %swap3A_1066 = arith.index_cast %mul3A_1062 : i32 to index
        %swap3A_1067 = tpu.vector_load %arg6[%swap3A_1064, %swap3A_1065, %swap3A_1066] {strides = array<i32>} : memref<2x8x128xi32, #tpu.memory_space<vmem>>, vector<1x1x16xi32>,
        %swap3A_1068 = vector.shape_cast %swap3A_1067 : vector<1x1x16xi32> to vector<16xi32>
        %swap3A_1069 = vector.shape_cast %add3A_1060 : vector<16xi32> to vector<1x1x16xi32>
        tpu.vector_store %arg6[%swap3A_1064, %swap3A_1065, %swap3A_1066], %swap3A_1069 {strides = array<i32>} : memref<2x8x128xi32, #tpu.memory_space<vmem>>, vector<1x1x16xi32>,
      }
      %scan3A_151 = arith.constant 8 : i32
      %scan3A_152 = arith.constant 0 : i32
      %scan3A_153 = arith.constant 0 : i32
      %scan3A_154 = arith.constant 8 : i32
      %scan3A_155 = arith.addi %scan3A_153, %scan3A_154 : i32
      %scan3A_156 = arith.constant 1 : i32
      scf.for %scan3A_1050 = %scan3A_153 to %scan3A_155 step %scan3A_156  : i32 {
        %mul3A_1051 = arith.constant 16 : i32
        %mul3A_1052 = arith.muli %scan3A_1050, %mul3A_1051 : i32
        %get3A = arith.constant 0 : i32
        %get3A_1053 = arith.constant 1 : i32
        %get3A_1054 = arith.index_cast %get3A : i32 to index
        %get3A_1055 = arith.index_cast %get3A_1053 : i32 to index
        %get3A_1056 = arith.index_cast %mul3A_1052 : i32 to index
        %get3A_1057 = tpu.vector_load %arg6[%get3A_1054, %get3A_1055, %get3A_1056] {strides = array<i32>} : memref<2x8x128xi32, #tpu.memory_space<vmem>>, vector<1x1x16xi32>,
        %get3A_1058 = vector.shape_cast %get3A_1057 : vector<1x1x16xi32> to vector<16xi32>
        %add3A_1059 = vector.broadcast %mul3A_4 : i32 to vector<16xi32>
        %add3A_1060 = arith.addi %get3A_1058, %add3A_1059 : vector<16xi32>
        %mul3A_1061 = arith.constant 16 : i32
        %mul3A_1062 = arith.muli %scan3A_1050, %mul3A_1061 : i32
        %swap3A = arith.constant 0 : i32
        %swap3A_1063 = arith.constant 1 : i32
        %swap3A_1064 = arith.index_cast %swap3A : i32 to index
        %swap3A_1065 = arith.index_cast %swap3A_1063 : i32 to index
        %swap3A_1066 = arith.index_cast %mul3A_1062 : i32 to index
        %swap3A_1067 = tpu.vector_load %arg6[%swap3A_1064, %swap3A_1065, %swap3A_1066] {strides = array<i32>} : memref<2x8x128xi32, #tpu.memory_space<vmem>>, vector<1x1x16xi32>,
        %swap3A_1068 = vector.shape_cast %swap3A_1067 : vector<1x1x16xi32> to vector<16xi32>
        %swap3A_1069 = vector.shape_cast %add3A_1060 : vector<16xi32> to vector<1x1x16xi32>
        tpu.vector_store %arg6[%swap3A_1064, %swap3A_1065, %swap3A_1066], %swap3A_1069 {strides = array<i32>} : memref<2x8x128xi32, #tpu.memory_space<vmem>>, vector<1x1x16xi32>,
      }
      %scan3A_157 = arith.constant 8 : i32
      %scan3A_158 = arith.constant 0 : i32
      %scan3A_159 = arith.constant 0 : i32
      %scan3A_160 = arith.constant 8 : i32
      %scan3A_161 = arith.addi %scan3A_159, %scan3A_160 : i32
      %scan3A_162 = arith.constant 1 : i32
      scf.for %scan3A_1050 = %scan3A_159 to %scan3A_161 step %scan3A_162  : i32 {
        %mul3A_1051 = arith.constant 16 : i32
        %mul3A_1052 = arith.muli %scan3A_1050, %mul3A_1051 : i32
        %get3A = arith.constant 0 : i32
        %get3A_1053 = arith.constant 2 : i32
        %get3A_1054 = arith.index_cast %get3A : i32 to index
        %get3A_1055 = arith.index_cast %get3A_1053 : i32 to index
        %get3A_1056 = arith.index_cast %mul3A_1052 : i32 to index
        %get3A_1057 = tpu.vector_load %arg6[%get3A_1054, %get3A_1055, %get3A_1056] {strides = array<i32>} : memref<2x8x128xi32, #tpu.memory_space<vmem>>, vector<1x1x16xi32>,
        %get3A_1058 = vector.shape_cast %get3A_1057 : vector<1x1x16xi32> to vector<16xi32>
        %add3A_1059 = vector.broadcast %mul3A_4 : i32 to vector<16xi32>
        %add3A_1060 = arith.addi %get3A_1058, %add3A_1059 : vector<16xi32>
        %mul3A_1061 = arith.constant 16 : i32
        %mul3A_1062 = arith.muli %scan3A_1050, %mul3A_1061 : i32
        %swap3A = arith.constant 0 : i32
        %swap3A_1063 = arith.constant 2 : i32
        %swap3A_1064 = arith.index_cast %swap3A : i32 to index
        %swap3A_1065 = arith.index_cast %swap3A_1063 : i32 to index
        %swap3A_1066 = arith.index_cast %mul3A_1062 : i32 to index
        %swap3A_1067 = tpu.vector_load %arg6[%swap3A_1064, %swap3A_1065, %swap3A_1066] {strides = array<i32>} : memref<2x8x128xi32, #tpu.memory_space<vmem>>, vector<1x1x16xi32>,
        %swap3A_1068 = vector.shape_cast %swap3A_1067 : vector<1x1x16xi32> to vector<16xi32>
        %swap3A_1069 = vector.shape_cast %add3A_1060 : vector<16xi32> to vector<1x1x16xi32>
        tpu.vector_store %arg6[%swap3A_1064, %swap3A_1065, %swap3A_1066], %swap3A_1069 {strides = array<i32>} : memref<2x8x128xi32, #tpu.memory_space<vmem>>, vector<1x1x16xi32>,
      }
      %scan3A_163 = arith.constant 8 : i32
      %scan3A_164 = arith.constant 0 : i32
      %scan3A_165 = arith.constant 0 : i32
      %scan3A_166 = arith.constant 8 : i32
      %scan3A_167 = arith.addi %scan3A_165, %scan3A_166 : i32
      %scan3A_168 = arith.constant 1 : i32
      scf.for %scan3A_1050 = %scan3A_165 to %scan3A_167 step %scan3A_168  : i32 {
        %mul3A_1051 = arith.constant 16 : i32
        %mul3A_1052 = arith.muli %scan3A_1050, %mul3A_1051 : i32
        %get3A = arith.constant 0 : i32
        %get3A_1053 = arith.constant 3 : i32
        %get3A_1054 = arith.index_cast %get3A : i32 to index
        %get3A_1055 = arith.index_cast %get3A_1053 : i32 to index
        %get3A_1056 = arith.index_cast %mul3A_1052 : i32 to index
        %get3A_1057 = tpu.vector_load %arg6[%get3A_1054, %get3A_1055, %get3A_1056] {strides = array<i32>} : memref<2x8x128xi32, #tpu.memory_space<vmem>>, vector<1x1x16xi32>,
        %get3A_1058 = vector.shape_cast %get3A_1057 : vector<1x1x16xi32> to vector<16xi32>
        %add3A_1059 = vector.broadcast %mul3A_4 : i32 to vector<16xi32>
        %add3A_1060 = arith.addi %get3A_1058, %add3A_1059 : vector<16xi32>
        %mul3A_1061 = arith.constant 16 : i32
        %mul3A_1062 = arith.muli %scan3A_1050, %mul3A_1061 : i32
        %swap3A = arith.constant 0 : i32
        %swap3A_1063 = arith.constant 3 : i32
        %swap3A_1064 = arith.index_cast %swap3A : i32 to index
        %swap3A_1065 = arith.index_cast %swap3A_1063 : i32 to index
        %swap3A_1066 = arith.index_cast %mul3A_1062 : i32 to index
        %swap3A_1067 = tpu.vector_load %arg6[%swap3A_1064, %swap3A_1065, %swap3A_1066] {strides = array<i32>} : memref<2x8x128xi32, #tpu.memory_space<vmem>>, vector<1x1x16xi32>,
        %swap3A_1068 = vector.shape_cast %swap3A_1067 : vector<1x1x16xi32> to vector<16xi32>
        %swap3A_1069 = vector.shape_cast %add3A_1060 : vector<16xi32> to vector<1x1x16xi32>
        tpu.vector_store %arg6[%swap3A_1064, %swap3A_1065, %swap3A_1066], %swap3A_1069 {strides = array<i32>} : memref<2x8x128xi32, #tpu.memory_space<vmem>>, vector<1x1x16xi32>,
      }
      %scan3A_169 = arith.constant 8 : i32
      %scan3A_170 = arith.constant 0 : i32
      %scan3A_171 = arith.constant 0 : i32
      %scan3A_172 = arith.constant 8 : i32
      %scan3A_173 = arith.addi %scan3A_171, %scan3A_172 : i32
      %scan3A_174 = arith.constant 1 : i32
      scf.for %scan3A_1050 = %scan3A_171 to %scan3A_173 step %scan3A_174  : i32 {
        %mul3A_1051 = arith.constant 16 : i32
        %mul3A_1052 = arith.muli %scan3A_1050, %mul3A_1051 : i32
        %get3A = arith.constant 0 : i32
        %get3A_1053 = arith.constant 4 : i32
        %get3A_1054 = arith.index_cast %get3A : i32 to index
        %get3A_1055 = arith.index_cast %get3A_1053 : i32 to index
        %get3A_1056 = arith.index_cast %mul3A_1052 : i32 to index
        %get3A_1057 = tpu.vector_load %arg6[%get3A_1054, %get3A_1055, %get3A_1056] {strides = array<i32>} : memref<2x8x128xi32, #tpu.memory_space<vmem>>, vector<1x1x16xi32>,
        %get3A_1058 = vector.shape_cast %get3A_1057 : vector<1x1x16xi32> to vector<16xi32>
        %add3A_1059 = vector.broadcast %mul3A_4 : i32 to vector<16xi32>
        %add3A_1060 = arith.addi %get3A_1058, %add3A_1059 : vector<16xi32>
        %mul3A_1061 = arith.constant 16 : i32
        %mul3A_1062 = arith.muli %scan3A_1050, %mul3A_1061 : i32
        %swap3A = arith.constant 0 : i32
        %swap3A_1063 = arith.constant 4 : i32
        %swap3A_1064 = arith.index_cast %swap3A : i32 to index
        %swap3A_1065 = arith.index_cast %swap3A_1063 : i32 to index
        %swap3A_1066 = arith.index_cast %mul3A_1062 : i32 to index
        %swap3A_1067 = tpu.vector_load %arg6[%swap3A_1064, %swap3A_1065, %swap3A_1066] {strides = array<i32>} : memref<2x8x128xi32, #tpu.memory_space<vmem>>, vector<1x1x16xi32>,
        %swap3A_1068 = vector.shape_cast %swap3A_1067 : vector<1x1x16xi32> to vector<16xi32>
        %swap3A_1069 = vector.shape_cast %add3A_1060 : vector<16xi32> to vector<1x1x16xi32>
        tpu.vector_store %arg6[%swap3A_1064, %swap3A_1065, %swap3A_1066], %swap3A_1069 {strides = array<i32>} : memref<2x8x128xi32, #tpu.memory_space<vmem>>, vector<1x1x16xi32>,
      }
      %scan3A_175 = arith.constant 8 : i32
      %scan3A_176 = arith.constant 0 : i32
      %scan3A_177 = arith.constant 0 : i32
      %scan3A_178 = arith.constant 8 : i32
      %scan3A_179 = arith.addi %scan3A_177, %scan3A_178 : i32
      %scan3A_180 = arith.constant 1 : i32
      scf.for %scan3A_1050 = %scan3A_177 to %scan3A_179 step %scan3A_180  : i32 {
        %mul3A_1051 = arith.constant 16 : i32
        %mul3A_1052 = arith.muli %scan3A_1050, %mul3A_1051 : i32
        %get3A = arith.constant 0 : i32
        %get3A_1053 = arith.constant 5 : i32
        %get3A_1054 = arith.index_cast %get3A : i32 to index
        %get3A_1055 = arith.index_cast %get3A_1053 : i32 to index
        %get3A_1056 = arith.index_cast %mul3A_1052 : i32 to index
        %get3A_1057 = tpu.vector_load %arg6[%get3A_1054, %get3A_1055, %get3A_1056] {strides = array<i32>} : memref<2x8x128xi32, #tpu.memory_space<vmem>>, vector<1x1x16xi32>,
        %get3A_1058 = vector.shape_cast %get3A_1057 : vector<1x1x16xi32> to vector<16xi32>
        %add3A_1059 = vector.broadcast %mul3A_4 : i32 to vector<16xi32>
        %add3A_1060 = arith.addi %get3A_1058, %add3A_1059 : vector<16xi32>
        %mul3A_1061 = arith.constant 16 : i32
        %mul3A_1062 = arith.muli %scan3A_1050, %mul3A_1061 : i32
        %swap3A = arith.constant 0 : i32
        %swap3A_1063 = arith.constant 5 : i32
        %swap3A_1064 = arith.index_cast %swap3A : i32 to index
        %swap3A_1065 = arith.index_cast %swap3A_1063 : i32 to index
        %swap3A_1066 = arith.index_cast %mul3A_1062 : i32 to index
        %swap3A_1067 = tpu.vector_load %arg6[%swap3A_1064, %swap3A_1065, %swap3A_1066] {strides = array<i32>} : memref<2x8x128xi32, #tpu.memory_space<vmem>>, vector<1x1x16xi32>,
        %swap3A_1068 = vector.shape_cast %swap3A_1067 : vector<1x1x16xi32> to vector<16xi32>
        %swap3A_1069 = vector.shape_cast %add3A_1060 : vector<16xi32> to vector<1x1x16xi32>
        tpu.vector_store %arg6[%swap3A_1064, %swap3A_1065, %swap3A_1066], %swap3A_1069 {strides = array<i32>} : memref<2x8x128xi32, #tpu.memory_space<vmem>>, vector<1x1x16xi32>,
      }
      %scan3A_181 = arith.constant 8 : i32
      %scan3A_182 = arith.constant 0 : i32
      %scan3A_183 = arith.constant 0 : i32
      %scan3A_184 = arith.constant 8 : i32
      %scan3A_185 = arith.addi %scan3A_183, %scan3A_184 : i32
      %scan3A_186 = arith.constant 1 : i32
      scf.for %scan3A_1050 = %scan3A_183 to %scan3A_185 step %scan3A_186  : i32 {
        %mul3A_1051 = arith.constant 16 : i32
        %mul3A_1052 = arith.muli %scan3A_1050, %mul3A_1051 : i32
        %get3A = arith.constant 0 : i32
        %get3A_1053 = arith.constant 6 : i32
        %get3A_1054 = arith.index_cast %get3A : i32 to index
        %get3A_1055 = arith.index_cast %get3A_1053 : i32 to index
        %get3A_1056 = arith.index_cast %mul3A_1052 : i32 to index
        %get3A_1057 = tpu.vector_load %arg6[%get3A_1054, %get3A_1055, %get3A_1056] {strides = array<i32>} : memref<2x8x128xi32, #tpu.memory_space<vmem>>, vector<1x1x16xi32>,
        %get3A_1058 = vector.shape_cast %get3A_1057 : vector<1x1x16xi32> to vector<16xi32>
        %add3A_1059 = vector.broadcast %mul3A_4 : i32 to vector<16xi32>
        %add3A_1060 = arith.addi %get3A_1058, %add3A_1059 : vector<16xi32>
        %mul3A_1061 = arith.constant 16 : i32
        %mul3A_1062 = arith.muli %scan3A_1050, %mul3A_1061 : i32
        %swap3A = arith.constant 0 : i32
        %swap3A_1063 = arith.constant 6 : i32
        %swap3A_1064 = arith.index_cast %swap3A : i32 to index
        %swap3A_1065 = arith.index_cast %swap3A_1063 : i32 to index
        %swap3A_1066 = arith.index_cast %mul3A_1062 : i32 to index
        %swap3A_1067 = tpu.vector_load %arg6[%swap3A_1064, %swap3A_1065, %swap3A_1066] {strides = array<i32>} : memref<2x8x128xi32, #tpu.memory_space<vmem>>, vector<1x1x16xi32>,
        %swap3A_1068 = vector.shape_cast %swap3A_1067 : vector<1x1x16xi32> to vector<16xi32>
        %swap3A_1069 = vector.shape_cast %add3A_1060 : vector<16xi32> to vector<1x1x16xi32>
        tpu.vector_store %arg6[%swap3A_1064, %swap3A_1065, %swap3A_1066], %swap3A_1069 {strides = array<i32>} : memref<2x8x128xi32, #tpu.memory_space<vmem>>, vector<1x1x16xi32>,
      }
      %scan3A_187 = arith.constant 8 : i32
      %scan3A_188 = arith.constant 0 : i32
      %scan3A_189 = arith.constant 0 : i32
      %scan3A_190 = arith.constant 8 : i32
      %scan3A_191 = arith.addi %scan3A_189, %scan3A_190 : i32
      %scan3A_192 = arith.constant 1 : i32
      scf.for %scan3A_1050 = %scan3A_189 to %scan3A_191 step %scan3A_192  : i32 {
        %mul3A_1051 = arith.constant 16 : i32
        %mul3A_1052 = arith.muli %scan3A_1050, %mul3A_1051 : i32
        %get3A = arith.constant 0 : i32
        %get3A_1053 = arith.constant 7 : i32
        %get3A_1054 = arith.index_cast %get3A : i32 to index
        %get3A_1055 = arith.index_cast %get3A_1053 : i32 to index
        %get3A_1056 = arith.index_cast %mul3A_1052 : i32 to index
        %get3A_1057 = tpu.vector_load %arg6[%get3A_1054, %get3A_1055, %get3A_1056] {strides = array<i32>} : memref<2x8x128xi32, #tpu.memory_space<vmem>>, vector<1x1x16xi32>,
        %get3A_1058 = vector.shape_cast %get3A_1057 : vector<1x1x16xi32> to vector<16xi32>
        %add3A_1059 = vector.broadcast %mul3A_4 : i32 to vector<16xi32>
        %add3A_1060 = arith.addi %get3A_1058, %add3A_1059 : vector<16xi32>
        %mul3A_1061 = arith.constant 16 : i32
        %mul3A_1062 = arith.muli %scan3A_1050, %mul3A_1061 : i32
        %swap3A = arith.constant 0 : i32
        %swap3A_1063 = arith.constant 7 : i32
        %swap3A_1064 = arith.index_cast %swap3A : i32 to index
        %swap3A_1065 = arith.index_cast %swap3A_1063 : i32 to index
        %swap3A_1066 = arith.index_cast %mul3A_1062 : i32 to index
        %swap3A_1067 = tpu.vector_load %arg6[%swap3A_1064, %swap3A_1065, %swap3A_1066] {strides = array<i32>} : memref<2x8x128xi32, #tpu.memory_space<vmem>>, vector<1x1x16xi32>,
        %swap3A_1068 = vector.shape_cast %swap3A_1067 : vector<1x1x16xi32> to vector<16xi32>
        %swap3A_1069 = vector.shape_cast %add3A_1060 : vector<16xi32> to vector<1x1x16xi32>
        tpu.vector_store %arg6[%swap3A_1064, %swap3A_1065, %swap3A_1066], %swap3A_1069 {strides = array<i32>} : memref<2x8x128xi32, #tpu.memory_space<vmem>>, vector<1x1x16xi32>,
      }
      %scan3A_193 = arith.constant 8 : i32
      %dma_start3A_194 = arith.constant 0 : i32
      %dma_start3A_195 = arith.constant 0 : i32
      %dma_start3A_196 = arith.constant 0 : i32
      %dma_start3A_197 = arith.constant 0 : i32
      %dma_start3A_198 = arith.constant 0 : i32
      %dma_start3A_199 = arith.constant 0 : i32
      %dma_start3A_200 = tpu.memref_slice %arg8[%dma_start3A_196, %dma_start3A_197, %dma_start3A_198, %dma_start3A_199] : memref<2x2x128x32xf32, #tpu.memory_space<vmem>> -> memref<1x1x128x32xf32, #tpu.memory_space<vmem>>
      %dma_start3A_201 = tpu.memref_squeeze %dma_start3A_200 : memref<1x1x128x32xf32, #tpu.memory_space<vmem>> -> memref<128x32xf32, #tpu.memory_space<vmem>>
      %dma_start3A_202 = arith.constant 0 : i32
      %dma_start3A_203 = tpu.memref_slice %arg6[%dma_start3A_194, %dma_start3A_195, %dma_start3A_202] : memref<2x8x128xi32, #tpu.memory_space<vmem>> -> memref<1x1x128xi32, #tpu.memory_space<vmem>>
      %dma_start3A_204 = tpu.memref_squeeze %dma_start3A_203 : memref<1x1x128xi32, #tpu.memory_space<vmem>> -> memref<128xi32, #tpu.memory_space<vmem>>
      %dma_start3A_205 = arith.constant 0 : i32
      %dma_start3A_206 = arith.constant 0 : i32
      %dma_start3A_207 = tpu.memref_slice %arg2[%dma_start3A_205, %dma_start3A_206] : memref<100352x32xf32, #tpu.memory_space<hbm>> -> memref<100352x32xf32, #tpu.memory_space<hbm>>
      tpu.enqueue_indirect_dma source(%dma_start3A_207 : memref<100352x32xf32, #tpu.memory_space<hbm>>) target(%dma_start3A_201 : memref<128x32xf32, #tpu.memory_space<vmem>>) offsets(%dma_start3A_204 : memref<128xi32, #tpu.memory_space<vmem>>) semaphore(%arg14 : memref<!tpu.dma_semaphore, #tpu.memory_space<semaphore_mem>>)
      %dma_start3A_208 = arith.constant 0 : i32
      %dma_start3A_209 = arith.constant 1 : i32
      %dma_start3A_210 = arith.constant 0 : i32
      %dma_start3A_211 = arith.constant 1 : i32
      %dma_start3A_212 = arith.constant 0 : i32
      %dma_start3A_213 = arith.constant 0 : i32
      %dma_start3A_214 = tpu.memref_slice %arg8[%dma_start3A_210, %dma_start3A_211, %dma_start3A_212, %dma_start3A_213] : memref<2x2x128x32xf32, #tpu.memory_space<vmem>> -> memref<1x1x128x32xf32, #tpu.memory_space<vmem>>
      %dma_start3A_215 = tpu.memref_squeeze %dma_start3A_214 : memref<1x1x128x32xf32, #tpu.memory_space<vmem>> -> memref<128x32xf32, #tpu.memory_space<vmem>>
      %dma_start3A_216 = arith.constant 0 : i32
      %dma_start3A_217 = tpu.memref_slice %arg6[%dma_start3A_208, %dma_start3A_209, %dma_start3A_216] : memref<2x8x128xi32, #tpu.memory_space<vmem>> -> memref<1x1x128xi32, #tpu.memory_space<vmem>>
      %dma_start3A_218 = tpu.memref_squeeze %dma_start3A_217 : memref<1x1x128xi32, #tpu.memory_space<vmem>> -> memref<128xi32, #tpu.memory_space<vmem>>
      %dma_start3A_219 = arith.constant 0 : i32
      %dma_start3A_220 = arith.constant 0 : i32
      %dma_start3A_221 = tpu.memref_slice %arg2[%dma_start3A_219, %dma_start3A_220] : memref<100352x32xf32, #tpu.memory_space<hbm>> -> memref<100352x32xf32, #tpu.memory_space<hbm>>
      tpu.enqueue_indirect_dma source(%dma_start3A_221 : memref<100352x32xf32, #tpu.memory_space<hbm>>) target(%dma_start3A_215 : memref<128x32xf32, #tpu.memory_space<vmem>>) offsets(%dma_start3A_218 : memref<128xi32, #tpu.memory_space<vmem>>) semaphore(%arg14 : memref<!tpu.dma_semaphore, #tpu.memory_space<semaphore_mem>>)
      %dma_start3A_222 = arith.constant 0 : i32
      %dma_start3A_223 = arith.constant 2 : i32
      %dma_start3A_224 = arith.constant 1 : i32
      %dma_start3A_225 = arith.constant 0 : i32
      %dma_start3A_226 = arith.constant 0 : i32
      %dma_start3A_227 = arith.constant 0 : i32
      %dma_start3A_228 = tpu.memref_slice %arg8[%dma_start3A_224, %dma_start3A_225, %dma_start3A_226, %dma_start3A_227] : memref<2x2x128x32xf32, #tpu.memory_space<vmem>> -> memref<1x1x128x32xf32, #tpu.memory_space<vmem>>
      %dma_start3A_229 = tpu.memref_squeeze %dma_start3A_228 : memref<1x1x128x32xf32, #tpu.memory_space<vmem>> -> memref<128x32xf32, #tpu.memory_space<vmem>>
      %dma_start3A_230 = arith.constant 0 : i32
      %dma_start3A_231 = tpu.memref_slice %arg6[%dma_start3A_222, %dma_start3A_223, %dma_start3A_230] : memref<2x8x128xi32, #tpu.memory_space<vmem>> -> memref<1x1x128xi32, #tpu.memory_space<vmem>>
      %dma_start3A_232 = tpu.memref_squeeze %dma_start3A_231 : memref<1x1x128xi32, #tpu.memory_space<vmem>> -> memref<128xi32, #tpu.memory_space<vmem>>
      %dma_start3A_233 = arith.constant 0 : i32
      %dma_start3A_234 = arith.constant 0 : i32
      %dma_start3A_235 = tpu.memref_slice %arg2[%dma_start3A_233, %dma_start3A_234] : memref<100352x32xf32, #tpu.memory_space<hbm>> -> memref<100352x32xf32, #tpu.memory_space<hbm>>
      tpu.enqueue_indirect_dma source(%dma_start3A_235 : memref<100352x32xf32, #tpu.memory_space<hbm>>) target(%dma_start3A_229 : memref<128x32xf32, #tpu.memory_space<vmem>>) offsets(%dma_start3A_232 : memref<128xi32, #tpu.memory_space<vmem>>) semaphore(%arg14 : memref<!tpu.dma_semaphore, #tpu.memory_space<semaphore_mem>>)
      %dma_start3A_236 = arith.constant 0 : i32
      %dma_start3A_237 = arith.constant 3 : i32
      %dma_start3A_238 = arith.constant 1 : i32
      %dma_start3A_239 = arith.constant 1 : i32
      %dma_start3A_240 = arith.constant 0 : i32
      %dma_start3A_241 = arith.constant 0 : i32
      %dma_start3A_242 = tpu.memref_slice %arg8[%dma_start3A_238, %dma_start3A_239, %dma_start3A_240, %dma_start3A_241] : memref<2x2x128x32xf32, #tpu.memory_space<vmem>> -> memref<1x1x128x32xf32, #tpu.memory_space<vmem>>
      %dma_start3A_243 = tpu.memref_squeeze %dma_start3A_242 : memref<1x1x128x32xf32, #tpu.memory_space<vmem>> -> memref<128x32xf32, #tpu.memory_space<vmem>>
      %dma_start3A_244 = arith.constant 0 : i32
      %dma_start3A_245 = tpu.memref_slice %arg6[%dma_start3A_236, %dma_start3A_237, %dma_start3A_244] : memref<2x8x128xi32, #tpu.memory_space<vmem>> -> memref<1x1x128xi32, #tpu.memory_space<vmem>>
      %dma_start3A_246 = tpu.memref_squeeze %dma_start3A_245 : memref<1x1x128xi32, #tpu.memory_space<vmem>> -> memref<128xi32, #tpu.memory_space<vmem>>
      %dma_start3A_247 = arith.constant 0 : i32
      %dma_start3A_248 = arith.constant 0 : i32
      %dma_start3A_249 = tpu.memref_slice %arg2[%dma_start3A_247, %dma_start3A_248] : memref<100352x32xf32, #tpu.memory_space<hbm>> -> memref<100352x32xf32, #tpu.memory_space<hbm>>
      tpu.enqueue_indirect_dma source(%dma_start3A_249 : memref<100352x32xf32, #tpu.memory_space<hbm>>) target(%dma_start3A_243 : memref<128x32xf32, #tpu.memory_space<vmem>>) offsets(%dma_start3A_246 : memref<128xi32, #tpu.memory_space<vmem>>) semaphore(%arg14 : memref<!tpu.dma_semaphore, #tpu.memory_space<semaphore_mem>>)
      %dma_wait3A_250 = arith.constant 0 : i32
      %dma_wait3A_251 = arith.constant 0 : i32
      %dma_wait3A_252 = arith.constant 0 : i32
      %dma_wait3A_253 = arith.constant 0 : i32
      %dma_wait3A_254 = tpu.memref_slice %arg8[%dma_wait3A_250, %dma_wait3A_251, %dma_wait3A_252, %dma_wait3A_253] : memref<2x2x128x32xf32, #tpu.memory_space<vmem>> -> memref<1x1x128x32xf32, #tpu.memory_space<vmem>>
      %dma_wait3A_255 = tpu.memref_squeeze %dma_wait3A_254 : memref<1x1x128x32xf32, #tpu.memory_space<vmem>> -> memref<128x32xf32, #tpu.memory_space<vmem>>
      %dma_wait3A_256 = arith.constant 0 : i32
      %dma_wait3A_257 = arith.constant 0 : i32
      %dma_wait3A_258 = tpu.memref_slice %arg2[%dma_wait3A_256, %dma_wait3A_257] : memref<100352x32xf32, #tpu.memory_space<hbm>> -> memref<128x32xf32, #tpu.memory_space<hbm>>
      %dma_wait3A_259 = arith.constant 0 : i32
      %dma_wait3A_260 = arith.constant 0 : i32
      %dma_wait3A_261 = tpu.memref_slice %arg8[%dma_wait3A_250, %dma_wait3A_251, %dma_wait3A_259, %dma_wait3A_260] : memref<2x2x128x32xf32, #tpu.memory_space<vmem>> -> memref<1x1x128x32xf32, #tpu.memory_space<vmem>>
      %dma_wait3A_262 = tpu.memref_squeeze %dma_wait3A_261 : memref<1x1x128x32xf32, #tpu.memory_space<vmem>> -> memref<128x32xf32, #tpu.memory_space<vmem>>
      %dma_wait3A_263 = arith.constant 0 : i32
      %dma_wait3A_264 = arith.constant 0 : i32
      %dma_wait3A_265 = tpu.memref_slice %arg2[%dma_wait3A_263, %dma_wait3A_264] : memref<100352x32xf32, #tpu.memory_space<hbm>> -> memref<128x32xf32, #tpu.memory_space<hbm>>
      tpu.wait_dma2 semaphore(%arg14 : memref<!tpu.dma_semaphore, #tpu.memory_space<semaphore_mem>>) src(%dma_wait3A_265 : memref<128x32xf32, #tpu.memory_space<hbm>>) dst(%dma_wait3A_262 : memref<128x32xf32, #tpu.memory_space<vmem>>)
      %dma_wait3A_266 = arith.constant 0 : i32
      %dma_wait3A_267 = arith.constant 1 : i32
      %dma_wait3A_268 = arith.constant 0 : i32
      %dma_wait3A_269 = arith.constant 0 : i32
      %dma_wait3A_270 = tpu.memref_slice %arg8[%dma_wait3A_266, %dma_wait3A_267, %dma_wait3A_268, %dma_wait3A_269] : memref<2x2x128x32xf32, #tpu.memory_space<vmem>> -> memref<1x1x128x32xf32, #tpu.memory_space<vmem>>
      %dma_wait3A_271 = tpu.memref_squeeze %dma_wait3A_270 : memref<1x1x128x32xf32, #tpu.memory_space<vmem>> -> memref<128x32xf32, #tpu.memory_space<vmem>>
      %dma_wait3A_272 = arith.constant 0 : i32
      %dma_wait3A_273 = arith.constant 0 : i32
      %dma_wait3A_274 = tpu.memref_slice %arg2[%dma_wait3A_272, %dma_wait3A_273] : memref<100352x32xf32, #tpu.memory_space<hbm>> -> memref<128x32xf32, #tpu.memory_space<hbm>>
      %dma_wait3A_275 = arith.constant 0 : i32
      %dma_wait3A_276 = arith.constant 0 : i32
      %dma_wait3A_277 = tpu.memref_slice %arg8[%dma_wait3A_266, %dma_wait3A_267, %dma_wait3A_275, %dma_wait3A_276] : memref<2x2x128x32xf32, #tpu.memory_space<vmem>> -> memref<1x1x128x32xf32, #tpu.memory_space<vmem>>
      %dma_wait3A_278 = tpu.memref_squeeze %dma_wait3A_277 : memref<1x1x128x32xf32, #tpu.memory_space<vmem>> -> memref<128x32xf32, #tpu.memory_space<vmem>>
      %dma_wait3A_279 = arith.constant 0 : i32
      %dma_wait3A_280 = arith.constant 0 : i32
      %dma_wait3A_281 = tpu.memref_slice %arg2[%dma_wait3A_279, %dma_wait3A_280] : memref<100352x32xf32, #tpu.memory_space<hbm>> -> memref<128x32xf32, #tpu.memory_space<hbm>>
      tpu.wait_dma2 semaphore(%arg14 : memref<!tpu.dma_semaphore, #tpu.memory_space<semaphore_mem>>) src(%dma_wait3A_281 : memref<128x32xf32, #tpu.memory_space<hbm>>) dst(%dma_wait3A_278 : memref<128x32xf32, #tpu.memory_space<vmem>>)
      %dma_start3A_282 = arith.constant 0 : i32
      %dma_start3A_283 = arith.constant 0 : i32
      %dma_start3A_284 = arith.constant 0 : i32
      %dma_start3A_285 = arith.constant 0 : i32
      %dma_start3A_286 = arith.constant 0 : i32
      %dma_start3A_287 = arith.constant 0 : i32
      %dma_start3A_288 = tpu.memref_slice %arg8[%dma_start3A_282, %dma_start3A_283, %dma_start3A_286, %dma_start3A_287] : memref<2x2x128x32xf32, #tpu.memory_space<vmem>> -> memref<1x1x128x32xf32, #tpu.memory_space<vmem>>
      %dma_start3A_289 = tpu.memref_squeeze %dma_start3A_288 : memref<1x1x128x32xf32, #tpu.memory_space<vmem>> -> memref<128x32xf32, #tpu.memory_space<vmem>>
      %dma_start3A_290 = arith.constant 0 : i32
      %dma_start3A_291 = tpu.memref_slice %arg7[%dma_start3A_284, %dma_start3A_285, %dma_start3A_290] : memref<2x8x128xi32, #tpu.memory_space<vmem>> -> memref<1x1x128xi32, #tpu.memory_space<vmem>>
      %dma_start3A_292 = tpu.memref_squeeze %dma_start3A_291 : memref<1x1x128xi32, #tpu.memory_space<vmem>> -> memref<128xi32, #tpu.memory_space<vmem>>
      %dma_start3A_293 = arith.constant 0 : i32
      %dma_start3A_294 = arith.constant 0 : i32
      %dma_start3A_295 = tpu.memref_slice %arg12[%dma_start3A_293, %dma_start3A_294] : memref<50176x32xf32, #tpu.memory_space<vmem_shared>> -> memref<50176x32xf32, #tpu.memory_space<vmem_shared>>
      tpu.enqueue_indirect_dma source(%dma_start3A_289 : memref<128x32xf32, #tpu.memory_space<vmem>>) target(%dma_start3A_295 : memref<50176x32xf32, #tpu.memory_space<vmem_shared>>) offsets(%dma_start3A_292 : memref<128xi32, #tpu.memory_space<vmem>>) semaphore(%arg15 : memref<!tpu.dma_semaphore, #tpu.memory_space<semaphore_mem>>) {add = true}
      %dma_start3A_296 = arith.constant 0 : i32
      %dma_start3A_297 = arith.constant 1 : i32
      %dma_start3A_298 = arith.constant 0 : i32
      %dma_start3A_299 = arith.constant 1 : i32
      %dma_start3A_300 = arith.constant 0 : i32
      %dma_start3A_301 = arith.constant 0 : i32
      %dma_start3A_302 = tpu.memref_slice %arg8[%dma_start3A_296, %dma_start3A_297, %dma_start3A_300, %dma_start3A_301] : memref<2x2x128x32xf32, #tpu.memory_space<vmem>> -> memref<1x1x128x32xf32, #tpu.memory_space<vmem>>
      %dma_start3A_303 = tpu.memref_squeeze %dma_start3A_302 : memref<1x1x128x32xf32, #tpu.memory_space<vmem>> -> memref<128x32xf32, #tpu.memory_space<vmem>>
      %dma_start3A_304 = arith.constant 0 : i32
      %dma_start3A_305 = tpu.memref_slice %arg7[%dma_start3A_298, %dma_start3A_299, %dma_start3A_304] : memref<2x8x128xi32, #tpu.memory_space<vmem>> -> memref<1x1x128xi32, #tpu.memory_space<vmem>>
      %dma_start3A_306 = tpu.memref_squeeze %dma_start3A_305 : memref<1x1x128xi32, #tpu.memory_space<vmem>> -> memref<128xi32, #tpu.memory_space<vmem>>
      %dma_start3A_307 = arith.constant 0 : i32
      %dma_start3A_308 = arith.constant 0 : i32
      %dma_start3A_309 = tpu.memref_slice %arg12[%dma_start3A_307, %dma_start3A_308] : memref<50176x32xf32, #tpu.memory_space<vmem_shared>> -> memref<50176x32xf32, #tpu.memory_space<vmem_shared>>
      tpu.enqueue_indirect_dma source(%dma_start3A_303 : memref<128x32xf32, #tpu.memory_space<vmem>>) target(%dma_start3A_309 : memref<50176x32xf32, #tpu.memory_space<vmem_shared>>) offsets(%dma_start3A_306 : memref<128xi32, #tpu.memory_space<vmem>>) semaphore(%arg15 : memref<!tpu.dma_semaphore, #tpu.memory_space<semaphore_mem>>) {add = true}
      %dma_wait3A_310 = arith.constant 0 : i32
      %dma_wait3A_311 = arith.constant 0 : i32
      %dma_wait3A_312 = arith.constant 0 : i32
      %dma_wait3A_313 = arith.constant 0 : i32
      %dma_wait3A_314 = tpu.memref_slice %arg8[%dma_wait3A_310, %dma_wait3A_311, %dma_wait3A_312, %dma_wait3A_313] : memref<2x2x128x32xf32, #tpu.memory_space<vmem>> -> memref<1x1x128x32xf32, #tpu.memory_space<vmem>>
      %dma_wait3A_315 = tpu.memref_squeeze %dma_wait3A_314 : memref<1x1x128x32xf32, #tpu.memory_space<vmem>> -> memref<128x32xf32, #tpu.memory_space<vmem>>
      %dma_wait3A_316 = arith.constant 0 : i32
      %dma_wait3A_317 = arith.constant 0 : i32
      %dma_wait3A_318 = tpu.memref_slice %arg2[%dma_wait3A_316, %dma_wait3A_317] : memref<100352x32xf32, #tpu.memory_space<hbm>> -> memref<128x32xf32, #tpu.memory_space<hbm>>
      %dma_wait3A_319 = arith.constant 0 : i32
      %dma_wait3A_320 = arith.constant 0 : i32
      %dma_wait3A_321 = tpu.memref_slice %arg8[%dma_wait3A_310, %dma_wait3A_311, %dma_wait3A_319, %dma_wait3A_320] : memref<2x2x128x32xf32, #tpu.memory_space<vmem>> -> memref<1x1x128x32xf32, #tpu.memory_space<vmem>>
      %dma_wait3A_322 = tpu.memref_squeeze %dma_wait3A_321 : memref<1x1x128x32xf32, #tpu.memory_space<vmem>> -> memref<128x32xf32, #tpu.memory_space<vmem>>
      %dma_wait3A_323 = arith.constant 0 : i32
      %dma_wait3A_324 = arith.constant 0 : i32
      %dma_wait3A_325 = tpu.memref_slice %arg2[%dma_wait3A_323, %dma_wait3A_324] : memref<100352x32xf32, #tpu.memory_space<hbm>> -> memref<128x32xf32, #tpu.memory_space<hbm>>
      tpu.wait_dma2 semaphore(%arg14 : memref<!tpu.dma_semaphore, #tpu.memory_space<semaphore_mem>>) src(%dma_wait3A_325 : memref<128x32xf32, #tpu.memory_space<hbm>>) dst(%dma_wait3A_322 : memref<128x32xf32, #tpu.memory_space<vmem>>)
      %dma_wait3A_326 = arith.constant 0 : i32
      %dma_wait3A_327 = arith.constant 1 : i32
      %dma_wait3A_328 = arith.constant 0 : i32
      %dma_wait3A_329 = arith.constant 0 : i32
      %dma_wait3A_330 = tpu.memref_slice %arg8[%dma_wait3A_326, %dma_wait3A_327, %dma_wait3A_328, %dma_wait3A_329] : memref<2x2x128x32xf32, #tpu.memory_space<vmem>> -> memref<1x1x128x32xf32, #tpu.memory_space<vmem>>
      %dma_wait3A_331 = tpu.memref_squeeze %dma_wait3A_330 : memref<1x1x128x32xf32, #tpu.memory_space<vmem>> -> memref<128x32xf32, #tpu.memory_space<vmem>>
      %dma_wait3A_332 = arith.constant 0 : i32
      %dma_wait3A_333 = arith.constant 0 : i32
      %dma_wait3A_334 = tpu.memref_slice %arg2[%dma_wait3A_332, %dma_wait3A_333] : memref<100352x32xf32, #tpu.memory_space<hbm>> -> memref<128x32xf32, #tpu.memory_space<hbm>>
      %dma_wait3A_335 = arith.constant 0 : i32
      %dma_wait3A_336 = arith.constant 0 : i32
      %dma_wait3A_337 = tpu.memref_slice %arg8[%dma_wait3A_326, %dma_wait3A_327, %dma_wait3A_335, %dma_wait3A_336] : memref<2x2x128x32xf32, #tpu.memory_space<vmem>> -> memref<1x1x128x32xf32, #tpu.memory_space<vmem>>
      %dma_wait3A_338 = tpu.memref_squeeze %dma_wait3A_337 : memref<1x1x128x32xf32, #tpu.memory_space<vmem>> -> memref<128x32xf32, #tpu.memory_space<vmem>>
      %dma_wait3A_339 = arith.constant 0 : i32
      %dma_wait3A_340 = arith.constant 0 : i32
      %dma_wait3A_341 = tpu.memref_slice %arg2[%dma_wait3A_339, %dma_wait3A_340] : memref<100352x32xf32, #tpu.memory_space<hbm>> -> memref<128x32xf32, #tpu.memory_space<hbm>>
      tpu.wait_dma2 semaphore(%arg14 : memref<!tpu.dma_semaphore, #tpu.memory_space<semaphore_mem>>) src(%dma_wait3A_341 : memref<128x32xf32, #tpu.memory_space<hbm>>) dst(%dma_wait3A_338 : memref<128x32xf32, #tpu.memory_space<vmem>>)
      %dma_start3A_342 = arith.constant 1 : i32
      %dma_start3A_343 = arith.constant 0 : i32
      %dma_start3A_344 = arith.constant 0 : i32
      %dma_start3A_345 = arith.constant 2 : i32
      %dma_start3A_346 = arith.constant 0 : i32
      %dma_start3A_347 = arith.constant 0 : i32
      %dma_start3A_348 = tpu.memref_slice %arg8[%dma_start3A_342, %dma_start3A_343, %dma_start3A_346, %dma_start3A_347] : memref<2x2x128x32xf32, #tpu.memory_space<vmem>> -> memref<1x1x128x32xf32, #tpu.memory_space<vmem>>
      %dma_start3A_349 = tpu.memref_squeeze %dma_start3A_348 : memref<1x1x128x32xf32, #tpu.memory_space<vmem>> -> memref<128x32xf32, #tpu.memory_space<vmem>>
      %dma_start3A_350 = arith.constant 0 : i32
      %dma_start3A_351 = tpu.memref_slice %arg7[%dma_start3A_344, %dma_start3A_345, %dma_start3A_350] : memref<2x8x128xi32, #tpu.memory_space<vmem>> -> memref<1x1x128xi32, #tpu.memory_space<vmem>>
      %dma_start3A_352 = tpu.memref_squeeze %dma_start3A_351 : memref<1x1x128xi32, #tpu.memory_space<vmem>> -> memref<128xi32, #tpu.memory_space<vmem>>
      %dma_start3A_353 = arith.constant 0 : i32
      %dma_start3A_354 = arith.constant 0 : i32
      %dma_start3A_355 = tpu.memref_slice %arg12[%dma_start3A_353, %dma_start3A_354] : memref<50176x32xf32, #tpu.memory_space<vmem_shared>> -> memref<50176x32xf32, #tpu.memory_space<vmem_shared>>
      tpu.enqueue_indirect_dma source(%dma_start3A_349 : memref<128x32xf32, #tpu.memory_space<vmem>>) target(%dma_start3A_355 : memref<50176x32xf32, #tpu.memory_space<vmem_shared>>) offsets(%dma_start3A_352 : memref<128xi32, #tpu.memory_space<vmem>>) semaphore(%arg15 : memref<!tpu.dma_semaphore, #tpu.memory_space<semaphore_mem>>) {add = true}
      %dma_start3A_356 = arith.constant 1 : i32
      %dma_start3A_357 = arith.constant 1 : i32
      %dma_start3A_358 = arith.constant 0 : i32
      %dma_start3A_359 = arith.constant 3 : i32
      %dma_start3A_360 = arith.constant 0 : i32
      %dma_start3A_361 = arith.constant 0 : i32
      %dma_start3A_362 = tpu.memref_slice %arg8[%dma_start3A_356, %dma_start3A_357, %dma_start3A_360, %dma_start3A_361] : memref<2x2x128x32xf32, #tpu.memory_space<vmem>> -> memref<1x1x128x32xf32, #tpu.memory_space<vmem>>
      %dma_start3A_363 = tpu.memref_squeeze %dma_start3A_362 : memref<1x1x128x32xf32, #tpu.memory_space<vmem>> -> memref<128x32xf32, #tpu.memory_space<vmem>>
      %dma_start3A_364 = arith.constant 0 : i32
      %dma_start3A_365 = tpu.memref_slice %arg7[%dma_start3A_358, %dma_start3A_359, %dma_start3A_364] : memref<2x8x128xi32, #tpu.memory_space<vmem>> -> memref<1x1x128xi32, #tpu.memory_space<vmem>>
      %dma_start3A_366 = tpu.memref_squeeze %dma_start3A_365 : memref<1x1x128xi32, #tpu.memory_space<vmem>> -> memref<128xi32, #tpu.memory_space<vmem>>
      %dma_start3A_367 = arith.constant 0 : i32
      %dma_start3A_368 = arith.constant 0 : i32
      %dma_start3A_369 = tpu.memref_slice %arg12[%dma_start3A_367, %dma_start3A_368] : memref<50176x32xf32, #tpu.memory_space<vmem_shared>> -> memref<50176x32xf32, #tpu.memory_space<vmem_shared>>
      tpu.enqueue_indirect_dma source(%dma_start3A_363 : memref<128x32xf32, #tpu.memory_space<vmem>>) target(%dma_start3A_369 : memref<50176x32xf32, #tpu.memory_space<vmem_shared>>) offsets(%dma_start3A_366 : memref<128xi32, #tpu.memory_space<vmem>>) semaphore(%arg15 : memref<!tpu.dma_semaphore, #tpu.memory_space<semaphore_mem>>) {add = true}
      %dma_wait3A_370 = arith.constant 0 : i32
      %dma_wait3A_371 = arith.constant 0 : i32
      %dma_wait3A_372 = tpu.memref_slice %arg12[%dma_wait3A_370, %dma_wait3A_371] : memref<50176x32xf32, #tpu.memory_space<vmem_shared>> -> memref<128x32xf32, #tpu.memory_space<vmem_shared>>
      %dma_wait3A_373 = arith.constant 0 : i32
      %dma_wait3A_374 = arith.constant 0 : i32
      %dma_wait3A_375 = tpu.memref_slice %arg2[%dma_wait3A_373, %dma_wait3A_374] : memref<100352x32xf32, #tpu.memory_space<hbm>> -> memref<128x32xf32, #tpu.memory_space<hbm>>
      tpu.wait_dma2 semaphore(%arg15 : memref<!tpu.dma_semaphore, #tpu.memory_space<semaphore_mem>>) src(%dma_wait3A_375 : memref<128x32xf32, #tpu.memory_space<hbm>>) dst(%dma_wait3A_372 : memref<128x32xf32, #tpu.memory_space<vmem_shared>>)
      %dma_wait3A_376 = arith.constant 0 : i32
      %dma_wait3A_377 = arith.constant 0 : i32
      %dma_wait3A_378 = tpu.memref_slice %arg12[%dma_wait3A_376, %dma_wait3A_377] : memref<50176x32xf32, #tpu.memory_space<vmem_shared>> -> memref<128x32xf32, #tpu.memory_space<vmem_shared>>
      %dma_wait3A_379 = arith.constant 0 : i32
      %dma_wait3A_380 = arith.constant 0 : i32
      %dma_wait3A_381 = tpu.memref_slice %arg2[%dma_wait3A_379, %dma_wait3A_380] : memref<100352x32xf32, #tpu.memory_space<hbm>> -> memref<128x32xf32, #tpu.memory_space<hbm>>
      tpu.wait_dma2 semaphore(%arg15 : memref<!tpu.dma_semaphore, #tpu.memory_space<semaphore_mem>>) src(%dma_wait3A_381 : memref<128x32xf32, #tpu.memory_space<hbm>>) dst(%dma_wait3A_378 : memref<128x32xf32, #tpu.memory_space<vmem_shared>>)
      %dma_start3A_382 = arith.constant 0 : i32
      %dma_start3A_383 = arith.constant 4 : i32
      %dma_start3A_384 = arith.constant 0 : i32
      %dma_start3A_385 = arith.constant 0 : i32
      %dma_start3A_386 = arith.constant 0 : i32
      %dma_start3A_387 = arith.constant 0 : i32
      %dma_start3A_388 = tpu.memref_slice %arg8[%dma_start3A_384, %dma_start3A_385, %dma_start3A_386, %dma_start3A_387] : memref<2x2x128x32xf32, #tpu.memory_space<vmem>> -> memref<1x1x128x32xf32, #tpu.memory_space<vmem>>
      %dma_start3A_389 = tpu.memref_squeeze %dma_start3A_388 : memref<1x1x128x32xf32, #tpu.memory_space<vmem>> -> memref<128x32xf32, #tpu.memory_space<vmem>>
      %dma_start3A_390 = arith.constant 0 : i32
      %dma_start3A_391 = tpu.memref_slice %arg6[%dma_start3A_382, %dma_start3A_383, %dma_start3A_390] : memref<2x8x128xi32, #tpu.memory_space<vmem>> -> memref<1x1x128xi32, #tpu.memory_space<vmem>>
      %dma_start3A_392 = tpu.memref_squeeze %dma_start3A_391 : memref<1x1x128xi32, #tpu.memory_space<vmem>> -> memref<128xi32, #tpu.memory_space<vmem>>
      %dma_start3A_393 = arith.constant 0 : i32
      %dma_start3A_394 = arith.constant 0 : i32
      %dma_start3A_395 = tpu.memref_slice %arg2[%dma_start3A_393, %dma_start3A_394] : memref<100352x32xf32, #tpu.memory_space<hbm>> -> memref<100352x32xf32, #tpu.memory_space<hbm>>
      tpu.enqueue_indirect_dma source(%dma_start3A_395 : memref<100352x32xf32, #tpu.memory_space<hbm>>) target(%dma_start3A_389 : memref<128x32xf32, #tpu.memory_space<vmem>>) offsets(%dma_start3A_392 : memref<128xi32, #tpu.memory_space<vmem>>) semaphore(%arg14 : memref<!tpu.dma_semaphore, #tpu.memory_space<semaphore_mem>>)
      %dma_start3A_396 = arith.constant 0 : i32
      %dma_start3A_397 = arith.constant 5 : i32
      %dma_start3A_398 = arith.constant 0 : i32
      %dma_start3A_399 = arith.constant 1 : i32
      %dma_start3A_400 = arith.constant 0 : i32
      %dma_start3A_401 = arith.constant 0 : i32
      %dma_start3A_402 = tpu.memref_slice %arg8[%dma_start3A_398, %dma_start3A_399, %dma_start3A_400, %dma_start3A_401] : memref<2x2x128x32xf32, #tpu.memory_space<vmem>> -> memref<1x1x128x32xf32, #tpu.memory_space<vmem>>
      %dma_start3A_403 = tpu.memref_squeeze %dma_start3A_402 : memref<1x1x128x32xf32, #tpu.memory_space<vmem>> -> memref<128x32xf32, #tpu.memory_space<vmem>>
      %dma_start3A_404 = arith.constant 0 : i32
      %dma_start3A_405 = tpu.memref_slice %arg6[%dma_start3A_396, %dma_start3A_397, %dma_start3A_404] : memref<2x8x128xi32, #tpu.memory_space<vmem>> -> memref<1x1x128xi32, #tpu.memory_space<vmem>>
      %dma_start3A_406 = tpu.memref_squeeze %dma_start3A_405 : memref<1x1x128xi32, #tpu.memory_space<vmem>> -> memref<128xi32, #tpu.memory_space<vmem>>
      %dma_start3A_407 = arith.constant 0 : i32
      %dma_start3A_408 = arith.constant 0 : i32
      %dma_start3A_409 = tpu.memref_slice %arg2[%dma_start3A_407, %dma_start3A_408] : memref<100352x32xf32, #tpu.memory_space<hbm>> -> memref<100352x32xf32, #tpu.memory_space<hbm>>
      tpu.enqueue_indirect_dma source(%dma_start3A_409 : memref<100352x32xf32, #tpu.memory_space<hbm>>) target(%dma_start3A_403 : memref<128x32xf32, #tpu.memory_space<vmem>>) offsets(%dma_start3A_406 : memref<128xi32, #tpu.memory_space<vmem>>) semaphore(%arg14 : memref<!tpu.dma_semaphore, #tpu.memory_space<semaphore_mem>>)
      %dma_wait3A_410 = arith.constant 0 : i32
      %dma_wait3A_411 = arith.constant 0 : i32
      %dma_wait3A_412 = tpu.memref_slice %arg12[%dma_wait3A_410, %dma_wait3A_411] : memref<50176x32xf32, #tpu.memory_space<vmem_shared>> -> memref<128x32xf32, #tpu.memory_space<vmem_shared>>
      %dma_wait3A_413 = arith.constant 0 : i32
      %dma_wait3A_414 = arith.constant 0 : i32
      %dma_wait3A_415 = tpu.memref_slice %arg2[%dma_wait3A_413, %dma_wait3A_414] : memref<100352x32xf32, #tpu.memory_space<hbm>> -> memref<128x32xf32, #tpu.memory_space<hbm>>
      tpu.wait_dma2 semaphore(%arg15 : memref<!tpu.dma_semaphore, #tpu.memory_space<semaphore_mem>>) src(%dma_wait3A_415 : memref<128x32xf32, #tpu.memory_space<hbm>>) dst(%dma_wait3A_412 : memref<128x32xf32, #tpu.memory_space<vmem_shared>>)
      %dma_wait3A_416 = arith.constant 0 : i32
      %dma_wait3A_417 = arith.constant 0 : i32
      %dma_wait3A_418 = tpu.memref_slice %arg12[%dma_wait3A_416, %dma_wait3A_417] : memref<50176x32xf32, #tpu.memory_space<vmem_shared>> -> memref<128x32xf32, #tpu.memory_space<vmem_shared>>
      %dma_wait3A_419 = arith.constant 0 : i32
      %dma_wait3A_420 = arith.constant 0 : i32
      %dma_wait3A_421 = tpu.memref_slice %arg2[%dma_wait3A_419, %dma_wait3A_420] : memref<100352x32xf32, #tpu.memory_space<hbm>> -> memref<128x32xf32, #tpu.memory_space<hbm>>
      tpu.wait_dma2 semaphore(%arg15 : memref<!tpu.dma_semaphore, #tpu.memory_space<semaphore_mem>>) src(%dma_wait3A_421 : memref<128x32xf32, #tpu.memory_space<hbm>>) dst(%dma_wait3A_418 : memref<128x32xf32, #tpu.memory_space<vmem_shared>>)
      %dma_start3A_422 = arith.constant 0 : i32
      %dma_start3A_423 = arith.constant 6 : i32
      %dma_start3A_424 = arith.constant 1 : i32
      %dma_start3A_425 = arith.constant 0 : i32
      %dma_start3A_426 = arith.constant 0 : i32
      %dma_start3A_427 = arith.constant 0 : i32
      %dma_start3A_428 = tpu.memref_slice %arg8[%dma_start3A_424, %dma_start3A_425, %dma_start3A_426, %dma_start3A_427] : memref<2x2x128x32xf32, #tpu.memory_space<vmem>> -> memref<1x1x128x32xf32, #tpu.memory_space<vmem>>
      %dma_start3A_429 = tpu.memref_squeeze %dma_start3A_428 : memref<1x1x128x32xf32, #tpu.memory_space<vmem>> -> memref<128x32xf32, #tpu.memory_space<vmem>>
      %dma_start3A_430 = arith.constant 0 : i32
      %dma_start3A_431 = tpu.memref_slice %arg6[%dma_start3A_422, %dma_start3A_423, %dma_start3A_430] : memref<2x8x128xi32, #tpu.memory_space<vmem>> -> memref<1x1x128xi32, #tpu.memory_space<vmem>>
      %dma_start3A_432 = tpu.memref_squeeze %dma_start3A_431 : memref<1x1x128xi32, #tpu.memory_space<vmem>> -> memref<128xi32, #tpu.memory_space<vmem>>
      %dma_start3A_433 = arith.constant 0 : i32
      %dma_start3A_434 = arith.constant 0 : i32
      %dma_start3A_435 = tpu.memref_slice %arg2[%dma_start3A_433, %dma_start3A_434] : memref<100352x32xf32, #tpu.memory_space<hbm>> -> memref<100352x32xf32, #tpu.memory_space<hbm>>
      tpu.enqueue_indirect_dma source(%dma_start3A_435 : memref<100352x32xf32, #tpu.memory_space<hbm>>) target(%dma_start3A_429 : memref<128x32xf32, #tpu.memory_space<vmem>>) offsets(%dma_start3A_432 : memref<128xi32, #tpu.memory_space<vmem>>) semaphore(%arg14 : memref<!tpu.dma_semaphore, #tpu.memory_space<semaphore_mem>>)
      %dma_start3A_436 = arith.constant 0 : i32
      %dma_start3A_437 = arith.constant 7 : i32
      %dma_start3A_438 = arith.constant 1 : i32
      %dma_start3A_439 = arith.constant 1 : i32
      %dma_start3A_440 = arith.constant 0 : i32
      %dma_start3A_441 = arith.constant 0 : i32
      %dma_start3A_442 = tpu.memref_slice %arg8[%dma_start3A_438, %dma_start3A_439, %dma_start3A_440, %dma_start3A_441] : memref<2x2x128x32xf32, #tpu.memory_space<vmem>> -> memref<1x1x128x32xf32, #tpu.memory_space<vmem>>
      %dma_start3A_443 = tpu.memref_squeeze %dma_start3A_442 : memref<1x1x128x32xf32, #tpu.memory_space<vmem>> -> memref<128x32xf32, #tpu.memory_space<vmem>>
      %dma_start3A_444 = arith.constant 0 : i32
      %dma_start3A_445 = tpu.memref_slice %arg6[%dma_start3A_436, %dma_start3A_437, %dma_start3A_444] : memref<2x8x128xi32, #tpu.memory_space<vmem>> -> memref<1x1x128xi32, #tpu.memory_space<vmem>>
      %dma_start3A_446 = tpu.memref_squeeze %dma_start3A_445 : memref<1x1x128xi32, #tpu.memory_space<vmem>> -> memref<128xi32, #tpu.memory_space<vmem>>
      %dma_start3A_447 = arith.constant 0 : i32
      %dma_start3A_448 = arith.constant 0 : i32
      %dma_start3A_449 = tpu.memref_slice %arg2[%dma_start3A_447, %dma_start3A_448] : memref<100352x32xf32, #tpu.memory_space<hbm>> -> memref<100352x32xf32, #tpu.memory_space<hbm>>
      tpu.enqueue_indirect_dma source(%dma_start3A_449 : memref<100352x32xf32, #tpu.memory_space<hbm>>) target(%dma_start3A_443 : memref<128x32xf32, #tpu.memory_space<vmem>>) offsets(%dma_start3A_446 : memref<128xi32, #tpu.memory_space<vmem>>) semaphore(%arg14 : memref<!tpu.dma_semaphore, #tpu.memory_space<semaphore_mem>>)
      %dma_wait3A_450 = arith.constant 0 : i32
      %dma_wait3A_451 = arith.constant 0 : i32
      %dma_wait3A_452 = arith.constant 0 : i32
      %dma_wait3A_453 = arith.constant 0 : i32
      %dma_wait3A_454 = tpu.memref_slice %arg8[%dma_wait3A_450, %dma_wait3A_451, %dma_wait3A_452, %dma_wait3A_453] : memref<2x2x128x32xf32, #tpu.memory_space<vmem>> -> memref<1x1x128x32xf32, #tpu.memory_space<vmem>>
      %dma_wait3A_455 = tpu.memref_squeeze %dma_wait3A_454 : memref<1x1x128x32xf32, #tpu.memory_space<vmem>> -> memref<128x32xf32, #tpu.memory_space<vmem>>
      %dma_wait3A_456 = arith.constant 0 : i32
      %dma_wait3A_457 = arith.constant 0 : i32
      %dma_wait3A_458 = tpu.memref_slice %arg2[%dma_wait3A_456, %dma_wait3A_457] : memref<100352x32xf32, #tpu.memory_space<hbm>> -> memref<128x32xf32, #tpu.memory_space<hbm>>
      %dma_wait3A_459 = arith.constant 0 : i32
      %dma_wait3A_460 = arith.constant 0 : i32
      %dma_wait3A_461 = tpu.memref_slice %arg8[%dma_wait3A_450, %dma_wait3A_451, %dma_wait3A_459, %dma_wait3A_460] : memref<2x2x128x32xf32, #tpu.memory_space<vmem>> -> memref<1x1x128x32xf32, #tpu.memory_space<vmem>>
      %dma_wait3A_462 = tpu.memref_squeeze %dma_wait3A_461 : memref<1x1x128x32xf32, #tpu.memory_space<vmem>> -> memref<128x32xf32, #tpu.memory_space<vmem>>
      %dma_wait3A_463 = arith.constant 0 : i32
      %dma_wait3A_464 = arith.constant 0 : i32
      %dma_wait3A_465 = tpu.memref_slice %arg2[%dma_wait3A_463, %dma_wait3A_464] : memref<100352x32xf32, #tpu.memory_space<hbm>> -> memref<128x32xf32, #tpu.memory_space<hbm>>
      tpu.wait_dma2 semaphore(%arg14 : memref<!tpu.dma_semaphore, #tpu.memory_space<semaphore_mem>>) src(%dma_wait3A_465 : memref<128x32xf32, #tpu.memory_space<hbm>>) dst(%dma_wait3A_462 : memref<128x32xf32, #tpu.memory_space<vmem>>)
      %dma_wait3A_466 = arith.constant 0 : i32
      %dma_wait3A_467 = arith.constant 1 : i32
      %dma_wait3A_468 = arith.constant 0 : i32
      %dma_wait3A_469 = arith.constant 0 : i32
      %dma_wait3A_470 = tpu.memref_slice %arg8[%dma_wait3A_466, %dma_wait3A_467, %dma_wait3A_468, %dma_wait3A_469] : memref<2x2x128x32xf32, #tpu.memory_space<vmem>> -> memref<1x1x128x32xf32, #tpu.memory_space<vmem>>
      %dma_wait3A_471 = tpu.memref_squeeze %dma_wait3A_470 : memref<1x1x128x32xf32, #tpu.memory_space<vmem>> -> memref<128x32xf32, #tpu.memory_space<vmem>>
      %dma_wait3A_472 = arith.constant 0 : i32
      %dma_wait3A_473 = arith.constant 0 : i32
      %dma_wait3A_474 = tpu.memref_slice %arg2[%dma_wait3A_472, %dma_wait3A_473] : memref<100352x32xf32, #tpu.memory_space<hbm>> -> memref<128x32xf32, #tpu.memory_space<hbm>>
      %dma_wait3A_475 = arith.constant 0 : i32
      %dma_wait3A_476 = arith.constant 0 : i32
      %dma_wait3A_477 = tpu.memref_slice %arg8[%dma_wait3A_466, %dma_wait3A_467, %dma_wait3A_475, %dma_wait3A_476] : memref<2x2x128x32xf32, #tpu.memory_space<vmem>> -> memref<1x1x128x32xf32, #tpu.memory_space<vmem>>
      %dma_wait3A_478 = tpu.memref_squeeze %dma_wait3A_477 : memref<1x1x128x32xf32, #tpu.memory_space<vmem>> -> memref<128x32xf32, #tpu.memory_space<vmem>>
      %dma_wait3A_479 = arith.constant 0 : i32
      %dma_wait3A_480 = arith.constant 0 : i32
      %dma_wait3A_481 = tpu.memref_slice %arg2[%dma_wait3A_479, %dma_wait3A_480] : memref<100352x32xf32, #tpu.memory_space<hbm>> -> memref<128x32xf32, #tpu.memory_space<hbm>>
      tpu.wait_dma2 semaphore(%arg14 : memref<!tpu.dma_semaphore, #tpu.memory_space<semaphore_mem>>) src(%dma_wait3A_481 : memref<128x32xf32, #tpu.memory_space<hbm>>) dst(%dma_wait3A_478 : memref<128x32xf32, #tpu.memory_space<vmem>>)
      %dma_start3A_482 = arith.constant 0 : i32
      %dma_start3A_483 = arith.constant 0 : i32
      %dma_start3A_484 = arith.constant 0 : i32
      %dma_start3A_485 = arith.constant 4 : i32
      %dma_start3A_486 = arith.constant 0 : i32
      %dma_start3A_487 = arith.constant 0 : i32
      %dma_start3A_488 = tpu.memref_slice %arg8[%dma_start3A_482, %dma_start3A_483, %dma_start3A_486, %dma_start3A_487] : memref<2x2x128x32xf32, #tpu.memory_space<vmem>> -> memref<1x1x128x32xf32, #tpu.memory_space<vmem>>
      %dma_start3A_489 = tpu.memref_squeeze %dma_start3A_488 : memref<1x1x128x32xf32, #tpu.memory_space<vmem>> -> memref<128x32xf32, #tpu.memory_space<vmem>>
      %dma_start3A_490 = arith.constant 0 : i32
      %dma_start3A_491 = tpu.memref_slice %arg7[%dma_start3A_484, %dma_start3A_485, %dma_start3A_490] : memref<2x8x128xi32, #tpu.memory_space<vmem>> -> memref<1x1x128xi32, #tpu.memory_space<vmem>>
      %dma_start3A_492 = tpu.memref_squeeze %dma_start3A_491 : memref<1x1x128xi32, #tpu.memory_space<vmem>> -> memref<128xi32, #tpu.memory_space<vmem>>
      %dma_start3A_493 = arith.constant 0 : i32
      %dma_start3A_494 = arith.constant 0 : i32
      %dma_start3A_495 = tpu.memref_slice %arg12[%dma_start3A_493, %dma_start3A_494] : memref<50176x32xf32, #tpu.memory_space<vmem_shared>> -> memref<50176x32xf32, #tpu.memory_space<vmem_shared>>
      tpu.enqueue_indirect_dma source(%dma_start3A_489 : memref<128x32xf32, #tpu.memory_space<vmem>>) target(%dma_start3A_495 : memref<50176x32xf32, #tpu.memory_space<vmem_shared>>) offsets(%dma_start3A_492 : memref<128xi32, #tpu.memory_space<vmem>>) semaphore(%arg15 : memref<!tpu.dma_semaphore, #tpu.memory_space<semaphore_mem>>) {add = true}
      %dma_start3A_496 = arith.constant 0 : i32
      %dma_start3A_497 = arith.constant 1 : i32
      %dma_start3A_498 = arith.constant 0 : i32
      %dma_start3A_499 = arith.constant 5 : i32
      %dma_start3A_500 = arith.constant 0 : i32
      %dma_start3A_501 = arith.constant 0 : i32
      %dma_start3A_502 = tpu.memref_slice %arg8[%dma_start3A_496, %dma_start3A_497, %dma_start3A_500, %dma_start3A_501] : memref<2x2x128x32xf32, #tpu.memory_space<vmem>> -> memref<1x1x128x32xf32, #tpu.memory_space<vmem>>
      %dma_start3A_503 = tpu.memref_squeeze %dma_start3A_502 : memref<1x1x128x32xf32, #tpu.memory_space<vmem>> -> memref<128x32xf32, #tpu.memory_space<vmem>>
      %dma_start3A_504 = arith.constant 0 : i32
      %dma_start3A_505 = tpu.memref_slice %arg7[%dma_start3A_498, %dma_start3A_499, %dma_start3A_504] : memref<2x8x128xi32, #tpu.memory_space<vmem>> -> memref<1x1x128xi32, #tpu.memory_space<vmem>>
      %dma_start3A_506 = tpu.memref_squeeze %dma_start3A_505 : memref<1x1x128xi32, #tpu.memory_space<vmem>> -> memref<128xi32, #tpu.memory_space<vmem>>
      %dma_start3A_507 = arith.constant 0 : i32
      %dma_start3A_508 = arith.constant 0 : i32
      %dma_start3A_509 = tpu.memref_slice %arg12[%dma_start3A_507, %dma_start3A_508] : memref<50176x32xf32, #tpu.memory_space<vmem_shared>> -> memref<50176x32xf32, #tpu.memory_space<vmem_shared>>
      tpu.enqueue_indirect_dma source(%dma_start3A_503 : memref<128x32xf32, #tpu.memory_space<vmem>>) target(%dma_start3A_509 : memref<50176x32xf32, #tpu.memory_space<vmem_shared>>) offsets(%dma_start3A_506 : memref<128xi32, #tpu.memory_space<vmem>>) semaphore(%arg15 : memref<!tpu.dma_semaphore, #tpu.memory_space<semaphore_mem>>) {add = true}
      %dma_wait3A_510 = arith.constant 0 : i32
      %dma_wait3A_511 = arith.constant 0 : i32
      %dma_wait3A_512 = arith.constant 0 : i32
      %dma_wait3A_513 = arith.constant 0 : i32
      %dma_wait3A_514 = tpu.memref_slice %arg8[%dma_wait3A_510, %dma_wait3A_511, %dma_wait3A_512, %dma_wait3A_513] : memref<2x2x128x32xf32, #tpu.memory_space<vmem>> -> memref<1x1x128x32xf32, #tpu.memory_space<vmem>>
      %dma_wait3A_515 = tpu.memref_squeeze %dma_wait3A_514 : memref<1x1x128x32xf32, #tpu.memory_space<vmem>> -> memref<128x32xf32, #tpu.memory_space<vmem>>
      %dma_wait3A_516 = arith.constant 0 : i32
      %dma_wait3A_517 = arith.constant 0 : i32
      %dma_wait3A_518 = tpu.memref_slice %arg2[%dma_wait3A_516, %dma_wait3A_517] : memref<100352x32xf32, #tpu.memory_space<hbm>> -> memref<128x32xf32, #tpu.memory_space<hbm>>
      %dma_wait3A_519 = arith.constant 0 : i32
      %dma_wait3A_520 = arith.constant 0 : i32
      %dma_wait3A_521 = tpu.memref_slice %arg8[%dma_wait3A_510, %dma_wait3A_511, %dma_wait3A_519, %dma_wait3A_520] : memref<2x2x128x32xf32, #tpu.memory_space<vmem>> -> memref<1x1x128x32xf32, #tpu.memory_space<vmem>>
      %dma_wait3A_522 = tpu.memref_squeeze %dma_wait3A_521 : memref<1x1x128x32xf32, #tpu.memory_space<vmem>> -> memref<128x32xf32, #tpu.memory_space<vmem>>
      %dma_wait3A_523 = arith.constant 0 : i32
      %dma_wait3A_524 = arith.constant 0 : i32
      %dma_wait3A_525 = tpu.memref_slice %arg2[%dma_wait3A_523, %dma_wait3A_524] : memref<100352x32xf32, #tpu.memory_space<hbm>> -> memref<128x32xf32, #tpu.memory_space<hbm>>
      tpu.wait_dma2 semaphore(%arg14 : memref<!tpu.dma_semaphore, #tpu.memory_space<semaphore_mem>>) src(%dma_wait3A_525 : memref<128x32xf32, #tpu.memory_space<hbm>>) dst(%dma_wait3A_522 : memref<128x32xf32, #tpu.memory_space<vmem>>)
      %dma_wait3A_526 = arith.constant 0 : i32
      %dma_wait3A_527 = arith.constant 1 : i32
      %dma_wait3A_528 = arith.constant 0 : i32
      %dma_wait3A_529 = arith.constant 0 : i32
      %dma_wait3A_530 = tpu.memref_slice %arg8[%dma_wait3A_526, %dma_wait3A_527, %dma_wait3A_528, %dma_wait3A_529] : memref<2x2x128x32xf32, #tpu.memory_space<vmem>> -> memref<1x1x128x32xf32, #tpu.memory_space<vmem>>
      %dma_wait3A_531 = tpu.memref_squeeze %dma_wait3A_530 : memref<1x1x128x32xf32, #tpu.memory_space<vmem>> -> memref<128x32xf32, #tpu.memory_space<vmem>>
      %dma_wait3A_532 = arith.constant 0 : i32
      %dma_wait3A_533 = arith.constant 0 : i32
      %dma_wait3A_534 = tpu.memref_slice %arg2[%dma_wait3A_532, %dma_wait3A_533] : memref<100352x32xf32, #tpu.memory_space<hbm>> -> memref<128x32xf32, #tpu.memory_space<hbm>>
      %dma_wait3A_535 = arith.constant 0 : i32
      %dma_wait3A_536 = arith.constant 0 : i32
      %dma_wait3A_537 = tpu.memref_slice %arg8[%dma_wait3A_526, %dma_wait3A_527, %dma_wait3A_535, %dma_wait3A_536] : memref<2x2x128x32xf32, #tpu.memory_space<vmem>> -> memref<1x1x128x32xf32, #tpu.memory_space<vmem>>
      %dma_wait3A_538 = tpu.memref_squeeze %dma_wait3A_537 : memref<1x1x128x32xf32, #tpu.memory_space<vmem>> -> memref<128x32xf32, #tpu.memory_space<vmem>>
      %dma_wait3A_539 = arith.constant 0 : i32
      %dma_wait3A_540 = arith.constant 0 : i32
      %dma_wait3A_541 = tpu.memref_slice %arg2[%dma_wait3A_539, %dma_wait3A_540] : memref<100352x32xf32, #tpu.memory_space<hbm>> -> memref<128x32xf32, #tpu.memory_space<hbm>>
      tpu.wait_dma2 semaphore(%arg14 : memref<!tpu.dma_semaphore, #tpu.memory_space<semaphore_mem>>) src(%dma_wait3A_541 : memref<128x32xf32, #tpu.memory_space<hbm>>) dst(%dma_wait3A_538 : memref<128x32xf32, #tpu.memory_space<vmem>>)
      %dma_start3A_542 = arith.constant 1 : i32
      %dma_start3A_543 = arith.constant 0 : i32
      %dma_start3A_544 = arith.constant 0 : i32
      %dma_start3A_545 = arith.constant 6 : i32
      %dma_start3A_546 = arith.constant 0 : i32
      %dma_start3A_547 = arith.constant 0 : i32
      %dma_start3A_548 = tpu.memref_slice %arg8[%dma_start3A_542, %dma_start3A_543, %dma_start3A_546, %dma_start3A_547] : memref<2x2x128x32xf32, #tpu.memory_space<vmem>> -> memref<1x1x128x32xf32, #tpu.memory_space<vmem>>
      %dma_start3A_549 = tpu.memref_squeeze %dma_start3A_548 : memref<1x1x128x32xf32, #tpu.memory_space<vmem>> -> memref<128x32xf32, #tpu.memory_space<vmem>>
      %dma_start3A_550 = arith.constant 0 : i32
      %dma_start3A_551 = tpu.memref_slice %arg7[%dma_start3A_544, %dma_start3A_545, %dma_start3A_550] : memref<2x8x128xi32, #tpu.memory_space<vmem>> -> memref<1x1x128xi32, #tpu.memory_space<vmem>>
      %dma_start3A_552 = tpu.memref_squeeze %dma_start3A_551 : memref<1x1x128xi32, #tpu.memory_space<vmem>> -> memref<128xi32, #tpu.memory_space<vmem>>
      %dma_start3A_553 = arith.constant 0 : i32
      %dma_start3A_554 = arith.constant 0 : i32
      %dma_start3A_555 = tpu.memref_slice %arg12[%dma_start3A_553, %dma_start3A_554] : memref<50176x32xf32, #tpu.memory_space<vmem_shared>> -> memref<50176x32xf32, #tpu.memory_space<vmem_shared>>
      tpu.enqueue_indirect_dma source(%dma_start3A_549 : memref<128x32xf32, #tpu.memory_space<vmem>>) target(%dma_start3A_555 : memref<50176x32xf32, #tpu.memory_space<vmem_shared>>) offsets(%dma_start3A_552 : memref<128xi32, #tpu.memory_space<vmem>>) semaphore(%arg15 : memref<!tpu.dma_semaphore, #tpu.memory_space<semaphore_mem>>) {add = true}
      %dma_start3A_556 = arith.constant 1 : i32
      %dma_start3A_557 = arith.constant 1 : i32
      %dma_start3A_558 = arith.constant 0 : i32
      %dma_start3A_559 = arith.constant 7 : i32
      %dma_start3A_560 = arith.constant 0 : i32
      %dma_start3A_561 = arith.constant 0 : i32
      %dma_start3A_562 = tpu.memref_slice %arg8[%dma_start3A_556, %dma_start3A_557, %dma_start3A_560, %dma_start3A_561] : memref<2x2x128x32xf32, #tpu.memory_space<vmem>> -> memref<1x1x128x32xf32, #tpu.memory_space<vmem>>
      %dma_start3A_563 = tpu.memref_squeeze %dma_start3A_562 : memref<1x1x128x32xf32, #tpu.memory_space<vmem>> -> memref<128x32xf32, #tpu.memory_space<vmem>>
      %dma_start3A_564 = arith.constant 0 : i32
      %dma_start3A_565 = tpu.memref_slice %arg7[%dma_start3A_558, %dma_start3A_559, %dma_start3A_564] : memref<2x8x128xi32, #tpu.memory_space<vmem>> -> memref<1x1x128xi32, #tpu.memory_space<vmem>>
      %dma_start3A_566 = tpu.memref_squeeze %dma_start3A_565 : memref<1x1x128xi32, #tpu.memory_space<vmem>> -> memref<128xi32, #tpu.memory_space<vmem>>
      %dma_start3A_567 = arith.constant 0 : i32
      %dma_start3A_568 = arith.constant 0 : i32
      %dma_start3A_569 = tpu.memref_slice %arg12[%dma_start3A_567, %dma_start3A_568] : memref<50176x32xf32, #tpu.memory_space<vmem_shared>> -> memref<50176x32xf32, #tpu.memory_space<vmem_shared>>
      tpu.enqueue_indirect_dma source(%dma_start3A_563 : memref<128x32xf32, #tpu.memory_space<vmem>>) target(%dma_start3A_569 : memref<50176x32xf32, #tpu.memory_space<vmem_shared>>) offsets(%dma_start3A_566 : memref<128xi32, #tpu.memory_space<vmem>>) semaphore(%arg15 : memref<!tpu.dma_semaphore, #tpu.memory_space<semaphore_mem>>) {add = true}
      %lt3A = arith.constant 24 : i32
      %lt3A_570 = arith.cmpi slt, %scan3A_81, %lt3A : i32
      %add3A_571 = arith.constant 1 : i32
      %add3A_572 = arith.addi %mul3A_83, %add3A_571 : i32
      %dma_wait3A_573 = arith.constant 1 : i32
      %dma_wait3A_574 = arith.constant 0 : i32
      %dma_wait3A_575 = arith.constant 0 : i32
      %dma_wait3A_576 = tpu.memref_slice %arg6[%dma_wait3A_573, %dma_wait3A_574, %dma_wait3A_575] : memref<2x8x128xi32, #tpu.memory_space<vmem>> -> memref<1x8x128xi32, #tpu.memory_space<vmem>>
      %dma_wait3A_577 = tpu.memref_squeeze %dma_wait3A_576 : memref<1x8x128xi32, #tpu.memory_space<vmem>> -> memref<8x128xi32, #tpu.memory_space<vmem>>
      %dma_wait3A_578 = arith.constant 0 : i32
      %dma_wait3A_579 = tpu.memref_slice %arg3[%mul3A_2, %dma_wait3A_578] : memref<6400x128xi32, #tpu.memory_space<hbm>> -> memref<8x128xi32, #tpu.memory_space<hbm>>
      %dma_wait3A_580 = arith.constant 0 : i32
      %dma_wait3A_581 = arith.constant 0 : i32
      %dma_wait3A_582 = tpu.memref_slice %arg6[%dma_wait3A_573, %dma_wait3A_580, %dma_wait3A_581] : memref<2x8x128xi32, #tpu.memory_space<vmem>> -> memref<1x8x128xi32, #tpu.memory_space<vmem>>
      %dma_wait3A_583 = tpu.memref_squeeze %dma_wait3A_582 : memref<1x8x128xi32, #tpu.memory_space<vmem>> -> memref<8x128xi32, #tpu.memory_space<vmem>>
      %dma_wait3A_584 = arith.constant 0 : i32
      %dma_wait3A_585 = tpu.memref_slice %arg3[%mul3A_2, %dma_wait3A_584] : memref<6400x128xi32, #tpu.memory_space<hbm>> -> memref<8x128xi32, #tpu.memory_space<hbm>>
      tpu.wait_dma2 semaphore(%arg17 : memref<!tpu.dma_semaphore, #tpu.memory_space<semaphore_mem>>) src(%dma_wait3A_585 : memref<8x128xi32, #tpu.memory_space<hbm>>) dst(%dma_wait3A_583 : memref<8x128xi32, #tpu.memory_space<vmem>>)
      %dma_wait3A_586 = arith.constant 1 : i32
      %dma_wait3A_587 = arith.constant 0 : i32
      %dma_wait3A_588 = arith.constant 0 : i32
      %dma_wait3A_589 = tpu.memref_slice %arg6[%dma_wait3A_586, %dma_wait3A_587, %dma_wait3A_588] : memref<2x8x128xi32, #tpu.memory_space<vmem>> -> memref<1x8x128xi32, #tpu.memory_space<vmem>>
      %dma_wait3A_590 = tpu.memref_squeeze %dma_wait3A_589 : memref<1x8x128xi32, #tpu.memory_space<vmem>> -> memref<8x128xi32, #tpu.memory_space<vmem>>
      %dma_wait3A_591 = arith.constant 0 : i32
      %dma_wait3A_592 = tpu.memref_slice %arg3[%mul3A_2, %dma_wait3A_591] : memref<6400x128xi32, #tpu.memory_space<hbm>> -> memref<8x128xi32, #tpu.memory_space<hbm>>
      %dma_wait3A_593 = arith.constant 0 : i32
      %dma_wait3A_594 = arith.constant 0 : i32
      %dma_wait3A_595 = tpu.memref_slice %arg6[%dma_wait3A_586, %dma_wait3A_593, %dma_wait3A_594] : memref<2x8x128xi32, #tpu.memory_space<vmem>> -> memref<1x8x128xi32, #tpu.memory_space<vmem>>
      %dma_wait3A_596 = tpu.memref_squeeze %dma_wait3A_595 : memref<1x8x128xi32, #tpu.memory_space<vmem>> -> memref<8x128xi32, #tpu.memory_space<vmem>>
      %dma_wait3A_597 = arith.constant 0 : i32
      %dma_wait3A_598 = tpu.memref_slice %arg3[%mul3A_2, %dma_wait3A_597] : memref<6400x128xi32, #tpu.memory_space<hbm>> -> memref<8x128xi32, #tpu.memory_space<hbm>>
      tpu.wait_dma2 semaphore(%arg17 : memref<!tpu.dma_semaphore, #tpu.memory_space<semaphore_mem>>) src(%dma_wait3A_598 : memref<8x128xi32, #tpu.memory_space<hbm>>) dst(%dma_wait3A_596 : memref<8x128xi32, #tpu.memory_space<vmem>>)
      %dma_wait3A_599 = arith.constant 0 : i32
      %dma_wait3A_600 = arith.constant 0 : i32
      %dma_wait3A_601 = tpu.memref_slice %arg12[%dma_wait3A_599, %dma_wait3A_600] : memref<50176x32xf32, #tpu.memory_space<vmem_shared>> -> memref<128x32xf32, #tpu.memory_space<vmem_shared>>
      %dma_wait3A_602 = arith.constant 0 : i32
      %dma_wait3A_603 = arith.constant 0 : i32
      %dma_wait3A_604 = tpu.memref_slice %arg2[%dma_wait3A_602, %dma_wait3A_603] : memref<100352x32xf32, #tpu.memory_space<hbm>> -> memref<128x32xf32, #tpu.memory_space<hbm>>
      tpu.wait_dma2 semaphore(%arg15 : memref<!tpu.dma_semaphore, #tpu.memory_space<semaphore_mem>>) src(%dma_wait3A_604 : memref<128x32xf32, #tpu.memory_space<hbm>>) dst(%dma_wait3A_601 : memref<128x32xf32, #tpu.memory_space<vmem_shared>>)
      %dma_wait3A_605 = arith.constant 0 : i32
      %dma_wait3A_606 = arith.constant 0 : i32
      %dma_wait3A_607 = tpu.memref_slice %arg12[%dma_wait3A_605, %dma_wait3A_606] : memref<50176x32xf32, #tpu.memory_space<vmem_shared>> -> memref<128x32xf32, #tpu.memory_space<vmem_shared>>
      %dma_wait3A_608 = arith.constant 0 : i32
      %dma_wait3A_609 = arith.constant 0 : i32
      %dma_wait3A_610 = tpu.memref_slice %arg2[%dma_wait3A_608, %dma_wait3A_609] : memref<100352x32xf32, #tpu.memory_space<hbm>> -> memref<128x32xf32, #tpu.memory_space<hbm>>
      tpu.wait_dma2 semaphore(%arg15 : memref<!tpu.dma_semaphore, #tpu.memory_space<semaphore_mem>>) src(%dma_wait3A_610 : memref<128x32xf32, #tpu.memory_space<hbm>>) dst(%dma_wait3A_607 : memref<128x32xf32, #tpu.memory_space<vmem_shared>>)
      %dma_wait3A_611 = arith.constant 0 : i32
      %dma_wait3A_612 = arith.constant 0 : i32
      %dma_wait3A_613 = tpu.memref_slice %arg12[%dma_wait3A_611, %dma_wait3A_612] : memref<50176x32xf32, #tpu.memory_space<vmem_shared>> -> memref<128x32xf32, #tpu.memory_space<vmem_shared>>
      %dma_wait3A_614 = arith.constant 0 : i32
      %dma_wait3A_615 = arith.constant 0 : i32
      %dma_wait3A_616 = tpu.memref_slice %arg2[%dma_wait3A_614, %dma_wait3A_615] : memref<100352x32xf32, #tpu.memory_space<hbm>> -> memref<128x32xf32, #tpu.memory_space<hbm>>
      tpu.wait_dma2 semaphore(%arg15 : memref<!tpu.dma_semaphore, #tpu.memory_space<semaphore_mem>>) src(%dma_wait3A_616 : memref<128x32xf32, #tpu.memory_space<hbm>>) dst(%dma_wait3A_613 : memref<128x32xf32, #tpu.memory_space<vmem_shared>>)
      %dma_wait3A_617 = arith.constant 0 : i32
      %dma_wait3A_618 = arith.constant 0 : i32
      %dma_wait3A_619 = tpu.memref_slice %arg12[%dma_wait3A_617, %dma_wait3A_618] : memref<50176x32xf32, #tpu.memory_space<vmem_shared>> -> memref<128x32xf32, #tpu.memory_space<vmem_shared>>
      %dma_wait3A_620 = arith.constant 0 : i32
      %dma_wait3A_621 = arith.constant 0 : i32
      %dma_wait3A_622 = tpu.memref_slice %arg2[%dma_wait3A_620, %dma_wait3A_621] : memref<100352x32xf32, #tpu.memory_space<hbm>> -> memref<128x32xf32, #tpu.memory_space<hbm>>
      tpu.wait_dma2 semaphore(%arg15 : memref<!tpu.dma_semaphore, #tpu.memory_space<semaphore_mem>>) src(%dma_wait3A_622 : memref<128x32xf32, #tpu.memory_space<hbm>>) dst(%dma_wait3A_619 : memref<128x32xf32, #tpu.memory_space<vmem_shared>>)
      %convert_element_type3A_623 = arith.extui %lt3A_570 : i1 to i32
      %cond3A_624 = arith.constant 0 : i32
      %cond3A_625 = arith.cmpi ne, %convert_element_type3A_623, %cond3A_624 : i32
      scf.if %cond3A_625 {
        %add3A_1050 = arith.constant 1 : i32
        %add3A_1051 = arith.addi %add3A_572, %add3A_1050 : i32
        %mul3A_1052 = arith.constant 8 : i32
        %mul3A_1053 = arith.muli %add3A_1051, %mul3A_1052 : i32
        %add3A_1054 = arith.addi %mul3A_2, %mul3A_1053 : i32
        %dma_start3A_1055 = arith.constant 0 : i32
        %dma_start3A_1056 = arith.constant 0 : i32
        %dma_start3A_1057 = arith.constant 0 : i32
        %dma_start3A_1058 = tpu.memref_slice %arg6[%dma_start3A_1055, %dma_start3A_1056, %dma_start3A_1057] : memref<2x8x128xi32, #tpu.memory_space<vmem>> -> memref<1x8x128xi32, #tpu.memory_space<vmem>>
        %dma_start3A_1059 = tpu.memref_squeeze %dma_start3A_1058 : memref<1x8x128xi32, #tpu.memory_space<vmem>> -> memref<8x128xi32, #tpu.memory_space<vmem>>
        %dma_start3A_1060 = arith.constant 0 : i32
        %dma_start3A_1061 = tpu.memref_slice %arg3[%add3A_1054, %dma_start3A_1060] : memref<6400x128xi32, #tpu.memory_space<hbm>> -> memref<8x128xi32, #tpu.memory_space<hbm>>
        %dma_start3A_1062 = arith.constant 0 : i32
        %dma_start3A_1063 = arith.constant 0 : i32
        %dma_start3A_1064 = tpu.memref_slice %arg6[%dma_start3A_1055, %dma_start3A_1062, %dma_start3A_1063] : memref<2x8x128xi32, #tpu.memory_space<vmem>> -> memref<1x8x128xi32, #tpu.memory_space<vmem>>
        %dma_start3A_1065 = tpu.memref_squeeze %dma_start3A_1064 : memref<1x8x128xi32, #tpu.memory_space<vmem>> -> memref<8x128xi32, #tpu.memory_space<vmem>>
        %dma_start3A_1066 = arith.constant 0 : i32
        %dma_start3A_1067 = tpu.memref_slice %arg3[%add3A_1054, %dma_start3A_1066] : memref<6400x128xi32, #tpu.memory_space<hbm>> -> memref<8x128xi32, #tpu.memory_space<hbm>>
        tpu.enqueue_dma source(%dma_start3A_1067 : memref<8x128xi32, #tpu.memory_space<hbm>>) target(%dma_start3A_1065 : memref<8x128xi32, #tpu.memory_space<vmem>>) target_semaphore(%arg17 : memref<!tpu.dma_semaphore, #tpu.memory_space<semaphore_mem>>)
        %mul3A_1068 = arith.constant 8 : i32
        %mul3A_1069 = arith.muli %add3A_1051, %mul3A_1068 : i32
        %add3A_1070 = arith.addi %mul3A_2, %mul3A_1069 : i32
        %dma_start3A_1071 = arith.constant 0 : i32
        %dma_start3A_1072 = arith.constant 0 : i32
        %dma_start3A_1073 = arith.constant 0 : i32
        %dma_start3A_1074 = tpu.memref_slice %arg7[%dma_start3A_1071, %dma_start3A_1072, %dma_start3A_1073] : memref<2x8x128xi32, #tpu.memory_space<vmem>> -> memref<1x8x128xi32, #tpu.memory_space<vmem>>
        %dma_start3A_1075 = tpu.memref_squeeze %dma_start3A_1074 : memref<1x8x128xi32, #tpu.memory_space<vmem>> -> memref<8x128xi32, #tpu.memory_space<vmem>>
        %dma_start3A_1076 = arith.constant 0 : i32
        %dma_start3A_1077 = tpu.memref_slice %arg4[%add3A_1070, %dma_start3A_1076] : memref<6400x128xi32, #tpu.memory_space<hbm>> -> memref<8x128xi32, #tpu.memory_space<hbm>>
        %dma_start3A_1078 = arith.constant 0 : i32
        %dma_start3A_1079 = arith.constant 0 : i32
        %dma_start3A_1080 = tpu.memref_slice %arg7[%dma_start3A_1071, %dma_start3A_1078, %dma_start3A_1079] : memref<2x8x128xi32, #tpu.memory_space<vmem>> -> memref<1x8x128xi32, #tpu.memory_space<vmem>>
        %dma_start3A_1081 = tpu.memref_squeeze %dma_start3A_1080 : memref<1x8x128xi32, #tpu.memory_space<vmem>> -> memref<8x128xi32, #tpu.memory_space<vmem>>
        %dma_start3A_1082 = arith.constant 0 : i32
        %dma_start3A_1083 = tpu.memref_slice %arg4[%add3A_1070, %dma_start3A_1082] : memref<6400x128xi32, #tpu.memory_space<hbm>> -> memref<8x128xi32, #tpu.memory_space<hbm>>
        tpu.enqueue_dma source(%dma_start3A_1083 : memref<8x128xi32, #tpu.memory_space<hbm>>) target(%dma_start3A_1081 : memref<8x128xi32, #tpu.memory_space<vmem>>) target_semaphore(%arg17 : memref<!tpu.dma_semaphore, #tpu.memory_space<semaphore_mem>>)
      } else {
      }
      %scan3A_626 = arith.constant 0 : i32
      %scan3A_627 = arith.constant 0 : i32
      %scan3A_628 = arith.constant 8 : i32
      %scan3A_629 = arith.addi %scan3A_627, %scan3A_628 : i32
      %scan3A_630 = arith.constant 1 : i32
      scf.for %scan3A_1050 = %scan3A_627 to %scan3A_629 step %scan3A_630  : i32 {
        %mul3A_1051 = arith.constant 16 : i32
        %mul3A_1052 = arith.muli %scan3A_1050, %mul3A_1051 : i32
        %get3A = arith.constant 1 : i32
        %get3A_1053 = arith.constant 0 : i32
        %get3A_1054 = arith.index_cast %get3A : i32 to index
        %get3A_1055 = arith.index_cast %get3A_1053 : i32 to index
        %get3A_1056 = arith.index_cast %mul3A_1052 : i32 to index
        %get3A_1057 = tpu.vector_load %arg6[%get3A_1054, %get3A_1055, %get3A_1056] {strides = array<i32>} : memref<2x8x128xi32, #tpu.memory_space<vmem>>, vector<1x1x16xi32>,
        %get3A_1058 = vector.shape_cast %get3A_1057 : vector<1x1x16xi32> to vector<16xi32>
        %add3A_1059 = vector.broadcast %mul3A_4 : i32 to vector<16xi32>
        %add3A_1060 = arith.addi %get3A_1058, %add3A_1059 : vector<16xi32>
        %mul3A_1061 = arith.constant 16 : i32
        %mul3A_1062 = arith.muli %scan3A_1050, %mul3A_1061 : i32
        %swap3A = arith.constant 1 : i32
        %swap3A_1063 = arith.constant 0 : i32
        %swap3A_1064 = arith.index_cast %swap3A : i32 to index
        %swap3A_1065 = arith.index_cast %swap3A_1063 : i32 to index
        %swap3A_1066 = arith.index_cast %mul3A_1062 : i32 to index
        %swap3A_1067 = tpu.vector_load %arg6[%swap3A_1064, %swap3A_1065, %swap3A_1066] {strides = array<i32>} : memref<2x8x128xi32, #tpu.memory_space<vmem>>, vector<1x1x16xi32>,
        %swap3A_1068 = vector.shape_cast %swap3A_1067 : vector<1x1x16xi32> to vector<16xi32>
        %swap3A_1069 = vector.shape_cast %add3A_1060 : vector<16xi32> to vector<1x1x16xi32>
        tpu.vector_store %arg6[%swap3A_1064, %swap3A_1065, %swap3A_1066], %swap3A_1069 {strides = array<i32>} : memref<2x8x128xi32, #tpu.memory_space<vmem>>, vector<1x1x16xi32>,
      }
      %scan3A_631 = arith.constant 8 : i32
      %scan3A_632 = arith.constant 0 : i32
      %scan3A_633 = arith.constant 0 : i32
      %scan3A_634 = arith.constant 8 : i32
      %scan3A_635 = arith.addi %scan3A_633, %scan3A_634 : i32
      %scan3A_636 = arith.constant 1 : i32
      scf.for %scan3A_1050 = %scan3A_633 to %scan3A_635 step %scan3A_636  : i32 {
        %mul3A_1051 = arith.constant 16 : i32
        %mul3A_1052 = arith.muli %scan3A_1050, %mul3A_1051 : i32
        %get3A = arith.constant 1 : i32
        %get3A_1053 = arith.constant 1 : i32
        %get3A_1054 = arith.index_cast %get3A : i32 to index
        %get3A_1055 = arith.index_cast %get3A_1053 : i32 to index
        %get3A_1056 = arith.index_cast %mul3A_1052 : i32 to index
        %get3A_1057 = tpu.vector_load %arg6[%get3A_1054, %get3A_1055, %get3A_1056] {strides = array<i32>} : memref<2x8x128xi32, #tpu.memory_space<vmem>>, vector<1x1x16xi32>,
        %get3A_1058 = vector.shape_cast %get3A_1057 : vector<1x1x16xi32> to vector<16xi32>
        %add3A_1059 = vector.broadcast %mul3A_4 : i32 to vector<16xi32>
        %add3A_1060 = arith.addi %get3A_1058, %add3A_1059 : vector<16xi32>
        %mul3A_1061 = arith.constant 16 : i32
        %mul3A_1062 = arith.muli %scan3A_1050, %mul3A_1061 : i32
        %swap3A = arith.constant 1 : i32
        %swap3A_1063 = arith.constant 1 : i32
        %swap3A_1064 = arith.index_cast %swap3A : i32 to index
        %swap3A_1065 = arith.index_cast %swap3A_1063 : i32 to index
        %swap3A_1066 = arith.index_cast %mul3A_1062 : i32 to index
        %swap3A_1067 = tpu.vector_load %arg6[%swap3A_1064, %swap3A_1065, %swap3A_1066] {strides = array<i32>} : memref<2x8x128xi32, #tpu.memory_space<vmem>>, vector<1x1x16xi32>,
        %swap3A_1068 = vector.shape_cast %swap3A_1067 : vector<1x1x16xi32> to vector<16xi32>
        %swap3A_1069 = vector.shape_cast %add3A_1060 : vector<16xi32> to vector<1x1x16xi32>
        tpu.vector_store %arg6[%swap3A_1064, %swap3A_1065, %swap3A_1066], %swap3A_1069 {strides = array<i32>} : memref<2x8x128xi32, #tpu.memory_space<vmem>>, vector<1x1x16xi32>,
      }
      %scan3A_637 = arith.constant 8 : i32
      %scan3A_638 = arith.constant 0 : i32
      %scan3A_639 = arith.constant 0 : i32
      %scan3A_640 = arith.constant 8 : i32
      %scan3A_641 = arith.addi %scan3A_639, %scan3A_640 : i32
      %scan3A_642 = arith.constant 1 : i32
      scf.for %scan3A_1050 = %scan3A_639 to %scan3A_641 step %scan3A_642  : i32 {
        %mul3A_1051 = arith.constant 16 : i32
        %mul3A_1052 = arith.muli %scan3A_1050, %mul3A_1051 : i32
        %get3A = arith.constant 1 : i32
        %get3A_1053 = arith.constant 2 : i32
        %get3A_1054 = arith.index_cast %get3A : i32 to index
        %get3A_1055 = arith.index_cast %get3A_1053 : i32 to index
        %get3A_1056 = arith.index_cast %mul3A_1052 : i32 to index
        %get3A_1057 = tpu.vector_load %arg6[%get3A_1054, %get3A_1055, %get3A_1056] {strides = array<i32>} : memref<2x8x128xi32, #tpu.memory_space<vmem>>, vector<1x1x16xi32>,
        %get3A_1058 = vector.shape_cast %get3A_1057 : vector<1x1x16xi32> to vector<16xi32>
        %add3A_1059 = vector.broadcast %mul3A_4 : i32 to vector<16xi32>
        %add3A_1060 = arith.addi %get3A_1058, %add3A_1059 : vector<16xi32>
        %mul3A_1061 = arith.constant 16 : i32
        %mul3A_1062 = arith.muli %scan3A_1050, %mul3A_1061 : i32
        %swap3A = arith.constant 1 : i32
        %swap3A_1063 = arith.constant 2 : i32
        %swap3A_1064 = arith.index_cast %swap3A : i32 to index
        %swap3A_1065 = arith.index_cast %swap3A_1063 : i32 to index
        %swap3A_1066 = arith.index_cast %mul3A_1062 : i32 to index
        %swap3A_1067 = tpu.vector_load %arg6[%swap3A_1064, %swap3A_1065, %swap3A_1066] {strides = array<i32>} : memref<2x8x128xi32, #tpu.memory_space<vmem>>, vector<1x1x16xi32>,
        %swap3A_1068 = vector.shape_cast %swap3A_1067 : vector<1x1x16xi32> to vector<16xi32>
        %swap3A_1069 = vector.shape_cast %add3A_1060 : vector<16xi32> to vector<1x1x16xi32>
        tpu.vector_store %arg6[%swap3A_1064, %swap3A_1065, %swap3A_1066], %swap3A_1069 {strides = array<i32>} : memref<2x8x128xi32, #tpu.memory_space<vmem>>, vector<1x1x16xi32>,
      }
      %scan3A_643 = arith.constant 8 : i32
      %scan3A_644 = arith.constant 0 : i32
      %scan3A_645 = arith.constant 0 : i32
      %scan3A_646 = arith.constant 8 : i32
      %scan3A_647 = arith.addi %scan3A_645, %scan3A_646 : i32
      %scan3A_648 = arith.constant 1 : i32
      scf.for %scan3A_1050 = %scan3A_645 to %scan3A_647 step %scan3A_648  : i32 {
        %mul3A_1051 = arith.constant 16 : i32
        %mul3A_1052 = arith.muli %scan3A_1050, %mul3A_1051 : i32
        %get3A = arith.constant 1 : i32
        %get3A_1053 = arith.constant 3 : i32
        %get3A_1054 = arith.index_cast %get3A : i32 to index
        %get3A_1055 = arith.index_cast %get3A_1053 : i32 to index
        %get3A_1056 = arith.index_cast %mul3A_1052 : i32 to index
        %get3A_1057 = tpu.vector_load %arg6[%get3A_1054, %get3A_1055, %get3A_1056] {strides = array<i32>} : memref<2x8x128xi32, #tpu.memory_space<vmem>>, vector<1x1x16xi32>,
        %get3A_1058 = vector.shape_cast %get3A_1057 : vector<1x1x16xi32> to vector<16xi32>
        %add3A_1059 = vector.broadcast %mul3A_4 : i32 to vector<16xi32>
        %add3A_1060 = arith.addi %get3A_1058, %add3A_1059 : vector<16xi32>
        %mul3A_1061 = arith.constant 16 : i32
        %mul3A_1062 = arith.muli %scan3A_1050, %mul3A_1061 : i32
        %swap3A = arith.constant 1 : i32
        %swap3A_1063 = arith.constant 3 : i32
        %swap3A_1064 = arith.index_cast %swap3A : i32 to index
        %swap3A_1065 = arith.index_cast %swap3A_1063 : i32 to index
        %swap3A_1066 = arith.index_cast %mul3A_1062 : i32 to index
        %swap3A_1067 = tpu.vector_load %arg6[%swap3A_1064, %swap3A_1065, %swap3A_1066] {strides = array<i32>} : memref<2x8x128xi32, #tpu.memory_space<vmem>>, vector<1x1x16xi32>,
        %swap3A_1068 = vector.shape_cast %swap3A_1067 : vector<1x1x16xi32> to vector<16xi32>
        %swap3A_1069 = vector.shape_cast %add3A_1060 : vector<16xi32> to vector<1x1x16xi32>
        tpu.vector_store %arg6[%swap3A_1064, %swap3A_1065, %swap3A_1066], %swap3A_1069 {strides = array<i32>} : memref<2x8x128xi32, #tpu.memory_space<vmem>>, vector<1x1x16xi32>,
      }
      %scan3A_649 = arith.constant 8 : i32
      %scan3A_650 = arith.constant 0 : i32
      %scan3A_651 = arith.constant 0 : i32
      %scan3A_652 = arith.constant 8 : i32
      %scan3A_653 = arith.addi %scan3A_651, %scan3A_652 : i32
      %scan3A_654 = arith.constant 1 : i32
      scf.for %scan3A_1050 = %scan3A_651 to %scan3A_653 step %scan3A_654  : i32 {
        %mul3A_1051 = arith.constant 16 : i32
        %mul3A_1052 = arith.muli %scan3A_1050, %mul3A_1051 : i32
        %get3A = arith.constant 1 : i32
        %get3A_1053 = arith.constant 4 : i32
        %get3A_1054 = arith.index_cast %get3A : i32 to index
        %get3A_1055 = arith.index_cast %get3A_1053 : i32 to index
        %get3A_1056 = arith.index_cast %mul3A_1052 : i32 to index
        %get3A_1057 = tpu.vector_load %arg6[%get3A_1054, %get3A_1055, %get3A_1056] {strides = array<i32>} : memref<2x8x128xi32, #tpu.memory_space<vmem>>, vector<1x1x16xi32>,
        %get3A_1058 = vector.shape_cast %get3A_1057 : vector<1x1x16xi32> to vector<16xi32>
        %add3A_1059 = vector.broadcast %mul3A_4 : i32 to vector<16xi32>
        %add3A_1060 = arith.addi %get3A_1058, %add3A_1059 : vector<16xi32>
        %mul3A_1061 = arith.constant 16 : i32
        %mul3A_1062 = arith.muli %scan3A_1050, %mul3A_1061 : i32
        %swap3A = arith.constant 1 : i32
        %swap3A_1063 = arith.constant 4 : i32
        %swap3A_1064 = arith.index_cast %swap3A : i32 to index
        %swap3A_1065 = arith.index_cast %swap3A_1063 : i32 to index
        %swap3A_1066 = arith.index_cast %mul3A_1062 : i32 to index
        %swap3A_1067 = tpu.vector_load %arg6[%swap3A_1064, %swap3A_1065, %swap3A_1066] {strides = array<i32>} : memref<2x8x128xi32, #tpu.memory_space<vmem>>, vector<1x1x16xi32>,
        %swap3A_1068 = vector.shape_cast %swap3A_1067 : vector<1x1x16xi32> to vector<16xi32>
        %swap3A_1069 = vector.shape_cast %add3A_1060 : vector<16xi32> to vector<1x1x16xi32>
        tpu.vector_store %arg6[%swap3A_1064, %swap3A_1065, %swap3A_1066], %swap3A_1069 {strides = array<i32>} : memref<2x8x128xi32, #tpu.memory_space<vmem>>, vector<1x1x16xi32>,
      }
      %scan3A_655 = arith.constant 8 : i32
      %scan3A_656 = arith.constant 0 : i32
      %scan3A_657 = arith.constant 0 : i32
      %scan3A_658 = arith.constant 8 : i32
      %scan3A_659 = arith.addi %scan3A_657, %scan3A_658 : i32
      %scan3A_660 = arith.constant 1 : i32
      scf.for %scan3A_1050 = %scan3A_657 to %scan3A_659 step %scan3A_660  : i32 {
        %mul3A_1051 = arith.constant 16 : i32
        %mul3A_1052 = arith.muli %scan3A_1050, %mul3A_1051 : i32
        %get3A = arith.constant 1 : i32
        %get3A_1053 = arith.constant 5 : i32
        %get3A_1054 = arith.index_cast %get3A : i32 to index
        %get3A_1055 = arith.index_cast %get3A_1053 : i32 to index
        %get3A_1056 = arith.index_cast %mul3A_1052 : i32 to index
        %get3A_1057 = tpu.vector_load %arg6[%get3A_1054, %get3A_1055, %get3A_1056] {strides = array<i32>} : memref<2x8x128xi32, #tpu.memory_space<vmem>>, vector<1x1x16xi32>,
        %get3A_1058 = vector.shape_cast %get3A_1057 : vector<1x1x16xi32> to vector<16xi32>
        %add3A_1059 = vector.broadcast %mul3A_4 : i32 to vector<16xi32>
        %add3A_1060 = arith.addi %get3A_1058, %add3A_1059 : vector<16xi32>
        %mul3A_1061 = arith.constant 16 : i32
        %mul3A_1062 = arith.muli %scan3A_1050, %mul3A_1061 : i32
        %swap3A = arith.constant 1 : i32
        %swap3A_1063 = arith.constant 5 : i32
        %swap3A_1064 = arith.index_cast %swap3A : i32 to index
        %swap3A_1065 = arith.index_cast %swap3A_1063 : i32 to index
        %swap3A_1066 = arith.index_cast %mul3A_1062 : i32 to index
        %swap3A_1067 = tpu.vector_load %arg6[%swap3A_1064, %swap3A_1065, %swap3A_1066] {strides = array<i32>} : memref<2x8x128xi32, #tpu.memory_space<vmem>>, vector<1x1x16xi32>,
        %swap3A_1068 = vector.shape_cast %swap3A_1067 : vector<1x1x16xi32> to vector<16xi32>
        %swap3A_1069 = vector.shape_cast %add3A_1060 : vector<16xi32> to vector<1x1x16xi32>
        tpu.vector_store %arg6[%swap3A_1064, %swap3A_1065, %swap3A_1066], %swap3A_1069 {strides = array<i32>} : memref<2x8x128xi32, #tpu.memory_space<vmem>>, vector<1x1x16xi32>,
      }
      %scan3A_661 = arith.constant 8 : i32
      %scan3A_662 = arith.constant 0 : i32
      %scan3A_663 = arith.constant 0 : i32
      %scan3A_664 = arith.constant 8 : i32
      %scan3A_665 = arith.addi %scan3A_663, %scan3A_664 : i32
      %scan3A_666 = arith.constant 1 : i32
      scf.for %scan3A_1050 = %scan3A_663 to %scan3A_665 step %scan3A_666  : i32 {
        %mul3A_1051 = arith.constant 16 : i32
        %mul3A_1052 = arith.muli %scan3A_1050, %mul3A_1051 : i32
        %get3A = arith.constant 1 : i32
        %get3A_1053 = arith.constant 6 : i32
        %get3A_1054 = arith.index_cast %get3A : i32 to index
        %get3A_1055 = arith.index_cast %get3A_1053 : i32 to index
        %get3A_1056 = arith.index_cast %mul3A_1052 : i32 to index
        %get3A_1057 = tpu.vector_load %arg6[%get3A_1054, %get3A_1055, %get3A_1056] {strides = array<i32>} : memref<2x8x128xi32, #tpu.memory_space<vmem>>, vector<1x1x16xi32>,
        %get3A_1058 = vector.shape_cast %get3A_1057 : vector<1x1x16xi32> to vector<16xi32>
        %add3A_1059 = vector.broadcast %mul3A_4 : i32 to vector<16xi32>
        %add3A_1060 = arith.addi %get3A_1058, %add3A_1059 : vector<16xi32>
        %mul3A_1061 = arith.constant 16 : i32
        %mul3A_1062 = arith.muli %scan3A_1050, %mul3A_1061 : i32
        %swap3A = arith.constant 1 : i32
        %swap3A_1063 = arith.constant 6 : i32
        %swap3A_1064 = arith.index_cast %swap3A : i32 to index
        %swap3A_1065 = arith.index_cast %swap3A_1063 : i32 to index
        %swap3A_1066 = arith.index_cast %mul3A_1062 : i32 to index
        %swap3A_1067 = tpu.vector_load %arg6[%swap3A_1064, %swap3A_1065, %swap3A_1066] {strides = array<i32>} : memref<2x8x128xi32, #tpu.memory_space<vmem>>, vector<1x1x16xi32>,
        %swap3A_1068 = vector.shape_cast %swap3A_1067 : vector<1x1x16xi32> to vector<16xi32>
        %swap3A_1069 = vector.shape_cast %add3A_1060 : vector<16xi32> to vector<1x1x16xi32>
        tpu.vector_store %arg6[%swap3A_1064, %swap3A_1065, %swap3A_1066], %swap3A_1069 {strides = array<i32>} : memref<2x8x128xi32, #tpu.memory_space<vmem>>, vector<1x1x16xi32>,
      }
      %scan3A_667 = arith.constant 8 : i32
      %scan3A_668 = arith.constant 0 : i32
      %scan3A_669 = arith.constant 0 : i32
      %scan3A_670 = arith.constant 8 : i32
      %scan3A_671 = arith.addi %scan3A_669, %scan3A_670 : i32
      %scan3A_672 = arith.constant 1 : i32
      scf.for %scan3A_1050 = %scan3A_669 to %scan3A_671 step %scan3A_672  : i32 {
        %mul3A_1051 = arith.constant 16 : i32
        %mul3A_1052 = arith.muli %scan3A_1050, %mul3A_1051 : i32
        %get3A = arith.constant 1 : i32
        %get3A_1053 = arith.constant 7 : i32
        %get3A_1054 = arith.index_cast %get3A : i32 to index
        %get3A_1055 = arith.index_cast %get3A_1053 : i32 to index
        %get3A_1056 = arith.index_cast %mul3A_1052 : i32 to index
        %get3A_1057 = tpu.vector_load %arg6[%get3A_1054, %get3A_1055, %get3A_1056] {strides = array<i32>} : memref<2x8x128xi32, #tpu.memory_space<vmem>>, vector<1x1x16xi32>,
        %get3A_1058 = vector.shape_cast %get3A_1057 : vector<1x1x16xi32> to vector<16xi32>
        %add3A_1059 = vector.broadcast %mul3A_4 : i32 to vector<16xi32>
        %add3A_1060 = arith.addi %get3A_1058, %add3A_1059 : vector<16xi32>
        %mul3A_1061 = arith.constant 16 : i32
        %mul3A_1062 = arith.muli %scan3A_1050, %mul3A_1061 : i32
        %swap3A = arith.constant 1 : i32
        %swap3A_1063 = arith.constant 7 : i32
        %swap3A_1064 = arith.index_cast %swap3A : i32 to index
        %swap3A_1065 = arith.index_cast %swap3A_1063 : i32 to index
        %swap3A_1066 = arith.index_cast %mul3A_1062 : i32 to index
        %swap3A_1067 = tpu.vector_load %arg6[%swap3A_1064, %swap3A_1065, %swap3A_1066] {strides = array<i32>} : memref<2x8x128xi32, #tpu.memory_space<vmem>>, vector<1x1x16xi32>,
        %swap3A_1068 = vector.shape_cast %swap3A_1067 : vector<1x1x16xi32> to vector<16xi32>
        %swap3A_1069 = vector.shape_cast %add3A_1060 : vector<16xi32> to vector<1x1x16xi32>
        tpu.vector_store %arg6[%swap3A_1064, %swap3A_1065, %swap3A_1066], %swap3A_1069 {strides = array<i32>} : memref<2x8x128xi32, #tpu.memory_space<vmem>>, vector<1x1x16xi32>,
      }
      %scan3A_673 = arith.constant 8 : i32
      %dma_start3A_674 = arith.constant 1 : i32
      %dma_start3A_675 = arith.constant 0 : i32
      %dma_start3A_676 = arith.constant 0 : i32
      %dma_start3A_677 = arith.constant 0 : i32
      %dma_start3A_678 = arith.constant 0 : i32
      %dma_start3A_679 = arith.constant 0 : i32
      %dma_start3A_680 = tpu.memref_slice %arg8[%dma_start3A_676, %dma_start3A_677, %dma_start3A_678, %dma_start3A_679] : memref<2x2x128x32xf32, #tpu.memory_space<vmem>> -> memref<1x1x128x32xf32, #tpu.memory_space<vmem>>
      %dma_start3A_681 = tpu.memref_squeeze %dma_start3A_680 : memref<1x1x128x32xf32, #tpu.memory_space<vmem>> -> memref<128x32xf32, #tpu.memory_space<vmem>>
      %dma_start3A_682 = arith.constant 0 : i32
      %dma_start3A_683 = tpu.memref_slice %arg6[%dma_start3A_674, %dma_start3A_675, %dma_start3A_682] : memref<2x8x128xi32, #tpu.memory_space<vmem>> -> memref<1x1x128xi32, #tpu.memory_space<vmem>>
      %dma_start3A_684 = tpu.memref_squeeze %dma_start3A_683 : memref<1x1x128xi32, #tpu.memory_space<vmem>> -> memref<128xi32, #tpu.memory_space<vmem>>
      %dma_start3A_685 = arith.constant 0 : i32
      %dma_start3A_686 = arith.constant 0 : i32
      %dma_start3A_687 = tpu.memref_slice %arg2[%dma_start3A_685, %dma_start3A_686] : memref<100352x32xf32, #tpu.memory_space<hbm>> -> memref<100352x32xf32, #tpu.memory_space<hbm>>
      tpu.enqueue_indirect_dma source(%dma_start3A_687 : memref<100352x32xf32, #tpu.memory_space<hbm>>) target(%dma_start3A_681 : memref<128x32xf32, #tpu.memory_space<vmem>>) offsets(%dma_start3A_684 : memref<128xi32, #tpu.memory_space<vmem>>) semaphore(%arg14 : memref<!tpu.dma_semaphore, #tpu.memory_space<semaphore_mem>>)
      %dma_start3A_688 = arith.constant 1 : i32
      %dma_start3A_689 = arith.constant 1 : i32
      %dma_start3A_690 = arith.constant 0 : i32
      %dma_start3A_691 = arith.constant 1 : i32
      %dma_start3A_692 = arith.constant 0 : i32
      %dma_start3A_693 = arith.constant 0 : i32
      %dma_start3A_694 = tpu.memref_slice %arg8[%dma_start3A_690, %dma_start3A_691, %dma_start3A_692, %dma_start3A_693] : memref<2x2x128x32xf32, #tpu.memory_space<vmem>> -> memref<1x1x128x32xf32, #tpu.memory_space<vmem>>
      %dma_start3A_695 = tpu.memref_squeeze %dma_start3A_694 : memref<1x1x128x32xf32, #tpu.memory_space<vmem>> -> memref<128x32xf32, #tpu.memory_space<vmem>>
      %dma_start3A_696 = arith.constant 0 : i32
      %dma_start3A_697 = tpu.memref_slice %arg6[%dma_start3A_688, %dma_start3A_689, %dma_start3A_696] : memref<2x8x128xi32, #tpu.memory_space<vmem>> -> memref<1x1x128xi32, #tpu.memory_space<vmem>>
      %dma_start3A_698 = tpu.memref_squeeze %dma_start3A_697 : memref<1x1x128xi32, #tpu.memory_space<vmem>> -> memref<128xi32, #tpu.memory_space<vmem>>
      %dma_start3A_699 = arith.constant 0 : i32
      %dma_start3A_700 = arith.constant 0 : i32
      %dma_start3A_701 = tpu.memref_slice %arg2[%dma_start3A_699, %dma_start3A_700] : memref<100352x32xf32, #tpu.memory_space<hbm>> -> memref<100352x32xf32, #tpu.memory_space<hbm>>
      tpu.enqueue_indirect_dma source(%dma_start3A_701 : memref<100352x32xf32, #tpu.memory_space<hbm>>) target(%dma_start3A_695 : memref<128x32xf32, #tpu.memory_space<vmem>>) offsets(%dma_start3A_698 : memref<128xi32, #tpu.memory_space<vmem>>) semaphore(%arg14 : memref<!tpu.dma_semaphore, #tpu.memory_space<semaphore_mem>>)
      %dma_start3A_702 = arith.constant 1 : i32
      %dma_start3A_703 = arith.constant 2 : i32
      %dma_start3A_704 = arith.constant 1 : i32
      %dma_start3A_705 = arith.constant 0 : i32
      %dma_start3A_706 = arith.constant 0 : i32
      %dma_start3A_707 = arith.constant 0 : i32
      %dma_start3A_708 = tpu.memref_slice %arg8[%dma_start3A_704, %dma_start3A_705, %dma_start3A_706, %dma_start3A_707] : memref<2x2x128x32xf32, #tpu.memory_space<vmem>> -> memref<1x1x128x32xf32, #tpu.memory_space<vmem>>
      %dma_start3A_709 = tpu.memref_squeeze %dma_start3A_708 : memref<1x1x128x32xf32, #tpu.memory_space<vmem>> -> memref<128x32xf32, #tpu.memory_space<vmem>>
      %dma_start3A_710 = arith.constant 0 : i32
      %dma_start3A_711 = tpu.memref_slice %arg6[%dma_start3A_702, %dma_start3A_703, %dma_start3A_710] : memref<2x8x128xi32, #tpu.memory_space<vmem>> -> memref<1x1x128xi32, #tpu.memory_space<vmem>>
      %dma_start3A_712 = tpu.memref_squeeze %dma_start3A_711 : memref<1x1x128xi32, #tpu.memory_space<vmem>> -> memref<128xi32, #tpu.memory_space<vmem>>
      %dma_start3A_713 = arith.constant 0 : i32
      %dma_start3A_714 = arith.constant 0 : i32
      %dma_start3A_715 = tpu.memref_slice %arg2[%dma_start3A_713, %dma_start3A_714] : memref<100352x32xf32, #tpu.memory_space<hbm>> -> memref<100352x32xf32, #tpu.memory_space<hbm>>
      tpu.enqueue_indirect_dma source(%dma_start3A_715 : memref<100352x32xf32, #tpu.memory_space<hbm>>) target(%dma_start3A_709 : memref<128x32xf32, #tpu.memory_space<vmem>>) offsets(%dma_start3A_712 : memref<128xi32, #tpu.memory_space<vmem>>) semaphore(%arg14 : memref<!tpu.dma_semaphore, #tpu.memory_space<semaphore_mem>>)
      %dma_start3A_716 = arith.constant 1 : i32
      %dma_start3A_717 = arith.constant 3 : i32
      %dma_start3A_718 = arith.constant 1 : i32
      %dma_start3A_719 = arith.constant 1 : i32
      %dma_start3A_720 = arith.constant 0 : i32
      %dma_start3A_721 = arith.constant 0 : i32
      %dma_start3A_722 = tpu.memref_slice %arg8[%dma_start3A_718, %dma_start3A_719, %dma_start3A_720, %dma_start3A_721] : memref<2x2x128x32xf32, #tpu.memory_space<vmem>> -> memref<1x1x128x32xf32, #tpu.memory_space<vmem>>
      %dma_start3A_723 = tpu.memref_squeeze %dma_start3A_722 : memref<1x1x128x32xf32, #tpu.memory_space<vmem>> -> memref<128x32xf32, #tpu.memory_space<vmem>>
      %dma_start3A_724 = arith.constant 0 : i32
      %dma_start3A_725 = tpu.memref_slice %arg6[%dma_start3A_716, %dma_start3A_717, %dma_start3A_724] : memref<2x8x128xi32, #tpu.memory_space<vmem>> -> memref<1x1x128xi32, #tpu.memory_space<vmem>>
      %dma_start3A_726 = tpu.memref_squeeze %dma_start3A_725 : memref<1x1x128xi32, #tpu.memory_space<vmem>> -> memref<128xi32, #tpu.memory_space<vmem>>
      %dma_start3A_727 = arith.constant 0 : i32
      %dma_start3A_728 = arith.constant 0 : i32
      %dma_start3A_729 = tpu.memref_slice %arg2[%dma_start3A_727, %dma_start3A_728] : memref<100352x32xf32, #tpu.memory_space<hbm>> -> memref<100352x32xf32, #tpu.memory_space<hbm>>
      tpu.enqueue_indirect_dma source(%dma_start3A_729 : memref<100352x32xf32, #tpu.memory_space<hbm>>) target(%dma_start3A_723 : memref<128x32xf32, #tpu.memory_space<vmem>>) offsets(%dma_start3A_726 : memref<128xi32, #tpu.memory_space<vmem>>) semaphore(%arg14 : memref<!tpu.dma_semaphore, #tpu.memory_space<semaphore_mem>>)
      %dma_wait3A_730 = arith.constant 0 : i32
      %dma_wait3A_731 = arith.constant 0 : i32
      %dma_wait3A_732 = arith.constant 0 : i32
      %dma_wait3A_733 = arith.constant 0 : i32
      %dma_wait3A_734 = tpu.memref_slice %arg8[%dma_wait3A_730, %dma_wait3A_731, %dma_wait3A_732, %dma_wait3A_733] : memref<2x2x128x32xf32, #tpu.memory_space<vmem>> -> memref<1x1x128x32xf32, #tpu.memory_space<vmem>>
      %dma_wait3A_735 = tpu.memref_squeeze %dma_wait3A_734 : memref<1x1x128x32xf32, #tpu.memory_space<vmem>> -> memref<128x32xf32, #tpu.memory_space<vmem>>
      %dma_wait3A_736 = arith.constant 0 : i32
      %dma_wait3A_737 = arith.constant 0 : i32
      %dma_wait3A_738 = tpu.memref_slice %arg2[%dma_wait3A_736, %dma_wait3A_737] : memref<100352x32xf32, #tpu.memory_space<hbm>> -> memref<128x32xf32, #tpu.memory_space<hbm>>
      %dma_wait3A_739 = arith.constant 0 : i32
      %dma_wait3A_740 = arith.constant 0 : i32
      %dma_wait3A_741 = tpu.memref_slice %arg8[%dma_wait3A_730, %dma_wait3A_731, %dma_wait3A_739, %dma_wait3A_740] : memref<2x2x128x32xf32, #tpu.memory_space<vmem>> -> memref<1x1x128x32xf32, #tpu.memory_space<vmem>>
      %dma_wait3A_742 = tpu.memref_squeeze %dma_wait3A_741 : memref<1x1x128x32xf32, #tpu.memory_space<vmem>> -> memref<128x32xf32, #tpu.memory_space<vmem>>
      %dma_wait3A_743 = arith.constant 0 : i32
      %dma_wait3A_744 = arith.constant 0 : i32
      %dma_wait3A_745 = tpu.memref_slice %arg2[%dma_wait3A_743, %dma_wait3A_744] : memref<100352x32xf32, #tpu.memory_space<hbm>> -> memref<128x32xf32, #tpu.memory_space<hbm>>
      tpu.wait_dma2 semaphore(%arg14 : memref<!tpu.dma_semaphore, #tpu.memory_space<semaphore_mem>>) src(%dma_wait3A_745 : memref<128x32xf32, #tpu.memory_space<hbm>>) dst(%dma_wait3A_742 : memref<128x32xf32, #tpu.memory_space<vmem>>)
      %dma_wait3A_746 = arith.constant 0 : i32
      %dma_wait3A_747 = arith.constant 1 : i32
      %dma_wait3A_748 = arith.constant 0 : i32
      %dma_wait3A_749 = arith.constant 0 : i32
      %dma_wait3A_750 = tpu.memref_slice %arg8[%dma_wait3A_746, %dma_wait3A_747, %dma_wait3A_748, %dma_wait3A_749] : memref<2x2x128x32xf32, #tpu.memory_space<vmem>> -> memref<1x1x128x32xf32, #tpu.memory_space<vmem>>
      %dma_wait3A_751 = tpu.memref_squeeze %dma_wait3A_750 : memref<1x1x128x32xf32, #tpu.memory_space<vmem>> -> memref<128x32xf32, #tpu.memory_space<vmem>>
      %dma_wait3A_752 = arith.constant 0 : i32
      %dma_wait3A_753 = arith.constant 0 : i32
      %dma_wait3A_754 = tpu.memref_slice %arg2[%dma_wait3A_752, %dma_wait3A_753] : memref<100352x32xf32, #tpu.memory_space<hbm>> -> memref<128x32xf32, #tpu.memory_space<hbm>>
      %dma_wait3A_755 = arith.constant 0 : i32
      %dma_wait3A_756 = arith.constant 0 : i32
      %dma_wait3A_757 = tpu.memref_slice %arg8[%dma_wait3A_746, %dma_wait3A_747, %dma_wait3A_755, %dma_wait3A_756] : memref<2x2x128x32xf32, #tpu.memory_space<vmem>> -> memref<1x1x128x32xf32, #tpu.memory_space<vmem>>
      %dma_wait3A_758 = tpu.memref_squeeze %dma_wait3A_757 : memref<1x1x128x32xf32, #tpu.memory_space<vmem>> -> memref<128x32xf32, #tpu.memory_space<vmem>>
      %dma_wait3A_759 = arith.constant 0 : i32
      %dma_wait3A_760 = arith.constant 0 : i32
      %dma_wait3A_761 = tpu.memref_slice %arg2[%dma_wait3A_759, %dma_wait3A_760] : memref<100352x32xf32, #tpu.memory_space<hbm>> -> memref<128x32xf32, #tpu.memory_space<hbm>>
      tpu.wait_dma2 semaphore(%arg14 : memref<!tpu.dma_semaphore, #tpu.memory_space<semaphore_mem>>) src(%dma_wait3A_761 : memref<128x32xf32, #tpu.memory_space<hbm>>) dst(%dma_wait3A_758 : memref<128x32xf32, #tpu.memory_space<vmem>>)
      %dma_start3A_762 = arith.constant 0 : i32
      %dma_start3A_763 = arith.constant 0 : i32
      %dma_start3A_764 = arith.constant 1 : i32
      %dma_start3A_765 = arith.constant 0 : i32
      %dma_start3A_766 = arith.constant 0 : i32
      %dma_start3A_767 = arith.constant 0 : i32
      %dma_start3A_768 = tpu.memref_slice %arg8[%dma_start3A_762, %dma_start3A_763, %dma_start3A_766, %dma_start3A_767] : memref<2x2x128x32xf32, #tpu.memory_space<vmem>> -> memref<1x1x128x32xf32, #tpu.memory_space<vmem>>
      %dma_start3A_769 = tpu.memref_squeeze %dma_start3A_768 : memref<1x1x128x32xf32, #tpu.memory_space<vmem>> -> memref<128x32xf32, #tpu.memory_space<vmem>>
      %dma_start3A_770 = arith.constant 0 : i32
      %dma_start3A_771 = tpu.memref_slice %arg7[%dma_start3A_764, %dma_start3A_765, %dma_start3A_770] : memref<2x8x128xi32, #tpu.memory_space<vmem>> -> memref<1x1x128xi32, #tpu.memory_space<vmem>>
      %dma_start3A_772 = tpu.memref_squeeze %dma_start3A_771 : memref<1x1x128xi32, #tpu.memory_space<vmem>> -> memref<128xi32, #tpu.memory_space<vmem>>
      %dma_start3A_773 = arith.constant 0 : i32
      %dma_start3A_774 = arith.constant 0 : i32
      %dma_start3A_775 = tpu.memref_slice %arg12[%dma_start3A_773, %dma_start3A_774] : memref<50176x32xf32, #tpu.memory_space<vmem_shared>> -> memref<50176x32xf32, #tpu.memory_space<vmem_shared>>
      tpu.enqueue_indirect_dma source(%dma_start3A_769 : memref<128x32xf32, #tpu.memory_space<vmem>>) target(%dma_start3A_775 : memref<50176x32xf32, #tpu.memory_space<vmem_shared>>) offsets(%dma_start3A_772 : memref<128xi32, #tpu.memory_space<vmem>>) semaphore(%arg15 : memref<!tpu.dma_semaphore, #tpu.memory_space<semaphore_mem>>) {add = true}
      %dma_start3A_776 = arith.constant 0 : i32
      %dma_start3A_777 = arith.constant 1 : i32
      %dma_start3A_778 = arith.constant 1 : i32
      %dma_start3A_779 = arith.constant 1 : i32
      %dma_start3A_780 = arith.constant 0 : i32
      %dma_start3A_781 = arith.constant 0 : i32
      %dma_start3A_782 = tpu.memref_slice %arg8[%dma_start3A_776, %dma_start3A_777, %dma_start3A_780, %dma_start3A_781] : memref<2x2x128x32xf32, #tpu.memory_space<vmem>> -> memref<1x1x128x32xf32, #tpu.memory_space<vmem>>
      %dma_start3A_783 = tpu.memref_squeeze %dma_start3A_782 : memref<1x1x128x32xf32, #tpu.memory_space<vmem>> -> memref<128x32xf32, #tpu.memory_space<vmem>>
      %dma_start3A_784 = arith.constant 0 : i32
      %dma_start3A_785 = tpu.memref_slice %arg7[%dma_start3A_778, %dma_start3A_779, %dma_start3A_784] : memref<2x8x128xi32, #tpu.memory_space<vmem>> -> memref<1x1x128xi32, #tpu.memory_space<vmem>>
      %dma_start3A_786 = tpu.memref_squeeze %dma_start3A_785 : memref<1x1x128xi32, #tpu.memory_space<vmem>> -> memref<128xi32, #tpu.memory_space<vmem>>
      %dma_start3A_787 = arith.constant 0 : i32
      %dma_start3A_788 = arith.constant 0 : i32
      %dma_start3A_789 = tpu.memref_slice %arg12[%dma_start3A_787, %dma_start3A_788] : memref<50176x32xf32, #tpu.memory_space<vmem_shared>> -> memref<50176x32xf32, #tpu.memory_space<vmem_shared>>
      tpu.enqueue_indirect_dma source(%dma_start3A_783 : memref<128x32xf32, #tpu.memory_space<vmem>>) target(%dma_start3A_789 : memref<50176x32xf32, #tpu.memory_space<vmem_shared>>) offsets(%dma_start3A_786 : memref<128xi32, #tpu.memory_space<vmem>>) semaphore(%arg15 : memref<!tpu.dma_semaphore, #tpu.memory_space<semaphore_mem>>) {add = true}
      %dma_wait3A_790 = arith.constant 0 : i32
      %dma_wait3A_791 = arith.constant 0 : i32
      %dma_wait3A_792 = arith.constant 0 : i32
      %dma_wait3A_793 = arith.constant 0 : i32
      %dma_wait3A_794 = tpu.memref_slice %arg8[%dma_wait3A_790, %dma_wait3A_791, %dma_wait3A_792, %dma_wait3A_793] : memref<2x2x128x32xf32, #tpu.memory_space<vmem>> -> memref<1x1x128x32xf32, #tpu.memory_space<vmem>>
      %dma_wait3A_795 = tpu.memref_squeeze %dma_wait3A_794 : memref<1x1x128x32xf32, #tpu.memory_space<vmem>> -> memref<128x32xf32, #tpu.memory_space<vmem>>
      %dma_wait3A_796 = arith.constant 0 : i32
      %dma_wait3A_797 = arith.constant 0 : i32
      %dma_wait3A_798 = tpu.memref_slice %arg2[%dma_wait3A_796, %dma_wait3A_797] : memref<100352x32xf32, #tpu.memory_space<hbm>> -> memref<128x32xf32, #tpu.memory_space<hbm>>
      %dma_wait3A_799 = arith.constant 0 : i32
      %dma_wait3A_800 = arith.constant 0 : i32
      %dma_wait3A_801 = tpu.memref_slice %arg8[%dma_wait3A_790, %dma_wait3A_791, %dma_wait3A_799, %dma_wait3A_800] : memref<2x2x128x32xf32, #tpu.memory_space<vmem>> -> memref<1x1x128x32xf32, #tpu.memory_space<vmem>>
      %dma_wait3A_802 = tpu.memref_squeeze %dma_wait3A_801 : memref<1x1x128x32xf32, #tpu.memory_space<vmem>> -> memref<128x32xf32, #tpu.memory_space<vmem>>
      %dma_wait3A_803 = arith.constant 0 : i32
      %dma_wait3A_804 = arith.constant 0 : i32
      %dma_wait3A_805 = tpu.memref_slice %arg2[%dma_wait3A_803, %dma_wait3A_804] : memref<100352x32xf32, #tpu.memory_space<hbm>> -> memref<128x32xf32, #tpu.memory_space<hbm>>
      tpu.wait_dma2 semaphore(%arg14 : memref<!tpu.dma_semaphore, #tpu.memory_space<semaphore_mem>>) src(%dma_wait3A_805 : memref<128x32xf32, #tpu.memory_space<hbm>>) dst(%dma_wait3A_802 : memref<128x32xf32, #tpu.memory_space<vmem>>)
      %dma_wait3A_806 = arith.constant 0 : i32
      %dma_wait3A_807 = arith.constant 1 : i32
      %dma_wait3A_808 = arith.constant 0 : i32
      %dma_wait3A_809 = arith.constant 0 : i32
      %dma_wait3A_810 = tpu.memref_slice %arg8[%dma_wait3A_806, %dma_wait3A_807, %dma_wait3A_808, %dma_wait3A_809] : memref<2x2x128x32xf32, #tpu.memory_space<vmem>> -> memref<1x1x128x32xf32, #tpu.memory_space<vmem>>
      %dma_wait3A_811 = tpu.memref_squeeze %dma_wait3A_810 : memref<1x1x128x32xf32, #tpu.memory_space<vmem>> -> memref<128x32xf32, #tpu.memory_space<vmem>>
      %dma_wait3A_812 = arith.constant 0 : i32
      %dma_wait3A_813 = arith.constant 0 : i32
      %dma_wait3A_814 = tpu.memref_slice %arg2[%dma_wait3A_812, %dma_wait3A_813] : memref<100352x32xf32, #tpu.memory_space<hbm>> -> memref<128x32xf32, #tpu.memory_space<hbm>>
      %dma_wait3A_815 = arith.constant 0 : i32
      %dma_wait3A_816 = arith.constant 0 : i32
      %dma_wait3A_817 = tpu.memref_slice %arg8[%dma_wait3A_806, %dma_wait3A_807, %dma_wait3A_815, %dma_wait3A_816] : memref<2x2x128x32xf32, #tpu.memory_space<vmem>> -> memref<1x1x128x32xf32, #tpu.memory_space<vmem>>
      %dma_wait3A_818 = tpu.memref_squeeze %dma_wait3A_817 : memref<1x1x128x32xf32, #tpu.memory_space<vmem>> -> memref<128x32xf32, #tpu.memory_space<vmem>>
      %dma_wait3A_819 = arith.constant 0 : i32
      %dma_wait3A_820 = arith.constant 0 : i32
      %dma_wait3A_821 = tpu.memref_slice %arg2[%dma_wait3A_819, %dma_wait3A_820] : memref<100352x32xf32, #tpu.memory_space<hbm>> -> memref<128x32xf32, #tpu.memory_space<hbm>>
      tpu.wait_dma2 semaphore(%arg14 : memref<!tpu.dma_semaphore, #tpu.memory_space<semaphore_mem>>) src(%dma_wait3A_821 : memref<128x32xf32, #tpu.memory_space<hbm>>) dst(%dma_wait3A_818 : memref<128x32xf32, #tpu.memory_space<vmem>>)
      %dma_start3A_822 = arith.constant 1 : i32
      %dma_start3A_823 = arith.constant 0 : i32
      %dma_start3A_824 = arith.constant 1 : i32
      %dma_start3A_825 = arith.constant 2 : i32
      %dma_start3A_826 = arith.constant 0 : i32
      %dma_start3A_827 = arith.constant 0 : i32
      %dma_start3A_828 = tpu.memref_slice %arg8[%dma_start3A_822, %dma_start3A_823, %dma_start3A_826, %dma_start3A_827] : memref<2x2x128x32xf32, #tpu.memory_space<vmem>> -> memref<1x1x128x32xf32, #tpu.memory_space<vmem>>
      %dma_start3A_829 = tpu.memref_squeeze %dma_start3A_828 : memref<1x1x128x32xf32, #tpu.memory_space<vmem>> -> memref<128x32xf32, #tpu.memory_space<vmem>>
      %dma_start3A_830 = arith.constant 0 : i32
      %dma_start3A_831 = tpu.memref_slice %arg7[%dma_start3A_824, %dma_start3A_825, %dma_start3A_830] : memref<2x8x128xi32, #tpu.memory_space<vmem>> -> memref<1x1x128xi32, #tpu.memory_space<vmem>>
      %dma_start3A_832 = tpu.memref_squeeze %dma_start3A_831 : memref<1x1x128xi32, #tpu.memory_space<vmem>> -> memref<128xi32, #tpu.memory_space<vmem>>
      %dma_start3A_833 = arith.constant 0 : i32
      %dma_start3A_834 = arith.constant 0 : i32
      %dma_start3A_835 = tpu.memref_slice %arg12[%dma_start3A_833, %dma_start3A_834] : memref<50176x32xf32, #tpu.memory_space<vmem_shared>> -> memref<50176x32xf32, #tpu.memory_space<vmem_shared>>
      tpu.enqueue_indirect_dma source(%dma_start3A_829 : memref<128x32xf32, #tpu.memory_space<vmem>>) target(%dma_start3A_835 : memref<50176x32xf32, #tpu.memory_space<vmem_shared>>) offsets(%dma_start3A_832 : memref<128xi32, #tpu.memory_space<vmem>>) semaphore(%arg15 : memref<!tpu.dma_semaphore, #tpu.memory_space<semaphore_mem>>) {add = true}
      %dma_start3A_836 = arith.constant 1 : i32
      %dma_start3A_837 = arith.constant 1 : i32
      %dma_start3A_838 = arith.constant 1 : i32
      %dma_start3A_839 = arith.constant 3 : i32
      %dma_start3A_840 = arith.constant 0 : i32
      %dma_start3A_841 = arith.constant 0 : i32
      %dma_start3A_842 = tpu.memref_slice %arg8[%dma_start3A_836, %dma_start3A_837, %dma_start3A_840, %dma_start3A_841] : memref<2x2x128x32xf32, #tpu.memory_space<vmem>> -> memref<1x1x128x32xf32, #tpu.memory_space<vmem>>
      %dma_start3A_843 = tpu.memref_squeeze %dma_start3A_842 : memref<1x1x128x32xf32, #tpu.memory_space<vmem>> -> memref<128x32xf32, #tpu.memory_space<vmem>>
      %dma_start3A_844 = arith.constant 0 : i32
      %dma_start3A_845 = tpu.memref_slice %arg7[%dma_start3A_838, %dma_start3A_839, %dma_start3A_844] : memref<2x8x128xi32, #tpu.memory_space<vmem>> -> memref<1x1x128xi32, #tpu.memory_space<vmem>>
      %dma_start3A_846 = tpu.memref_squeeze %dma_start3A_845 : memref<1x1x128xi32, #tpu.memory_space<vmem>> -> memref<128xi32, #tpu.memory_space<vmem>>
      %dma_start3A_847 = arith.constant 0 : i32
      %dma_start3A_848 = arith.constant 0 : i32
      %dma_start3A_849 = tpu.memref_slice %arg12[%dma_start3A_847, %dma_start3A_848] : memref<50176x32xf32, #tpu.memory_space<vmem_shared>> -> memref<50176x32xf32, #tpu.memory_space<vmem_shared>>
      tpu.enqueue_indirect_dma source(%dma_start3A_843 : memref<128x32xf32, #tpu.memory_space<vmem>>) target(%dma_start3A_849 : memref<50176x32xf32, #tpu.memory_space<vmem_shared>>) offsets(%dma_start3A_846 : memref<128xi32, #tpu.memory_space<vmem>>) semaphore(%arg15 : memref<!tpu.dma_semaphore, #tpu.memory_space<semaphore_mem>>) {add = true}
      %dma_wait3A_850 = arith.constant 0 : i32
      %dma_wait3A_851 = arith.constant 0 : i32
      %dma_wait3A_852 = tpu.memref_slice %arg12[%dma_wait3A_850, %dma_wait3A_851] : memref<50176x32xf32, #tpu.memory_space<vmem_shared>> -> memref<128x32xf32, #tpu.memory_space<vmem_shared>>
      %dma_wait3A_853 = arith.constant 0 : i32
      %dma_wait3A_854 = arith.constant 0 : i32
      %dma_wait3A_855 = tpu.memref_slice %arg2[%dma_wait3A_853, %dma_wait3A_854] : memref<100352x32xf32, #tpu.memory_space<hbm>> -> memref<128x32xf32, #tpu.memory_space<hbm>>
      tpu.wait_dma2 semaphore(%arg15 : memref<!tpu.dma_semaphore, #tpu.memory_space<semaphore_mem>>) src(%dma_wait3A_855 : memref<128x32xf32, #tpu.memory_space<hbm>>) dst(%dma_wait3A_852 : memref<128x32xf32, #tpu.memory_space<vmem_shared>>)
      %dma_wait3A_856 = arith.constant 0 : i32
      %dma_wait3A_857 = arith.constant 0 : i32
      %dma_wait3A_858 = tpu.memref_slice %arg12[%dma_wait3A_856, %dma_wait3A_857] : memref<50176x32xf32, #tpu.memory_space<vmem_shared>> -> memref<128x32xf32, #tpu.memory_space<vmem_shared>>
      %dma_wait3A_859 = arith.constant 0 : i32
      %dma_wait3A_860 = arith.constant 0 : i32
      %dma_wait3A_861 = tpu.memref_slice %arg2[%dma_wait3A_859, %dma_wait3A_860] : memref<100352x32xf32, #tpu.memory_space<hbm>> -> memref<128x32xf32, #tpu.memory_space<hbm>>
      tpu.wait_dma2 semaphore(%arg15 : memref<!tpu.dma_semaphore, #tpu.memory_space<semaphore_mem>>) src(%dma_wait3A_861 : memref<128x32xf32, #tpu.memory_space<hbm>>) dst(%dma_wait3A_858 : memref<128x32xf32, #tpu.memory_space<vmem_shared>>)
      %dma_start3A_862 = arith.constant 1 : i32
      %dma_start3A_863 = arith.constant 4 : i32
      %dma_start3A_864 = arith.constant 0 : i32
      %dma_start3A_865 = arith.constant 0 : i32
      %dma_start3A_866 = arith.constant 0 : i32
      %dma_start3A_867 = arith.constant 0 : i32
      %dma_start3A_868 = tpu.memref_slice %arg8[%dma_start3A_864, %dma_start3A_865, %dma_start3A_866, %dma_start3A_867] : memref<2x2x128x32xf32, #tpu.memory_space<vmem>> -> memref<1x1x128x32xf32, #tpu.memory_space<vmem>>
      %dma_start3A_869 = tpu.memref_squeeze %dma_start3A_868 : memref<1x1x128x32xf32, #tpu.memory_space<vmem>> -> memref<128x32xf32, #tpu.memory_space<vmem>>
      %dma_start3A_870 = arith.constant 0 : i32
      %dma_start3A_871 = tpu.memref_slice %arg6[%dma_start3A_862, %dma_start3A_863, %dma_start3A_870] : memref<2x8x128xi32, #tpu.memory_space<vmem>> -> memref<1x1x128xi32, #tpu.memory_space<vmem>>
      %dma_start3A_872 = tpu.memref_squeeze %dma_start3A_871 : memref<1x1x128xi32, #tpu.memory_space<vmem>> -> memref<128xi32, #tpu.memory_space<vmem>>
      %dma_start3A_873 = arith.constant 0 : i32
      %dma_start3A_874 = arith.constant 0 : i32
      %dma_start3A_875 = tpu.memref_slice %arg2[%dma_start3A_873, %dma_start3A_874] : memref<100352x32xf32, #tpu.memory_space<hbm>> -> memref<100352x32xf32, #tpu.memory_space<hbm>>
      tpu.enqueue_indirect_dma source(%dma_start3A_875 : memref<100352x32xf32, #tpu.memory_space<hbm>>) target(%dma_start3A_869 : memref<128x32xf32, #tpu.memory_space<vmem>>) offsets(%dma_start3A_872 : memref<128xi32, #tpu.memory_space<vmem>>) semaphore(%arg14 : memref<!tpu.dma_semaphore, #tpu.memory_space<semaphore_mem>>)
      %dma_start3A_876 = arith.constant 1 : i32
      %dma_start3A_877 = arith.constant 5 : i32
      %dma_start3A_878 = arith.constant 0 : i32
      %dma_start3A_879 = arith.constant 1 : i32
      %dma_start3A_880 = arith.constant 0 : i32
      %dma_start3A_881 = arith.constant 0 : i32
      %dma_start3A_882 = tpu.memref_slice %arg8[%dma_start3A_878, %dma_start3A_879, %dma_start3A_880, %dma_start3A_881] : memref<2x2x128x32xf32, #tpu.memory_space<vmem>> -> memref<1x1x128x32xf32, #tpu.memory_space<vmem>>
      %dma_start3A_883 = tpu.memref_squeeze %dma_start3A_882 : memref<1x1x128x32xf32, #tpu.memory_space<vmem>> -> memref<128x32xf32, #tpu.memory_space<vmem>>
      %dma_start3A_884 = arith.constant 0 : i32
      %dma_start3A_885 = tpu.memref_slice %arg6[%dma_start3A_876, %dma_start3A_877, %dma_start3A_884] : memref<2x8x128xi32, #tpu.memory_space<vmem>> -> memref<1x1x128xi32, #tpu.memory_space<vmem>>
      %dma_start3A_886 = tpu.memref_squeeze %dma_start3A_885 : memref<1x1x128xi32, #tpu.memory_space<vmem>> -> memref<128xi32, #tpu.memory_space<vmem>>
      %dma_start3A_887 = arith.constant 0 : i32
      %dma_start3A_888 = arith.constant 0 : i32
      %dma_start3A_889 = tpu.memref_slice %arg2[%dma_start3A_887, %dma_start3A_888] : memref<100352x32xf32, #tpu.memory_space<hbm>> -> memref<100352x32xf32, #tpu.memory_space<hbm>>
      tpu.enqueue_indirect_dma source(%dma_start3A_889 : memref<100352x32xf32, #tpu.memory_space<hbm>>) target(%dma_start3A_883 : memref<128x32xf32, #tpu.memory_space<vmem>>) offsets(%dma_start3A_886 : memref<128xi32, #tpu.memory_space<vmem>>) semaphore(%arg14 : memref<!tpu.dma_semaphore, #tpu.memory_space<semaphore_mem>>)
      %dma_wait3A_890 = arith.constant 0 : i32
      %dma_wait3A_891 = arith.constant 0 : i32
      %dma_wait3A_892 = tpu.memref_slice %arg12[%dma_wait3A_890, %dma_wait3A_891] : memref<50176x32xf32, #tpu.memory_space<vmem_shared>> -> memref<128x32xf32, #tpu.memory_space<vmem_shared>>
      %dma_wait3A_893 = arith.constant 0 : i32
      %dma_wait3A_894 = arith.constant 0 : i32
      %dma_wait3A_895 = tpu.memref_slice %arg2[%dma_wait3A_893, %dma_wait3A_894] : memref<100352x32xf32, #tpu.memory_space<hbm>> -> memref<128x32xf32, #tpu.memory_space<hbm>>
      tpu.wait_dma2 semaphore(%arg15 : memref<!tpu.dma_semaphore, #tpu.memory_space<semaphore_mem>>) src(%dma_wait3A_895 : memref<128x32xf32, #tpu.memory_space<hbm>>) dst(%dma_wait3A_892 : memref<128x32xf32, #tpu.memory_space<vmem_shared>>)
      %dma_wait3A_896 = arith.constant 0 : i32
      %dma_wait3A_897 = arith.constant 0 : i32
      %dma_wait3A_898 = tpu.memref_slice %arg12[%dma_wait3A_896, %dma_wait3A_897] : memref<50176x32xf32, #tpu.memory_space<vmem_shared>> -> memref<128x32xf32, #tpu.memory_space<vmem_shared>>
      %dma_wait3A_899 = arith.constant 0 : i32
      %dma_wait3A_900 = arith.constant 0 : i32
      %dma_wait3A_901 = tpu.memref_slice %arg2[%dma_wait3A_899, %dma_wait3A_900] : memref<100352x32xf32, #tpu.memory_space<hbm>> -> memref<128x32xf32, #tpu.memory_space<hbm>>
      tpu.wait_dma2 semaphore(%arg15 : memref<!tpu.dma_semaphore, #tpu.memory_space<semaphore_mem>>) src(%dma_wait3A_901 : memref<128x32xf32, #tpu.memory_space<hbm>>) dst(%dma_wait3A_898 : memref<128x32xf32, #tpu.memory_space<vmem_shared>>)
      %dma_start3A_902 = arith.constant 1 : i32
      %dma_start3A_903 = arith.constant 6 : i32
      %dma_start3A_904 = arith.constant 1 : i32
      %dma_start3A_905 = arith.constant 0 : i32
      %dma_start3A_906 = arith.constant 0 : i32
      %dma_start3A_907 = arith.constant 0 : i32
      %dma_start3A_908 = tpu.memref_slice %arg8[%dma_start3A_904, %dma_start3A_905, %dma_start3A_906, %dma_start3A_907] : memref<2x2x128x32xf32, #tpu.memory_space<vmem>> -> memref<1x1x128x32xf32, #tpu.memory_space<vmem>>
      %dma_start3A_909 = tpu.memref_squeeze %dma_start3A_908 : memref<1x1x128x32xf32, #tpu.memory_space<vmem>> -> memref<128x32xf32, #tpu.memory_space<vmem>>
      %dma_start3A_910 = arith.constant 0 : i32
      %dma_start3A_911 = tpu.memref_slice %arg6[%dma_start3A_902, %dma_start3A_903, %dma_start3A_910] : memref<2x8x128xi32, #tpu.memory_space<vmem>> -> memref<1x1x128xi32, #tpu.memory_space<vmem>>
      %dma_start3A_912 = tpu.memref_squeeze %dma_start3A_911 : memref<1x1x128xi32, #tpu.memory_space<vmem>> -> memref<128xi32, #tpu.memory_space<vmem>>
      %dma_start3A_913 = arith.constant 0 : i32
      %dma_start3A_914 = arith.constant 0 : i32
      %dma_start3A_915 = tpu.memref_slice %arg2[%dma_start3A_913, %dma_start3A_914] : memref<100352x32xf32, #tpu.memory_space<hbm>> -> memref<100352x32xf32, #tpu.memory_space<hbm>>
      tpu.enqueue_indirect_dma source(%dma_start3A_915 : memref<100352x32xf32, #tpu.memory_space<hbm>>) target(%dma_start3A_909 : memref<128x32xf32, #tpu.memory_space<vmem>>) offsets(%dma_start3A_912 : memref<128xi32, #tpu.memory_space<vmem>>) semaphore(%arg14 : memref<!tpu.dma_semaphore, #tpu.memory_space<semaphore_mem>>)
      %dma_start3A_916 = arith.constant 1 : i32
      %dma_start3A_917 = arith.constant 7 : i32
      %dma_start3A_918 = arith.constant 1 : i32
      %dma_start3A_919 = arith.constant 1 : i32
      %dma_start3A_920 = arith.constant 0 : i32
      %dma_start3A_921 = arith.constant 0 : i32
      %dma_start3A_922 = tpu.memref_slice %arg8[%dma_start3A_918, %dma_start3A_919, %dma_start3A_920, %dma_start3A_921] : memref<2x2x128x32xf32, #tpu.memory_space<vmem>> -> memref<1x1x128x32xf32, #tpu.memory_space<vmem>>
      %dma_start3A_923 = tpu.memref_squeeze %dma_start3A_922 : memref<1x1x128x32xf32, #tpu.memory_space<vmem>> -> memref<128x32xf32, #tpu.memory_space<vmem>>
      %dma_start3A_924 = arith.constant 0 : i32
      %dma_start3A_925 = tpu.memref_slice %arg6[%dma_start3A_916, %dma_start3A_917, %dma_start3A_924] : memref<2x8x128xi32, #tpu.memory_space<vmem>> -> memref<1x1x128xi32, #tpu.memory_space<vmem>>
      %dma_start3A_926 = tpu.memref_squeeze %dma_start3A_925 : memref<1x1x128xi32, #tpu.memory_space<vmem>> -> memref<128xi32, #tpu.memory_space<vmem>>
      %dma_start3A_927 = arith.constant 0 : i32
      %dma_start3A_928 = arith.constant 0 : i32
      %dma_start3A_929 = tpu.memref_slice %arg2[%dma_start3A_927, %dma_start3A_928] : memref<100352x32xf32, #tpu.memory_space<hbm>> -> memref<100352x32xf32, #tpu.memory_space<hbm>>
      tpu.enqueue_indirect_dma source(%dma_start3A_929 : memref<100352x32xf32, #tpu.memory_space<hbm>>) target(%dma_start3A_923 : memref<128x32xf32, #tpu.memory_space<vmem>>) offsets(%dma_start3A_926 : memref<128xi32, #tpu.memory_space<vmem>>) semaphore(%arg14 : memref<!tpu.dma_semaphore, #tpu.memory_space<semaphore_mem>>)
      %dma_wait3A_930 = arith.constant 0 : i32
      %dma_wait3A_931 = arith.constant 0 : i32
      %dma_wait3A_932 = arith.constant 0 : i32
      %dma_wait3A_933 = arith.constant 0 : i32
      %dma_wait3A_934 = tpu.memref_slice %arg8[%dma_wait3A_930, %dma_wait3A_931, %dma_wait3A_932, %dma_wait3A_933] : memref<2x2x128x32xf32, #tpu.memory_space<vmem>> -> memref<1x1x128x32xf32, #tpu.memory_space<vmem>>
      %dma_wait3A_935 = tpu.memref_squeeze %dma_wait3A_934 : memref<1x1x128x32xf32, #tpu.memory_space<vmem>> -> memref<128x32xf32, #tpu.memory_space<vmem>>
      %dma_wait3A_936 = arith.constant 0 : i32
      %dma_wait3A_937 = arith.constant 0 : i32
      %dma_wait3A_938 = tpu.memref_slice %arg2[%dma_wait3A_936, %dma_wait3A_937] : memref<100352x32xf32, #tpu.memory_space<hbm>> -> memref<128x32xf32, #tpu.memory_space<hbm>>
      %dma_wait3A_939 = arith.constant 0 : i32
      %dma_wait3A_940 = arith.constant 0 : i32
      %dma_wait3A_941 = tpu.memref_slice %arg8[%dma_wait3A_930, %dma_wait3A_931, %dma_wait3A_939, %dma_wait3A_940] : memref<2x2x128x32xf32, #tpu.memory_space<vmem>> -> memref<1x1x128x32xf32, #tpu.memory_space<vmem>>
      %dma_wait3A_942 = tpu.memref_squeeze %dma_wait3A_941 : memref<1x1x128x32xf32, #tpu.memory_space<vmem>> -> memref<128x32xf32, #tpu.memory_space<vmem>>
      %dma_wait3A_943 = arith.constant 0 : i32
      %dma_wait3A_944 = arith.constant 0 : i32
      %dma_wait3A_945 = tpu.memref_slice %arg2[%dma_wait3A_943, %dma_wait3A_944] : memref<100352x32xf32, #tpu.memory_space<hbm>> -> memref<128x32xf32, #tpu.memory_space<hbm>>
      tpu.wait_dma2 semaphore(%arg14 : memref<!tpu.dma_semaphore, #tpu.memory_space<semaphore_mem>>) src(%dma_wait3A_945 : memref<128x32xf32, #tpu.memory_space<hbm>>) dst(%dma_wait3A_942 : memref<128x32xf32, #tpu.memory_space<vmem>>)
      %dma_wait3A_946 = arith.constant 0 : i32
      %dma_wait3A_947 = arith.constant 1 : i32
      %dma_wait3A_948 = arith.constant 0 : i32
      %dma_wait3A_949 = arith.constant 0 : i32
      %dma_wait3A_950 = tpu.memref_slice %arg8[%dma_wait3A_946, %dma_wait3A_947, %dma_wait3A_948, %dma_wait3A_949] : memref<2x2x128x32xf32, #tpu.memory_space<vmem>> -> memref<1x1x128x32xf32, #tpu.memory_space<vmem>>
      %dma_wait3A_951 = tpu.memref_squeeze %dma_wait3A_950 : memref<1x1x128x32xf32, #tpu.memory_space<vmem>> -> memref<128x32xf32, #tpu.memory_space<vmem>>
      %dma_wait3A_952 = arith.constant 0 : i32
      %dma_wait3A_953 = arith.constant 0 : i32
      %dma_wait3A_954 = tpu.memref_slice %arg2[%dma_wait3A_952, %dma_wait3A_953] : memref<100352x32xf32, #tpu.memory_space<hbm>> -> memref<128x32xf32, #tpu.memory_space<hbm>>
      %dma_wait3A_955 = arith.constant 0 : i32
      %dma_wait3A_956 = arith.constant 0 : i32
      %dma_wait3A_957 = tpu.memref_slice %arg8[%dma_wait3A_946, %dma_wait3A_947, %dma_wait3A_955, %dma_wait3A_956] : memref<2x2x128x32xf32, #tpu.memory_space<vmem>> -> memref<1x1x128x32xf32, #tpu.memory_space<vmem>>
      %dma_wait3A_958 = tpu.memref_squeeze %dma_wait3A_957 : memref<1x1x128x32xf32, #tpu.memory_space<vmem>> -> memref<128x32xf32, #tpu.memory_space<vmem>>
      %dma_wait3A_959 = arith.constant 0 : i32
      %dma_wait3A_960 = arith.constant 0 : i32
      %dma_wait3A_961 = tpu.memref_slice %arg2[%dma_wait3A_959, %dma_wait3A_960] : memref<100352x32xf32, #tpu.memory_space<hbm>> -> memref<128x32xf32, #tpu.memory_space<hbm>>
      tpu.wait_dma2 semaphore(%arg14 : memref<!tpu.dma_semaphore, #tpu.memory_space<semaphore_mem>>) src(%dma_wait3A_961 : memref<128x32xf32, #tpu.memory_space<hbm>>) dst(%dma_wait3A_958 : memref<128x32xf32, #tpu.memory_space<vmem>>)
      %dma_start3A_962 = arith.constant 0 : i32
      %dma_start3A_963 = arith.constant 0 : i32
      %dma_start3A_964 = arith.constant 1 : i32
      %dma_start3A_965 = arith.constant 4 : i32
      %dma_start3A_966 = arith.constant 0 : i32
      %dma_start3A_967 = arith.constant 0 : i32
      %dma_start3A_968 = tpu.memref_slice %arg8[%dma_start3A_962, %dma_start3A_963, %dma_start3A_966, %dma_start3A_967] : memref<2x2x128x32xf32, #tpu.memory_space<vmem>> -> memref<1x1x128x32xf32, #tpu.memory_space<vmem>>
      %dma_start3A_969 = tpu.memref_squeeze %dma_start3A_968 : memref<1x1x128x32xf32, #tpu.memory_space<vmem>> -> memref<128x32xf32, #tpu.memory_space<vmem>>
      %dma_start3A_970 = arith.constant 0 : i32
      %dma_start3A_971 = tpu.memref_slice %arg7[%dma_start3A_964, %dma_start3A_965, %dma_start3A_970] : memref<2x8x128xi32, #tpu.memory_space<vmem>> -> memref<1x1x128xi32, #tpu.memory_space<vmem>>
      %dma_start3A_972 = tpu.memref_squeeze %dma_start3A_971 : memref<1x1x128xi32, #tpu.memory_space<vmem>> -> memref<128xi32, #tpu.memory_space<vmem>>
      %dma_start3A_973 = arith.constant 0 : i32
      %dma_start3A_974 = arith.constant 0 : i32
      %dma_start3A_975 = tpu.memref_slice %arg12[%dma_start3A_973, %dma_start3A_974] : memref<50176x32xf32, #tpu.memory_space<vmem_shared>> -> memref<50176x32xf32, #tpu.memory_space<vmem_shared>>
      tpu.enqueue_indirect_dma source(%dma_start3A_969 : memref<128x32xf32, #tpu.memory_space<vmem>>) target(%dma_start3A_975 : memref<50176x32xf32, #tpu.memory_space<vmem_shared>>) offsets(%dma_start3A_972 : memref<128xi32, #tpu.memory_space<vmem>>) semaphore(%arg15 : memref<!tpu.dma_semaphore, #tpu.memory_space<semaphore_mem>>) {add = true}
      %dma_start3A_976 = arith.constant 0 : i32
      %dma_start3A_977 = arith.constant 1 : i32
      %dma_start3A_978 = arith.constant 1 : i32
      %dma_start3A_979 = arith.constant 5 : i32
      %dma_start3A_980 = arith.constant 0 : i32
      %dma_start3A_981 = arith.constant 0 : i32
      %dma_start3A_982 = tpu.memref_slice %arg8[%dma_start3A_976, %dma_start3A_977, %dma_start3A_980, %dma_start3A_981] : memref<2x2x128x32xf32, #tpu.memory_space<vmem>> -> memref<1x1x128x32xf32, #tpu.memory_space<vmem>>
      %dma_start3A_983 = tpu.memref_squeeze %dma_start3A_982 : memref<1x1x128x32xf32, #tpu.memory_space<vmem>> -> memref<128x32xf32, #tpu.memory_space<vmem>>
      %dma_start3A_984 = arith.constant 0 : i32
      %dma_start3A_985 = tpu.memref_slice %arg7[%dma_start3A_978, %dma_start3A_979, %dma_start3A_984] : memref<2x8x128xi32, #tpu.memory_space<vmem>> -> memref<1x1x128xi32, #tpu.memory_space<vmem>>
      %dma_start3A_986 = tpu.memref_squeeze %dma_start3A_985 : memref<1x1x128xi32, #tpu.memory_space<vmem>> -> memref<128xi32, #tpu.memory_space<vmem>>
      %dma_start3A_987 = arith.constant 0 : i32
      %dma_start3A_988 = arith.constant 0 : i32
      %dma_start3A_989 = tpu.memref_slice %arg12[%dma_start3A_987, %dma_start3A_988] : memref<50176x32xf32, #tpu.memory_space<vmem_shared>> -> memref<50176x32xf32, #tpu.memory_space<vmem_shared>>
      tpu.enqueue_indirect_dma source(%dma_start3A_983 : memref<128x32xf32, #tpu.memory_space<vmem>>) target(%dma_start3A_989 : memref<50176x32xf32, #tpu.memory_space<vmem_shared>>) offsets(%dma_start3A_986 : memref<128xi32, #tpu.memory_space<vmem>>) semaphore(%arg15 : memref<!tpu.dma_semaphore, #tpu.memory_space<semaphore_mem>>) {add = true}
      %dma_wait3A_990 = arith.constant 0 : i32
      %dma_wait3A_991 = arith.constant 0 : i32
      %dma_wait3A_992 = arith.constant 0 : i32
      %dma_wait3A_993 = arith.constant 0 : i32
      %dma_wait3A_994 = tpu.memref_slice %arg8[%dma_wait3A_990, %dma_wait3A_991, %dma_wait3A_992, %dma_wait3A_993] : memref<2x2x128x32xf32, #tpu.memory_space<vmem>> -> memref<1x1x128x32xf32, #tpu.memory_space<vmem>>
      %dma_wait3A_995 = tpu.memref_squeeze %dma_wait3A_994 : memref<1x1x128x32xf32, #tpu.memory_space<vmem>> -> memref<128x32xf32, #tpu.memory_space<vmem>>
      %dma_wait3A_996 = arith.constant 0 : i32
      %dma_wait3A_997 = arith.constant 0 : i32
      %dma_wait3A_998 = tpu.memref_slice %arg2[%dma_wait3A_996, %dma_wait3A_997] : memref<100352x32xf32, #tpu.memory_space<hbm>> -> memref<128x32xf32, #tpu.memory_space<hbm>>
      %dma_wait3A_999 = arith.constant 0 : i32
      %dma_wait3A_1000 = arith.constant 0 : i32
      %dma_wait3A_1001 = tpu.memref_slice %arg8[%dma_wait3A_990, %dma_wait3A_991, %dma_wait3A_999, %dma_wait3A_1000] : memref<2x2x128x32xf32, #tpu.memory_space<vmem>> -> memref<1x1x128x32xf32, #tpu.memory_space<vmem>>
      %dma_wait3A_1002 = tpu.memref_squeeze %dma_wait3A_1001 : memref<1x1x128x32xf32, #tpu.memory_space<vmem>> -> memref<128x32xf32, #tpu.memory_space<vmem>>
      %dma_wait3A_1003 = arith.constant 0 : i32
      %dma_wait3A_1004 = arith.constant 0 : i32
      %dma_wait3A_1005 = tpu.memref_slice %arg2[%dma_wait3A_1003, %dma_wait3A_1004] : memref<100352x32xf32, #tpu.memory_space<hbm>> -> memref<128x32xf32, #tpu.memory_space<hbm>>
      tpu.wait_dma2 semaphore(%arg14 : memref<!tpu.dma_semaphore, #tpu.memory_space<semaphore_mem>>) src(%dma_wait3A_1005 : memref<128x32xf32, #tpu.memory_space<hbm>>) dst(%dma_wait3A_1002 : memref<128x32xf32, #tpu.memory_space<vmem>>)
      %dma_wait3A_1006 = arith.constant 0 : i32
      %dma_wait3A_1007 = arith.constant 1 : i32
      %dma_wait3A_1008 = arith.constant 0 : i32
      %dma_wait3A_1009 = arith.constant 0 : i32
      %dma_wait3A_1010 = tpu.memref_slice %arg8[%dma_wait3A_1006, %dma_wait3A_1007, %dma_wait3A_1008, %dma_wait3A_1009] : memref<2x2x128x32xf32, #tpu.memory_space<vmem>> -> memref<1x1x128x32xf32, #tpu.memory_space<vmem>>
      %dma_wait3A_1011 = tpu.memref_squeeze %dma_wait3A_1010 : memref<1x1x128x32xf32, #tpu.memory_space<vmem>> -> memref<128x32xf32, #tpu.memory_space<vmem>>
      %dma_wait3A_1012 = arith.constant 0 : i32
      %dma_wait3A_1013 = arith.constant 0 : i32
      %dma_wait3A_1014 = tpu.memref_slice %arg2[%dma_wait3A_1012, %dma_wait3A_1013] : memref<100352x32xf32, #tpu.memory_space<hbm>> -> memref<128x32xf32, #tpu.memory_space<hbm>>
      %dma_wait3A_1015 = arith.constant 0 : i32
      %dma_wait3A_1016 = arith.constant 0 : i32
      %dma_wait3A_1017 = tpu.memref_slice %arg8[%dma_wait3A_1006, %dma_wait3A_1007, %dma_wait3A_1015, %dma_wait3A_1016] : memref<2x2x128x32xf32, #tpu.memory_space<vmem>> -> memref<1x1x128x32xf32, #tpu.memory_space<vmem>>
      %dma_wait3A_1018 = tpu.memref_squeeze %dma_wait3A_1017 : memref<1x1x128x32xf32, #tpu.memory_space<vmem>> -> memref<128x32xf32, #tpu.memory_space<vmem>>
      %dma_wait3A_1019 = arith.constant 0 : i32
      %dma_wait3A_1020 = arith.constant 0 : i32
      %dma_wait3A_1021 = tpu.memref_slice %arg2[%dma_wait3A_1019, %dma_wait3A_1020] : memref<100352x32xf32, #tpu.memory_space<hbm>> -> memref<128x32xf32, #tpu.memory_space<hbm>>
      tpu.wait_dma2 semaphore(%arg14 : memref<!tpu.dma_semaphore, #tpu.memory_space<semaphore_mem>>) src(%dma_wait3A_1021 : memref<128x32xf32, #tpu.memory_space<hbm>>) dst(%dma_wait3A_1018 : memref<128x32xf32, #tpu.memory_space<vmem>>)
      %dma_start3A_1022 = arith.constant 1 : i32
      %dma_start3A_1023 = arith.constant 0 : i32
      %dma_start3A_1024 = arith.constant 1 : i32
      %dma_start3A_1025 = arith.constant 6 : i32
      %dma_start3A_1026 = arith.constant 0 : i32
      %dma_start3A_1027 = arith.constant 0 : i32
      %dma_start3A_1028 = tpu.memref_slice %arg8[%dma_start3A_1022, %dma_start3A_1023, %dma_start3A_1026, %dma_start3A_1027] : memref<2x2x128x32xf32, #tpu.memory_space<vmem>> -> memref<1x1x128x32xf32, #tpu.memory_space<vmem>>
      %dma_start3A_1029 = tpu.memref_squeeze %dma_start3A_1028 : memref<1x1x128x32xf32, #tpu.memory_space<vmem>> -> memref<128x32xf32, #tpu.memory_space<vmem>>
      %dma_start3A_1030 = arith.constant 0 : i32
      %dma_start3A_1031 = tpu.memref_slice %arg7[%dma_start3A_1024, %dma_start3A_1025, %dma_start3A_1030] : memref<2x8x128xi32, #tpu.memory_space<vmem>> -> memref<1x1x128xi32, #tpu.memory_space<vmem>>
      %dma_start3A_1032 = tpu.memref_squeeze %dma_start3A_1031 : memref<1x1x128xi32, #tpu.memory_space<vmem>> -> memref<128xi32, #tpu.memory_space<vmem>>
      %dma_start3A_1033 = arith.constant 0 : i32
      %dma_start3A_1034 = arith.constant 0 : i32
      %dma_start3A_1035 = tpu.memref_slice %arg12[%dma_start3A_1033, %dma_start3A_1034] : memref<50176x32xf32, #tpu.memory_space<vmem_shared>> -> memref<50176x32xf32, #tpu.memory_space<vmem_shared>>
      tpu.enqueue_indirect_dma source(%dma_start3A_1029 : memref<128x32xf32, #tpu.memory_space<vmem>>) target(%dma_start3A_1035 : memref<50176x32xf32, #tpu.memory_space<vmem_shared>>) offsets(%dma_start3A_1032 : memref<128xi32, #tpu.memory_space<vmem>>) semaphore(%arg15 : memref<!tpu.dma_semaphore, #tpu.memory_space<semaphore_mem>>) {add = true}
      %dma_start3A_1036 = arith.constant 1 : i32
      %dma_start3A_1037 = arith.constant 1 : i32
      %dma_start3A_1038 = arith.constant 1 : i32
      %dma_start3A_1039 = arith.constant 7 : i32
      %dma_start3A_1040 = arith.constant 0 : i32
      %dma_start3A_1041 = arith.constant 0 : i32
      %dma_start3A_1042 = tpu.memref_slice %arg8[%dma_start3A_1036, %dma_start3A_1037, %dma_start3A_1040, %dma_start3A_1041] : memref<2x2x128x32xf32, #tpu.memory_space<vmem>> -> memref<1x1x128x32xf32, #tpu.memory_space<vmem>>
      %dma_start3A_1043 = tpu.memref_squeeze %dma_start3A_1042 : memref<1x1x128x32xf32, #tpu.memory_space<vmem>> -> memref<128x32xf32, #tpu.memory_space<vmem>>
      %dma_start3A_1044 = arith.constant 0 : i32
      %dma_start3A_1045 = tpu.memref_slice %arg7[%dma_start3A_1038, %dma_start3A_1039, %dma_start3A_1044] : memref<2x8x128xi32, #tpu.memory_space<vmem>> -> memref<1x1x128xi32, #tpu.memory_space<vmem>>
      %dma_start3A_1046 = tpu.memref_squeeze %dma_start3A_1045 : memref<1x1x128xi32, #tpu.memory_space<vmem>> -> memref<128xi32, #tpu.memory_space<vmem>>
      %dma_start3A_1047 = arith.constant 0 : i32
      %dma_start3A_1048 = arith.constant 0 : i32
      %dma_start3A_1049 = tpu.memref_slice %arg12[%dma_start3A_1047, %dma_start3A_1048] : memref<50176x32xf32, #tpu.memory_space<vmem_shared>> -> memref<50176x32xf32, #tpu.memory_space<vmem_shared>>
      tpu.enqueue_indirect_dma source(%dma_start3A_1043 : memref<128x32xf32, #tpu.memory_space<vmem>>) target(%dma_start3A_1049 : memref<50176x32xf32, #tpu.memory_space<vmem_shared>>) offsets(%dma_start3A_1046 : memref<128xi32, #tpu.memory_space<vmem>>) semaphore(%arg15 : memref<!tpu.dma_semaphore, #tpu.memory_space<semaphore_mem>>) {add = true}
    }
    %scan3A_50 = arith.constant 25 : i32
    %dma_wait3A = arith.constant 0 : i32
    %dma_wait3A_51 = arith.constant 0 : i32
    %dma_wait3A_52 = tpu.memref_slice %arg12[%dma_wait3A, %dma_wait3A_51] : memref<50176x32xf32, #tpu.memory_space<vmem_shared>> -> memref<128x32xf32, #tpu.memory_space<vmem_shared>>
    %dma_wait3A_53 = arith.constant 0 : i32
    %dma_wait3A_54 = arith.constant 0 : i32
    %dma_wait3A_55 = tpu.memref_slice %arg2[%dma_wait3A_53, %dma_wait3A_54] : memref<100352x32xf32, #tpu.memory_space<hbm>> -> memref<128x32xf32, #tpu.memory_space<hbm>>
    tpu.wait_dma2 semaphore(%arg15 : memref<!tpu.dma_semaphore, #tpu.memory_space<semaphore_mem>>) src(%dma_wait3A_55 : memref<128x32xf32, #tpu.memory_space<hbm>>) dst(%dma_wait3A_52 : memref<128x32xf32, #tpu.memory_space<vmem_shared>>)
    %dma_wait3A_56 = arith.constant 0 : i32
    %dma_wait3A_57 = arith.constant 0 : i32
    %dma_wait3A_58 = tpu.memref_slice %arg12[%dma_wait3A_56, %dma_wait3A_57] : memref<50176x32xf32, #tpu.memory_space<vmem_shared>> -> memref<128x32xf32, #tpu.memory_space<vmem_shared>>
    %dma_wait3A_59 = arith.constant 0 : i32
    %dma_wait3A_60 = arith.constant 0 : i32
    %dma_wait3A_61 = tpu.memref_slice %arg2[%dma_wait3A_59, %dma_wait3A_60] : memref<100352x32xf32, #tpu.memory_space<hbm>> -> memref<128x32xf32, #tpu.memory_space<hbm>>
    tpu.wait_dma2 semaphore(%arg15 : memref<!tpu.dma_semaphore, #tpu.memory_space<semaphore_mem>>) src(%dma_wait3A_61 : memref<128x32xf32, #tpu.memory_space<hbm>>) dst(%dma_wait3A_58 : memref<128x32xf32, #tpu.memory_space<vmem_shared>>)
    %dma_wait3A_62 = arith.constant 0 : i32
    %dma_wait3A_63 = arith.constant 0 : i32
    %dma_wait3A_64 = tpu.memref_slice %arg12[%dma_wait3A_62, %dma_wait3A_63] : memref<50176x32xf32, #tpu.memory_space<vmem_shared>> -> memref<128x32xf32, #tpu.memory_space<vmem_shared>>
    %dma_wait3A_65 = arith.constant 0 : i32
    %dma_wait3A_66 = arith.constant 0 : i32
    %dma_wait3A_67 = tpu.memref_slice %arg2[%dma_wait3A_65, %dma_wait3A_66] : memref<100352x32xf32, #tpu.memory_space<hbm>> -> memref<128x32xf32, #tpu.memory_space<hbm>>
    tpu.wait_dma2 semaphore(%arg15 : memref<!tpu.dma_semaphore, #tpu.memory_space<semaphore_mem>>) src(%dma_wait3A_67 : memref<128x32xf32, #tpu.memory_space<hbm>>) dst(%dma_wait3A_64 : memref<128x32xf32, #tpu.memory_space<vmem_shared>>)
    %dma_wait3A_68 = arith.constant 0 : i32
    %dma_wait3A_69 = arith.constant 0 : i32
    %dma_wait3A_70 = tpu.memref_slice %arg12[%dma_wait3A_68, %dma_wait3A_69] : memref<50176x32xf32, #tpu.memory_space<vmem_shared>> -> memref<128x32xf32, #tpu.memory_space<vmem_shared>>
    %dma_wait3A_71 = arith.constant 0 : i32
    %dma_wait3A_72 = arith.constant 0 : i32
    %dma_wait3A_73 = tpu.memref_slice %arg2[%dma_wait3A_71, %dma_wait3A_72] : memref<100352x32xf32, #tpu.memory_space<hbm>> -> memref<128x32xf32, #tpu.memory_space<hbm>>
    tpu.wait_dma2 semaphore(%arg15 : memref<!tpu.dma_semaphore, #tpu.memory_space<semaphore_mem>>) src(%dma_wait3A_73 : memref<128x32xf32, #tpu.memory_space<hbm>>) dst(%dma_wait3A_70 : memref<128x32xf32, #tpu.memory_space<vmem_shared>>)
    %barrier3A_74 = arith.constant 0 : index
    tpu.barrier barrier_id(%barrier3A_74)
    %scan3A_75 = arith.constant 0 : i32
    %scan3A_76 = arith.constant 0 : i32
    %scan3A_77 = arith.constant 32 : i32
    %scan3A_78 = arith.addi %scan3A_76, %scan3A_77 : i32
    %scan3A_79 = arith.constant 1 : i32
    scf.for %scan3A_81 = %scan3A_76 to %scan3A_78 step %scan3A_79  : i32 {
      %mul3A_82 = arith.constant 98 : i32
      %mul3A_83 = arith.muli %scan3A_81, %mul3A_82 : i32
      %add3A_84 = arith.addi %mul3A_0, %mul3A_83 : i32
      "tpu.region"() ({
        %run_scoped3A = tpu.sem_alloc : memref<!tpu.dma_semaphore, #tpu.memory_space<semaphore_mem>>
        %dma_start3A_89 = arith.constant 0 : i32
        %dma_start3A_90 = tpu.memref_slice %arg12[%add3A_84, %dma_start3A_89] : memref<50176x32xf32, #tpu.memory_space<vmem_shared>> -> memref<98x32xf32, #tpu.memory_space<vmem_shared>>
        %dma_start3A_91 = arith.constant 0 : i32
        %dma_start3A_92 = tpu.memref_slice %arg12[%add3A_84, %dma_start3A_91] : memref<50176x32xf32, #tpu.memory_space<vmem_shared>> -> memref<98x32xf32, #tpu.memory_space<vmem_shared>>
        tpu.enqueue_dma source(%dma_start3A_92 : memref<98x32xf32, #tpu.memory_space<vmem_shared>>) target(%arg9 : memref<98x32xf32, #tpu.memory_space<vmem>>) target_semaphore(%run_scoped3A : memref<!tpu.dma_semaphore, #tpu.memory_space<semaphore_mem>>)
        %dma_wait3A_93 = arith.constant 0 : i32
        %dma_wait3A_94 = tpu.memref_slice %arg12[%add3A_84, %dma_wait3A_93] : memref<50176x32xf32, #tpu.memory_space<vmem_shared>> -> memref<98x32xf32, #tpu.memory_space<vmem_shared>>
        %dma_wait3A_95 = arith.constant 0 : i32
        %dma_wait3A_96 = tpu.memref_slice %arg12[%add3A_84, %dma_wait3A_95] : memref<50176x32xf32, #tpu.memory_space<vmem_shared>> -> memref<98x32xf32, #tpu.memory_space<vmem_shared>>
        tpu.wait_dma2 semaphore(%run_scoped3A : memref<!tpu.dma_semaphore, #tpu.memory_space<semaphore_mem>>) src(%dma_wait3A_96 : memref<98x32xf32, #tpu.memory_space<vmem_shared>>) dst(%arg9 : memref<98x32xf32, #tpu.memory_space<vmem>>)
        tpu.yield
      }) : () -> ()
      %add3A_85 = arith.addi %mul3A_4, %mul3A_0 : i32
      %mul3A_86 = arith.constant 98 : i32
      %mul3A_87 = arith.muli %scan3A_81, %mul3A_86 : i32
      %add3A_88 = arith.addi %add3A_85, %mul3A_87 : i32
      "tpu.region"() ({
        %run_scoped3A = tpu.sem_alloc : memref<!tpu.dma_semaphore, #tpu.memory_space<semaphore_mem>>
        %dma_start3A_89 = arith.constant 0 : i32
        %dma_start3A_90 = tpu.memref_slice %arg5[%add3A_88, %dma_start3A_89] : memref<100352x32xf32, #tpu.memory_space<hbm>> -> memref<98x32xf32, #tpu.memory_space<hbm>>
        %dma_start3A_91 = arith.constant 0 : i32
        %dma_start3A_92 = tpu.memref_slice %arg5[%add3A_88, %dma_start3A_91] : memref<100352x32xf32, #tpu.memory_space<hbm>> -> memref<98x32xf32, #tpu.memory_space<hbm>>
        tpu.enqueue_dma source(%arg9 : memref<98x32xf32, #tpu.memory_space<vmem>>) target(%dma_start3A_92 : memref<98x32xf32, #tpu.memory_space<hbm>>) target_semaphore(%run_scoped3A : memref<!tpu.dma_semaphore, #tpu.memory_space<semaphore_mem>>)
        %dma_wait3A_93 = arith.constant 0 : i32
        %dma_wait3A_94 = tpu.memref_slice %arg5[%add3A_88, %dma_wait3A_93] : memref<100352x32xf32, #tpu.memory_space<hbm>> -> memref<98x32xf32, #tpu.memory_space<hbm>>
        %dma_wait3A_95 = arith.constant 0 : i32
        %dma_wait3A_96 = tpu.memref_slice %arg5[%add3A_88, %dma_wait3A_95] : memref<100352x32xf32, #tpu.memory_space<hbm>> -> memref<98x32xf32, #tpu.memory_space<hbm>>
        tpu.wait_dma2 semaphore(%run_scoped3A : memref<!tpu.dma_semaphore, #tpu.memory_space<semaphore_mem>>) src(%arg9 : memref<98x32xf32, #tpu.memory_space<vmem>>) dst(%dma_wait3A_96 : memref<98x32xf32, #tpu.memory_space<hbm>>)
        tpu.yield
      }) : () -> ()
    }
    %scan3A_80 = arith.constant 32 : i32
    return
  }
}

module attributes {stable_mosaic.version = 14 : i64} {
  func.func @_proj_body(%arg0: i32, %arg1: i32, %arg2: memref<1792x16xf32, #tpu.memory_space<vmem>>, %arg3: memref<1792x1xi32, #tpu.memory_space<vmem>>, %arg4: memref<16x192xf32, #tpu.memory_space<vmem>>, %arg5: memref<1x192xf32, #tpu.memory_space<vmem>>, %arg6: memref<1x192x32xf32, #tpu.memory_space<vmem>>, %arg7: memref<1x3x32xf32, #tpu.memory_space<vmem>>, %arg8: memref<1792x32xf32, #tpu.memory_space<vmem>>) attributes {dimension_semantics = [#tpu.dimension_semantics<arbitrary>, #tpu.dimension_semantics<arbitrary>], iteration_bounds = array<i64: 2, 28>, scalar_prefetch = 0 : i64, scratch_operands = 0 : i64, tpu.core_type = #tpu.core_type<tc>, window_params = [{transform_indices = @transform_0, window_bounds = array<i64: 1792, 16>}, {transform_indices = @transform_1, window_bounds = array<i64: 1792, 1>}, {pipeline_mode = #tpu.pipeline_mode<synchronous>, transform_indices = @transform_2, window_bounds = array<i64: 16, 192>}, {pipeline_mode = #tpu.pipeline_mode<synchronous>, transform_indices = @transform_3, window_bounds = array<i64: 1, 192>}, {transform_indices = @transform_4, window_bounds = array<i64: 1, 192, 32>}, {transform_indices = @transform_5, window_bounds = array<i64: 1, 3, 32>}, {transform_indices = @transform_6, window_bounds = array<i64: 1792, 32>}]} {
    %get3A = arith.constant 0 : index
    %get3A_0 = arith.constant 0 : index
    %get3A_1 = vector.load %arg2[%get3A, %get3A_0] : memref<1792x16xf32, #tpu.memory_space<vmem>>, vector<1792x16xf32>
    %get3A_2 = arith.constant 0 : index
    %get3A_3 = arith.constant 0 : index
    %get3A_4 = vector.load %arg3[%get3A_2, %get3A_3] : memref<1792x1xi32, #tpu.memory_space<vmem>>, vector<1792x1xi32>
    %get3A_5 = arith.constant 0 : index
    %get3A_6 = arith.constant 0 : index
    %get3A_7 = vector.load %arg4[%get3A_5, %get3A_6] : memref<16x192xf32, #tpu.memory_space<vmem>>, vector<16x192xf32>
    %dot_general3A = arith.constant dense<0.000000e+00> : vector<1792x192xf32>
    %dot_general3A_8 = tpu.matmul %get3A_1, %get3A_7, %dot_general3A {dimension_numbers = #tpu.dot_dimension_numbers<[1], [0], [0], [1], [0, 0, 1, 1], [], []>, transpose_lhs_hint = false} : vector<1792x16xf32>, vector<16x192xf32>, vector<1792x192xf32> -> vector<1792x192xf32>
    %get3A_9 = arith.constant 0 : index
    %get3A_10 = arith.constant 0 : index
    %get3A_11 = vector.load %arg5[%get3A_9, %get3A_10] : memref<1x192xf32, #tpu.memory_space<vmem>>, vector<1x192xf32>
    %add3A = vector.broadcast %get3A_11 : vector<1x192xf32> to vector<1792x192xf32>
    %add3A_12 = arith.addf %dot_general3A_8, %add3A : vector<1792x192xf32>
    %max3A = arith.constant 0.000000e+00 : f32
    %max3A_13 = vector.broadcast %max3A : f32 to vector<1792x192xf32>
    %max3A_14 = arith.maximumf %add3A_12, %max3A_13 : vector<1792x192xf32>
    %iota3A = tpu.iota {dimensions = array<i32: 1>} : vector<1x192xi32>
    %jit3A = arith.constant 64 : i32
    %div3A = vector.broadcast %jit3A : i32 to vector<1x192xi32>
    %div3A_15 = arith.divsi %iota3A, %div3A : vector<1x192xi32>
    %sign3A = arith.constant 0 : i32
    %sign3A_16 = vector.broadcast %sign3A : i32 to vector<1x192xi32>
    %sign3A_17 = arith.cmpi sgt, %iota3A, %sign3A_16 : vector<1x192xi32>
    %sign3A_18 = arith.extui %sign3A_17 : vector<1x192xi1> to vector<1x192xi32>
    %sign3A_19 = arith.constant 0 : i32
    %sign3A_20 = vector.broadcast %sign3A_19 : i32 to vector<1x192xi32>
    %sign3A_21 = arith.cmpi slt, %iota3A, %sign3A_20 : vector<1x192xi32>
    %sign3A_22 = arith.extui %sign3A_21 : vector<1x192xi1> to vector<1x192xi32>
    %sign3A_23 = arith.subi %sign3A_18, %sign3A_22 : vector<1x192xi32>
    %sign3A_24 = arith.constant 0 : i32
    %sign3A_25 = arith.cmpi sgt, %jit3A, %sign3A_24 : i32
    %sign3A_26 = arith.extui %sign3A_25 : i1 to i32
    %sign3A_27 = arith.constant 0 : i32
    %sign3A_28 = arith.cmpi slt, %jit3A, %sign3A_27 : i32
    %sign3A_29 = arith.extui %sign3A_28 : i1 to i32
    %sign3A_30 = arith.subi %sign3A_26, %sign3A_29 : i32
    %ne3A = vector.broadcast %sign3A_30 : i32 to vector<1x192xi32>
    %ne3A_31 = arith.cmpi ne, %sign3A_23, %ne3A : vector<1x192xi32>
    %rem3A = vector.broadcast %jit3A : i32 to vector<1x192xi32>
    %rem3A_32 = arith.remsi %iota3A, %rem3A : vector<1x192xi32>
    %ne3A_33 = arith.constant 0 : i32
    %ne3A_34 = vector.broadcast %ne3A_33 : i32 to vector<1x192xi32>
    %ne3A_35 = arith.cmpi ne, %rem3A_32, %ne3A_34 : vector<1x192xi32>
    %and3A = arith.andi %ne3A_31, %ne3A_35 : vector<1x192xi1>
    %sub3A = arith.constant 1 : i32
    %sub3A_36 = vector.broadcast %sub3A : i32 to vector<1x192xi32>
    %sub3A_37 = arith.subi %div3A_15, %sub3A_36 : vector<1x192xi32>
    %select_n3A = arith.select %and3A, %sub3A_37, %div3A_15 : vector<1x192xi1>, vector<1x192xi32>
    %eq3A = vector.broadcast %get3A_4 : vector<1792x1xi32> to vector<1792x192xi32>
    %eq3A_38 = vector.broadcast %select_n3A : vector<1x192xi32> to vector<1792x192xi32>
    %eq3A_39 = arith.cmpi eq, %eq3A, %eq3A_38 : vector<1792x192xi32>
    %jit3A_40 = arith.constant 0.000000e+00 : f32
    %broadcast_in_dim3A = vector.broadcast %jit3A_40 : f32 to vector<1792x192xf32>
    %select_n3A_41 = arith.select %eq3A_39, %max3A_14, %broadcast_in_dim3A : vector<1792x192xi1>, vector<1792x192xf32>
    %iota3A_42 = tpu.iota {dimensions = array<i32: 1>} : vector<1x3xi32>
    %eq3A_43 = vector.broadcast %get3A_4 : vector<1792x1xi32> to vector<1792x3xi32>
    %eq3A_44 = vector.broadcast %iota3A_42 : vector<1x3xi32> to vector<1792x3xi32>
    %eq3A_45 = arith.cmpi eq, %eq3A_43, %eq3A_44 : vector<1792x3xi32>
    %convert_element_type3A = arith.extui %eq3A_45 : vector<1792x3xi1> to vector<1792x3xi32>
    %convert_element_type3A_46 = arith.sitofp %convert_element_type3A : vector<1792x3xi32> to vector<1792x3xf32>
    %get3A_47 = arith.constant 0 : index
    %get3A_48 = arith.constant 0 : index
    %get3A_49 = arith.constant 0 : index
    %get3A_50 = vector.load %arg6[%get3A_47, %get3A_48, %get3A_49] : memref<1x192x32xf32, #tpu.memory_space<vmem>>, vector<1x192x32xf32>
    %get3A_51 = vector.shape_cast %get3A_50 : vector<1x192x32xf32> to vector<192x32xf32>
    %dot_general3A_52 = arith.constant dense<0.000000e+00> : vector<1792x32xf32>
    %dot_general3A_53 = tpu.matmul %select_n3A_41, %get3A_51, %dot_general3A_52 {dimension_numbers = #tpu.dot_dimension_numbers<[1], [0], [0], [1], [0, 0, 1, 1], [], []>, transpose_lhs_hint = false} : vector<1792x192xf32>, vector<192x32xf32>, vector<1792x32xf32> -> vector<1792x32xf32>
    %get3A_54 = arith.constant 0 : index
    %get3A_55 = arith.constant 0 : index
    %get3A_56 = arith.constant 0 : index
    %get3A_57 = vector.load %arg7[%get3A_54, %get3A_55, %get3A_56] : memref<1x3x32xf32, #tpu.memory_space<vmem>>, vector<1x3x32xf32>
    %get3A_58 = vector.shape_cast %get3A_57 : vector<1x3x32xf32> to vector<3x32xf32>
    %dot_general3A_59 = arith.constant dense<0.000000e+00> : vector<1792x32xf32>
    %dot_general3A_60 = tpu.matmul %convert_element_type3A_46, %get3A_58, %dot_general3A_59 {dimension_numbers = #tpu.dot_dimension_numbers<[1], [0], [0], [1], [0, 0, 1, 1], [], []>, transpose_lhs_hint = false} : vector<1792x3xf32>, vector<3x32xf32>, vector<1792x32xf32> -> vector<1792x32xf32>
    %add3A_61 = arith.addf %dot_general3A_53, %dot_general3A_60 : vector<1792x32xf32>
    %swap3A = arith.constant 0 : index
    %swap3A_62 = arith.constant 0 : index
    %swap3A_63 = vector.load %arg8[%swap3A, %swap3A_62] : memref<1792x32xf32, #tpu.memory_space<vmem>>, vector<1792x32xf32>
    tpu.vector_store %arg8[%swap3A, %swap3A_62], %add3A_61 {strides = array<i32>} : memref<1792x32xf32, #tpu.memory_space<vmem>>, vector<1792x32xf32>,
    return
  }
  func.func @transform_0(%arg0: i32, %arg1: i32) -> (i32, i32) {
    %c0_i32 = arith.constant 0 : i32
    %c0_i32_0 = arith.constant 0 : i32
    return %arg1, %c0_i32 : i32, i32
  }
  func.func @transform_1(%arg0: i32, %arg1: i32) -> (i32, i32) {
    %c0_i32 = arith.constant 0 : i32
    %c0_i32_0 = arith.constant 0 : i32
    return %arg1, %c0_i32 : i32, i32
  }
  func.func @transform_2(%arg0: i32, %arg1: i32) -> (i32, i32) {
    %c0_i32 = arith.constant 0 : i32
    %c0_i32_0 = arith.constant 0 : i32
    %c0_i32_1 = arith.constant 0 : i32
    return %c0_i32, %c0_i32_0 : i32, i32
  }
  func.func @transform_3(%arg0: i32, %arg1: i32) -> (i32, i32) {
    %c0_i32 = arith.constant 0 : i32
    %c0_i32_0 = arith.constant 0 : i32
    %c0_i32_1 = arith.constant 0 : i32
    return %c0_i32, %c0_i32_0 : i32, i32
  }
  func.func @transform_4(%arg0: i32, %arg1: i32) -> (i32, i32, i32) {
    %c0_i32 = arith.constant 0 : i32
    %c0_i32_0 = arith.constant 0 : i32
    %c0_i32_1 = arith.constant 0 : i32
    return %arg0, %c0_i32, %c0_i32_0 : i32, i32, i32
  }
  func.func @transform_5(%arg0: i32, %arg1: i32) -> (i32, i32, i32) {
    %c0_i32 = arith.constant 0 : i32
    %c0_i32_0 = arith.constant 0 : i32
    %c0_i32_1 = arith.constant 0 : i32
    return %arg0, %c0_i32, %c0_i32_0 : i32, i32, i32
  }
  func.func @transform_6(%arg0: i32, %arg1: i32) -> (i32, i32) {
    %mul3A = arith.constant 28 : i32
    %mul3A_0 = arith.muli %arg0, %mul3A : i32
    %add3A = arith.addi %mul3A_0, %arg1 : i32
    %c0_i32 = arith.constant 0 : i32
    %c0_i32_1 = arith.constant 0 : i32
    return %add3A, %c0_i32 : i32, i32
  }
}

module attributes {stable_mosaic.version = 14 : i64} {
  func.func @_sage_body(%arg0: i32, %arg1: i32, %arg2: memref<1792x32xf32, #tpu.memory_space<vmem>>, %arg3: memref<1792x32xf32, #tpu.memory_space<vmem>>, %arg4: memref<1792x32xf32, #tpu.memory_space<vmem>>, %arg5: memref<1792x32xf32, #tpu.memory_space<vmem>>, %arg6: memref<1792x1xf32, #tpu.memory_space<vmem>>, %arg7: memref<1x64x32xf32, #tpu.memory_space<vmem>>, %arg8: memref<1x64x32xf32, #tpu.memory_space<vmem>>, %arg9: memref<1x1x32xf32, #tpu.memory_space<vmem>>, %arg10: memref<1792x32xf32, #tpu.memory_space<vmem>>) attributes {dimension_semantics = [#tpu.dimension_semantics<arbitrary>, #tpu.dimension_semantics<arbitrary>], iteration_bounds = array<i64: 2, 28>, scalar_prefetch = 0 : i64, scratch_operands = 0 : i64, tpu.core_type = #tpu.core_type<tc>, window_params = [{transform_indices = @transform_0, window_bounds = array<i64: 1792, 32>}, {transform_indices = @transform_1, window_bounds = array<i64: 1792, 32>}, {transform_indices = @transform_2, window_bounds = array<i64: 1792, 32>}, {transform_indices = @transform_3, window_bounds = array<i64: 1792, 32>}, {transform_indices = @transform_4, window_bounds = array<i64: 1792, 1>}, {transform_indices = @transform_5, window_bounds = array<i64: 1, 64, 32>}, {transform_indices = @transform_6, window_bounds = array<i64: 1, 64, 32>}, {transform_indices = @transform_7, window_bounds = array<i64: 1, 1, 32>}, {transform_indices = @transform_8, window_bounds = array<i64: 1792, 32>}]} {
    %get3A = arith.constant 0 : index
    %get3A_0 = arith.constant 0 : index
    %get3A_1 = vector.load %arg2[%get3A, %get3A_0] : memref<1792x32xf32, #tpu.memory_space<vmem>>, vector<1792x32xf32>
    %get3A_2 = arith.constant 0 : index
    %get3A_3 = arith.constant 0 : index
    %get3A_4 = vector.load %arg3[%get3A_2, %get3A_3] : memref<1792x32xf32, #tpu.memory_space<vmem>>, vector<1792x32xf32>
    %concatenate3A = tpu.concatenate %get3A_1, %get3A_4 in 1 : vector<1792x32xf32>, vector<1792x32xf32> -> vector<1792x64xf32>
    %get3A_5 = arith.constant 0 : index
    %get3A_6 = arith.constant 0 : index
    %get3A_7 = vector.load %arg4[%get3A_5, %get3A_6] : memref<1792x32xf32, #tpu.memory_space<vmem>>, vector<1792x32xf32>
    %get3A_8 = arith.constant 0 : index
    %get3A_9 = arith.constant 0 : index
    %get3A_10 = vector.load %arg5[%get3A_8, %get3A_9] : memref<1792x32xf32, #tpu.memory_space<vmem>>, vector<1792x32xf32>
    %concatenate3A_11 = tpu.concatenate %get3A_7, %get3A_10 in 1 : vector<1792x32xf32>, vector<1792x32xf32> -> vector<1792x64xf32>
    %get3A_12 = arith.constant 0 : index
    %get3A_13 = arith.constant 0 : index
    %get3A_14 = vector.load %arg6[%get3A_12, %get3A_13] : memref<1792x1xf32, #tpu.memory_space<vmem>>, vector<1792x1xf32>
    %max3A = arith.constant 1.000000e+00 : f32
    %max3A_15 = vector.broadcast %max3A : f32 to vector<1792x1xf32>
    %max3A_16 = arith.maximumf %get3A_14, %max3A_15 : vector<1792x1xf32>
    %div3A = vector.broadcast %max3A_16 : vector<1792x1xf32> to vector<1792x64xf32>
    %div3A_17 = arith.divf %concatenate3A_11, %div3A : vector<1792x64xf32>
    %get3A_18 = arith.constant 0 : index
    %get3A_19 = arith.constant 0 : index
    %get3A_20 = arith.constant 0 : index
    %get3A_21 = vector.load %arg7[%get3A_18, %get3A_19, %get3A_20] : memref<1x64x32xf32, #tpu.memory_space<vmem>>, vector<1x64x32xf32>
    %get3A_22 = vector.shape_cast %get3A_21 : vector<1x64x32xf32> to vector<64x32xf32>
    %dot_general3A = arith.constant dense<0.000000e+00> : vector<1792x32xf32>
    %dot_general3A_23 = tpu.matmul %concatenate3A, %get3A_22, %dot_general3A {dimension_numbers = #tpu.dot_dimension_numbers<[1], [0], [0], [1], [0, 0, 1, 1], [], []>, transpose_lhs_hint = false} : vector<1792x64xf32>, vector<64x32xf32>, vector<1792x32xf32> -> vector<1792x32xf32>
    %get3A_24 = arith.constant 0 : index
    %get3A_25 = arith.constant 0 : index
    %get3A_26 = arith.constant 0 : index
    %get3A_27 = vector.load %arg8[%get3A_24, %get3A_25, %get3A_26] : memref<1x64x32xf32, #tpu.memory_space<vmem>>, vector<1x64x32xf32>
    %get3A_28 = vector.shape_cast %get3A_27 : vector<1x64x32xf32> to vector<64x32xf32>
    %dot_general3A_29 = arith.constant dense<0.000000e+00> : vector<1792x32xf32>
    %dot_general3A_30 = tpu.matmul %div3A_17, %get3A_28, %dot_general3A_29 {dimension_numbers = #tpu.dot_dimension_numbers<[1], [0], [0], [1], [0, 0, 1, 1], [], []>, transpose_lhs_hint = false} : vector<1792x64xf32>, vector<64x32xf32>, vector<1792x32xf32> -> vector<1792x32xf32>
    %add3A = arith.addf %dot_general3A_23, %dot_general3A_30 : vector<1792x32xf32>
    %get3A_31 = arith.constant 0 : index
    %get3A_32 = arith.constant 0 : index
    %get3A_33 = arith.constant 0 : index
    %get3A_34 = vector.load %arg9[%get3A_31, %get3A_32, %get3A_33] : memref<1x1x32xf32, #tpu.memory_space<vmem>>, vector<1x1x32xf32>
    %get3A_35 = vector.shape_cast %get3A_34 : vector<1x1x32xf32> to vector<1x32xf32>
    %add3A_36 = vector.broadcast %get3A_35 : vector<1x32xf32> to vector<1792x32xf32>
    %add3A_37 = arith.addf %add3A, %add3A_36 : vector<1792x32xf32>
    %max3A_38 = arith.constant 0.000000e+00 : f32
    %max3A_39 = vector.broadcast %max3A_38 : f32 to vector<1792x32xf32>
    %max3A_40 = arith.maximumf %add3A_37, %max3A_39 : vector<1792x32xf32>
    %swap3A = arith.constant 0 : index
    %swap3A_41 = arith.constant 0 : index
    %swap3A_42 = vector.load %arg10[%swap3A, %swap3A_41] : memref<1792x32xf32, #tpu.memory_space<vmem>>, vector<1792x32xf32>
    tpu.vector_store %arg10[%swap3A, %swap3A_41], %max3A_40 {strides = array<i32>} : memref<1792x32xf32, #tpu.memory_space<vmem>>, vector<1792x32xf32>,
    return
  }
  func.func @transform_0(%arg0: i32, %arg1: i32) -> (i32, i32) {
    %c0_i32 = arith.constant 0 : i32
    %c0_i32_0 = arith.constant 0 : i32
    return %arg1, %c0_i32 : i32, i32
  }
  func.func @transform_1(%arg0: i32, %arg1: i32) -> (i32, i32) {
    %add3A = arith.constant 28 : i32
    %add3A_0 = arith.addi %add3A, %arg1 : i32
    %c0_i32 = arith.constant 0 : i32
    %c0_i32_1 = arith.constant 0 : i32
    return %add3A_0, %c0_i32 : i32, i32
  }
  func.func @transform_2(%arg0: i32, %arg1: i32) -> (i32, i32) {
    %c0_i32 = arith.constant 0 : i32
    %c0_i32_0 = arith.constant 0 : i32
    return %arg1, %c0_i32 : i32, i32
  }
  func.func @transform_3(%arg0: i32, %arg1: i32) -> (i32, i32) {
    %add3A = arith.constant 28 : i32
    %add3A_0 = arith.addi %add3A, %arg1 : i32
    %c0_i32 = arith.constant 0 : i32
    %c0_i32_1 = arith.constant 0 : i32
    return %add3A_0, %c0_i32 : i32, i32
  }
  func.func @transform_4(%arg0: i32, %arg1: i32) -> (i32, i32) {
    %c0_i32 = arith.constant 0 : i32
    %c0_i32_0 = arith.constant 0 : i32
    return %arg1, %c0_i32 : i32, i32
  }
  func.func @transform_5(%arg0: i32, %arg1: i32) -> (i32, i32, i32) {
    %c0_i32 = arith.constant 0 : i32
    %c0_i32_0 = arith.constant 0 : i32
    %c0_i32_1 = arith.constant 0 : i32
    return %arg0, %c0_i32, %c0_i32_0 : i32, i32, i32
  }
  func.func @transform_6(%arg0: i32, %arg1: i32) -> (i32, i32, i32) {
    %c0_i32 = arith.constant 0 : i32
    %c0_i32_0 = arith.constant 0 : i32
    %c0_i32_1 = arith.constant 0 : i32
    return %arg0, %c0_i32, %c0_i32_0 : i32, i32, i32
  }
  func.func @transform_7(%arg0: i32, %arg1: i32) -> (i32, i32, i32) {
    %c0_i32 = arith.constant 0 : i32
    %c0_i32_0 = arith.constant 0 : i32
    %c0_i32_1 = arith.constant 0 : i32
    return %arg0, %c0_i32, %c0_i32_0 : i32, i32, i32
  }
  func.func @transform_8(%arg0: i32, %arg1: i32) -> (i32, i32) {
    %mul3A = arith.constant 28 : i32
    %mul3A_0 = arith.muli %arg0, %mul3A : i32
    %add3A = arith.addi %mul3A_0, %arg1 : i32
    %c0_i32 = arith.constant 0 : i32
    %c0_i32_1 = arith.constant 0 : i32
    return %add3A, %c0_i32 : i32, i32
  }
}

module attributes {stable_mosaic.version = 14 : i64} {
  func.func @_final_body(%arg0: i32, %arg1: memref<1792x32xf32, #tpu.memory_space<vmem>>, %arg2: memref<1792x32xf32, #tpu.memory_space<vmem>>, %arg3: memref<1792x32xf32, #tpu.memory_space<vmem>>, %arg4: memref<1792x32xf32, #tpu.memory_space<vmem>>, %arg5: memref<1792x1xf32, #tpu.memory_space<vmem>>, %arg6: memref<64x64xf32, #tpu.memory_space<vmem>>, %arg7: memref<64x64xf32, #tpu.memory_space<vmem>>, %arg8: memref<1x64xf32, #tpu.memory_space<vmem>>, %arg9: memref<64x64xf32, #tpu.memory_space<vmem>>, %arg10: memref<1x64xf32, #tpu.memory_space<vmem>>, %arg11: memref<64x64xf32, #tpu.memory_space<vmem>>, %arg12: memref<1x64xf32, #tpu.memory_space<vmem>>, %arg13: memref<64x64xf32, #tpu.memory_space<vmem>>, %arg14: memref<1x64xf32, #tpu.memory_space<vmem>>, %arg15: memref<64x8xf32, #tpu.memory_space<vmem>>, %arg16: memref<1x8xf32, #tpu.memory_space<vmem>>, %arg17: memref<64x128xf32, #tpu.memory_space<vmem>>, %arg18: memref<1x128xf32, #tpu.memory_space<vmem>>, %arg19: memref<128x128xf32, #tpu.memory_space<vmem>>, %arg20: memref<1x128xf32, #tpu.memory_space<vmem>>, %arg21: memref<128x64xf32, #tpu.memory_space<vmem>>, %arg22: memref<1x64xf32, #tpu.memory_space<vmem>>, %arg23: memref<64x1xf32, #tpu.memory_space<vmem>>, %arg24: memref<1x1xf32, #tpu.memory_space<vmem>>, %arg25: memref<1792x8xf32, #tpu.memory_space<vmem>>, %arg26: memref<1792x1xf32, #tpu.memory_space<vmem>>) attributes {dimension_semantics = [#tpu.dimension_semantics<arbitrary>], iteration_bounds = array<i64: 28>, scalar_prefetch = 0 : i64, scratch_operands = 0 : i64, tpu.core_type = #tpu.core_type<tc>, window_params = [{transform_indices = @transform_0, window_bounds = array<i64: 1792, 32>}, {transform_indices = @transform_1, window_bounds = array<i64: 1792, 32>}, {transform_indices = @transform_2, window_bounds = array<i64: 1792, 32>}, {transform_indices = @transform_3, window_bounds = array<i64: 1792, 32>}, {transform_indices = @transform_4, window_bounds = array<i64: 1792, 1>}, {pipeline_mode = #tpu.pipeline_mode<synchronous>, transform_indices = @transform_5, window_bounds = array<i64: 64, 64>}, {pipeline_mode = #tpu.pipeline_mode<synchronous>, transform_indices = @transform_6, window_bounds = array<i64: 64, 64>}, {pipeline_mode = #tpu.pipeline_mode<synchronous>, transform_indices = @transform_7, window_bounds = array<i64: 1, 64>}, {pipeline_mode = #tpu.pipeline_mode<synchronous>, transform_indices = @transform_8, window_bounds = array<i64: 64, 64>}, {pipeline_mode = #tpu.pipeline_mode<synchronous>, transform_indices = @transform_9, window_bounds = array<i64: 1, 64>}, {pipeline_mode = #tpu.pipeline_mode<synchronous>, transform_indices = @transform_10, window_bounds = array<i64: 64, 64>}, {pipeline_mode = #tpu.pipeline_mode<synchronous>, transform_indices = @transform_11, window_bounds = array<i64: 1, 64>}, {pipeline_mode = #tpu.pipeline_mode<synchronous>, transform_indices = @transform_12, window_bounds = array<i64: 64, 64>}, {pipeline_mode = #tpu.pipeline_mode<synchronous>, transform_indices = @transform_13, window_bounds = array<i64: 1, 64>}, {pipeline_mode = #tpu.pipeline_mode<synchronous>, transform_indices = @transform_14, window_bounds = array<i64: 64, 8>}, {pipeline_mode = #tpu.pipeline_mode<synchronous>, transform_indices = @transform_15, window_bounds = array<i64: 1, 8>}, {pipeline_mode = #tpu.pipeline_mode<synchronous>, transform_indices = @transform_16, window_bounds = array<i64: 64, 128>}, {pipeline_mode = #tpu.pipeline_mode<synchronous>, transform_indices = @transform_17, window_bounds = array<i64: 1, 128>}, {pipeline_mode = #tpu.pipeline_mode<synchronous>, transform_indices = @transform_18, window_bounds = array<i64: 128, 128>}, {pipeline_mode = #tpu.pipeline_mode<synchronous>, transform_indices = @transform_19, window_bounds = array<i64: 1, 128>}, {pipeline_mode = #tpu.pipeline_mode<synchronous>, transform_indices = @transform_20, window_bounds = array<i64: 128, 64>}, {pipeline_mode = #tpu.pipeline_mode<synchronous>, transform_indices = @transform_21, window_bounds = array<i64: 1, 64>}, {pipeline_mode = #tpu.pipeline_mode<synchronous>, transform_indices = @transform_22, window_bounds = array<i64: 64, 1>}, {pipeline_mode = #tpu.pipeline_mode<synchronous>, transform_indices = @transform_23, window_bounds = array<i64: 1, 1>}, {transform_indices = @transform_24, window_bounds = array<i64: 1792, 8>}, {transform_indices = @transform_25, window_bounds = array<i64: 1792, 1>}]} {
    %get3A = arith.constant 0 : index
    %get3A_0 = arith.constant 0 : index
    %get3A_1 = vector.load %arg1[%get3A, %get3A_0] : memref<1792x32xf32, #tpu.memory_space<vmem>>, vector<1792x32xf32>
    %get3A_2 = arith.constant 0 : index
    %get3A_3 = arith.constant 0 : index
    %get3A_4 = vector.load %arg2[%get3A_2, %get3A_3] : memref<1792x32xf32, #tpu.memory_space<vmem>>, vector<1792x32xf32>
    %concatenate3A = tpu.concatenate %get3A_1, %get3A_4 in 1 : vector<1792x32xf32>, vector<1792x32xf32> -> vector<1792x64xf32>
    %get3A_5 = arith.constant 0 : index
    %get3A_6 = arith.constant 0 : index
    %get3A_7 = vector.load %arg3[%get3A_5, %get3A_6] : memref<1792x32xf32, #tpu.memory_space<vmem>>, vector<1792x32xf32>
    %get3A_8 = arith.constant 0 : index
    %get3A_9 = arith.constant 0 : index
    %get3A_10 = vector.load %arg4[%get3A_8, %get3A_9] : memref<1792x32xf32, #tpu.memory_space<vmem>>, vector<1792x32xf32>
    %concatenate3A_11 = tpu.concatenate %get3A_7, %get3A_10 in 1 : vector<1792x32xf32>, vector<1792x32xf32> -> vector<1792x64xf32>
    %get3A_12 = arith.constant 0 : index
    %get3A_13 = arith.constant 0 : index
    %get3A_14 = vector.load %arg5[%get3A_12, %get3A_13] : memref<1792x1xf32, #tpu.memory_space<vmem>>, vector<1792x1xf32>
    %max3A = arith.constant 1.000000e+00 : f32
    %max3A_15 = vector.broadcast %max3A : f32 to vector<1792x1xf32>
    %max3A_16 = arith.maximumf %get3A_14, %max3A_15 : vector<1792x1xf32>
    %div3A = vector.broadcast %max3A_16 : vector<1792x1xf32> to vector<1792x64xf32>
    %div3A_17 = arith.divf %concatenate3A_11, %div3A : vector<1792x64xf32>
    %get3A_18 = arith.constant 0 : index
    %get3A_19 = arith.constant 0 : index
    %get3A_20 = vector.load %arg6[%get3A_18, %get3A_19] : memref<64x64xf32, #tpu.memory_space<vmem>>, vector<64x64xf32>
    %dot_general3A = arith.constant dense<0.000000e+00> : vector<1792x64xf32>
    %dot_general3A_21 = tpu.matmul %concatenate3A, %get3A_20, %dot_general3A {dimension_numbers = #tpu.dot_dimension_numbers<[1], [0], [0], [1], [0, 0, 1, 1], [], []>, transpose_lhs_hint = false} : vector<1792x64xf32>, vector<64x64xf32>, vector<1792x64xf32> -> vector<1792x64xf32>
    %get3A_22 = arith.constant 0 : index
    %get3A_23 = arith.constant 0 : index
    %get3A_24 = vector.load %arg7[%get3A_22, %get3A_23] : memref<64x64xf32, #tpu.memory_space<vmem>>, vector<64x64xf32>
    %dot_general3A_25 = arith.constant dense<0.000000e+00> : vector<1792x64xf32>
    %dot_general3A_26 = tpu.matmul %div3A_17, %get3A_24, %dot_general3A_25 {dimension_numbers = #tpu.dot_dimension_numbers<[1], [0], [0], [1], [0, 0, 1, 1], [], []>, transpose_lhs_hint = false} : vector<1792x64xf32>, vector<64x64xf32>, vector<1792x64xf32> -> vector<1792x64xf32>
    %add3A = arith.addf %dot_general3A_21, %dot_general3A_26 : vector<1792x64xf32>
    %get3A_27 = arith.constant 0 : index
    %get3A_28 = arith.constant 0 : index
    %get3A_29 = vector.load %arg8[%get3A_27, %get3A_28] : memref<1x64xf32, #tpu.memory_space<vmem>>, vector<1x64xf32>
    %add3A_30 = vector.broadcast %get3A_29 : vector<1x64xf32> to vector<1792x64xf32>
    %add3A_31 = arith.addf %add3A, %add3A_30 : vector<1792x64xf32>
    %get3A_32 = arith.constant 0 : index
    %get3A_33 = arith.constant 0 : index
    %get3A_34 = vector.load %arg9[%get3A_32, %get3A_33] : memref<64x64xf32, #tpu.memory_space<vmem>>, vector<64x64xf32>
    %dot_general3A_35 = arith.constant dense<0.000000e+00> : vector<1792x64xf32>
    %dot_general3A_36 = tpu.matmul %add3A_31, %get3A_34, %dot_general3A_35 {dimension_numbers = #tpu.dot_dimension_numbers<[1], [0], [0], [1], [0, 0, 1, 1], [], []>, transpose_lhs_hint = false} : vector<1792x64xf32>, vector<64x64xf32>, vector<1792x64xf32> -> vector<1792x64xf32>
    %get3A_37 = arith.constant 0 : index
    %get3A_38 = arith.constant 0 : index
    %get3A_39 = vector.load %arg10[%get3A_37, %get3A_38] : memref<1x64xf32, #tpu.memory_space<vmem>>, vector<1x64xf32>
    %add3A_40 = vector.broadcast %get3A_39 : vector<1x64xf32> to vector<1792x64xf32>
    %add3A_41 = arith.addf %dot_general3A_36, %add3A_40 : vector<1792x64xf32>
    %max3A_42 = arith.constant 0.000000e+00 : f32
    %max3A_43 = vector.broadcast %max3A_42 : f32 to vector<1792x64xf32>
    %max3A_44 = arith.maximumf %add3A_41, %max3A_43 : vector<1792x64xf32>
    %get3A_45 = arith.constant 0 : index
    %get3A_46 = arith.constant 0 : index
    %get3A_47 = vector.load %arg11[%get3A_45, %get3A_46] : memref<64x64xf32, #tpu.memory_space<vmem>>, vector<64x64xf32>
    %dot_general3A_48 = arith.constant dense<0.000000e+00> : vector<1792x64xf32>
    %dot_general3A_49 = tpu.matmul %max3A_44, %get3A_47, %dot_general3A_48 {dimension_numbers = #tpu.dot_dimension_numbers<[1], [0], [0], [1], [0, 0, 1, 1], [], []>, transpose_lhs_hint = false} : vector<1792x64xf32>, vector<64x64xf32>, vector<1792x64xf32> -> vector<1792x64xf32>
    %get3A_50 = arith.constant 0 : index
    %get3A_51 = arith.constant 0 : index
    %get3A_52 = vector.load %arg12[%get3A_50, %get3A_51] : memref<1x64xf32, #tpu.memory_space<vmem>>, vector<1x64xf32>
    %add3A_53 = vector.broadcast %get3A_52 : vector<1x64xf32> to vector<1792x64xf32>
    %add3A_54 = arith.addf %dot_general3A_49, %add3A_53 : vector<1792x64xf32>
    %max3A_55 = arith.constant 0.000000e+00 : f32
    %max3A_56 = vector.broadcast %max3A_55 : f32 to vector<1792x64xf32>
    %max3A_57 = arith.maximumf %add3A_54, %max3A_56 : vector<1792x64xf32>
    %get3A_58 = arith.constant 0 : index
    %get3A_59 = arith.constant 0 : index
    %get3A_60 = vector.load %arg13[%get3A_58, %get3A_59] : memref<64x64xf32, #tpu.memory_space<vmem>>, vector<64x64xf32>
    %dot_general3A_61 = arith.constant dense<0.000000e+00> : vector<1792x64xf32>
    %dot_general3A_62 = tpu.matmul %max3A_57, %get3A_60, %dot_general3A_61 {dimension_numbers = #tpu.dot_dimension_numbers<[1], [0], [0], [1], [0, 0, 1, 1], [], []>, transpose_lhs_hint = false} : vector<1792x64xf32>, vector<64x64xf32>, vector<1792x64xf32> -> vector<1792x64xf32>
    %get3A_63 = arith.constant 0 : index
    %get3A_64 = arith.constant 0 : index
    %get3A_65 = vector.load %arg14[%get3A_63, %get3A_64] : memref<1x64xf32, #tpu.memory_space<vmem>>, vector<1x64xf32>
    %add3A_66 = vector.broadcast %get3A_65 : vector<1x64xf32> to vector<1792x64xf32>
    %add3A_67 = arith.addf %dot_general3A_62, %add3A_66 : vector<1792x64xf32>
    %max3A_68 = arith.constant 0.000000e+00 : f32
    %max3A_69 = vector.broadcast %max3A_68 : f32 to vector<1792x64xf32>
    %max3A_70 = arith.maximumf %add3A_67, %max3A_69 : vector<1792x64xf32>
    %get3A_71 = arith.constant 0 : index
    %get3A_72 = arith.constant 0 : index
    %get3A_73 = vector.load %arg15[%get3A_71, %get3A_72] : memref<64x8xf32, #tpu.memory_space<vmem>>, vector<64x8xf32>
    %dot_general3A_74 = arith.constant dense<0.000000e+00> : vector<1792x8xf32>
    %dot_general3A_75 = tpu.matmul %max3A_70, %get3A_73, %dot_general3A_74 {dimension_numbers = #tpu.dot_dimension_numbers<[1], [0], [0], [1], [0, 0, 1, 1], [], []>, transpose_lhs_hint = false} : vector<1792x64xf32>, vector<64x8xf32>, vector<1792x8xf32> -> vector<1792x8xf32>
    %get3A_76 = arith.constant 0 : index
    %get3A_77 = arith.constant 0 : index
    %get3A_78 = vector.load %arg16[%get3A_76, %get3A_77] : memref<1x8xf32, #tpu.memory_space<vmem>>, vector<1x8xf32>
    %add3A_79 = vector.broadcast %get3A_78 : vector<1x8xf32> to vector<1792x8xf32>
    %add3A_80 = arith.addf %dot_general3A_75, %add3A_79 : vector<1792x8xf32>
    %get3A_81 = arith.constant 0 : index
    %get3A_82 = arith.constant 0 : index
    %get3A_83 = vector.load %arg17[%get3A_81, %get3A_82] : memref<64x128xf32, #tpu.memory_space<vmem>>, vector<64x128xf32>
    %dot_general3A_84 = arith.constant dense<0.000000e+00> : vector<1792x128xf32>
    %dot_general3A_85 = tpu.matmul %add3A_31, %get3A_83, %dot_general3A_84 {dimension_numbers = #tpu.dot_dimension_numbers<[1], [0], [0], [1], [0, 0, 1, 1], [], []>, transpose_lhs_hint = false} : vector<1792x64xf32>, vector<64x128xf32>, vector<1792x128xf32> -> vector<1792x128xf32>
    %get3A_86 = arith.constant 0 : index
    %get3A_87 = arith.constant 0 : index
    %get3A_88 = vector.load %arg18[%get3A_86, %get3A_87] : memref<1x128xf32, #tpu.memory_space<vmem>>, vector<1x128xf32>
    %add3A_89 = vector.broadcast %get3A_88 : vector<1x128xf32> to vector<1792x128xf32>
    %add3A_90 = arith.addf %dot_general3A_85, %add3A_89 : vector<1792x128xf32>
    %max3A_91 = arith.constant 0.000000e+00 : f32
    %max3A_92 = vector.broadcast %max3A_91 : f32 to vector<1792x128xf32>
    %max3A_93 = arith.maximumf %add3A_90, %max3A_92 : vector<1792x128xf32>
    %get3A_94 = arith.constant 0 : index
    %get3A_95 = arith.constant 0 : index
    %get3A_96 = vector.load %arg19[%get3A_94, %get3A_95] : memref<128x128xf32, #tpu.memory_space<vmem>>, vector<128x128xf32>
    %dot_general3A_97 = arith.constant dense<0.000000e+00> : vector<1792x128xf32>
    %dot_general3A_98 = tpu.matmul %max3A_93, %get3A_96, %dot_general3A_97 {dimension_numbers = #tpu.dot_dimension_numbers<[1], [0], [0], [1], [0, 0, 1, 1], [], []>, transpose_lhs_hint = false} : vector<1792x128xf32>, vector<128x128xf32>, vector<1792x128xf32> -> vector<1792x128xf32>
    %get3A_99 = arith.constant 0 : index
    %get3A_100 = arith.constant 0 : index
    %get3A_101 = vector.load %arg20[%get3A_99, %get3A_100] : memref<1x128xf32, #tpu.memory_space<vmem>>, vector<1x128xf32>
    %add3A_102 = vector.broadcast %get3A_101 : vector<1x128xf32> to vector<1792x128xf32>
    %add3A_103 = arith.addf %dot_general3A_98, %add3A_102 : vector<1792x128xf32>
    %max3A_104 = arith.constant 0.000000e+00 : f32
    %max3A_105 = vector.broadcast %max3A_104 : f32 to vector<1792x128xf32>
    %max3A_106 = arith.maximumf %add3A_103, %max3A_105 : vector<1792x128xf32>
    %get3A_107 = arith.constant 0 : index
    %get3A_108 = arith.constant 0 : index
    %get3A_109 = vector.load %arg21[%get3A_107, %get3A_108] : memref<128x64xf32, #tpu.memory_space<vmem>>, vector<128x64xf32>
    %dot_general3A_110 = arith.constant dense<0.000000e+00> : vector<1792x64xf32>
    %dot_general3A_111 = tpu.matmul %max3A_106, %get3A_109, %dot_general3A_110 {dimension_numbers = #tpu.dot_dimension_numbers<[1], [0], [0], [1], [0, 0, 1, 1], [], []>, transpose_lhs_hint = false} : vector<1792x128xf32>, vector<128x64xf32>, vector<1792x64xf32> -> vector<1792x64xf32>
    %get3A_112 = arith.constant 0 : index
    %get3A_113 = arith.constant 0 : index
    %get3A_114 = vector.load %arg22[%get3A_112, %get3A_113] : memref<1x64xf32, #tpu.memory_space<vmem>>, vector<1x64xf32>
    %add3A_115 = vector.broadcast %get3A_114 : vector<1x64xf32> to vector<1792x64xf32>
    %add3A_116 = arith.addf %dot_general3A_111, %add3A_115 : vector<1792x64xf32>
    %max3A_117 = arith.constant 0.000000e+00 : f32
    %max3A_118 = vector.broadcast %max3A_117 : f32 to vector<1792x64xf32>
    %max3A_119 = arith.maximumf %add3A_116, %max3A_118 : vector<1792x64xf32>
    %get3A_120 = arith.constant 0 : index
    %get3A_121 = arith.constant 0 : index
    %get3A_122 = vector.load %arg23[%get3A_120, %get3A_121] : memref<64x1xf32, #tpu.memory_space<vmem>>, vector<64x1xf32>
    %dot_general3A_123 = arith.constant dense<0.000000e+00> : vector<1792x1xf32>
    %dot_general3A_124 = tpu.matmul %max3A_119, %get3A_122, %dot_general3A_123 {dimension_numbers = #tpu.dot_dimension_numbers<[1], [0], [0], [1], [0, 0, 1, 1], [], []>, transpose_lhs_hint = false} : vector<1792x64xf32>, vector<64x1xf32>, vector<1792x1xf32> -> vector<1792x1xf32>
    %get3A_125 = arith.constant 0 : index
    %get3A_126 = arith.constant 0 : index
    %get3A_127 = vector.load %arg24[%get3A_125, %get3A_126] : memref<1x1xf32, #tpu.memory_space<vmem>>, vector<1x1xf32>
    %add3A_128 = vector.broadcast %get3A_127 : vector<1x1xf32> to vector<1792x1xf32>
    %add3A_129 = arith.addf %dot_general3A_124, %add3A_128 : vector<1792x1xf32>
    %swap3A = arith.constant 0 : index
    %swap3A_130 = arith.constant 0 : index
    %swap3A_131 = vector.load %arg25[%swap3A, %swap3A_130] : memref<1792x8xf32, #tpu.memory_space<vmem>>, vector<1792x8xf32>
    tpu.vector_store %arg25[%swap3A, %swap3A_130], %add3A_80 {strides = array<i32>} : memref<1792x8xf32, #tpu.memory_space<vmem>>, vector<1792x8xf32>,
    %swap3A_132 = arith.constant 0 : index
    %swap3A_133 = arith.constant 0 : index
    %swap3A_134 = vector.load %arg26[%swap3A_132, %swap3A_133] : memref<1792x1xf32, #tpu.memory_space<vmem>>, vector<1792x1xf32>
    tpu.vector_store %arg26[%swap3A_132, %swap3A_133], %add3A_129 {strides = array<i32>} : memref<1792x1xf32, #tpu.memory_space<vmem>>, vector<1792x1xf32>,
    return
  }
  func.func @transform_0(%arg0: i32) -> (i32, i32) {
    %c0_i32 = arith.constant 0 : i32
    %c0_i32_0 = arith.constant 0 : i32
    return %arg0, %c0_i32 : i32, i32
  }
  func.func @transform_1(%arg0: i32) -> (i32, i32) {
    %add3A = arith.constant 28 : i32
    %add3A_0 = arith.addi %add3A, %arg0 : i32
    %c0_i32 = arith.constant 0 : i32
    %c0_i32_1 = arith.constant 0 : i32
    return %add3A_0, %c0_i32 : i32, i32
  }
  func.func @transform_2(%arg0: i32) -> (i32, i32) {
    %c0_i32 = arith.constant 0 : i32
    %c0_i32_0 = arith.constant 0 : i32
    return %arg0, %c0_i32 : i32, i32
  }
  func.func @transform_3(%arg0: i32) -> (i32, i32) {
    %add3A = arith.constant 28 : i32
    %add3A_0 = arith.addi %add3A, %arg0 : i32
    %c0_i32 = arith.constant 0 : i32
    %c0_i32_1 = arith.constant 0 : i32
    return %add3A_0, %c0_i32 : i32, i32
  }
  func.func @transform_4(%arg0: i32) -> (i32, i32) {
    %c0_i32 = arith.constant 0 : i32
    %c0_i32_0 = arith.constant 0 : i32
    return %arg0, %c0_i32 : i32, i32
  }
  func.func @transform_5(%arg0: i32) -> (i32, i32) {
    %c0_i32 = arith.constant 0 : i32
    %c0_i32_0 = arith.constant 0 : i32
    %c0_i32_1 = arith.constant 0 : i32
    return %c0_i32, %c0_i32_0 : i32, i32
  }
  func.func @transform_6(%arg0: i32) -> (i32, i32) {
    %c0_i32 = arith.constant 0 : i32
    %c0_i32_0 = arith.constant 0 : i32
    %c0_i32_1 = arith.constant 0 : i32
    return %c0_i32, %c0_i32_0 : i32, i32
  }
  func.func @transform_7(%arg0: i32) -> (i32, i32) {
    %c0_i32 = arith.constant 0 : i32
    %c0_i32_0 = arith.constant 0 : i32
    %c0_i32_1 = arith.constant 0 : i32
    return %c0_i32, %c0_i32_0 : i32, i32
  }
  func.func @transform_8(%arg0: i32) -> (i32, i32) {
    %c0_i32 = arith.constant 0 : i32
    %c0_i32_0 = arith.constant 0 : i32
    %c0_i32_1 = arith.constant 0 : i32
    return %c0_i32, %c0_i32_0 : i32, i32
  }
  func.func @transform_9(%arg0: i32) -> (i32, i32) {
    %c0_i32 = arith.constant 0 : i32
    %c0_i32_0 = arith.constant 0 : i32
    %c0_i32_1 = arith.constant 0 : i32
    return %c0_i32, %c0_i32_0 : i32, i32
  }
  func.func @transform_10(%arg0: i32) -> (i32, i32) {
    %c0_i32 = arith.constant 0 : i32
    %c0_i32_0 = arith.constant 0 : i32
    %c0_i32_1 = arith.constant 0 : i32
    return %c0_i32, %c0_i32_0 : i32, i32
  }
  func.func @transform_11(%arg0: i32) -> (i32, i32) {
    %c0_i32 = arith.constant 0 : i32
    %c0_i32_0 = arith.constant 0 : i32
    %c0_i32_1 = arith.constant 0 : i32
    return %c0_i32, %c0_i32_0 : i32, i32
  }
  func.func @transform_12(%arg0: i32) -> (i32, i32) {
    %c0_i32 = arith.constant 0 : i32
    %c0_i32_0 = arith.constant 0 : i32
    %c0_i32_1 = arith.constant 0 : i32
    return %c0_i32, %c0_i32_0 : i32, i32
  }
  func.func @transform_13(%arg0: i32) -> (i32, i32) {
    %c0_i32 = arith.constant 0 : i32
    %c0_i32_0 = arith.constant 0 : i32
    %c0_i32_1 = arith.constant 0 : i32
    return %c0_i32, %c0_i32_0 : i32, i32
  }
  func.func @transform_14(%arg0: i32) -> (i32, i32) {
    %c0_i32 = arith.constant 0 : i32
    %c0_i32_0 = arith.constant 0 : i32
    %c0_i32_1 = arith.constant 0 : i32
    return %c0_i32, %c0_i32_0 : i32, i32
  }
  func.func @transform_15(%arg0: i32) -> (i32, i32) {
    %c0_i32 = arith.constant 0 : i32
    %c0_i32_0 = arith.constant 0 : i32
    %c0_i32_1 = arith.constant 0 : i32
    return %c0_i32, %c0_i32_0 : i32, i32
  }
  func.func @transform_16(%arg0: i32) -> (i32, i32) {
    %c0_i32 = arith.constant 0 : i32
    %c0_i32_0 = arith.constant 0 : i32
    %c0_i32_1 = arith.constant 0 : i32
    return %c0_i32, %c0_i32_0 : i32, i32
  }
  func.func @transform_17(%arg0: i32) -> (i32, i32) {
    %c0_i32 = arith.constant 0 : i32
    %c0_i32_0 = arith.constant 0 : i32
    %c0_i32_1 = arith.constant 0 : i32
    return %c0_i32, %c0_i32_0 : i32, i32
  }
  func.func @transform_18(%arg0: i32) -> (i32, i32) {
    %c0_i32 = arith.constant 0 : i32
    %c0_i32_0 = arith.constant 0 : i32
    %c0_i32_1 = arith.constant 0 : i32
    return %c0_i32, %c0_i32_0 : i32, i32
  }
  func.func @transform_19(%arg0: i32) -> (i32, i32) {
    %c0_i32 = arith.constant 0 : i32
    %c0_i32_0 = arith.constant 0 : i32
    %c0_i32_1 = arith.constant 0 : i32
    return %c0_i32, %c0_i32_0 : i32, i32
  }
  func.func @transform_20(%arg0: i32) -> (i32, i32) {
    %c0_i32 = arith.constant 0 : i32
    %c0_i32_0 = arith.constant 0 : i32
    %c0_i32_1 = arith.constant 0 : i32
    return %c0_i32, %c0_i32_0 : i32, i32
  }
  func.func @transform_21(%arg0: i32) -> (i32, i32) {
    %c0_i32 = arith.constant 0 : i32
    %c0_i32_0 = arith.constant 0 : i32
    %c0_i32_1 = arith.constant 0 : i32
    return %c0_i32, %c0_i32_0 : i32, i32
  }
  func.func @transform_22(%arg0: i32) -> (i32, i32) {
    %c0_i32 = arith.constant 0 : i32
    %c0_i32_0 = arith.constant 0 : i32
    %c0_i32_1 = arith.constant 0 : i32
    return %c0_i32, %c0_i32_0 : i32, i32
  }
  func.func @transform_23(%arg0: i32) -> (i32, i32) {
    %c0_i32 = arith.constant 0 : i32
    %c0_i32_0 = arith.constant 0 : i32
    %c0_i32_1 = arith.constant 0 : i32
    return %c0_i32, %c0_i32_0 : i32, i32
  }
  func.func @transform_24(%arg0: i32) -> (i32, i32) {
    %c0_i32 = arith.constant 0 : i32
    %c0_i32_0 = arith.constant 0 : i32
    return %arg0, %c0_i32 : i32, i32
  }
  func.func @transform_25(%arg0: i32) -> (i32, i32) {
    %c0_i32 = arith.constant 0 : i32
    %c0_i32_0 = arith.constant 0 : i32
    return %arg0, %c0_i32 : i32, i32
  }
}

</mosaic_0001>

<sc_bundles>
// kernel: kernel.10.cloned.1.call-start
scs
__scs_entry_jumppad:
0x0: {  	(pc) =	sbr.rel $0x88, $3  }
0x1: {  	(tag) =	ssettag $0x0;
	lr =	simm.s32 $0x1  }
0x2: {  	[smem:$0x3F7C] =	sst lr;
	_ =	strace $0xD0000000  }
0x3: {  	_ = 	snop  }
0x4: {  	_ = 	snop  }
0x5: {  	_ = 	snop  }
0x6: {  	_ = 	snop  }
0x7: {  	_ = 	snop  }
__scs_overlays_trampoline_lowered:
0x8: {  	[smem:$0x3F8B] =	sst s0  }
0x9: {  	[smem:$0x3F8C] =	sst s1  }
0xa: {  	[smem:$0x3F8D] =	sst s2  }
0xb: {  	[smem:$0x3F8E] =	sst s3  }
0xc: {  	[smem:$0x3F8F] =	sst s4  }
0xd: {  	[smem:$0x3F90] =	sst s5  }
0xe: {  	[smem:$0x3F91] =	sst s6  }
0xf: {  	[smem:$0x3F92] =	sst s7  }
0x10: {  	[smem:$0x3F93] =	sst s8  }
0x11: {  	[smem:$0x3F94] =	sst s9;
	s0 =	simm.s32 @!p0 $0x0  }
0x12: {  	s1 =	sld [smem:$0x3F7A];
	s0 =	simm.s32 @p0 $0x1  }
0x13: {  	[smem:$0x3F95] =	sst s0;
	s0 =	simm.s32 @!p1 $0x0  }
0x14: {  	s2 =	sld [smem:$0x3F79];
	s0 =	simm.s32 @p1 $0x1  }
0x15: {  	[smem:$0x3F96] =	sst s0;
	s0 =	simm.s32 @!p2 $0x0  }
0x16: {  	s3 =	sld [smem:$0x3FDB];
	s0 =	simm.s32 @p2 $0x1  }
0x17: {  	s4 =	simm.s32 $0x1BF5;
	[smem:$0x3F98] =	sst s0  }
0x18: {  	s0 =	sld [smem:$0x3F7B];
	_ =	swait.ge [sflag:s4], $0x0  }
0x19: {  	s7 =	sld [smem:$0x3F7C]  }
0x1a: {  	s8 =	sadd.s32 $0xFFFFE003, lr  }
0x1b: {  	s9 =	sadd.s32 $0xFFFFFEF7, lr;
	s5 =	simm.s32 $0xFFFFFFFF;
	p2 =	slt.u32 s8, $0xFFFFF086  }
0x1c: {  	p1 =	slt.u32 s9, $0xF7A;
	s5 =	simm.s32 @!p2 $0x0  }
0x1d: {  	s5 =	simm.s32 @p1 $0x1;
	p0 =	seq.s32 s7, s2  }
0x1e: {  	s7 =	smul.u32 @!p0 $0xF7A, s2;
	p2 =	seq.s32 @!p0 s5, $0x0  }
0x1f: {  	s9 =	smul.u32 $0xF7A, s1;
	s8 =	simm.s32 @!p0 $0x1BF5;
	p2 =	por !p2, p0  }
0x20: {  	[sflag:s8] =	ssyncset.s32 @!p0 $0xFFFFF086;
	s6 =	sadd.s32 @!p0 s3, s7;
	s7 =	simm.s32 @!p0 $0x108  }
0x21: {  	s3 =	sadd.s32 s3, s9;
	s6 =	sadd.s32 @!p0 $0x88, s6;
	s7 =	simm.s32 @p2 $0x1082  }
0x22: {  	[simem:s7], [sflag:s8] =	dma.local @!p0 [hbm:s6], $0xF7A  }
0x23: {  	s9 =	sor.u32 $0xD0000000, s2;
	s6 =	simm.s32 $0x108;
	_ =	swait.ge @!p0 [sflag:s8], $0x0  }
0x24: {  	s3 =	sadd.s32 $0x88, s3;
	s6 =	simm.s32 @!p1 $0x1082;
	[sflag:s4] =	ssyncset.s32 $0xFFFFF086  }
0x25: {  	[simem:s6], [sflag:s4] =	dma.local [hbm:s3], $0xF7A  }
0x26: {  	[smem:$0x3F7C] =	sst s1;
	(tag) =	ssettag s2;
	_ =	strace s9  }
0x27: {  	s1 =	sld [smem:$0x3F8C]  }
0x28: {  	s2 =	sld [smem:$0x3F8D]  }
0x29: {  	s4 =	sld [smem:$0x3F8F]  }
0x2a: {  	p0 =	seq.s32 s5, $0x0;
	s5 =	sld [smem:$0x3F90]  }
0x2b: {  	s6 =	sld [smem:$0x3F91]  }
0x2c: {  	s7 =	sld [smem:$0x3F92]  }
0x2d: {  	s3 =	simm.s32 $0x108;
	s8 =	sld [smem:$0x3F93]  }
0x2e: {  	s3 =	simm.s32 @!p0 $0x1082;
	s9 =	sld [smem:$0x3F94]  }
0x2f: {  	lr =	sadd.s32 s0, s3;
	s0 =	sld [smem:$0x3F8B]  }
0x30: {  	s3 =	sld [smem:$0x3F8E]  }
0x31: {  	[smem:$0x3F97] =	sst s10  }
0x32: {  	s10 =	sld [smem:$0x3F95];
	_ =	sdelay $0x3  }
0x33: {  	p0 =	seq.s32 s10, $0x1;
	s10 =	sld [smem:$0x3F97];
	_ =	sdelay $0x3  }
0x34: {  	[smem:$0x3F97] =	sst s10  }
0x35: {  	s10 =	sld [smem:$0x3F96];
	_ =	sdelay $0x3  }
0x36: {  	p1 =	seq.s32 s10, $0x1;
	s10 =	sld [smem:$0x3F97];
	_ =	sdelay $0x3  }
0x37: {  	[smem:$0x3F97] =	sst s10  }
0x38: {  	s10 =	sld [smem:$0x3F98]  }
0x39: {  	_ = 	snop;
	(pc) =	sbr.ind lr, $3  }
0x3a: {  	_ = 	snop  }
0x3b: {  	_ = 	snop  }
0x3c: {  	p2 =	seq.s32 s10, $0x1;
	s10 =	sld [smem:$0x3F97]  }
0x3d: {  	_ =	shalt  }
0x3e: {  	_ =	shalt  }
0x3f: {  	_ =	shalt  }
0x40: {  	_ =	shalt  }
0x41: {  	_ =	shalt  }
0x42: {  	_ =	shalt  }
0x43: {  	_ =	shalt  }
0x44: {  	_ =	shalt  }
0x45: {  	_ =	shalt  }
0x46: {  	_ =	shalt  }
0x47: {  	_ =	shalt  }
0x48: {  	_ =	shalt  }
0x49: {  	_ =	shalt  }
0x4a: {  	_ =	shalt  }
0x4b: {  	_ =	shalt  }
0x4c: {  	_ =	shalt  }
0x4d: {  	_ =	shalt  }
0x4e: {  	_ =	shalt  }
0x4f: {  	_ =	shalt  }
0x50: {  	_ =	shalt  }
0x51: {  	_ =	shalt  }
0x52: {  	_ =	shalt  }
0x53: {  	_ =	shalt  }
0x54: {  	_ =	shalt  }
0x55: {  	_ =	shalt  }
0x56: {  	_ =	shalt  }
0x57: {  	_ =	shalt  }
0x58: {  	_ =	shalt  }
0x59: {  	_ =	shalt  }
0x5a: {  	_ =	shalt  }
0x5b: {  	_ =	shalt  }
0x5c: {  	_ =	shalt  }
0x5d: {  	_ =	shalt  }
0x5e: {  	_ =	shalt  }
0x5f: {  	_ =	shalt  }
0x60: {  	_ =	shalt  }
0x61: {  	_ =	shalt  }
0x62: {  	_ =	shalt  }
0x63: {  	_ =	shalt  }
0x64: {  	_ =	shalt  }
0x65: {  	_ =	shalt  }
0x66: {  	_ =	shalt  }
0x67: {  	_ =	shalt  }
0x68: {  	_ =	shalt  }
0x69: {  	_ =	shalt  }
0x6a: {  	_ =	shalt  }
0x6b: {  	_ =	shalt  }
0x6c: {  	_ =	shalt  }
0x6d: {  	_ =	shalt  }
0x6e: {  	_ =	shalt  }
0x6f: {  	_ =	shalt  }
0x70: {  	_ =	shalt  }
0x71: {  	_ =	shalt  }
0x72: {  	_ =	shalt  }
0x73: {  	_ =	shalt  }
0x74: {  	_ =	shalt  }
0x75: {  	_ =	shalt  }
0x76: {  	_ =	shalt  }
0x77: {  	_ =	shalt  }
0x78: {  	_ =	shalt  }
0x79: {  	_ =	shalt  }
0x7a: {  	_ =	shalt  }
0x7b: {  	_ =	shalt  }
0x7c: {  	_ =	shalt  }
0x7d: {  	_ =	shalt  }
0x7e: {  	_ =	shalt  }
0x7f: {  	_ =	shalt  }
0x80: {  	_ =	shalt  }
0x81: {  	_ =	shalt  }
0x82: {  	_ =	shalt  }
0x83: {  	_ =	shalt  }
0x84: {  	_ =	shalt  }
0x85: {  	_ =	shalt  }
0x86: {  	_ =	shalt  }
0x87: {  	_ =	shalt  }
.Lfunc_end0:
.L_simem_size_0:
called_computation.1_lowered:
.L_overlay_start_0:
0x88: {  	s2 =	sld [smem:$0x3FD9]  }
0x89: {  	s3 =	sld [smem:$0x3FFE];
	_ =	sdelay $0x1  }
0x8a: {  	s1 =	srdreg.scid  }
0x8b: {  	s0 =	sand.u32 $0x1, s1  }
0x8c: {  	s16 =	sshll.u32 s0, $0xA;
	s2 =	sadd.s32 s3, s2  }
0x8d: {  	s2 =	sadd.s32 s2, s16  }
0x8e: {  	[smem:$0x3FA3] =	sst s2  }
0x8f: {  	_ = 	snop  }
0x90: {  	(tm) =	ssettm $0x1  }
0x91: {  	s17 =	sld [smem:$0x3FFB];
	_ =	sdelay $0x3  }
0x92: {  	_ =	strace s17  }
0x93: {  	s2 =	sld [smem:$0x3FFC];
	_ =	sdelay $0x3  }
0x94: {  	_ =	strace s2  }
0x95: {  	s2 =	sld [smem:$0x3FFD];
	_ =	sdelay $0x3  }
0x96: {  	_ =	strace s2  }
0x97: {  	_ =	strace $0x8FFFFFFF  }
0x98: {  	s18 =	sld [smem:$0x3FDB];
	_ =	sdelay $0x1  }
0x99: {  	s19 =	simm.s32 $_scs_section_size  }
0x9a: {  	s4 =	simm.s32 $_size__tile_overlayer_lowered;
	s5 =	simm.s32 $_tile_overlayer_lowered  }
0x9b: {  	s22 =	simm.s32 $0x1BFF;
	s21 =	sshll.u32 s5, $0x1;
	s2 =	sadd.s32 s19, s18  }
0x9c: {  	s6 =	simm.s32 $0x0;
	s20 =	sshll.u32 s4, $0x1;
	s4 =	sadd.s32 s21, s2  }
0x9d: {  	[timem:s6], [sflag:s22] =	dma.local [hbm:s4], s20  }
0x9e: {  	_ =	swait.ge [sflag:s22], s20  }
0x9f: {  	s3 =	ssub.s32 $0x0, s20;
	[sflag:s22] =	ssyncset.done $0x0  }
0xa0: {  	[sflag:s22] =	ssyncadd.s32 s3;
	_ =	sdelay $0x1  }
0xa1: {  	s23 =	simm.s32 $0x1B8B  }
0xa2: {  	_ =	swait.ge [sflag:s23], $0x1  }
0xa3: {  	[sflag:s23] =	ssyncset.done $0x0  }
0xa4: {  	s25 =	simm.s32 $0x1B8E;
	s24 =	sld [smem:$0x3FFE];
	[sflag:s23] =	ssyncadd.s32 $0xFFFFFFFF  }
0xa5: {  	s26 =	simm.s32 $execute0_lowered;
	[smem:$0x3FD2] =	sst s25  }
0xa6: {  	s4 =	sshll.u32 s26, $0x1;
	_ =	strace $0x80000049;
	[dreg:$0x1] =	wrdreg $0xFFFFFFFF  }
0xa7: {  	s28 =	simm.s32 $_size_execute0_lowered;
	s2 =	sadd.s32 s2, s4;
	[dreg:$0x0] =	wrdreg $0x0  }
0xa8: {  	s4 =	sshll.u32 s28, $0x1;
	[dreg:$0x2] =	wrdreg s2  }
0xa9: {  	[dreg:$0x3] =	wrdreg s4  }
0xaa: {  	[dreg:$0x4] =	wrdreg $0xC0  }
0xab: {  	_ =	task [dreg:s6], $0x5FFFF  }
0xac: {  	[dreg:$0x1] =	wrdreg $0xFFFFFFFF  }
0xad: {  	[dreg:$0x0] =	wrdreg $0x60  }
0xae: {  	[dreg:$0x2] =	wrdreg s24  }
0xaf: {  	[dreg:$0x3] =	wrdreg $0x5C400  }
0xb0: {  	[dreg:$0x4] =	wrdreg $0x9  }
0xb1: {  	_ =	task.clear_ibuf [dreg:s6], $0x5FFFF;
	_ =	strace $0x90000049  }
0xb2: {  	s29 =	simm.s32 $0x9;
	_ =	strace $0x8000004B  }
0xb3: {  	_ =	swait.ge [sflag:s29], $0x1  }
0xb4: {  	[sflag:s29] =	ssyncadd.s32 $0xFFFFFFFF  }
0xb5: {  	_ =	strace $0x9000004B  }
0xb6: {  	_ =	sfence  }
0xb7: {  	s30 =	sld [smem:$0x0];
	_ =	sdelay $0x2  }
0xb8: {  	s31 =	sshll.u32 s1, $0xD;
	s1 =	sshrl.u32 s1, $0x2  }
0xb9: {  	s3 =	sand.u32 $0x4000, s31;
	s1 =	sadd.s32 s1, s30  }
0xba: {  	s0 =	sor.u32 s3, s0;
	s1 =	sshll.u32 s1, $0x11  }
0xbb: {  	s0 =	sor.u32 s1, s0  }
0xbc: {  	s0 =	sadd.s32 $0x8F2B, s0  }
0xbd: {  	[sflag:s0] =	ssyncadd.remote.s32 $0x1  }
0xbe: {  	_ =	sfence.sel $0xFFFF  }
0xbf: {  	[dreg:$0x0] =	wrdreg $0xFFFFFFFF;
	(pc) =	sbr.abs _section_cstart, $3  }
0xc0: {  	[dreg:$0x1] =	wrdreg $0xFFFFFFFF  }
0xc1: {  	_ =	task.clear_ibuf [dreg:s6], $0x2FFFF;
	_ =	strace $0x9FFFFFFF  }
0xc2: {  	(tm) =	ssettm $0x7FFFFFFF  }
0xc3: {  	_ =	shalt  }
tec
execute0_lowered:
.L_overlay_start_1:
0x0: {  	(tag) =	ssettag $0x1  }
0x1: {  	s5 =	rddreg [dreg:$0x0]  }
0x2: {  	s2 =	rddreg [dreg:$0x1];
	s1 =	stileid.u32  }
0x3: {  	s4 =	srdreg.scid;
	s3 =	simm.s32 $0x0;
	s17 =	simm.s32 $0x100  }
0x4: {  	s18 =	simm.s32 $0x180;
	s19 =	simm.s32 $0x880;
	[smem:$0x7FF] =	sst s3  }
0x5: {  	s11 =	simm.s32 $0x900;
	_ =	strace $0x8000004A;
	[dreg:$0x3] =	wrdreg s17  }
0x6: {  	s21 =	simm.s32 $0x980;
	s22 =	simm.s32 $0x200;
	[dreg:$0x4] =	wrdreg s18  }
0x7: {  	s12 =	simm.s32 $0x280;
	s24 =	simm.s32 $0x300;
	[dreg:$0x5] =	wrdreg s19  }
0x8: {  	s26 =	simm.s32 $0x380;
	s29 =	simm.s32 $0xA00;
	[dreg:$0x6] =	wrdreg s11  }
0x9: {  	s30 =	simm.s32 $0xA80;
	s13 =	simm.s32 $0xB00;
	[dreg:$0x7] =	wrdreg s21  }
0xa: {  	s14 =	simm.s32 $0xB80;
	s31 =	simm.s32 $0x780;
	[dreg:$0x8] =	wrdreg s22  }
0xb: {  	s28 =	simm.s32 $0x0;
	s6 =	smul.u32 $0x1900, s1;
	[dreg:$0x9] =	wrdreg s12  }
0xc: {  	s7 =	sand.u32 $0x1, s4;
	s20 =	smul.u32 $0x62000, s1;
	[dreg:$0xa] =	wrdreg s24  }
0xd: {  	s4 =	sadd.s32 $0x5600, s5;
	s23 =	smul.u32 $0x3100, s1;
	[dreg:$0xb] =	wrdreg s26  }
0xe: {  	s8 =	smul.u32 $0x31000, s7;
	s9 =	ssub.s32 $0x2, s7;
	[dreg:$0xc] =	wrdreg s29  }
0xf: {  	s25 =	smul.u32 $0xC400, s7;
	s11 =	simm.s32 $0x4;
	[dreg:$0xd] =	wrdreg s30  }
0x10: {  	s12 =	simm.s32 $0x800;
	[dreg:$0xe] =	wrdreg s13;
	s13 =	simm.s32 $0x3  }
0x11: {  	[dreg:$0xf] =	wrdreg s14;
	s14 =	simm.s32 $0x400;
	s17 =	simm.s32 $0x580  }
0x12: {  	s18 =	simm.s32 $0xC80;
	s19 =	simm.s32 $0xD00;
	[dreg:$0x19] =	wrdreg s31  }
0x13: {  	s21 =	simm.s32 $0x600;
	s22 =	simm.s32 $0x680;
	[dreg:$0x12] =	wrdreg s17  }
0x14: {  	s24 =	simm.s32 $0xE80;
	s26 =	simm.s32 $0xF80;
	[dreg:$0x13] =	wrdreg s18  }
0x15: {  	s6 =	sadd.s32 s6, s5;
	s15 =	sshrl.u32 s9, $0x1;
	[dreg:$0x14] =	wrdreg s19  }
0x16: {  	s17 =	simm.s32 $0x1000;
	s18 =	simm.s32 $0x2000;
	[dreg:$0x16] =	wrdreg s21  }
0x17: {  	s19 =	simm.s32 $0x3000;
	s21 =	simm.s32 $0x1;
	[dreg:$0x17] =	wrdreg s22  }
0x18: {  	s22 =	simm.s32 $0x2;
	s10 =	sadd.s32 s8, s5;
	s16 =	ssub.s32 s9, s15  }
0x19: {  	s5 =	sadd.s32 $0x80600, s6;
	s6 =	sadd.s32 $0x67600, s6;
	s9 =	sshrl.u32 s20, $0x2  }
0x1a: {  	s15 =	simm.s32 $0x480;
	s20 =	simm.s32 $0xD80;
	v0 =	vmov s25;
	s25 =	simm.s32 $0xF00  }
0x1b: {  	s7 =	smax.u32 s16, $0x1;
	s8 =	sadd.s32 s9, s2;
	s10 =	sadd.s32 s23, s10  }
0x1c: {  	[dreg:$0x10] =	wrdreg s15;
	s16 =	simm.s32 $0x500;
	s15 =	simm.s32 $0xC00  }
0x1d: {  	[dreg:$0x15] =	wrdreg s20;
	s20 =	simm.s32 $0x4000;
	s23 =	simm.s32 $0x700  }
0x1e: {  	s9 =	sadd.s32 $0x3D8200, s10;
	s10 =	simm.s32 $0x5000;
	[dreg:$0x11] =	wrdreg s16  }
0x1f: {  	v1 =	vimm.f32 $0.0e+00;
	s16 =	simm.s32 $0x80;
	[dreg:$0x18] =	wrdreg s23;
	s23 =	simm.s32 $0xE00  }
.LBB2_1:
0x20: {  	s29 =	simm.s32 $0x0  }
.LBB2_2:
0x21: {  	p0 =	sne.s32 s29, $0x3080  }
.Ltmp0:
0x22: {  	_ = 	snop;
	(pc) =	sbr.rel @p0 .LBB2_2-.Ltmp0, $4  }
0x23: {  	_ = 	snop  }
0x24: {  	s30 =	sshra.s32 s29, $0x2  }
0x25: {  	[tilespmem:s30+$0x5000] =	vst v1  }
0x26: {  	s29 =	sadd.s32 $0x80, s29;
	[tilespmem:s30+$0x5010] =	vst v1  }
0x27: {  	s29 =	sadd.s32 $0x0, s8  }
0x28: {  	[spmem:s29] =	stream.linear.scatter [tilespmem:s10], [sflag:$0x4], $0xC40, $0x38;
	[tilespmem:$0x1E440] =	vst v63  }
0x29: {  	s29 =	simm.s32 $0x3100;
	_ =	swait.ge [sflag:s11], $0xC40  }
.LBB2_4:
0x2a: {  	s30 =	sshra.s32 s29, $0x2;
	[sflag:s11] =	ssyncset.done $0x0;
	p0 =	sne.s32 s29, $0x5EF00  }
.Ltmp1:
0x2b: {  	s30 =	sadd.s32 s30, s8;
	[sflag:s11] =	ssyncadd.s32 $0xFFFFF3C0;
	(pc) =	sbr.rel @p0 .LBB2_4-.Ltmp1, $3  }
0x2c: {  	[spmem:s30] =	stream.linear.scatter [tilespmem:s10], [sflag:$0x4], $0xC40, $0x38;
	[tilespmem:$0x1E440] =	vst v63  }
0x2d: {  	s29 =	sadd.s32 $0x3100, s29;
	_ =	sdelay $0x1  }
0x2e: {  	_ =	swait.ge [sflag:s11], $0xC40  }
0x2f: {  	[sflag:s11] =	ssyncset.done $0x0  }
0x30: {  	[sflag:s11] =	ssyncadd.s32 $0xFFFFF3C0  }
0x31: {  	s29 =	simm.s32 $0x0;
	[bflag:$0x0] =	sbarrier.arrive $0xFFFF  }
0x32: {  	[tilespmem:s29], [sflag:$0x3] =	stream.linear.gather [hbm4b:s5+s29], $0x400, $0x38;
	[tilespmem:$0x1E440] =	vst v63  }
0x33: {  	_ = 	snop  }
0x34: {  	[tilespmem:s12], [sflag:$0x3] =	stream.linear.gather [hbm4b:s6+s29], $0x400, $0x38;
	[tilespmem:$0x1E440] =	vst v63  }
.LBB2_6:
0x35: {  	_ =	swait.ge [sflag:s13], $0x400  }
0x36: {  	[sflag:s13] =	ssyncset.done $0x0  }
0x37: {  	[sflag:s13] =	ssyncadd.s32 $0xFFFFFC00  }
0x38: {  	_ =	swait.ge [sflag:s13], $0x400  }
0x39: {  	p0 =	seq.s32 s29, $0x0;
	[sflag:s13] =	ssyncset.done $0x0  }
0x3a: {  	s30 =	simm.s32 @!p0 $0x2;
	[sflag:s13] =	ssyncadd.s32 $0xFFFFFC00  }
0x3b: {  	_ =	swait.ge @!p0 [sflag:s30], $0x200  }
0x3c: {  	[sflag:s30] =	ssyncset.done @!p0 $0x0  }
0x3d: {  	[sflag:s30] =	ssyncadd.s32 @!p0 $0xFFFFFE00  }
0x3e: {  	_ =	swait.ge @!p0 [sflag:s30], $0x200  }
0x3f: {  	[sflag:s30] =	ssyncset.done @!p0 $0x0  }
0x40: {  	[sflag:s30] =	ssyncadd.s32 @!p0 $0xFFFFFE00  }
0x41: {  	_ =	swait.ge @!p0 [sflag:s30], $0x200  }
0x42: {  	[sflag:s30] =	ssyncset.done @!p0 $0x0  }
0x43: {  	[sflag:s30] =	ssyncadd.s32 @!p0 $0xFFFFFE00  }
0x44: {  	_ =	swait.ge @!p0 [sflag:s30], $0x200  }
0x45: {  	s31 =	sadd.s32 s29, s5;
	[sflag:s30] =	ssyncset.done @!p0 $0x0  }
0x46: {  	s0 =	sadd.s32 $0x80, s31;
	s31 =	sadd.s32 s29, s6;
	[sflag:s30] =	ssyncadd.s32 @!p0 $0xFFFFFE00  }
0x47: {  	[tilespmem:s14], [sflag:$0x3] =	stream.linear.gather [hbm4b:s0+s3], $0x400, $0x38;
	[tilespmem:$0x1E440] =	vst v63  }
0x48: {  	s30 =	sadd.s32 $0x80, s31  }
0x49: {  	[tilespmem:s15], [sflag:$0x3] =	stream.linear.gather [hbm4b:s30+s3], $0x400, $0x38;
	[tilespmem:$0x1E440] =	vst v63  }
0x4a: {  	v2 =	vld [tilespmem:$0x0]  }
0x4b: {  	v3 =	vld [tilespmem:$0x10]  }
0x4c: {  	v4 =	vld [tilespmem:$0x20]  }
0x4d: {  	v5 =	vld [tilespmem:$0x30]  }
0x4e: {  	v6 =	vld [tilespmem:$0x40]  }
0x4f: {  	v7 =	vld [tilespmem:$0x50];
	v2 =	vadd.s32 v0, v2  }
0x50: {  	[tilespmem:$0x0] =	vst v2;
	v2 =	vadd.s32 v0, v3;
	v3 =	vld [tilespmem:$0x60]  }
0x51: {  	v23 =	vld [tilespmem:$0x70];
	[tilespmem:$0x10] =	vst v2;
	v2 =	vadd.s32 v0, v4  }
0x52: {  	v24 =	vld [tilespmem:$0x80];
	[tilespmem:$0x20] =	vst v2;
	v2 =	vadd.s32 v0, v5  }
0x53: {  	v25 =	vld [tilespmem:$0x90];
	[tilespmem:$0x30] =	vst v2;
	v2 =	vadd.s32 v0, v6  }
0x54: {  	v26 =	vld [tilespmem:$0xA0];
	[tilespmem:$0x40] =	vst v2;
	v2 =	vadd.s32 v0, v7  }
0x55: {  	[tilespmem:$0x50] =	vst v2;
	v2 =	vadd.s32 v0, v3;
	v3 =	vld [tilespmem:$0xB0]  }
0x56: {  	v27 =	vld [tilespmem:$0xC0];
	[tilespmem:$0x60] =	vst v2;
	v2 =	vadd.s32 v0, v23  }
0x57: {  	v28 =	vld [tilespmem:$0xD0];
	[tilespmem:$0x70] =	vst v2;
	v2 =	vadd.s32 v0, v24  }
0x58: {  	v29 =	vld [tilespmem:$0xE0];
	[tilespmem:$0x80] =	vst v2;
	v2 =	vadd.s32 v0, v25  }
0x59: {  	v30 =	vld [tilespmem:$0xF0];
	[tilespmem:$0x90] =	vst v2;
	v2 =	vadd.s32 v0, v26  }
0x5a: {  	[tilespmem:$0xA0] =	vst v2;
	v2 =	vadd.s32 v0, v3;
	v3 =	vld [tilespmem:$0x100]  }
0x5b: {  	v31 =	vld [tilespmem:$0x110];
	[tilespmem:$0xB0] =	vst v2;
	v2 =	vadd.s32 v0, v27  }
0x5c: {  	v32 =	vld [tilespmem:$0x120];
	[tilespmem:$0xC0] =	vst v2;
	v2 =	vadd.s32 v0, v28  }
0x5d: {  	v33 =	vld [tilespmem:$0x130];
	[tilespmem:$0xD0] =	vst v2;
	v2 =	vadd.s32 v0, v29  }
0x5e: {  	v34 =	vld [tilespmem:$0x140];
	[tilespmem:$0xE0] =	vst v2;
	v2 =	vadd.s32 v0, v30  }
0x5f: {  	[tilespmem:$0xF0] =	vst v2;
	v2 =	vadd.s32 v0, v3;
	v3 =	vld [tilespmem:$0x150]  }
0x60: {  	v35 =	vld [tilespmem:$0x160];
	[tilespmem:$0x100] =	vst v2;
	v2 =	vadd.s32 v0, v31  }
0x61: {  	v36 =	vld [tilespmem:$0x170];
	[tilespmem:$0x110] =	vst v2;
	v2 =	vadd.s32 v0, v32  }
0x62: {  	v37 =	vld [tilespmem:$0x180];
	[tilespmem:$0x120] =	vst v2;
	v2 =	vadd.s32 v0, v33  }
0x63: {  	v38 =	vld [tilespmem:$0x190];
	[tilespmem:$0x130] =	vst v2;
	v2 =	vadd.s32 v0, v34  }
0x64: {  	[tilespmem:$0x140] =	vst v2;
	v2 =	vadd.s32 v0, v3;
	v3 =	vld [tilespmem:$0x1A0]  }
0x65: {  	v39 =	vld [tilespmem:$0x1B0];
	[tilespmem:$0x150] =	vst v2;
	v2 =	vadd.s32 v0, v35  }
0x66: {  	v40 =	vld [tilespmem:$0x1C0];
	[tilespmem:$0x160] =	vst v2;
	v2 =	vadd.s32 v0, v36  }
0x67: {  	v41 =	vld [tilespmem:$0x1D0];
	[tilespmem:$0x170] =	vst v2;
	v2 =	vadd.s32 v0, v37  }
0x68: {  	v42 =	vld [tilespmem:$0x1E0];
	[tilespmem:$0x180] =	vst v2;
	v2 =	vadd.s32 v0, v38  }
0x69: {  	[tilespmem:$0x190] =	vst v2;
	v2 =	vadd.s32 v0, v3;
	v3 =	vld [tilespmem:$0x1F0]  }
0x6a: {  	v43 =	vld [tilespmem:$0x200];
	[tilespmem:$0x1A0] =	vst v2;
	v2 =	vadd.s32 v0, v39  }
0x6b: {  	v44 =	vld [tilespmem:$0x210];
	[tilespmem:$0x1B0] =	vst v2;
	v2 =	vadd.s32 v0, v40  }
0x6c: {  	v45 =	vld [tilespmem:$0x220];
	[tilespmem:$0x1C0] =	vst v2;
	v2 =	vadd.s32 v0, v41  }
0x6d: {  	v46 =	vld [tilespmem:$0x230];
	[tilespmem:$0x1D0] =	vst v2;
	v2 =	vadd.s32 v0, v42  }
0x6e: {  	[tilespmem:$0x1E0] =	vst v2;
	v2 =	vadd.s32 v0, v3;
	v3 =	vld [tilespmem:$0x240]  }
0x6f: {  	v47 =	vld [tilespmem:$0x250];
	[tilespmem:$0x1F0] =	vst v2;
	v2 =	vadd.s32 v0, v43  }
0x70: {  	v48 =	vld [tilespmem:$0x260];
	[tilespmem:$0x200] =	vst v2;
	v2 =	vadd.s32 v0, v44  }
0x71: {  	v49 =	vld [tilespmem:$0x270];
	[tilespmem:$0x210] =	vst v2;
	v2 =	vadd.s32 v0, v45  }
0x72: {  	v50 =	vld [tilespmem:$0x280];
	[tilespmem:$0x220] =	vst v2;
	v2 =	vadd.s32 v0, v46  }
0x73: {  	[tilespmem:$0x230] =	vst v2;
	v2 =	vadd.s32 v0, v3;
	v3 =	vld [tilespmem:$0x290]  }
0x74: {  	v51 =	vld [tilespmem:$0x2A0];
	[tilespmem:$0x240] =	vst v2;
	v2 =	vadd.s32 v0, v47  }
0x75: {  	v52 =	vld [tilespmem:$0x2B0];
	[tilespmem:$0x250] =	vst v2;
	v2 =	vadd.s32 v0, v48  }
0x76: {  	v53 =	vld [tilespmem:$0x2C0];
	[tilespmem:$0x260] =	vst v2;
	v2 =	vadd.s32 v0, v49  }
0x77: {  	v54 =	vld [tilespmem:$0x2D0];
	[tilespmem:$0x270] =	vst v2;
	v2 =	vadd.s32 v0, v50  }
0x78: {  	[tilespmem:$0x280] =	vst v2;
	v2 =	vadd.s32 v0, v3;
	v3 =	vld [tilespmem:$0x2E0]  }
0x79: {  	v55 =	vld [tilespmem:$0x2F0];
	[tilespmem:$0x290] =	vst v2;
	v2 =	vadd.s32 v0, v51  }
0x7a: {  	v56 =	vld [tilespmem:$0x300];
	[tilespmem:$0x2A0] =	vst v2;
	v2 =	vadd.s32 v0, v52  }
0x7b: {  	v57 =	vld [tilespmem:$0x310];
	[tilespmem:$0x2B0] =	vst v2;
	v2 =	vadd.s32 v0, v53  }
0x7c: {  	v58 =	vld [tilespmem:$0x320];
	[tilespmem:$0x2C0] =	vst v2;
	v2 =	vadd.s32 v0, v54  }
0x7d: {  	[tilespmem:$0x2D0] =	vst v2;
	v2 =	vadd.s32 v0, v3;
	v3 =	vld [tilespmem:$0x330]  }
0x7e: {  	v59 =	vld [tilespmem:$0x340];
	[tilespmem:$0x2E0] =	vst v2;
	v2 =	vadd.s32 v0, v55  }
0x7f: {  	v60 =	vld [tilespmem:$0x350];
	[tilespmem:$0x2F0] =	vst v2;
	v2 =	vadd.s32 v0, v56  }
0x80: {  	v61 =	vld [tilespmem:$0x360];
	[tilespmem:$0x300] =	vst v2;
	v2 =	vadd.s32 v0, v57  }
0x81: {  	v62 =	vld [tilespmem:$0x370];
	[tilespmem:$0x310] =	vst v2;
	v2 =	vadd.s32 v0, v58  }
0x82: {  	[tilespmem:$0x320] =	vst v2;
	v2 =	vadd.s32 v0, v3;
	v3 =	vld [tilespmem:$0x380]  }
0x83: {  	v63 =	vld [tilespmem:$0x390];
	[tilespmem:$0x330] =	vst v2;
	v2 =	vadd.s32 v0, v59  }
0x84: {  	v9 =	vld [tilespmem:$0x3A0];
	[tilespmem:$0x340] =	vst v2;
	v2 =	vadd.s32 v0, v60  }
0x85: {  	v10 =	vld [tilespmem:$0x3B0];
	[tilespmem:$0x350] =	vst v2;
	v2 =	vadd.s32 v0, v61  }
0x86: {  	v11 =	vld [tilespmem:$0x3C0];
	[tilespmem:$0x360] =	vst v2;
	v2 =	vadd.s32 v0, v62  }
0x87: {  	[tilespmem:$0x370] =	vst v2;
	v2 =	vadd.s32 v0, v3;
	v3 =	vld [tilespmem:$0x3D0]  }
0x88: {  	v12 =	vld [tilespmem:$0x3E0];
	[tilespmem:$0x380] =	vst v2;
	v2 =	vadd.s32 v0, v63  }
0x89: {  	v13 =	vld [tilespmem:$0x3F0];
	[tilespmem:$0x390] =	vst v2;
	v2 =	vadd.s32 v0, v9  }
0x8a: {  	[tilespmem:$0x3A0] =	vst v2;
	v2 =	vadd.s32 v0, v10  }
0x8b: {  	[tilespmem:$0x3B0] =	vst v2;
	v2 =	vadd.s32 v0, v11  }
0x8c: {  	[tilespmem:$0x3C0] =	vst v2;
	v2 =	vadd.s32 v0, v3  }
0x8d: {  	[tilespmem:$0x3D0] =	vst v2;
	v2 =	vadd.s32 v0, v12  }
0x8e: {  	[tilespmem:$0x3E0] =	vst v2;
	v2 =	vadd.s32 v0, v13  }
0x8f: {  	[tilespmem:$0x3F0] =	vst v2  }
0x90: {  	[tilespmem:s17], [sflag:$0x1] =	stream.indirect.gather [hbm4b:s4+s16], $0x20, s3, s16, $0xb8;
	[tilespmem:$0x1E440] =	vst v63  }
0x91: {  	_ = 	snop  }
0x92: {  	[tilespmem:s18], [sflag:$0x1] =	stream.indirect.gather [hbm4b:s4+s16], $0x20, s16, s16, $0xb8;
	[tilespmem:$0x1E440] =	vst v63  }
0x93: {  	s30 =	rddreg [dreg:$0x3]  }
0x94: {  	[tilespmem:s19], [sflag:$0x1] =	stream.indirect.gather [hbm4b:s4+s16], $0x20, s30, s16, $0xb8;
	[tilespmem:$0x1E440] =	vst v63  }
0x95: {  	s0 =	rddreg [dreg:$0x4]  }
0x96: {  	[tilespmem:s20], [sflag:$0x1] =	stream.indirect.gather [hbm4b:s4+s16], $0x20, s0, s16, $0xb8;
	[tilespmem:$0x1E440] =	vst v63  }
0x97: {  	_ =	swait.ge [sflag:s21], $0x1000  }
0x98: {  	[sflag:s21] =	ssyncset.done $0x0  }
0x99: {  	[sflag:s21] =	ssyncadd.s32 $0xFFFFF000  }
0x9a: {  	_ =	swait.ge [sflag:s21], $0x1000  }
0x9b: {  	[sflag:s21] =	ssyncset.done $0x0  }
0x9c: {  	[sflag:s21] =	ssyncadd.s32 $0xFFFFF000  }
0x9d: {  	[spmem:s2] =	stream.indirect.scatter.add.f32 [tilespmem:s17], [sflag:$0x2], $0x20, s12, s16, $0xb8;
	[tilespmem:$0x1E440] =	vst v63  }
0x9e: {  	s31 =	rddreg [dreg:$0x5]  }
0x9f: {  	[spmem:s2] =	stream.indirect.scatter.add.f32 [tilespmem:s18], [sflag:$0x2], $0x20, s31, s16, $0xb8;
	[tilespmem:$0x1E440] =	vst v63  }
0xa0: {  	_ =	swait.ge [sflag:s21], $0x1000  }
0xa1: {  	[sflag:s21] =	ssyncset.done $0x0  }
0xa2: {  	[sflag:s21] =	ssyncadd.s32 $0xFFFFF000  }
0xa3: {  	_ =	swait.ge [sflag:s21], $0x1000  }
0xa4: {  	[sflag:s21] =	ssyncset.done $0x0  }
0xa5: {  	s30 =	rddreg [dreg:$0x6];
	[sflag:s21] =	ssyncadd.s32 $0xFFFFF000  }
0xa6: {  	[spmem:s2] =	stream.indirect.scatter.add.f32 [tilespmem:s19], [sflag:$0x2], $0x20, s30, s16, $0xb8;
	[tilespmem:$0x1E440] =	vst v63  }
0xa7: {  	s0 =	rddreg [dreg:$0x7]  }
0xa8: {  	[spmem:s2] =	stream.indirect.scatter.add.f32 [tilespmem:s20], [sflag:$0x2], $0x20, s0, s16, $0xb8;
	[tilespmem:$0x1E440] =	vst v63  }
0xa9: {  	_ =	swait.ge [sflag:s22], $0x200  }
0xaa: {  	[sflag:s22] =	ssyncset.done $0x0  }
0xab: {  	[sflag:s22] =	ssyncadd.s32 $0xFFFFFE00  }
0xac: {  	_ =	swait.ge [sflag:s22], $0x200  }
0xad: {  	[sflag:s22] =	ssyncset.done $0x0  }
0xae: {  	s30 =	rddreg [dreg:$0x8];
	[sflag:s22] =	ssyncadd.s32 $0xFFFFFE00  }
0xaf: {  	[tilespmem:s17], [sflag:$0x1] =	stream.indirect.gather [hbm4b:s4+s16], $0x20, s30, s16, $0xb8;
	[tilespmem:$0x1E440] =	vst v63  }
0xb0: {  	s0 =	rddreg [dreg:$0x9]  }
0xb1: {  	[tilespmem:s18], [sflag:$0x1] =	stream.indirect.gather [hbm4b:s4+s16], $0x20, s0, s16, $0xb8;
	[tilespmem:$0x1E440] =	vst v63  }
0xb2: {  	_ =	swait.ge [sflag:s22], $0x200  }
0xb3: {  	[sflag:s22] =	ssyncset.done $0x0  }
0xb4: {  	[sflag:s22] =	ssyncadd.s32 $0xFFFFFE00  }
0xb5: {  	_ =	swait.ge [sflag:s22], $0x200  }
0xb6: {  	[sflag:s22] =	ssyncset.done $0x0  }
0xb7: {  	s30 =	rddreg [dreg:$0xa];
	[sflag:s22] =	ssyncadd.s32 $0xFFFFFE00  }
0xb8: {  	[tilespmem:s19], [sflag:$0x1] =	stream.indirect.gather [hbm4b:s4+s16], $0x20, s30, s16, $0xb8;
	[tilespmem:$0x1E440] =	vst v63  }
0xb9: {  	s0 =	rddreg [dreg:$0xb]  }
0xba: {  	[tilespmem:s20], [sflag:$0x1] =	stream.indirect.gather [hbm4b:s4+s16], $0x20, s0, s16, $0xb8;
	[tilespmem:$0x1E440] =	vst v63  }
0xbb: {  	_ =	swait.ge [sflag:s21], $0x1000  }
0xbc: {  	[sflag:s21] =	ssyncset.done $0x0  }
0xbd: {  	[sflag:s21] =	ssyncadd.s32 $0xFFFFF000  }
0xbe: {  	_ =	swait.ge [sflag:s21], $0x1000  }
0xbf: {  	[sflag:s21] =	ssyncset.done $0x0  }
0xc0: {  	s30 =	rddreg [dreg:$0xc];
	[sflag:s21] =	ssyncadd.s32 $0xFFFFF000  }
0xc1: {  	[spmem:s2] =	stream.indirect.scatter.add.f32 [tilespmem:s17], [sflag:$0x2], $0x20, s30, s16, $0xb8;
	[tilespmem:$0x1E440] =	vst v63  }
0xc2: {  	s0 =	rddreg [dreg:$0xd]  }
0xc3: {  	[spmem:s2] =	stream.indirect.scatter.add.f32 [tilespmem:s18], [sflag:$0x2], $0x20, s0, s16, $0xb8;
	[tilespmem:$0x1E440] =	vst v63  }
0xc4: {  	_ =	swait.ge [sflag:s21], $0x1000  }
0xc5: {  	[sflag:s21] =	ssyncset.done $0x0  }
0xc6: {  	[sflag:s21] =	ssyncadd.s32 $0xFFFFF000  }
0xc7: {  	_ =	swait.ge [sflag:s21], $0x1000  }
0xc8: {  	[sflag:s21] =	ssyncset.done $0x0  }
0xc9: {  	s30 =	rddreg [dreg:$0xe];
	[sflag:s21] =	ssyncadd.s32 $0xFFFFF000  }
0xca: {  	[spmem:s2] =	stream.indirect.scatter.add.f32 [tilespmem:s19], [sflag:$0x2], $0x20, s30, s16, $0xb8;
	[tilespmem:$0x1E440] =	vst v63  }
0xcb: {  	s0 =	rddreg [dreg:$0xf]  }
0xcc: {  	[spmem:s2] =	stream.indirect.scatter.add.f32 [tilespmem:s20], [sflag:$0x2], $0x20, s0, s16, $0xb8;
	[tilespmem:$0x1E440] =	vst v63  }
0xcd: {  	_ =	swait.ge [sflag:s13], $0x400  }
0xce: {  	[sflag:s13] =	ssyncset.done $0x0  }
0xcf: {  	[sflag:s13] =	ssyncadd.s32 $0xFFFFFC00  }
0xd0: {  	_ =	swait.ge [sflag:s13], $0x400  }
0xd1: {  	[sflag:s13] =	ssyncset.done $0x0  }
0xd2: {  	[sflag:s13] =	ssyncadd.s32 $0xFFFFFC00  }
0xd3: {  	_ =	swait.ge [sflag:s22], $0x200  }
0xd4: {  	[sflag:s22] =	ssyncset.done $0x0  }
0xd5: {  	[sflag:s22] =	ssyncadd.s32 $0xFFFFFE00  }
0xd6: {  	_ =	swait.ge [sflag:s22], $0x200  }
0xd7: {  	[sflag:s22] =	ssyncset.done $0x0  }
0xd8: {  	[sflag:s22] =	ssyncadd.s32 $0xFFFFFE00  }
0xd9: {  	_ =	swait.ge [sflag:s22], $0x200  }
0xda: {  	[sflag:s22] =	ssyncset.done $0x0  }
0xdb: {  	[sflag:s22] =	ssyncadd.s32 $0xFFFFFE00  }
0xdc: {  	p0 =	seq.s32 s29, $0x1800;
	_ =	swait.ge [sflag:s22], $0x200  }
0xdd: {  	s30 =	sadd.s32 @!p0 s29, s5;
	[sflag:s22] =	ssyncset.done $0x0  }
0xde: {  	s31 =	simm.s32 @!p0 $0x0;
	s30 =	sadd.s32 @!p0 $0x100, s30;
	[sflag:s22] =	ssyncadd.s32 $0xFFFFFE00  }
0xdf: {  	[tilespmem:s31], [sflag:$0x3] =	stream.linear.gather @!p0 [hbm4b:s30+s31], $0x400, $0x38;
	[tilespmem:$0x1E440] =	vst v63  }
0xe0: {  	s30 =	sadd.s32 @!p0 s29, s6  }
0xe1: {  	s0 =	simm.s32 @!p0 $0x800;
	s30 =	sadd.s32 @!p0 $0x100, s30  }
0xe2: {  	[tilespmem:s0], [sflag:$0x3] =	stream.linear.gather @!p0 [hbm4b:s30+s31], $0x400, $0x38;
	[tilespmem:$0x1E440] =	vst v63  }
0xe3: {  	v2 =	vld [tilespmem:$0x400]  }
0xe4: {  	v3 =	vld [tilespmem:$0x410]  }
0xe5: {  	v14 =	vld [tilespmem:$0x420]  }
0xe6: {  	v15 =	vld [tilespmem:$0x430]  }
0xe7: {  	v16 =	vld [tilespmem:$0x440]  }
0xe8: {  	v17 =	vld [tilespmem:$0x450];
	v2 =	vadd.s32 v0, v2  }
0xe9: {  	[tilespmem:$0x400] =	vst v2;
	v2 =	vadd.s32 v0, v3;
	v3 =	vld [tilespmem:$0x460]  }
0xea: {  	v18 =	vld [tilespmem:$0x470];
	[tilespmem:$0x410] =	vst v2;
	v2 =	vadd.s32 v0, v14  }
0xeb: {  	v19 =	vld [tilespmem:$0x480];
	[tilespmem:$0x420] =	vst v2;
	v2 =	vadd.s32 v0, v15  }
0xec: {  	v20 =	vld [tilespmem:$0x490];
	[tilespmem:$0x430] =	vst v2;
	v2 =	vadd.s32 v0, v16  }
0xed: {  	v21 =	vld [tilespmem:$0x4A0];
	[tilespmem:$0x440] =	vst v2;
	v2 =	vadd.s32 v0, v17  }
0xee: {  	[tilespmem:$0x450] =	vst v2;
	v2 =	vadd.s32 v0, v3;
	v3 =	vld [tilespmem:$0x4B0]  }
0xef: {  	v22 =	vld [tilespmem:$0x4C0];
	[tilespmem:$0x460] =	vst v2;
	v2 =	vadd.s32 v0, v18  }
0xf0: {  	v23 =	vld [tilespmem:$0x4D0];
	[tilespmem:$0x470] =	vst v2;
	v2 =	vadd.s32 v0, v19  }
0xf1: {  	v24 =	vld [tilespmem:$0x4E0];
	[tilespmem:$0x480] =	vst v2;
	v2 =	vadd.s32 v0, v20  }
0xf2: {  	v25 =	vld [tilespmem:$0x4F0];
	[tilespmem:$0x490] =	vst v2;
	v2 =	vadd.s32 v0, v21  }
0xf3: {  	[tilespmem:$0x4A0] =	vst v2;
	v2 =	vadd.s32 v0, v3;
	v3 =	vld [tilespmem:$0x500]  }
0xf4: {  	v26 =	vld [tilespmem:$0x510];
	[tilespmem:$0x4B0] =	vst v2;
	v2 =	vadd.s32 v0, v22  }
0xf5: {  	v27 =	vld [tilespmem:$0x520];
	[tilespmem:$0x4C0] =	vst v2;
	v2 =	vadd.s32 v0, v23  }
0xf6: {  	v28 =	vld [tilespmem:$0x530];
	[tilespmem:$0x4D0] =	vst v2;
	v2 =	vadd.s32 v0, v24  }
0xf7: {  	v29 =	vld [tilespmem:$0x540];
	[tilespmem:$0x4E0] =	vst v2;
	v2 =	vadd.s32 v0, v25  }
0xf8: {  	[tilespmem:$0x4F0] =	vst v2;
	v2 =	vadd.s32 v0, v3;
	v3 =	vld [tilespmem:$0x550]  }
0xf9: {  	v30 =	vld [tilespmem:$0x560];
	[tilespmem:$0x500] =	vst v2;
	v2 =	vadd.s32 v0, v26  }
0xfa: {  	v31 =	vld [tilespmem:$0x570];
	[tilespmem:$0x510] =	vst v2;
	v2 =	vadd.s32 v0, v27  }
0xfb: {  	v32 =	vld [tilespmem:$0x580];
	[tilespmem:$0x520] =	vst v2;
	v2 =	vadd.s32 v0, v28  }
0xfc: {  	v33 =	vld [tilespmem:$0x590];
	[tilespmem:$0x530] =	vst v2;
	v2 =	vadd.s32 v0, v29  }
0xfd: {  	[tilespmem:$0x540] =	vst v2;
	v2 =	vadd.s32 v0, v3;
	v3 =	vld [tilespmem:$0x5A0]  }
0xfe: {  	v34 =	vld [tilespmem:$0x5B0];
	[tilespmem:$0x550] =	vst v2;
	v2 =	vadd.s32 v0, v30  }
0xff: {  	v35 =	vld [tilespmem:$0x5C0];
	[tilespmem:$0x560] =	vst v2;
	v2 =	vadd.s32 v0, v31  }
0x100: {  	v36 =	vld [tilespmem:$0x5D0];
	[tilespmem:$0x570] =	vst v2;
	v2 =	vadd.s32 v0, v32  }
0x101: {  	v37 =	vld [tilespmem:$0x5E0];
	[tilespmem:$0x580] =	vst v2;
	v2 =	vadd.s32 v0, v33  }
0x102: {  	[tilespmem:$0x590] =	vst v2;
	v2 =	vadd.s32 v0, v3;
	v3 =	vld [tilespmem:$0x5F0]  }
0x103: {  	v38 =	vld [tilespmem:$0x600];
	[tilespmem:$0x5A0] =	vst v2;
	v2 =	vadd.s32 v0, v34  }
0x104: {  	v39 =	vld [tilespmem:$0x610];
	[tilespmem:$0x5B0] =	vst v2;
	v2 =	vadd.s32 v0, v35  }
0x105: {  	v40 =	vld [tilespmem:$0x620];
	[tilespmem:$0x5C0] =	vst v2;
	v2 =	vadd.s32 v0, v36  }
0x106: {  	v41 =	vld [tilespmem:$0x630];
	[tilespmem:$0x5D0] =	vst v2;
	v2 =	vadd.s32 v0, v37  }
0x107: {  	[tilespmem:$0x5E0] =	vst v2;
	v2 =	vadd.s32 v0, v3;
	v3 =	vld [tilespmem:$0x640]  }
0x108: {  	v42 =	vld [tilespmem:$0x650];
	[tilespmem:$0x5F0] =	vst v2;
	v2 =	vadd.s32 v0, v38  }
0x109: {  	v43 =	vld [tilespmem:$0x660];
	[tilespmem:$0x600] =	vst v2;
	v2 =	vadd.s32 v0, v39  }
0x10a: {  	v44 =	vld [tilespmem:$0x670];
	[tilespmem:$0x610] =	vst v2;
	v2 =	vadd.s32 v0, v40  }
0x10b: {  	v45 =	vld [tilespmem:$0x680];
	[tilespmem:$0x620] =	vst v2;
	v2 =	vadd.s32 v0, v41  }
0x10c: {  	[tilespmem:$0x630] =	vst v2;
	v2 =	vadd.s32 v0, v3;
	v3 =	vld [tilespmem:$0x690]  }
0x10d: {  	v46 =	vld [tilespmem:$0x6A0];
	[tilespmem:$0x640] =	vst v2;
	v2 =	vadd.s32 v0, v42  }
0x10e: {  	v47 =	vld [tilespmem:$0x6B0];
	[tilespmem:$0x650] =	vst v2;
	v2 =	vadd.s32 v0, v43  }
0x10f: {  	v48 =	vld [tilespmem:$0x6C0];
	[tilespmem:$0x660] =	vst v2;
	v2 =	vadd.s32 v0, v44  }
0x110: {  	v49 =	vld [tilespmem:$0x6D0];
	[tilespmem:$0x670] =	vst v2;
	v2 =	vadd.s32 v0, v45  }
0x111: {  	[tilespmem:$0x680] =	vst v2;
	v2 =	vadd.s32 v0, v3;
	v3 =	vld [tilespmem:$0x6E0]  }
0x112: {  	v50 =	vld [tilespmem:$0x6F0];
	[tilespmem:$0x690] =	vst v2;
	v2 =	vadd.s32 v0, v46  }
0x113: {  	v51 =	vld [tilespmem:$0x700];
	[tilespmem:$0x6A0] =	vst v2;
	v2 =	vadd.s32 v0, v47  }
0x114: {  	v52 =	vld [tilespmem:$0x710];
	[tilespmem:$0x6B0] =	vst v2;
	v2 =	vadd.s32 v0, v48  }
0x115: {  	v53 =	vld [tilespmem:$0x720];
	[tilespmem:$0x6C0] =	vst v2;
	v2 =	vadd.s32 v0, v49  }
0x116: {  	[tilespmem:$0x6D0] =	vst v2;
	v2 =	vadd.s32 v0, v3;
	v3 =	vld [tilespmem:$0x730]  }
0x117: {  	v54 =	vld [tilespmem:$0x740];
	[tilespmem:$0x6E0] =	vst v2;
	v2 =	vadd.s32 v0, v50  }
0x118: {  	v55 =	vld [tilespmem:$0x750];
	[tilespmem:$0x6F0] =	vst v2;
	v2 =	vadd.s32 v0, v51  }
0x119: {  	v56 =	vld [tilespmem:$0x760];
	[tilespmem:$0x700] =	vst v2;
	v2 =	vadd.s32 v0, v52  }
0x11a: {  	v57 =	vld [tilespmem:$0x770];
	[tilespmem:$0x710] =	vst v2;
	v2 =	vadd.s32 v0, v53  }
0x11b: {  	[tilespmem:$0x720] =	vst v2;
	v2 =	vadd.s32 v0, v3;
	v3 =	vld [tilespmem:$0x780]  }
0x11c: {  	v58 =	vld [tilespmem:$0x790];
	[tilespmem:$0x730] =	vst v2;
	v2 =	vadd.s32 v0, v54  }
0x11d: {  	v59 =	vld [tilespmem:$0x7A0];
	[tilespmem:$0x740] =	vst v2;
	v2 =	vadd.s32 v0, v55  }
0x11e: {  	v60 =	vld [tilespmem:$0x7B0];
	[tilespmem:$0x750] =	vst v2;
	v2 =	vadd.s32 v0, v56  }
0x11f: {  	v61 =	vld [tilespmem:$0x7C0];
	[tilespmem:$0x760] =	vst v2;
	v2 =	vadd.s32 v0, v57  }
0x120: {  	[tilespmem:$0x770] =	vst v2;
	v2 =	vadd.s32 v0, v3;
	v3 =	vld [tilespmem:$0x7D0]  }
0x121: {  	v62 =	vld [tilespmem:$0x7E0];
	[tilespmem:$0x780] =	vst v2;
	v2 =	vadd.s32 v0, v58  }
0x122: {  	v63 =	vld [tilespmem:$0x7F0];
	[tilespmem:$0x790] =	vst v2;
	v2 =	vadd.s32 v0, v59  }
0x123: {  	[tilespmem:$0x7A0] =	vst v2;
	v2 =	vadd.s32 v0, v60  }
0x124: {  	[tilespmem:$0x7B0] =	vst v2;
	v2 =	vadd.s32 v0, v61  }
0x125: {  	[tilespmem:$0x7C0] =	vst v2;
	v2 =	vadd.s32 v0, v3  }
0x126: {  	[tilespmem:$0x7D0] =	vst v2;
	v2 =	vadd.s32 v0, v62  }
0x127: {  	[tilespmem:$0x7E0] =	vst v2;
	v2 =	vadd.s32 v0, v63  }
0x128: {  	[tilespmem:$0x7F0] =	vst v2  }
0x129: {  	[tilespmem:s17], [sflag:$0x1] =	stream.indirect.gather [hbm4b:s4+s16], $0x20, s14, s16, $0xb8;
	[tilespmem:$0x1E440] =	vst v63  }
0x12a: {  	s31 =	rddreg [dreg:$0x10]  }
0x12b: {  	[tilespmem:s18], [sflag:$0x1] =	stream.indirect.gather [hbm4b:s4+s16], $0x20, s31, s16, $0xb8;
	[tilespmem:$0x1E440] =	vst v63  }
0x12c: {  	s30 =	rddreg [dreg:$0x11]  }
0x12d: {  	[tilespmem:s19], [sflag:$0x1] =	stream.indirect.gather [hbm4b:s4+s16], $0x20, s30, s16, $0xb8;
	[tilespmem:$0x1E440] =	vst v63  }
0x12e: {  	s31 =	rddreg [dreg:$0x12]  }
0x12f: {  	[tilespmem:s20], [sflag:$0x1] =	stream.indirect.gather [hbm4b:s4+s16], $0x20, s31, s16, $0xb8;
	[tilespmem:$0x1E440] =	vst v63  }
0x130: {  	_ =	swait.ge [sflag:s21], $0x1000  }
0x131: {  	[sflag:s21] =	ssyncset.done $0x0  }
0x132: {  	[sflag:s21] =	ssyncadd.s32 $0xFFFFF000  }
0x133: {  	_ =	swait.ge [sflag:s21], $0x1000  }
0x134: {  	[sflag:s21] =	ssyncset.done $0x0  }
0x135: {  	[sflag:s21] =	ssyncadd.s32 $0xFFFFF000  }
0x136: {  	[spmem:s2] =	stream.indirect.scatter.add.f32 [tilespmem:s17], [sflag:$0x2], $0x20, s15, s16, $0xb8;
	[tilespmem:$0x1E440] =	vst v63  }
0x137: {  	s30 =	rddreg [dreg:$0x13]  }
0x138: {  	[spmem:s2] =	stream.indirect.scatter.add.f32 [tilespmem:s18], [sflag:$0x2], $0x20, s30, s16, $0xb8;
	[tilespmem:$0x1E440] =	vst v63  }
0x139: {  	_ =	swait.ge [sflag:s21], $0x1000  }
0x13a: {  	[sflag:s21] =	ssyncset.done $0x0  }
0x13b: {  	[sflag:s21] =	ssyncadd.s32 $0xFFFFF000  }
0x13c: {  	_ =	swait.ge [sflag:s21], $0x1000  }
0x13d: {  	[sflag:s21] =	ssyncset.done $0x0  }
0x13e: {  	s0 =	rddreg [dreg:$0x14];
	[sflag:s21] =	ssyncadd.s32 $0xFFFFF000  }
0x13f: {  	[spmem:s2] =	stream.indirect.scatter.add.f32 [tilespmem:s19], [sflag:$0x2], $0x20, s0, s16, $0xb8;
	[tilespmem:$0x1E440] =	vst v63  }
0x140: {  	s31 =	rddreg [dreg:$0x15]  }
0x141: {  	[spmem:s2] =	stream.indirect.scatter.add.f32 [tilespmem:s20], [sflag:$0x2], $0x20, s31, s16, $0xb8;
	[tilespmem:$0x1E440] =	vst v63  }
0x142: {  	_ =	swait.ge [sflag:s22], $0x200  }
0x143: {  	[sflag:s22] =	ssyncset.done $0x0  }
0x144: {  	[sflag:s22] =	ssyncadd.s32 $0xFFFFFE00  }
0x145: {  	_ =	swait.ge [sflag:s22], $0x200  }
0x146: {  	[sflag:s22] =	ssyncset.done $0x0  }
0x147: {  	s0 =	rddreg [dreg:$0x16];
	[sflag:s22] =	ssyncadd.s32 $0xFFFFFE00  }
0x148: {  	[tilespmem:s17], [sflag:$0x1] =	stream.indirect.gather [hbm4b:s4+s16], $0x20, s0, s16, $0xb8;
	[tilespmem:$0x1E440] =	vst v63  }
0x149: {  	s31 =	rddreg [dreg:$0x17]  }
0x14a: {  	[tilespmem:s18], [sflag:$0x1] =	stream.indirect.gather [hbm4b:s4+s16], $0x20, s31, s16, $0xb8;
	[tilespmem:$0x1E440] =	vst v63  }
0x14b: {  	_ =	swait.ge [sflag:s22], $0x200  }
0x14c: {  	[sflag:s22] =	ssyncset.done $0x0  }
0x14d: {  	[sflag:s22] =	ssyncadd.s32 $0xFFFFFE00  }
0x14e: {  	_ =	swait.ge [sflag:s22], $0x200  }
0x14f: {  	[sflag:s22] =	ssyncset.done $0x0  }
0x150: {  	s0 =	rddreg [dreg:$0x18];
	[sflag:s22] =	ssyncadd.s32 $0xFFFFFE00  }
0x151: {  	[tilespmem:s19], [sflag:$0x1] =	stream.indirect.gather [hbm4b:s4+s16], $0x20, s0, s16, $0xb8;
	[tilespmem:$0x1E440] =	vst v63  }
0x152: {  	s31 =	rddreg [dreg:$0x19]  }
0x153: {  	[tilespmem:s20], [sflag:$0x1] =	stream.indirect.gather [hbm4b:s4+s16], $0x20, s31, s16, $0xb8;
	[tilespmem:$0x1E440] =	vst v63  }
0x154: {  	_ =	swait.ge [sflag:s21], $0x1000  }
0x155: {  	[sflag:s21] =	ssyncset.done $0x0  }
0x156: {  	[sflag:s21] =	ssyncadd.s32 $0xFFFFF000  }
0x157: {  	_ =	swait.ge [sflag:s21], $0x1000  }
0x158: {  	[sflag:s21] =	ssyncset.done $0x0  }
0x159: {  	[sflag:s21] =	ssyncadd.s32 $0xFFFFF000  }
0x15a: {  	[spmem:s2] =	stream.indirect.scatter.add.f32 [tilespmem:s17], [sflag:$0x2], $0x20, s23, s16, $0xb8;
	[tilespmem:$0x1E440] =	vst v63  }
0x15b: {  	_ = 	snop  }
0x15c: {  	[spmem:s2] =	stream.indirect.scatter.add.f32 [tilespmem:s18], [sflag:$0x2], $0x20, s24, s16, $0xb8;
	[tilespmem:$0x1E440] =	vst v63  }
0x15d: {  	_ =	swait.ge [sflag:s21], $0x1000  }
0x15e: {  	[sflag:s21] =	ssyncset.done $0x0  }
0x15f: {  	s29 =	sadd.s32 $0x100, s29;
	[sflag:s21] =	ssyncadd.s32 $0xFFFFF000  }
0x160: {  	p0 =	sne.s32 s29, $0x1900;
	_ =	swait.ge [sflag:s21], $0x1000  }
.Ltmp2:
0x161: {  	[sflag:s21] =	ssyncset.done $0x0;
	(pc) =	sbr.rel @p0 .LBB2_6-.Ltmp2, $4  }
0x162: {  	[sflag:s21] =	ssyncadd.s32 $0xFFFFF000  }
0x163: {  	[spmem:s2] =	stream.indirect.scatter.add.f32 [tilespmem:s19], [sflag:$0x2], $0x20, s25, s16, $0xb8;
	[tilespmem:$0x1E440] =	vst v63  }
0x164: {  	_ = 	snop  }
0x165: {  	[spmem:s2] =	stream.indirect.scatter.add.f32 [tilespmem:s20], [sflag:$0x2], $0x20, s26, s16, $0xb8;
	[tilespmem:$0x1E440] =	vst v63  }
0x166: {  	_ =	swait.ge [sflag:s22], $0x200  }
0x167: {  	[sflag:s22] =	ssyncset.done $0x0  }
0x168: {  	[sflag:s22] =	ssyncadd.s32 $0xFFFFFE00  }
0x169: {  	_ =	swait.ge [sflag:s22], $0x200  }
0x16a: {  	[sflag:s22] =	ssyncset.done $0x0  }
0x16b: {  	[sflag:s22] =	ssyncadd.s32 $0xFFFFFE00  }
0x16c: {  	_ =	swait.ge [sflag:s22], $0x200  }
0x16d: {  	[sflag:s22] =	ssyncset.done $0x0  }
0x16e: {  	[sflag:s22] =	ssyncadd.s32 $0xFFFFFE00  }
0x16f: {  	_ =	swait.ge [sflag:s22], $0x200  }
0x170: {  	[sflag:s22] =	ssyncset.done $0x0  }
0x171: {  	[sflag:s22] =	ssyncadd.s32 $0xFFFFFE00  }
0x172: {  	[bflag:$0x0] =	sbarrier.arrive $0xFFFF  }
0x173: {  	[tilespmem:s10], [sflag:$0x4] =	stream.linear.gather [spmem:s8], $0xC40, $0x38;
	[tilespmem:$0x1E440] =	vst v63  }
0x174: {  	_ =	swait.ge [sflag:s11], $0xC40  }
0x175: {  	[sflag:s11] =	ssyncset.done $0x0  }
0x176: {  	s0 =	sadd.s32 $0x0, s9;
	[sflag:s11] =	ssyncadd.s32 $0xFFFFF3C0  }
0x177: {  	[hbm4b:s0+s3] =	stream.linear.scatter [tilespmem:s10], [sflag:$0x4], $0xC40, $0x38;
	[tilespmem:$0x1E440] =	vst v63  }
0x178: {  	_ =	swait.ge [sflag:s11], $0xC40  }
0x179: {  	s29 =	simm.s32 $0x188;
	s30 =	smov.u32 s8;
	[sflag:s11] =	ssyncset.done $0x0  }
.LBB2_8:
0x17a: {  	p0 =	sne.s32 s29, $0x2F78;
	[sflag:s11] =	ssyncadd.s32 $0xFFFFF3C0;
	s30 =	sadd.s32 $0xC40, s30  }
0x17b: {  	[tilespmem:s10], [sflag:$0x4] =	stream.linear.gather [spmem:s30], $0xC40, $0x38;
	[tilespmem:$0x1E440] =	vst v63  }
0x17c: {  	s0 =	smov.u32 s29;
	s29 =	sadd.s32 $0x188, s29;
	_ =	swait.ge [sflag:s11], $0xC40  }
.Ltmp3:
0x17d: {  	[sflag:s11] =	ssyncset.done $0x0;
	(pc) =	sbr.rel @p0 .LBB2_8-.Ltmp3, $4  }
0x17e: {  	s0 =	sadd.s32 s0, s9;
	[sflag:s11] =	ssyncadd.s32 $0xFFFFF3C0  }
0x17f: {  	[hbm4b:s0+s3] =	stream.linear.scatter [tilespmem:s10], [sflag:$0x4], $0xC40, $0x38;
	[tilespmem:$0x1E440] =	vst v63  }
0x180: {  	_ =	swait.ge [sflag:s11], $0xC40  }
0x181: {  	[sflag:s11] =	ssyncset.done $0x0  }
0x182: {  	s28 =	sadd.s32 $0x1, s28  }
0x183: {  	p0 =	sne.s32 s28, s7  }
.Ltmp4:
0x184: {  	_ = 	snop;
	(pc) =	sbr.rel @p0 .LBB2_1-.Ltmp4, $2  }
0x185: {  	_ =	sdelay $0x2  }
0x186: {  	[sflag:s11] =	ssyncadd.s32 $0xFFFFF3C0  }
0x187: {  	_ =	sfence.sel $0x180000  }
0x188: {  	[bflag:$0x0] =	sbarrier.arrive $0xFFFF  }
0x189: {  	_ =	strace $0x9000004A  }
0x18a: {  	[bflag:$0x2] =	sbarrier.arrive $0xFFFF  }
0x18b: {  	p0 =	sne.s32 s1, $0x0;
	s0 =	rddreg [dreg:$0x2]  }
0x18c: {  	s0 =	sadd.s32 @!p0 $0x100000, s0  }
0x18d: {  	[sflag:s0] =	ssyncadd.tile.s32 @!p0 $0x1;
	_ =	shalt  }
.Lfunc_end2:
_tile_overlayer_lowered:
.L_overlay_start_2:
0x18e: {  	(tag) =	ssettag $0x2  }
0x18f: {  	s0 =	rddreg [dreg:$0x0];
	s2 =	stileid.u32  }
0x190: {  	s1 =	rddreg [dreg:$0x1];
	p0 =	sne.s32 s2, $0x0  }
0x191: {  	s3 =	rddreg [dreg:$0x2];
	[bflag:$0x3] =	sbarrier.arrive $0xFFFF;
	s2 =	simm.s32 @!p0 $0x1C04  }
0x192: {  	[timem:s3], [sflag:s2] =	dma.local @!p0 [hbm:s0], s1  }
0x193: {  	s0 =	simm.s32 @!p0 $0x4  }
0x194: {  	_ =	swait.ge @!p0 [sflag:s0], s1  }
0x195: {  	s1 =	ssub.s32 @!p0 $0x0, s1;
	[sflag:s0] =	ssyncset.done @!p0 $0x0  }
0x196: {  	[sflag:s0] =	ssyncadd.s32 @!p0 s1  }
0x197: {  	[bflag:$0x3] =	sbarrier.arrive $0xFFFF  }
0x198: {  	_ =	shalt  }

// kernel: kernel.7.cloned.1.call-start
scs
__scs_entry_jumppad:
0x0: {  	(pc) =	sbr.rel $0x88, $3  }
0x1: {  	(tag) =	ssettag $0x0;
	lr =	simm.s32 $0x1  }
0x2: {  	[smem:$0x3F7C] =	sst lr;
	_ =	strace $0xD0000000  }
0x3: {  	_ = 	snop  }
0x4: {  	_ = 	snop  }
0x5: {  	_ = 	snop  }
0x6: {  	_ = 	snop  }
0x7: {  	_ = 	snop  }
__scs_overlays_trampoline_lowered:
0x8: {  	[smem:$0x3F8B] =	sst s0  }
0x9: {  	[smem:$0x3F8C] =	sst s1  }
0xa: {  	[smem:$0x3F8D] =	sst s2  }
0xb: {  	[smem:$0x3F8E] =	sst s3  }
0xc: {  	[smem:$0x3F8F] =	sst s4  }
0xd: {  	[smem:$0x3F90] =	sst s5  }
0xe: {  	[smem:$0x3F91] =	sst s6  }
0xf: {  	[smem:$0x3F92] =	sst s7  }
0x10: {  	[smem:$0x3F93] =	sst s8  }
0x11: {  	[smem:$0x3F94] =	sst s9;
	s0 =	simm.s32 @!p0 $0x0  }
0x12: {  	s1 =	sld [smem:$0x3F7A];
	s0 =	simm.s32 @p0 $0x1  }
0x13: {  	[smem:$0x3F95] =	sst s0;
	s0 =	simm.s32 @!p1 $0x0  }
0x14: {  	s2 =	sld [smem:$0x3F79];
	s0 =	simm.s32 @p1 $0x1  }
0x15: {  	[smem:$0x3F96] =	sst s0;
	s0 =	simm.s32 @!p2 $0x0  }
0x16: {  	s3 =	sld [smem:$0x3FDB];
	s0 =	simm.s32 @p2 $0x1  }
0x17: {  	s4 =	simm.s32 $0x1BF5;
	[smem:$0x3F98] =	sst s0  }
0x18: {  	s0 =	sld [smem:$0x3F7B];
	_ =	swait.ge [sflag:s4], $0x0  }
0x19: {  	s7 =	sld [smem:$0x3F7C]  }
0x1a: {  	s8 =	sadd.s32 $0xFFFFE003, lr  }
0x1b: {  	s9 =	sadd.s32 $0xFFFFFEF7, lr;
	s5 =	simm.s32 $0xFFFFFFFF;
	p2 =	slt.u32 s8, $0xFFFFF086  }
0x1c: {  	p1 =	slt.u32 s9, $0xF7A;
	s5 =	simm.s32 @!p2 $0x0  }
0x1d: {  	s5 =	simm.s32 @p1 $0x1;
	p0 =	seq.s32 s7, s2  }
0x1e: {  	s7 =	smul.u32 @!p0 $0xF7A, s2;
	p2 =	seq.s32 @!p0 s5, $0x0  }
0x1f: {  	s9 =	smul.u32 $0xF7A, s1;
	s8 =	simm.s32 @!p0 $0x1BF5;
	p2 =	por !p2, p0  }
0x20: {  	[sflag:s8] =	ssyncset.s32 @!p0 $0xFFFFF086;
	s6 =	sadd.s32 @!p0 s3, s7;
	s7 =	simm.s32 @!p0 $0x108  }
0x21: {  	s3 =	sadd.s32 s3, s9;
	s6 =	sadd.s32 @!p0 $0x88, s6;
	s7 =	simm.s32 @p2 $0x1082  }
0x22: {  	[simem:s7], [sflag:s8] =	dma.local @!p0 [hbm:s6], $0xF7A  }
0x23: {  	s9 =	sor.u32 $0xD0000000, s2;
	s6 =	simm.s32 $0x108;
	_ =	swait.ge @!p0 [sflag:s8], $0x0  }
0x24: {  	s3 =	sadd.s32 $0x88, s3;
	s6 =	simm.s32 @!p1 $0x1082;
	[sflag:s4] =	ssyncset.s32 $0xFFFFF086  }
0x25: {  	[simem:s6], [sflag:s4] =	dma.local [hbm:s3], $0xF7A  }
0x26: {  	[smem:$0x3F7C] =	sst s1;
	(tag) =	ssettag s2;
	_ =	strace s9  }
0x27: {  	s1 =	sld [smem:$0x3F8C]  }
0x28: {  	s2 =	sld [smem:$0x3F8D]  }
0x29: {  	s4 =	sld [smem:$0x3F8F]  }
0x2a: {  	p0 =	seq.s32 s5, $0x0;
	s5 =	sld [smem:$0x3F90]  }
0x2b: {  	s6 =	sld [smem:$0x3F91]  }
0x2c: {  	s7 =	sld [smem:$0x3F92]  }
0x2d: {  	s3 =	simm.s32 $0x108;
	s8 =	sld [smem:$0x3F93]  }
0x2e: {  	s3 =	simm.s32 @!p0 $0x1082;
	s9 =	sld [smem:$0x3F94]  }
0x2f: {  	lr =	sadd.s32 s0, s3;
	s0 =	sld [smem:$0x3F8B]  }
0x30: {  	s3 =	sld [smem:$0x3F8E]  }
0x31: {  	[smem:$0x3F97] =	sst s10  }
0x32: {  	s10 =	sld [smem:$0x3F95];
	_ =	sdelay $0x3  }
0x33: {  	p0 =	seq.s32 s10, $0x1;
	s10 =	sld [smem:$0x3F97];
	_ =	sdelay $0x3  }
0x34: {  	[smem:$0x3F97] =	sst s10  }
0x35: {  	s10 =	sld [smem:$0x3F96];
	_ =	sdelay $0x3  }
0x36: {  	p1 =	seq.s32 s10, $0x1;
	s10 =	sld [smem:$0x3F97];
	_ =	sdelay $0x3  }
0x37: {  	[smem:$0x3F97] =	sst s10  }
0x38: {  	s10 =	sld [smem:$0x3F98]  }
0x39: {  	_ = 	snop;
	(pc) =	sbr.ind lr, $3  }
0x3a: {  	_ = 	snop  }
0x3b: {  	_ = 	snop  }
0x3c: {  	p2 =	seq.s32 s10, $0x1;
	s10 =	sld [smem:$0x3F97]  }
0x3d: {  	_ =	shalt  }
0x3e: {  	_ =	shalt  }
0x3f: {  	_ =	shalt  }
0x40: {  	_ =	shalt  }
0x41: {  	_ =	shalt  }
0x42: {  	_ =	shalt  }
0x43: {  	_ =	shalt  }
0x44: {  	_ =	shalt  }
0x45: {  	_ =	shalt  }
0x46: {  	_ =	shalt  }
0x47: {  	_ =	shalt  }
0x48: {  	_ =	shalt  }
0x49: {  	_ =	shalt  }
0x4a: {  	_ =	shalt  }
0x4b: {  	_ =	shalt  }
0x4c: {  	_ =	shalt  }
0x4d: {  	_ =	shalt  }
0x4e: {  	_ =	shalt  }
0x4f: {  	_ =	shalt  }
0x50: {  	_ =	shalt  }
0x51: {  	_ =	shalt  }
0x52: {  	_ =	shalt  }
0x53: {  	_ =	shalt  }
0x54: {  	_ =	shalt  }
0x55: {  	_ =	shalt  }
0x56: {  	_ =	shalt  }
0x57: {  	_ =	shalt  }
0x58: {  	_ =	shalt  }
0x59: {  	_ =	shalt  }
0x5a: {  	_ =	shalt  }
0x5b: {  	_ =	shalt  }
0x5c: {  	_ =	shalt  }
0x5d: {  	_ =	shalt  }
0x5e: {  	_ =	shalt  }
0x5f: {  	_ =	shalt  }
0x60: {  	_ =	shalt  }
0x61: {  	_ =	shalt  }
0x62: {  	_ =	shalt  }
0x63: {  	_ =	shalt  }
0x64: {  	_ =	shalt  }
0x65: {  	_ =	shalt  }
0x66: {  	_ =	shalt  }
0x67: {  	_ =	shalt  }
0x68: {  	_ =	shalt  }
0x69: {  	_ =	shalt  }
0x6a: {  	_ =	shalt  }
0x6b: {  	_ =	shalt  }
0x6c: {  	_ =	shalt  }
0x6d: {  	_ =	shalt  }
0x6e: {  	_ =	shalt  }
0x6f: {  	_ =	shalt  }
0x70: {  	_ =	shalt  }
0x71: {  	_ =	shalt  }
0x72: {  	_ =	shalt  }
0x73: {  	_ =	shalt  }
0x74: {  	_ =	shalt  }
0x75: {  	_ =	shalt  }
0x76: {  	_ =	shalt  }
0x77: {  	_ =	shalt  }
0x78: {  	_ =	shalt  }
0x79: {  	_ =	shalt  }
0x7a: {  	_ =	shalt  }
0x7b: {  	_ =	shalt  }
0x7c: {  	_ =	shalt  }
0x7d: {  	_ =	shalt  }
0x7e: {  	_ =	shalt  }
0x7f: {  	_ =	shalt  }
0x80: {  	_ =	shalt  }
0x81: {  	_ =	shalt  }
0x82: {  	_ =	shalt  }
0x83: {  	_ =	shalt  }
0x84: {  	_ =	shalt  }
0x85: {  	_ =	shalt  }
0x86: {  	_ =	shalt  }
0x87: {  	_ =	shalt  }
.Lfunc_end0:
.L_simem_size_0:
called_computation_lowered:
.L_overlay_start_0:
0x88: {  	s2 =	sld [smem:$0x3FD9]  }
0x89: {  	s3 =	sld [smem:$0x3FFE];
	_ =	sdelay $0x1  }
0x8a: {  	s1 =	srdreg.scid  }
0x8b: {  	s0 =	sand.u32 $0x1, s1  }
0x8c: {  	s14 =	sshll.u32 s0, $0xA;
	s2 =	sadd.s32 s3, s2  }
0x8d: {  	s2 =	sadd.s32 s2, s14  }
0x8e: {  	[smem:$0x3FA3] =	sst s2  }
0x8f: {  	_ = 	snop  }
0x90: {  	s2 =	sld [smem:$0x3FD0];
	_ =	sdelay $0x2  }
0x91: {  	s15 =	simm.s32 $0xA;
	s4 =	simm.s32 $0x10  }
0x92: {  	[smem:s4], [sflag:s15] =	dma.local [hbm:s2], $0x1  }
0x93: {  	_ =	swait.eq [sflag:s15], $0x1  }
0x94: {  	[sflag:s15] =	ssyncset.done $0x0  }
0x95: {  	[sflag:s15] =	ssyncadd.s32 $0xFFFFFFFF  }
0x96: {  	s16 =	sld [smem:$0x10];
	(tm) =	ssettm $0x1  }
0x97: {  	s17 =	sld [smem:$0x3FFB];
	_ =	sdelay $0x3  }
0x98: {  	_ =	strace s17  }
0x99: {  	s3 =	sld [smem:$0x3FFC];
	_ =	sdelay $0x3  }
0x9a: {  	_ =	strace s3  }
0x9b: {  	s3 =	sld [smem:$0x3FFD];
	_ =	sdelay $0x3  }
0x9c: {  	_ =	strace s3  }
0x9d: {  	_ =	strace $0x8FFFFFFF  }
0x9e: {  	s18 =	sld [smem:$0x3FDB];
	_ =	sdelay $0x1  }
0x9f: {  	s19 =	simm.s32 $_scs_section_size  }
0xa0: {  	s5 =	simm.s32 $_size__tile_overlayer_lowered;
	s6 =	simm.s32 $_tile_overlayer_lowered  }
0xa1: {  	s22 =	simm.s32 $0x1BFF;
	s21 =	sshll.u32 s6, $0x1;
	s3 =	sadd.s32 s19, s18  }
0xa2: {  	s7 =	simm.s32 $0x0;
	s20 =	sshll.u32 s5, $0x1;
	s5 =	sadd.s32 s21, s3  }
0xa3: {  	[timem:s7], [sflag:s22] =	dma.local [hbm:s5], s20  }
0xa4: {  	_ =	swait.ge [sflag:s22], s20  }
0xa5: {  	s4 =	ssub.s32 $0x0, s20;
	[sflag:s22] =	ssyncset.done $0x0  }
0xa6: {  	[sflag:s22] =	ssyncadd.s32 s4;
	_ =	sdelay $0x1  }
0xa7: {  	s23 =	simm.s32 $0x1B8B  }
0xa8: {  	_ =	swait.ge [sflag:s23], $0x1  }
0xa9: {  	[sflag:s23] =	ssyncset.done $0x0  }
0xaa: {  	s25 =	simm.s32 $0x1B8E;
	s24 =	sld [smem:$0x3FFE];
	[sflag:s23] =	ssyncadd.s32 $0xFFFFFFFF  }
0xab: {  	s26 =	simm.s32 $execute0_lowered;
	[smem:$0x3FD2] =	sst s25  }
0xac: {  	s5 =	sshll.u32 s26, $0x1;
	_ =	strace $0x80000046;
	[dreg:$0x1] =	wrdreg $0xFFFFFFFF  }
0xad: {  	s28 =	simm.s32 $_size_execute0_lowered;
	s3 =	sadd.s32 s3, s5;
	[dreg:$0x0] =	wrdreg $0x0  }
0xae: {  	s5 =	sshll.u32 s28, $0x1;
	[dreg:$0x2] =	wrdreg s3  }
0xaf: {  	[dreg:$0x3] =	wrdreg s5  }
0xb0: {  	[dreg:$0x4] =	wrdreg $0xC0  }
0xb1: {  	_ =	task [dreg:s7], $0x5FFFF  }
0xb2: {  	[dreg:$0x1] =	wrdreg $0xFFFFFFFF  }
0xb3: {  	[dreg:$0x0] =	wrdreg $0x60  }
0xb4: {  	[dreg:$0x2] =	wrdreg s24  }
0xb5: {  	[dreg:$0x3] =	wrdreg s16  }
0xb6: {  	[dreg:$0x4] =	wrdreg $0x69000  }
0xb7: {  	[dreg:$0x5] =	wrdreg $0x1F1000  }
0xb8: {  	[dreg:$0x6] =	wrdreg $0x9  }
0xb9: {  	_ =	task.clear_ibuf [dreg:s7], $0x7FFFF;
	_ =	strace $0x90000046  }
0xba: {  	s29 =	simm.s32 $0x9;
	_ =	strace $0x80000048  }
0xbb: {  	_ =	swait.ge [sflag:s29], $0x1  }
0xbc: {  	[sflag:s29] =	ssyncadd.s32 $0xFFFFFFFF  }
0xbd: {  	_ =	strace $0x90000048  }
0xbe: {  	_ =	sfence  }
0xbf: {  	s30 =	sld [smem:$0x0];
	_ =	sdelay $0x2  }
0xc0: {  	s31 =	sshll.u32 s1, $0xD;
	s1 =	sshrl.u32 s1, $0x2  }
0xc1: {  	s3 =	sand.u32 $0x4000, s31;
	s1 =	sadd.s32 s1, s30  }
0xc2: {  	s0 =	sor.u32 s3, s0;
	s1 =	sshll.u32 s1, $0x11  }
0xc3: {  	s0 =	sor.u32 s1, s0  }
0xc4: {  	s0 =	sadd.s32 $0x8F2B, s0  }
0xc5: {  	[sflag:s0] =	ssyncadd.remote.s32 $0x1  }
0xc6: {  	_ =	sfence.sel $0xFFFF  }
0xc7: {  	[dreg:$0x0] =	wrdreg $0xFFFFFFFF;
	(pc) =	sbr.abs _section_cstart, $3  }
0xc8: {  	[dreg:$0x1] =	wrdreg $0xFFFFFFFF  }
0xc9: {  	_ =	task.clear_ibuf [dreg:s7], $0x2FFFF;
	_ =	strace $0x9FFFFFFF  }
0xca: {  	(tm) =	ssettm $0x7FFFFFFF  }
0xcb: {  	_ =	shalt  }
tec
execute0_lowered:
.L_overlay_start_1:
0x0: {  	(tag) =	ssettag $0x1  }
0x1: {  	s0 =	rddreg [dreg:$0x0]  }
0x2: {  	s2 =	rddreg [dreg:$0x1]  }
0x3: {  	s1 =	rddreg [dreg:$0x2]  }
0x4: {  	s3 =	rddreg [dreg:$0x3]  }
0x5: {  	s4 =	simm.s32 $0x0;
	s12 =	stileid.u32;
	s5 =	srdreg.scid  }
0x6: {  	s29 =	simm.s32 $0x100;
	s31 =	simm.s32 $0x180;
	[smem:$0x7FF] =	sst s4  }
0x7: {  	s13 =	simm.s32 $0x280;
	_ =	strace $0x80000047;
	[dreg:$0x5] =	wrdreg s29  }
0x8: {  	s14 =	simm.s32 $0x300;
	s15 =	simm.s32 $0x380;
	[dreg:$0x6] =	wrdreg s31  }
0x9: {  	s17 =	simm.s32 $0xA00;
	s18 =	simm.s32 $0xA80;
	[dreg:$0x9] =	wrdreg s13  }
0xa: {  	s19 =	simm.s32 $0x480;
	s20 =	simm.s32 $0x500;
	[dreg:$0xa] =	wrdreg s14  }
0xb: {  	s21 =	simm.s32 $0x580;
	s22 =	simm.s32 $0xC80;
	[dreg:$0xb] =	wrdreg s15  }
0xc: {  	s23 =	simm.s32 $0x600;
	s25 =	simm.s32 $0x680;
	[dreg:$0xc] =	wrdreg s17  }
0xd: {  	s28 =	simm.s32 $0x2;
	s7 =	smul.u32 $0x1900, s12;
	[dreg:$0xd] =	wrdreg s18  }
0xe: {  	s16 =	sand.u32 $0x1, s5;
	s10 =	smul.u32 $0xC40, s12;
	[dreg:$0xe] =	wrdreg s19  }
0xf: {  	s6 =	sadd.s32 $0x5600, s0;
	s30 =	smul.u32 $0x62000, s12;
	[dreg:$0xf] =	wrdreg s20  }
0x10: {  	s5 =	smul.u32 $0x31000, s16;
	s8 =	ssub.s32 $0x2, s16;
	[dreg:$0x10] =	wrdreg s21  }
0x11: {  	s14 =	simm.s32 $0x5000;
	s15 =	simm.s32 $0x5;
	[dreg:$0x11] =	wrdreg s22  }
0x12: {  	p0 =	sne.s32 s16, $0x0;
	s17 =	simm.s32 $0x4;
	[dreg:$0x12] =	wrdreg s23  }
0x13: {  	s20 =	simm.s32 $0x400;
	[dreg:$0x13] =	wrdreg s25;
	s21 =	simm.s32 $0x80  }
0x14: {  	s29 =	simm.s32 $0x780;
	s22 =	simm.s32 $0x1000;
	s19 =	simm.s32 $0x2000  }
0x15: {  	s31 =	simm.s32 $0xE80;
	[dreg:$0x1c] =	wrdreg s16;
	s23 =	simm.s32 $0x1000  }
0x16: {  	s18 =	simm.s32 $0x2000;
	s7 =	sadd.s32 s7, s0;
	s9 =	sshrl.u32 s8, $0x1  }
0x17: {  	s26 =	sadd.s32 s10, s3;
	s10 =	sshrl.u32 s10, $0x3;
	[dreg:$0x15] =	wrdreg s29  }
0x18: {  	[dreg:$0x17] =	wrdreg s31;
	s5 =	sadd.s32 s5, s0;
	s11 =	ssub.s32 s8, s9  }
0x19: {  	s0 =	smul.u32 $0xC400, s16;
	[dreg:$0x18] =	wrdreg s26;
	s2 =	sadd.s32 s2, s10  }
0x1a: {  	s8 =	sadd.s32 $0x80600, s7;
	s10 =	simm.s32 $0x200;
	[dreg:$0x19] =	wrdreg s2  }
0x1b: {  	s24 =	sadd.s32 $0x67600, s7;
	s26 =	simm.s32 $0x700;
	[dreg:$0x8] =	wrdreg s10  }
0x1c: {  	s7 =	sshrl.u32 s30, $0x2;
	s30 =	simm.s32 $0xE00;
	[dreg:$0x14] =	wrdreg s26  }
0x1d: {  	s9 =	smax.u32 s11, $0x1;
	s11 =	smul.u32 $0x3100, s12;
	[dreg:$0x16] =	wrdreg s30  }
0x1e: {  	s12 =	sadd.s32 s7, s1;
	[dreg:$0x1a] =	wrdreg s9;
	s9 =	simm.s32 $0x880  }
0x1f: {  	s26 =	simm.s32 $0x1;
	[dreg:$0x7] =	wrdreg s9;
	s5 =	sadd.s32 s11, s5  }
0x20: {  	v1 =	vimm.f32 $0.0e+00;
	v2 =	vimm.f32 $1.000000000e+00;
	v0 =	vmov s0;
	s9 =	simm.s32 $0x800;
	s13 =	sadd.s32 $0x99600, s5;
	s5 =	simm.s32 $0x0  }
.LBB2_1:
0x21: {  	s0 =	simm.s32 $0x0  }
.LBB2_2:
0x22: {  	p1 =	sne.s32 s0, $0x3080  }
.Ltmp0:
0x23: {  	_ = 	snop;
	(pc) =	sbr.rel @p1 .LBB2_2-.Ltmp0, $4  }
0x24: {  	_ = 	snop  }
0x25: {  	s2 =	sshra.s32 s0, $0x2  }
0x26: {  	[tilespmem:s2+$0x5000] =	vst v1  }
0x27: {  	s0 =	sadd.s32 $0x80, s0;
	[tilespmem:s2+$0x5010] =	vst v1  }
0x28: {  	s0 =	sadd.s32 $0x0, s12  }
0x29: {  	[spmem:s0] =	stream.linear.scatter [tilespmem:s14], [sflag:$0x5], $0xC40, $0x38;
	[tilespmem:$0x1FD40] =	vst v63  }
0x2a: {  	s0 =	simm.s32 $0x3100;
	_ =	swait.ge [sflag:s15], $0xC40  }
.LBB2_4:
0x2b: {  	s2 =	sshra.s32 s0, $0x2;
	[sflag:s15] =	ssyncset.done $0x0;
	p1 =	sne.s32 s0, $0x5EF00  }
.Ltmp1:
0x2c: {  	s2 =	sadd.s32 s2, s12;
	[sflag:s15] =	ssyncadd.s32 $0xFFFFF3C0;
	(pc) =	sbr.rel @p1 .LBB2_4-.Ltmp1, $3  }
0x2d: {  	[spmem:s2] =	stream.linear.scatter [tilespmem:s14], [sflag:$0x5], $0xC40, $0x38;
	[tilespmem:$0x1FD40] =	vst v63  }
0x2e: {  	s0 =	sadd.s32 $0x3100, s0;
	_ =	sdelay $0x1  }
0x2f: {  	_ =	swait.ge [sflag:s15], $0xC40  }
.Ltmp2:
0x30: {  	(pc) =	sbr.rel @p0 .LBB2_9-.Ltmp2, $3  }
0x31: {  	_ =	sdelay $0x1  }
0x32: {  	[sflag:s15] =	ssyncset.done $0x0  }
0x33: {  	s30 =	simm.s32 $0x0;
	[sflag:s15] =	ssyncadd.s32 $0xFFFFF3C0  }
0x34: {  	s0 =	simm.s32 $0x40;
	s2 =	simm.s32 $0x0  }
.LBB2_7:
0x35: {  	p1 =	sne.s32 s0, $0x30C0;
	[tilespmem:s2+$0x5C40] =	vst v1;
	s2 =	smov.u32 s0;
	s0 =	sadd.s32 $0x40, s0  }
.Ltmp3:
0x36: {  	(pc) =	sbr.rel @p1 .LBB2_7-.Ltmp3, $2  }
0x37: {  	_ =	sdelay $0x2  }
0x38: {  	s2 =	sshra.s32 s2, $0x2  }
0x39: {  	[tilespmem:s2+$0x5C40] =	vst v1;
	s0 =	rddreg [dreg:$0x18];
	s31 =	simm.s32 $0x5C40  }
0x3a: {  	[spmem:s0] =	stream.linear.scatter [tilespmem:s31], [sflag:$0x5], $0xC40, $0x38;
	[tilespmem:$0x1FD40] =	vst v63  }
0x3b: {  	_ =	swait.ge [sflag:s15], $0xC40  }
0x3c: {  	[sflag:s15] =	ssyncset.done $0x0  }
0x3d: {  	[sflag:s15] =	ssyncadd.s32 $0xFFFFF3C0  }
0x3e: {  	[tilespmem:$0x6880] =	vst v2  }
0x3f: {  	[tilespmem:$0x6890] =	vst v2  }
0x40: {  	[tilespmem:$0x68A0] =	vst v2  }
0x41: {  	[tilespmem:$0x68B0] =	vst v2  }
0x42: {  	[tilespmem:$0x68C0] =	vst v2  }
0x43: {  	[tilespmem:$0x68D0] =	vst v2  }
0x44: {  	[tilespmem:$0x68E0] =	vst v2  }
0x45: {  	[tilespmem:$0x68F0] =	vst v2  }
.LBB2_9:
0x46: {  	[dreg:$0x1b] =	wrdreg s5  }
0x47: {  	[bflag:$0x0] =	sbarrier.arrive $0xFFFF  }
0x48: {  	[tilespmem:s30], [sflag:$0x4] =	stream.linear.gather [hbm4b:s8+s30], $0x400, $0x38;
	[tilespmem:$0x1FD40] =	vst v63  }
0x49: {  	_ = 	snop  }
0x4a: {  	[tilespmem:s9], [sflag:$0x4] =	stream.linear.gather [hbm4b:s24+s30], $0x400, $0x38;
	[tilespmem:$0x1FD40] =	vst v63  }
.LBB2_10:
0x4b: {  	_ =	swait.ge [sflag:s17], $0x400  }
0x4c: {  	[sflag:s17] =	ssyncset.done $0x0  }
0x4d: {  	[sflag:s17] =	ssyncadd.s32 $0xFFFFFC00  }
0x4e: {  	_ =	swait.ge [sflag:s17], $0x400  }
0x4f: {  	p1 =	seq.s32 s30, $0x0;
	[sflag:s17] =	ssyncset.done $0x0  }
0x50: {  	s0 =	simm.s32 @!p1 $0x2;
	[sflag:s17] =	ssyncadd.s32 $0xFFFFFC00  }
0x51: {  	_ =	swait.ge @!p1 [sflag:s0], $0x200  }
0x52: {  	[sflag:s0] =	ssyncset.done @!p1 $0x0  }
0x53: {  	[sflag:s0] =	ssyncadd.s32 @!p1 $0xFFFFFE00  }
0x54: {  	_ =	swait.ge @!p1 [sflag:s0], $0x200  }
0x55: {  	[sflag:s0] =	ssyncset.done @!p1 $0x0  }
0x56: {  	[sflag:s0] =	ssyncadd.s32 @!p1 $0xFFFFFE00  }
0x57: {  	_ =	swait.ge @!p1 [sflag:s0], $0x200  }
0x58: {  	[sflag:s0] =	ssyncset.done @!p1 $0x0  }
0x59: {  	[sflag:s0] =	ssyncadd.s32 @!p1 $0xFFFFFE00  }
0x5a: {  	p2 =	sne.s32 @!p1 s16, $0x0;
	_ =	swait.ge @!p1 [sflag:s0], $0x200  }
0x5b: {  	p2 =	por p2, p1;
	[sflag:s0] =	ssyncset.done @!p1 $0x0  }
0x5c: {  	[sflag:s0] =	ssyncadd.s32 @!p1 $0xFFFFFE00;
	s0 =	simm.s32 @!p2 $0x3  }
0x5d: {  	_ =	swait.ge @!p2 [sflag:s0], $0x80  }
0x5e: {  	s2 =	sadd.s32 s30, s8;
	[sflag:s0] =	ssyncset.done @!p2 $0x0  }
0x5f: {  	s31 =	sadd.s32 $0x80, s2;
	s2 =	sadd.s32 s30, s24;
	[sflag:s0] =	ssyncadd.s32 @!p2 $0xFFFFFF80  }
0x60: {  	[tilespmem:s20], [sflag:$0x4] =	stream.linear.gather [hbm4b:s31+s4], $0x400, $0x38;
	[tilespmem:$0x1FD40] =	vst v63  }
0x61: {  	s5 =	simm.s32 $0xC00;
	s0 =	sadd.s32 $0x80, s2  }
0x62: {  	[tilespmem:s5], [sflag:$0x4] =	stream.linear.gather [hbm4b:s0+s4], $0x400, $0x38;
	[tilespmem:$0x1FD40] =	vst v63  }
0x63: {  	v3 =	vld [tilespmem:$0x0]  }
0x64: {  	v4 =	vld [tilespmem:$0x10]  }
0x65: {  	v5 =	vld [tilespmem:$0x20]  }
0x66: {  	v6 =	vld [tilespmem:$0x30]  }
0x67: {  	v7 =	vld [tilespmem:$0x40]  }
0x68: {  	v8 =	vld [tilespmem:$0x50];
	v3 =	vadd.s32 v0, v3  }
0x69: {  	v47 =	vld [tilespmem:$0x60];
	[tilespmem:$0x0] =	vst v3;
	v3 =	vadd.s32 v0, v4  }
0x6a: {  	v48 =	vld [tilespmem:$0x70];
	[tilespmem:$0x10] =	vst v3;
	v3 =	vadd.s32 v0, v5  }
0x6b: {  	v49 =	vld [tilespmem:$0x80];
	[tilespmem:$0x20] =	vst v3;
	v3 =	vadd.s32 v0, v6  }
0x6c: {  	v50 =	vld [tilespmem:$0x90];
	[tilespmem:$0x30] =	vst v3;
	v3 =	vadd.s32 v0, v7  }
0x6d: {  	v51 =	vld [tilespmem:$0xA0];
	[tilespmem:$0x40] =	vst v3;
	v3 =	vadd.s32 v0, v8  }
0x6e: {  	v52 =	vld [tilespmem:$0xB0];
	[tilespmem:$0x50] =	vst v3;
	v3 =	vadd.s32 v0, v47  }
0x6f: {  	v53 =	vld [tilespmem:$0xC0];
	[tilespmem:$0x60] =	vst v3;
	v3 =	vadd.s32 v0, v48  }
0x70: {  	v54 =	vld [tilespmem:$0xD0];
	[tilespmem:$0x70] =	vst v3;
	v3 =	vadd.s32 v0, v49  }
0x71: {  	v55 =	vld [tilespmem:$0xE0];
	[tilespmem:$0x80] =	vst v3;
	v3 =	vadd.s32 v0, v50  }
0x72: {  	v56 =	vld [tilespmem:$0xF0];
	[tilespmem:$0x90] =	vst v3;
	v3 =	vadd.s32 v0, v51  }
0x73: {  	v57 =	vld [tilespmem:$0x100];
	[tilespmem:$0xA0] =	vst v3;
	v3 =	vadd.s32 v0, v52  }
0x74: {  	v58 =	vld [tilespmem:$0x110];
	[tilespmem:$0xB0] =	vst v3;
	v3 =	vadd.s32 v0, v53  }
0x75: {  	v59 =	vld [tilespmem:$0x120];
	[tilespmem:$0xC0] =	vst v3;
	v3 =	vadd.s32 v0, v54  }
0x76: {  	v60 =	vld [tilespmem:$0x130];
	[tilespmem:$0xD0] =	vst v3;
	v3 =	vadd.s32 v0, v55  }
0x77: {  	v61 =	vld [tilespmem:$0x140];
	[tilespmem:$0xE0] =	vst v3;
	v3 =	vadd.s32 v0, v56  }
0x78: {  	v62 =	vld [tilespmem:$0x150];
	[tilespmem:$0xF0] =	vst v3;
	v3 =	vadd.s32 v0, v57  }
0x79: {  	v63 =	vld [tilespmem:$0x160];
	[tilespmem:$0x100] =	vst v3;
	v3 =	vadd.s32 v0, v58  }
0x7a: {  	v12 =	vld [tilespmem:$0x170];
	[tilespmem:$0x110] =	vst v3;
	v3 =	vadd.s32 v0, v59  }
0x7b: {  	v13 =	vld [tilespmem:$0x180];
	[tilespmem:$0x120] =	vst v3;
	v3 =	vadd.s32 v0, v60  }
0x7c: {  	v14 =	vld [tilespmem:$0x190];
	[tilespmem:$0x130] =	vst v3;
	v3 =	vadd.s32 v0, v61  }
0x7d: {  	v15 =	vld [tilespmem:$0x1A0];
	[tilespmem:$0x140] =	vst v3;
	v3 =	vadd.s32 v0, v62  }
0x7e: {  	v16 =	vld [tilespmem:$0x1B0];
	[tilespmem:$0x150] =	vst v3;
	v3 =	vadd.s32 v0, v63  }
0x7f: {  	v17 =	vld [tilespmem:$0x1C0];
	[tilespmem:$0x160] =	vst v3;
	v3 =	vadd.s32 v0, v12  }
0x80: {  	v18 =	vld [tilespmem:$0x1D0];
	[tilespmem:$0x170] =	vst v3;
	v3 =	vadd.s32 v0, v13  }
0x81: {  	v19 =	vld [tilespmem:$0x1E0];
	[tilespmem:$0x180] =	vst v3;
	v3 =	vadd.s32 v0, v14  }
0x82: {  	v20 =	vld [tilespmem:$0x1F0];
	[tilespmem:$0x190] =	vst v3;
	v3 =	vadd.s32 v0, v15  }
0x83: {  	v21 =	vld [tilespmem:$0x200];
	[tilespmem:$0x1A0] =	vst v3;
	v3 =	vadd.s32 v0, v16  }
0x84: {  	v22 =	vld [tilespmem:$0x210];
	[tilespmem:$0x1B0] =	vst v3;
	v3 =	vadd.s32 v0, v17  }
0x85: {  	v23 =	vld [tilespmem:$0x220];
	[tilespmem:$0x1C0] =	vst v3;
	v3 =	vadd.s32 v0, v18  }
0x86: {  	v24 =	vld [tilespmem:$0x230];
	[tilespmem:$0x1D0] =	vst v3;
	v3 =	vadd.s32 v0, v19  }
0x87: {  	v25 =	vld [tilespmem:$0x240];
	[tilespmem:$0x1E0] =	vst v3;
	v3 =	vadd.s32 v0, v20  }
0x88: {  	v26 =	vld [tilespmem:$0x250];
	[tilespmem:$0x1F0] =	vst v3;
	v3 =	vadd.s32 v0, v21  }
0x89: {  	v27 =	vld [tilespmem:$0x260];
	[tilespmem:$0x200] =	vst v3;
	v3 =	vadd.s32 v0, v22  }
0x8a: {  	v28 =	vld [tilespmem:$0x270];
	[tilespmem:$0x210] =	vst v3;
	v3 =	vadd.s32 v0, v23  }
0x8b: {  	v29 =	vld [tilespmem:$0x280];
	[tilespmem:$0x220] =	vst v3;
	v3 =	vadd.s32 v0, v24  }
0x8c: {  	v30 =	vld [tilespmem:$0x290];
	[tilespmem:$0x230] =	vst v3;
	v3 =	vadd.s32 v0, v25  }
0x8d: {  	v31 =	vld [tilespmem:$0x2A0];
	[tilespmem:$0x240] =	vst v3;
	v3 =	vadd.s32 v0, v26  }
0x8e: {  	v32 =	vld [tilespmem:$0x2B0];
	[tilespmem:$0x250] =	vst v3;
	v3 =	vadd.s32 v0, v27  }
0x8f: {  	v33 =	vld [tilespmem:$0x2C0];
	[tilespmem:$0x260] =	vst v3;
	v3 =	vadd.s32 v0, v28  }
0x90: {  	v34 =	vld [tilespmem:$0x2D0];
	[tilespmem:$0x270] =	vst v3;
	v3 =	vadd.s32 v0, v29  }
0x91: {  	v35 =	vld [tilespmem:$0x2E0];
	[tilespmem:$0x280] =	vst v3;
	v3 =	vadd.s32 v0, v30  }
0x92: {  	v36 =	vld [tilespmem:$0x2F0];
	[tilespmem:$0x290] =	vst v3;
	v3 =	vadd.s32 v0, v31  }
0x93: {  	v37 =	vld [tilespmem:$0x300];
	[tilespmem:$0x2A0] =	vst v3;
	v3 =	vadd.s32 v0, v32  }
0x94: {  	v38 =	vld [tilespmem:$0x310];
	[tilespmem:$0x2B0] =	vst v3;
	v3 =	vadd.s32 v0, v33  }
0x95: {  	v39 =	vld [tilespmem:$0x320];
	[tilespmem:$0x2C0] =	vst v3;
	v3 =	vadd.s32 v0, v34  }
0x96: {  	v40 =	vld [tilespmem:$0x330];
	[tilespmem:$0x2D0] =	vst v3;
	v3 =	vadd.s32 v0, v35  }
0x97: {  	v41 =	vld [tilespmem:$0x340];
	[tilespmem:$0x2E0] =	vst v3;
	v3 =	vadd.s32 v0, v36  }
0x98: {  	v42 =	vld [tilespmem:$0x350];
	[tilespmem:$0x2F0] =	vst v3;
	v3 =	vadd.s32 v0, v37  }
0x99: {  	v43 =	vld [tilespmem:$0x360];
	[tilespmem:$0x300] =	vst v3;
	v3 =	vadd.s32 v0, v38  }
0x9a: {  	v44 =	vld [tilespmem:$0x370];
	[tilespmem:$0x310] =	vst v3;
	v3 =	vadd.s32 v0, v39  }
0x9b: {  	v45 =	vld [tilespmem:$0x380];
	[tilespmem:$0x320] =	vst v3;
	v3 =	vadd.s32 v0, v40  }
0x9c: {  	v46 =	vld [tilespmem:$0x390];
	[tilespmem:$0x330] =	vst v3;
	v3 =	vadd.s32 v0, v41  }
0x9d: {  	v47 =	vld [tilespmem:$0x3A0];
	[tilespmem:$0x340] =	vst v3;
	v3 =	vadd.s32 v0, v42  }
0x9e: {  	v48 =	vld [tilespmem:$0x3B0];
	[tilespmem:$0x350] =	vst v3;
	v3 =	vadd.s32 v0, v43  }
0x9f: {  	v49 =	vld [tilespmem:$0x3C0];
	[tilespmem:$0x360] =	vst v3;
	v3 =	vadd.s32 v0, v44  }
0xa0: {  	v50 =	vld [tilespmem:$0x3D0];
	[tilespmem:$0x370] =	vst v3;
	v3 =	vadd.s32 v0, v45  }
0xa1: {  	v51 =	vld [tilespmem:$0x3E0];
	[tilespmem:$0x380] =	vst v3;
	v3 =	vadd.s32 v0, v46  }
0xa2: {  	v52 =	vld [tilespmem:$0x3F0];
	[tilespmem:$0x390] =	vst v3;
	v3 =	vadd.s32 v0, v47  }
0xa3: {  	[tilespmem:$0x3A0] =	vst v3;
	v3 =	vadd.s32 v0, v48  }
0xa4: {  	[tilespmem:$0x3B0] =	vst v3;
	v3 =	vadd.s32 v0, v49  }
0xa5: {  	[tilespmem:$0x3C0] =	vst v3;
	v3 =	vadd.s32 v0, v50  }
0xa6: {  	[tilespmem:$0x3D0] =	vst v3;
	v3 =	vadd.s32 v0, v51  }
0xa7: {  	[tilespmem:$0x3E0] =	vst v3;
	v3 =	vadd.s32 v0, v52  }
0xa8: {  	[tilespmem:$0x3F0] =	vst v3  }
0xa9: {  	[tilespmem:s22], [sflag:$0x1] =	stream.indirect.gather [hbm4b:s6+s21], $0x20, s4, s21, $0xb8;
	[tilespmem:$0x1FD40] =	vst v63  }
0xaa: {  	_ = 	snop  }
0xab: {  	[tilespmem:s19], [sflag:$0x1] =	stream.indirect.gather [hbm4b:s6+s21], $0x20, s21, s21, $0xb8;
	[tilespmem:$0x1FD40] =	vst v63  }
0xac: {  	s7 =	rddreg [dreg:$0x5];
	s22 =	simm.s32 $0x3000  }
0xad: {  	[tilespmem:s22], [sflag:$0x1] =	stream.indirect.gather [hbm4b:s6+s21], $0x20, s7, s21, $0xb8;
	[tilespmem:$0x1FD40] =	vst v63  }
0xae: {  	s11 =	simm.s32 $0x4000;
	s10 =	rddreg [dreg:$0x6]  }
0xaf: {  	[tilespmem:s11], [sflag:$0x1] =	stream.indirect.gather [hbm4b:s6+s21], $0x20, s10, s21, $0xb8;
	[tilespmem:$0x1FD40] =	vst v63  }
0xb0: {  	_ =	swait.ge [sflag:s26], $0x1000  }
0xb1: {  	[sflag:s26] =	ssyncset.done $0x0  }
0xb2: {  	[sflag:s26] =	ssyncadd.s32 $0xFFFFF000  }
0xb3: {  	_ =	swait.ge [sflag:s26], $0x1000  }
0xb4: {  	[sflag:s26] =	ssyncset.done $0x0  }
0xb5: {  	[sflag:s26] =	ssyncadd.s32 $0xFFFFF000  }
0xb6: {  	[spmem:s1] =	stream.indirect.scatter.add.f32 [tilespmem:s23], [sflag:$0x2], $0x20, s9, s21, $0xb8;
	[tilespmem:$0x1FD40] =	vst v63  }
0xb7: {  	s2 =	simm.s32 @p0 $0x1;
	s16 =	rddreg [dreg:$0x7]  }
0xb8: {  	[spmem:s1] =	stream.indirect.scatter.add.f32 [tilespmem:s19], [sflag:$0x2], $0x20, s16, s21, $0xb8;
	[tilespmem:$0x1FD40] =	vst v63  }
0xb9: {  	_ =	swait.ge @p0 [sflag:s2], $0x1000  }
0xba: {  	[sflag:s2] =	ssyncset.done @p0 $0x0  }
0xbb: {  	[sflag:s2] =	ssyncadd.s32 @p0 $0xFFFFF000  }
0xbc: {  	_ =	swait.ge @p0 [sflag:s2], $0x1000  }
0xbd: {  	s0 =	simm.s32 @p0 $0x900;
	[sflag:s2] =	ssyncset.done @p0 $0x0  }
0xbe: {  	s5 =	simm.s32 @p0 $0x3000;
	s16 =	simm.s32 @p0 $0x80;
	[sflag:s2] =	ssyncadd.s32 @p0 $0xFFFFF000  }
0xbf: {  	[spmem:s1] =	stream.indirect.scatter.add.f32 @p0 [tilespmem:s5], [sflag:$0x2], $0x20, s0, s16, $0xb8;
	[tilespmem:$0x1FD40] =	vst v63  }
0xc0: {  	s9 =	simm.s32 @p0 $0x4000;
	s0 =	simm.s32 @p0 $0x980  }
0xc1: {  	[spmem:s1] =	stream.indirect.scatter.add.f32 @p0 [tilespmem:s9], [sflag:$0x2], $0x20, s0, s16, $0xb8;
	[tilespmem:$0x1FD40] =	vst v63  }
0xc2: {  	s31 =	simm.s32 @!p0 $0x80;
	s5 =	simm.s32 @!p0 $0x800;
	s0 =	simm.s32 @!p0 $0x6880  }
0xc3: {  	[spmem:s3] =	stream.indirect.scatter.add.f32 @!p0 [tilespmem:s0], [sflag:$0x3], $0x1, s5, s31, $0xb8;
	[tilespmem:$0x1FD40] =	vst v63  }
0xc4: {  	s10 =	simm.s32 @!p0 $0x1;
	s5 =	simm.s32 @!p0 $0x880  }
0xc5: {  	[spmem:s3] =	stream.indirect.scatter.add.f32 @!p0 [tilespmem:s0], [sflag:$0x3], $0x1, s5, s31, $0xb8;
	[tilespmem:$0x1FD40] =	vst v63  }
0xc6: {  	_ =	swait.ge @!p0 [sflag:s10], $0x1000  }
0xc7: {  	[sflag:s10] =	ssyncset.done @!p0 $0x0  }
0xc8: {  	[sflag:s10] =	ssyncadd.s32 @!p0 $0xFFFFF000  }
0xc9: {  	_ =	swait.ge @!p0 [sflag:s10], $0x1000  }
0xca: {  	[sflag:s10] =	ssyncset.done @!p0 $0x0  }
0xcb: {  	s7 =	simm.s32 @!p0 $0x3000;
	s5 =	simm.s32 @!p0 $0x900;
	[sflag:s10] =	ssyncadd.s32 @!p0 $0xFFFFF000  }
0xcc: {  	[spmem:s1] =	stream.indirect.scatter.add.f32 @!p0 [tilespmem:s7], [sflag:$0x2], $0x20, s5, s31, $0xb8;
	[tilespmem:$0x1FD40] =	vst v63  }
0xcd: {  	s25 =	simm.s32 @!p0 $0x4000;
	s19 =	simm.s32 @!p0 $0x980  }
0xce: {  	[spmem:s1] =	stream.indirect.scatter.add.f32 @!p0 [tilespmem:s25], [sflag:$0x2], $0x20, s19, s31, $0xb8;
	[tilespmem:$0x1FD40] =	vst v63  }
0xcf: {  	_ = 	snop  }
0xd0: {  	[spmem:s3] =	stream.indirect.scatter.add.f32 @!p0 [tilespmem:s0], [sflag:$0x3], $0x1, s5, s31, $0xb8;
	[tilespmem:$0x1FD40] =	vst v63  }
0xd1: {  	_ = 	snop  }
0xd2: {  	[spmem:s3] =	stream.indirect.scatter.add.f32 @!p0 [tilespmem:s0], [sflag:$0x3], $0x1, s19, s31, $0xb8;
	[tilespmem:$0x1FD40] =	vst v63  }
0xd3: {  	_ =	swait.ge [sflag:s28], $0x200  }
0xd4: {  	[sflag:s28] =	ssyncset.done $0x0  }
0xd5: {  	[sflag:s28] =	ssyncadd.s32 $0xFFFFFE00  }
0xd6: {  	_ =	swait.ge [sflag:s28], $0x200  }
0xd7: {  	[sflag:s28] =	ssyncset.done $0x0  }
0xd8: {  	s19 =	rddreg [dreg:$0x8];
	[sflag:s28] =	ssyncadd.s32 $0xFFFFFE00  }
0xd9: {  	[tilespmem:s23], [sflag:$0x1] =	stream.indirect.gather [hbm4b:s6+s21], $0x20, s19, s21, $0xb8;
	[tilespmem:$0x1FD40] =	vst v63  }
0xda: {  	s29 =	rddreg [dreg:$0x9]  }
0xdb: {  	[tilespmem:s18], [sflag:$0x1] =	stream.indirect.gather [hbm4b:s6+s21], $0x20, s29, s21, $0xb8;
	[tilespmem:$0x1FD40] =	vst v63  }
0xdc: {  	_ =	swait.ge [sflag:s28], $0x200  }
0xdd: {  	[sflag:s28] =	ssyncset.done $0x0  }
0xde: {  	[sflag:s28] =	ssyncadd.s32 $0xFFFFFE00  }
0xdf: {  	_ =	swait.ge [sflag:s28], $0x200  }
0xe0: {  	[sflag:s28] =	ssyncset.done $0x0  }
0xe1: {  	s19 =	rddreg [dreg:$0xa];
	[sflag:s28] =	ssyncadd.s32 $0xFFFFFE00  }
0xe2: {  	[tilespmem:s22], [sflag:$0x1] =	stream.indirect.gather [hbm4b:s6+s21], $0x20, s19, s21, $0xb8;
	[tilespmem:$0x1FD40] =	vst v63  }
0xe3: {  	s20 =	simm.s32 $0x4000;
	s29 =	rddreg [dreg:$0xb]  }
0xe4: {  	[tilespmem:s20], [sflag:$0x1] =	stream.indirect.gather [hbm4b:s6+s21], $0x20, s29, s21, $0xb8;
	[tilespmem:$0x1FD40] =	vst v63  }
0xe5: {  	_ =	swait.ge [sflag:s26], $0x1000  }
0xe6: {  	[sflag:s26] =	ssyncset.done $0x0  }
0xe7: {  	[sflag:s26] =	ssyncadd.s32 $0xFFFFF000  }
0xe8: {  	_ =	swait.ge [sflag:s26], $0x1000  }
0xe9: {  	[sflag:s26] =	ssyncset.done $0x0  }
0xea: {  	s19 =	rddreg [dreg:$0xc];
	[sflag:s26] =	ssyncadd.s32 $0xFFFFF000  }
0xeb: {  	[spmem:s1] =	stream.indirect.scatter.add.f32 [tilespmem:s23], [sflag:$0x2], $0x20, s19, s21, $0xb8;
	[tilespmem:$0x1FD40] =	vst v63  }
0xec: {  	s20 =	rddreg [dreg:$0xd]  }
0xed: {  	[spmem:s1] =	stream.indirect.scatter.add.f32 [tilespmem:s18], [sflag:$0x2], $0x20, s20, s21, $0xb8;
	[tilespmem:$0x1FD40] =	vst v63  }
0xee: {  	_ =	swait.ge @p0 [sflag:s2], $0x1000  }
0xef: {  	[sflag:s2] =	ssyncset.done @p0 $0x0  }
0xf0: {  	[sflag:s2] =	ssyncadd.s32 @p0 $0xFFFFF000  }
0xf1: {  	_ =	swait.ge @p0 [sflag:s2], $0x1000  }
0xf2: {  	[sflag:s2] =	ssyncset.done @p0 $0x0  }
0xf3: {  	s11 =	simm.s32 @p0 $0x3000;
	s5 =	simm.s32 @p0 $0xB00;
	[sflag:s2] =	ssyncadd.s32 @p0 $0xFFFFF000  }
0xf4: {  	[spmem:s1] =	stream.indirect.scatter.add.f32 @p0 [tilespmem:s11], [sflag:$0x2], $0x20, s5, s16, $0xb8;
	[tilespmem:$0x1FD40] =	vst v63  }
0xf5: {  	s5 =	simm.s32 @p0 $0xB80  }
0xf6: {  	[spmem:s1] =	stream.indirect.scatter.add.f32 @p0 [tilespmem:s9], [sflag:$0x2], $0x20, s5, s16, $0xb8;
	[tilespmem:$0x1FD40] =	vst v63  }
0xf7: {  	s5 =	simm.s32 @!p0 $0xA00  }
0xf8: {  	[spmem:s3] =	stream.indirect.scatter.add.f32 @!p0 [tilespmem:s0], [sflag:$0x3], $0x1, s5, s31, $0xb8;
	[tilespmem:$0x1FD40] =	vst v63  }
0xf9: {  	s5 =	simm.s32 @!p0 $0xA80  }
0xfa: {  	[spmem:s3] =	stream.indirect.scatter.add.f32 @!p0 [tilespmem:s0], [sflag:$0x3], $0x1, s5, s31, $0xb8;
	[tilespmem:$0x1FD40] =	vst v63  }
0xfb: {  	_ =	swait.ge @!p0 [sflag:s10], $0x1000  }
0xfc: {  	[sflag:s10] =	ssyncset.done @!p0 $0x0  }
0xfd: {  	[sflag:s10] =	ssyncadd.s32 @!p0 $0xFFFFF000  }
0xfe: {  	_ =	swait.ge @!p0 [sflag:s10], $0x1000  }
0xff: {  	[sflag:s10] =	ssyncset.done @!p0 $0x0  }
0x100: {  	s5 =	simm.s32 @!p0 $0xB00;
	[sflag:s10] =	ssyncadd.s32 @!p0 $0xFFFFF000  }
0x101: {  	[spmem:s1] =	stream.indirect.scatter.add.f32 @!p0 [tilespmem:s7], [sflag:$0x2], $0x20, s5, s31, $0xb8;
	[tilespmem:$0x1FD40] =	vst v63  }
0x102: {  	s25 =	simm.s32 @!p0 $0x4000;
	s19 =	simm.s32 @!p0 $0xB80  }
0x103: {  	[spmem:s1] =	stream.indirect.scatter.add.f32 @!p0 [tilespmem:s25], [sflag:$0x2], $0x20, s19, s31, $0xb8;
	[tilespmem:$0x1FD40] =	vst v63  }
0x104: {  	_ = 	snop  }
0x105: {  	[spmem:s3] =	stream.indirect.scatter.add.f32 @!p0 [tilespmem:s0], [sflag:$0x3], $0x1, s5, s31, $0xb8;
	[tilespmem:$0x1FD40] =	vst v63  }
0x106: {  	_ = 	snop  }
0x107: {  	[spmem:s3] =	stream.indirect.scatter.add.f32 @!p0 [tilespmem:s0], [sflag:$0x3], $0x1, s19, s31, $0xb8;
	[tilespmem:$0x1FD40] =	vst v63  }
0x108: {  	_ =	swait.ge [sflag:s17], $0x400  }
0x109: {  	[sflag:s17] =	ssyncset.done $0x0  }
0x10a: {  	[sflag:s17] =	ssyncadd.s32 $0xFFFFFC00  }
0x10b: {  	_ =	swait.ge [sflag:s17], $0x400  }
0x10c: {  	[sflag:s17] =	ssyncset.done $0x0  }
0x10d: {  	[sflag:s17] =	ssyncadd.s32 $0xFFFFFC00  }
0x10e: {  	_ =	swait.ge [sflag:s28], $0x200  }
0x10f: {  	[sflag:s28] =	ssyncset.done $0x0  }
0x110: {  	[sflag:s28] =	ssyncadd.s32 $0xFFFFFE00  }
0x111: {  	_ =	swait.ge [sflag:s28], $0x200  }
0x112: {  	[sflag:s28] =	ssyncset.done $0x0  }
0x113: {  	[sflag:s28] =	ssyncadd.s32 $0xFFFFFE00  }
0x114: {  	_ =	swait.ge [sflag:s28], $0x200  }
0x115: {  	[sflag:s28] =	ssyncset.done $0x0  }
0x116: {  	[sflag:s28] =	ssyncadd.s32 $0xFFFFFE00  }
0x117: {  	_ =	swait.ge [sflag:s28], $0x200  }
0x118: {  	[sflag:s28] =	ssyncset.done $0x0  }
0x119: {  	s5 =	simm.s32 @!p0 $0x3;
	[sflag:s28] =	ssyncadd.s32 $0xFFFFFE00  }
0x11a: {  	p1 =	seq.s32 s30, $0x1800;
	_ =	swait.ge @!p0 [sflag:s5], $0x80  }
0x11b: {  	s19 =	sadd.s32 @!p1 s30, s8;
	[sflag:s5] =	ssyncset.done @!p0 $0x0  }
0x11c: {  	s20 =	simm.s32 @!p1 $0x0;
	s19 =	sadd.s32 @!p1 $0x100, s19;
	[sflag:s5] =	ssyncadd.s32 @!p0 $0xFFFFFF80  }
0x11d: {  	[tilespmem:s20], [sflag:$0x4] =	stream.linear.gather @!p1 [hbm4b:s19+s20], $0x400, $0x38;
	[tilespmem:$0x1FD40] =	vst v63  }
0x11e: {  	s25 =	smov.u32 s24;
	s19 =	sadd.s32 @!p1 s30, s24  }
0x11f: {  	s24 =	smov.u32 s8;
	s8 =	simm.s32 @!p1 $0x800;
	s19 =	sadd.s32 @!p1 $0x100, s19  }
0x120: {  	[tilespmem:s8], [sflag:$0x4] =	stream.linear.gather @!p1 [hbm4b:s19+s20], $0x400, $0x38;
	[tilespmem:$0x1FD40] =	vst v63  }
0x121: {  	v3 =	vld [tilespmem:$0x400]  }
0x122: {  	v53 =	vld [tilespmem:$0x410]  }
0x123: {  	v54 =	vld [tilespmem:$0x420]  }
0x124: {  	v55 =	vld [tilespmem:$0x430]  }
0x125: {  	v56 =	vld [tilespmem:$0x440]  }
0x126: {  	v57 =	vld [tilespmem:$0x450];
	v3 =	vadd.s32 v0, v3  }
0x127: {  	v58 =	vld [tilespmem:$0x460];
	[tilespmem:$0x400] =	vst v3;
	v3 =	vadd.s32 v0, v53  }
0x128: {  	v59 =	vld [tilespmem:$0x470];
	[tilespmem:$0x410] =	vst v3;
	v3 =	vadd.s32 v0, v54  }
0x129: {  	v60 =	vld [tilespmem:$0x480];
	[tilespmem:$0x420] =	vst v3;
	v3 =	vadd.s32 v0, v55  }
0x12a: {  	v61 =	vld [tilespmem:$0x490];
	[tilespmem:$0x430] =	vst v3;
	v3 =	vadd.s32 v0, v56  }
0x12b: {  	v62 =	vld [tilespmem:$0x4A0];
	[tilespmem:$0x440] =	vst v3;
	v3 =	vadd.s32 v0, v57  }
0x12c: {  	v63 =	vld [tilespmem:$0x4B0];
	[tilespmem:$0x450] =	vst v3;
	v3 =	vadd.s32 v0, v58  }
0x12d: {  	v12 =	vld [tilespmem:$0x4C0];
	[tilespmem:$0x460] =	vst v3;
	v3 =	vadd.s32 v0, v59  }
0x12e: {  	v13 =	vld [tilespmem:$0x4D0];
	[tilespmem:$0x470] =	vst v3;
	v3 =	vadd.s32 v0, v60  }
0x12f: {  	v14 =	vld [tilespmem:$0x4E0];
	[tilespmem:$0x480] =	vst v3;
	v3 =	vadd.s32 v0, v61  }
0x130: {  	v15 =	vld [tilespmem:$0x4F0];
	[tilespmem:$0x490] =	vst v3;
	v3 =	vadd.s32 v0, v62  }
0x131: {  	v16 =	vld [tilespmem:$0x500];
	[tilespmem:$0x4A0] =	vst v3;
	v3 =	vadd.s32 v0, v63  }
0x132: {  	v17 =	vld [tilespmem:$0x510];
	[tilespmem:$0x4B0] =	vst v3;
	v3 =	vadd.s32 v0, v12  }
0x133: {  	v18 =	vld [tilespmem:$0x520];
	[tilespmem:$0x4C0] =	vst v3;
	v3 =	vadd.s32 v0, v13  }
0x134: {  	v19 =	vld [tilespmem:$0x530];
	[tilespmem:$0x4D0] =	vst v3;
	v3 =	vadd.s32 v0, v14  }
0x135: {  	v20 =	vld [tilespmem:$0x540];
	[tilespmem:$0x4E0] =	vst v3;
	v3 =	vadd.s32 v0, v15  }
0x136: {  	v21 =	vld [tilespmem:$0x550];
	[tilespmem:$0x4F0] =	vst v3;
	v3 =	vadd.s32 v0, v16  }
0x137: {  	v22 =	vld [tilespmem:$0x560];
	[tilespmem:$0x500] =	vst v3;
	v3 =	vadd.s32 v0, v17  }
0x138: {  	v23 =	vld [tilespmem:$0x570];
	[tilespmem:$0x510] =	vst v3;
	v3 =	vadd.s32 v0, v18  }
0x139: {  	v24 =	vld [tilespmem:$0x580];
	[tilespmem:$0x520] =	vst v3;
	v3 =	vadd.s32 v0, v19  }
0x13a: {  	v25 =	vld [tilespmem:$0x590];
	[tilespmem:$0x530] =	vst v3;
	v3 =	vadd.s32 v0, v20  }
0x13b: {  	v26 =	vld [tilespmem:$0x5A0];
	[tilespmem:$0x540] =	vst v3;
	v3 =	vadd.s32 v0, v21  }
0x13c: {  	v27 =	vld [tilespmem:$0x5B0];
	[tilespmem:$0x550] =	vst v3;
	v3 =	vadd.s32 v0, v22  }
0x13d: {  	v28 =	vld [tilespmem:$0x5C0];
	[tilespmem:$0x560] =	vst v3;
	v3 =	vadd.s32 v0, v23  }
0x13e: {  	v29 =	vld [tilespmem:$0x5D0];
	[tilespmem:$0x570] =	vst v3;
	v3 =	vadd.s32 v0, v24  }
0x13f: {  	v30 =	vld [tilespmem:$0x5E0];
	[tilespmem:$0x580] =	vst v3;
	v3 =	vadd.s32 v0, v25  }
0x140: {  	v31 =	vld [tilespmem:$0x5F0];
	[tilespmem:$0x590] =	vst v3;
	v3 =	vadd.s32 v0, v26  }
0x141: {  	v32 =	vld [tilespmem:$0x600];
	[tilespmem:$0x5A0] =	vst v3;
	v3 =	vadd.s32 v0, v27  }
0x142: {  	v33 =	vld [tilespmem:$0x610];
	[tilespmem:$0x5B0] =	vst v3;
	v3 =	vadd.s32 v0, v28  }
0x143: {  	v34 =	vld [tilespmem:$0x620];
	[tilespmem:$0x5C0] =	vst v3;
	v3 =	vadd.s32 v0, v29  }
0x144: {  	v35 =	vld [tilespmem:$0x630];
	[tilespmem:$0x5D0] =	vst v3;
	v3 =	vadd.s32 v0, v30  }
0x145: {  	v36 =	vld [tilespmem:$0x640];
	[tilespmem:$0x5E0] =	vst v3;
	v3 =	vadd.s32 v0, v31  }
0x146: {  	v37 =	vld [tilespmem:$0x650];
	[tilespmem:$0x5F0] =	vst v3;
	v3 =	vadd.s32 v0, v32  }
0x147: {  	v38 =	vld [tilespmem:$0x660];
	[tilespmem:$0x600] =	vst v3;
	v3 =	vadd.s32 v0, v33  }
0x148: {  	v39 =	vld [tilespmem:$0x670];
	[tilespmem:$0x610] =	vst v3;
	v3 =	vadd.s32 v0, v34  }
0x149: {  	v40 =	vld [tilespmem:$0x680];
	[tilespmem:$0x620] =	vst v3;
	v3 =	vadd.s32 v0, v35  }
0x14a: {  	v41 =	vld [tilespmem:$0x690];
	[tilespmem:$0x630] =	vst v3;
	v3 =	vadd.s32 v0, v36  }
0x14b: {  	v42 =	vld [tilespmem:$0x6A0];
	[tilespmem:$0x640] =	vst v3;
	v3 =	vadd.s32 v0, v37  }
0x14c: {  	v43 =	vld [tilespmem:$0x6B0];
	[tilespmem:$0x650] =	vst v3;
	v3 =	vadd.s32 v0, v38  }
0x14d: {  	v44 =	vld [tilespmem:$0x6C0];
	[tilespmem:$0x660] =	vst v3;
	v3 =	vadd.s32 v0, v39  }
0x14e: {  	v45 =	vld [tilespmem:$0x6D0];
	[tilespmem:$0x670] =	vst v3;
	v3 =	vadd.s32 v0, v40  }
0x14f: {  	v46 =	vld [tilespmem:$0x6E0];
	[tilespmem:$0x680] =	vst v3;
	v3 =	vadd.s32 v0, v41  }
0x150: {  	v47 =	vld [tilespmem:$0x6F0];
	[tilespmem:$0x690] =	vst v3;
	v3 =	vadd.s32 v0, v42  }
0x151: {  	v48 =	vld [tilespmem:$0x700];
	[tilespmem:$0x6A0] =	vst v3;
	v3 =	vadd.s32 v0, v43  }
0x152: {  	v49 =	vld [tilespmem:$0x710];
	[tilespmem:$0x6B0] =	vst v3;
	v3 =	vadd.s32 v0, v44  }
0x153: {  	v50 =	vld [tilespmem:$0x720];
	[tilespmem:$0x6C0] =	vst v3;
	v3 =	vadd.s32 v0, v45  }
0x154: {  	v51 =	vld [tilespmem:$0x730];
	[tilespmem:$0x6D0] =	vst v3;
	v3 =	vadd.s32 v0, v46  }
0x155: {  	v52 =	vld [tilespmem:$0x740];
	[tilespmem:$0x6E0] =	vst v3;
	v3 =	vadd.s32 v0, v47  }
0x156: {  	v53 =	vld [tilespmem:$0x750];
	[tilespmem:$0x6F0] =	vst v3;
	v3 =	vadd.s32 v0, v48  }
0x157: {  	v54 =	vld [tilespmem:$0x760];
	[tilespmem:$0x700] =	vst v3;
	v3 =	vadd.s32 v0, v49  }
0x158: {  	v55 =	vld [tilespmem:$0x770];
	[tilespmem:$0x710] =	vst v3;
	v3 =	vadd.s32 v0, v50  }
0x159: {  	v56 =	vld [tilespmem:$0x780];
	[tilespmem:$0x720] =	vst v3;
	v3 =	vadd.s32 v0, v51  }
0x15a: {  	v57 =	vld [tilespmem:$0x790];
	[tilespmem:$0x730] =	vst v3;
	v3 =	vadd.s32 v0, v52  }
0x15b: {  	v58 =	vld [tilespmem:$0x7A0];
	[tilespmem:$0x740] =	vst v3;
	v3 =	vadd.s32 v0, v53  }
0x15c: {  	v59 =	vld [tilespmem:$0x7B0];
	[tilespmem:$0x750] =	vst v3;
	v3 =	vadd.s32 v0, v54  }
0x15d: {  	v60 =	vld [tilespmem:$0x7C0];
	[tilespmem:$0x760] =	vst v3;
	v3 =	vadd.s32 v0, v55  }
0x15e: {  	v61 =	vld [tilespmem:$0x7D0];
	[tilespmem:$0x770] =	vst v3;
	v3 =	vadd.s32 v0, v56  }
0x15f: {  	v62 =	vld [tilespmem:$0x7E0];
	[tilespmem:$0x780] =	vst v3;
	v3 =	vadd.s32 v0, v57  }
0x160: {  	v63 =	vld [tilespmem:$0x7F0];
	[tilespmem:$0x790] =	vst v3;
	v3 =	vadd.s32 v0, v58  }
0x161: {  	[tilespmem:$0x7A0] =	vst v3;
	v3 =	vadd.s32 v0, v59  }
0x162: {  	[tilespmem:$0x7B0] =	vst v3;
	v3 =	vadd.s32 v0, v60  }
0x163: {  	[tilespmem:$0x7C0] =	vst v3;
	v3 =	vadd.s32 v0, v61  }
0x164: {  	[tilespmem:$0x7D0] =	vst v3;
	v3 =	vadd.s32 v0, v62  }
0x165: {  	[tilespmem:$0x7E0] =	vst v3;
	v3 =	vadd.s32 v0, v63  }
0x166: {  	s20 =	simm.s32 $0x400;
	[tilespmem:$0x7F0] =	vst v3  }
0x167: {  	[tilespmem:s23], [sflag:$0x1] =	stream.indirect.gather [hbm4b:s6+s21], $0x20, s20, s21, $0xb8;
	[tilespmem:$0x1FD40] =	vst v63  }
0x168: {  	s29 =	rddreg [dreg:$0xe]  }
0x169: {  	[tilespmem:s18], [sflag:$0x1] =	stream.indirect.gather [hbm4b:s6+s21], $0x20, s29, s21, $0xb8;
	[tilespmem:$0x1FD40] =	vst v63  }
0x16a: {  	s11 =	rddreg [dreg:$0xf]  }
0x16b: {  	[tilespmem:s22], [sflag:$0x1] =	stream.indirect.gather [hbm4b:s6+s21], $0x20, s11, s21, $0xb8;
	[tilespmem:$0x1FD40] =	vst v63  }
0x16c: {  	s17 =	rddreg [dreg:$0x10];
	s11 =	simm.s32 $0x4000  }
0x16d: {  	[tilespmem:s11], [sflag:$0x1] =	stream.indirect.gather [hbm4b:s6+s21], $0x20, s17, s21, $0xb8;
	[tilespmem:$0x1FD40] =	vst v63  }
0x16e: {  	_ =	swait.ge [sflag:s26], $0x1000  }
0x16f: {  	[sflag:s26] =	ssyncset.done $0x0  }
0x170: {  	[sflag:s26] =	ssyncadd.s32 $0xFFFFF000  }
0x171: {  	_ =	swait.ge [sflag:s26], $0x1000  }
0x172: {  	[sflag:s26] =	ssyncset.done $0x0  }
0x173: {  	s17 =	simm.s32 $0xC00;
	[sflag:s26] =	ssyncadd.s32 $0xFFFFF000  }
0x174: {  	[spmem:s1] =	stream.indirect.scatter.add.f32 [tilespmem:s23], [sflag:$0x2], $0x20, s17, s21, $0xb8;
	[tilespmem:$0x1FD40] =	vst v63  }
0x175: {  	s29 =	rddreg [dreg:$0x11]  }
0x176: {  	[spmem:s1] =	stream.indirect.scatter.add.f32 [tilespmem:s18], [sflag:$0x2], $0x20, s29, s21, $0xb8;
	[tilespmem:$0x1FD40] =	vst v63  }
0x177: {  	_ =	swait.ge @p0 [sflag:s2], $0x1000  }
0x178: {  	[sflag:s2] =	ssyncset.done @p0 $0x0  }
0x179: {  	[sflag:s2] =	ssyncadd.s32 @p0 $0xFFFFF000  }
0x17a: {  	_ =	swait.ge @p0 [sflag:s2], $0x1000  }
0x17b: {  	[sflag:s2] =	ssyncset.done @p0 $0x0  }
0x17c: {  	s8 =	simm.s32 @p0 $0xD00;
	s29 =	simm.s32 @p0 $0x3000;
	[sflag:s2] =	ssyncadd.s32 @p0 $0xFFFFF000  }
0x17d: {  	[spmem:s1] =	stream.indirect.scatter.add.f32 @p0 [tilespmem:s29], [sflag:$0x2], $0x20, s8, s16, $0xb8;
	[tilespmem:$0x1FD40] =	vst v63  }
0x17e: {  	s8 =	simm.s32 @p0 $0xD80  }
0x17f: {  	[spmem:s1] =	stream.indirect.scatter.add.f32 @p0 [tilespmem:s9], [sflag:$0x2], $0x20, s8, s16, $0xb8;
	[tilespmem:$0x1FD40] =	vst v63  }
0x180: {  	s8 =	simm.s32 @!p0 $0xC00  }
0x181: {  	[spmem:s3] =	stream.indirect.scatter.add.f32 @!p0 [tilespmem:s0], [sflag:$0x3], $0x1, s8, s31, $0xb8;
	[tilespmem:$0x1FD40] =	vst v63  }
0x182: {  	s8 =	simm.s32 @!p0 $0xC80  }
0x183: {  	[spmem:s3] =	stream.indirect.scatter.add.f32 @!p0 [tilespmem:s0], [sflag:$0x3], $0x1, s8, s31, $0xb8;
	[tilespmem:$0x1FD40] =	vst v63  }
0x184: {  	_ =	swait.ge @!p0 [sflag:s10], $0x1000  }
0x185: {  	[sflag:s10] =	ssyncset.done @!p0 $0x0  }
0x186: {  	[sflag:s10] =	ssyncadd.s32 @!p0 $0xFFFFF000  }
0x187: {  	_ =	swait.ge @!p0 [sflag:s10], $0x1000  }
0x188: {  	[sflag:s10] =	ssyncset.done @!p0 $0x0  }
0x189: {  	s8 =	simm.s32 @!p0 $0xD00;
	[sflag:s10] =	ssyncadd.s32 @!p0 $0xFFFFF000  }
0x18a: {  	[spmem:s1] =	stream.indirect.scatter.add.f32 @!p0 [tilespmem:s7], [sflag:$0x2], $0x20, s8, s31, $0xb8;
	[tilespmem:$0x1FD40] =	vst v63  }
0x18b: {  	s19 =	simm.s32 @!p0 $0xD80;
	s17 =	simm.s32 @!p0 $0x4000  }
0x18c: {  	[spmem:s1] =	stream.indirect.scatter.add.f32 @!p0 [tilespmem:s17], [sflag:$0x2], $0x20, s19, s31, $0xb8;
	[tilespmem:$0x1FD40] =	vst v63  }
0x18d: {  	_ = 	snop  }
0x18e: {  	[spmem:s3] =	stream.indirect.scatter.add.f32 @!p0 [tilespmem:s0], [sflag:$0x3], $0x1, s8, s31, $0xb8;
	[tilespmem:$0x1FD40] =	vst v63  }
0x18f: {  	_ = 	snop  }
0x190: {  	[spmem:s3] =	stream.indirect.scatter.add.f32 @!p0 [tilespmem:s0], [sflag:$0x3], $0x1, s19, s31, $0xb8;
	[tilespmem:$0x1FD40] =	vst v63  }
0x191: {  	_ =	swait.ge [sflag:s28], $0x200  }
0x192: {  	[sflag:s28] =	ssyncset.done $0x0  }
0x193: {  	[sflag:s28] =	ssyncadd.s32 $0xFFFFFE00  }
0x194: {  	_ =	swait.ge [sflag:s28], $0x200  }
0x195: {  	[sflag:s28] =	ssyncset.done $0x0  }
0x196: {  	s8 =	rddreg [dreg:$0x12];
	[sflag:s28] =	ssyncadd.s32 $0xFFFFFE00  }
0x197: {  	[tilespmem:s23], [sflag:$0x1] =	stream.indirect.gather [hbm4b:s6+s21], $0x20, s8, s21, $0xb8;
	[tilespmem:$0x1FD40] =	vst v63  }
0x198: {  	s19 =	rddreg [dreg:$0x13]  }
0x199: {  	[tilespmem:s18], [sflag:$0x1] =	stream.indirect.gather [hbm4b:s6+s21], $0x20, s19, s21, $0xb8;
	[tilespmem:$0x1FD40] =	vst v63  }
0x19a: {  	_ =	swait.ge [sflag:s28], $0x200  }
0x19b: {  	[sflag:s28] =	ssyncset.done $0x0  }
0x19c: {  	[sflag:s28] =	ssyncadd.s32 $0xFFFFFE00  }
0x19d: {  	_ =	swait.ge [sflag:s28], $0x200  }
0x19e: {  	[sflag:s28] =	ssyncset.done $0x0  }
0x19f: {  	s8 =	rddreg [dreg:$0x14];
	[sflag:s28] =	ssyncadd.s32 $0xFFFFFE00  }
0x1a0: {  	[tilespmem:s22], [sflag:$0x1] =	stream.indirect.gather [hbm4b:s6+s21], $0x20, s8, s21, $0xb8;
	[tilespmem:$0x1FD40] =	vst v63  }
0x1a1: {  	s19 =	rddreg [dreg:$0x15]  }
0x1a2: {  	[tilespmem:s11], [sflag:$0x1] =	stream.indirect.gather [hbm4b:s6+s21], $0x20, s19, s21, $0xb8;
	[tilespmem:$0x1FD40] =	vst v63  }
0x1a3: {  	_ =	swait.ge [sflag:s26], $0x1000  }
0x1a4: {  	[sflag:s26] =	ssyncset.done $0x0  }
0x1a5: {  	[sflag:s26] =	ssyncadd.s32 $0xFFFFF000  }
0x1a6: {  	_ =	swait.ge [sflag:s26], $0x1000  }
0x1a7: {  	[sflag:s26] =	ssyncset.done $0x0  }
0x1a8: {  	s22 =	simm.s32 $0x1000;
	s19 =	rddreg [dreg:$0x16];
	[sflag:s26] =	ssyncadd.s32 $0xFFFFF000  }
0x1a9: {  	[spmem:s1] =	stream.indirect.scatter.add.f32 [tilespmem:s22], [sflag:$0x2], $0x20, s19, s21, $0xb8;
	[tilespmem:$0x1FD40] =	vst v63  }
0x1aa: {  	s11 =	rddreg [dreg:$0x17]  }
0x1ab: {  	[spmem:s1] =	stream.indirect.scatter.add.f32 [tilespmem:s18], [sflag:$0x2], $0x20, s11, s21, $0xb8;
	[tilespmem:$0x1FD40] =	vst v63  }
0x1ac: {  	_ =	swait.ge @p0 [sflag:s2], $0x1000  }
0x1ad: {  	[sflag:s2] =	ssyncset.done @p0 $0x0  }
0x1ae: {  	[sflag:s2] =	ssyncadd.s32 @p0 $0xFFFFF000  }
0x1af: {  	_ =	swait.ge @p0 [sflag:s2], $0x1000  }
0x1b0: {  	[sflag:s2] =	ssyncset.done @p0 $0x0  }
0x1b1: {  	[sflag:s2] =	ssyncadd.s32 @p0 $0xFFFFF000;
	s2 =	simm.s32 @p0 $0xF00  }
0x1b2: {  	[spmem:s1] =	stream.indirect.scatter.add.f32 @p0 [tilespmem:s29], [sflag:$0x2], $0x20, s2, s16, $0xb8;
	[tilespmem:$0x1FD40] =	vst v63  }
0x1b3: {  	s2 =	simm.s32 @p0 $0xF80  }
0x1b4: {  	[spmem:s1] =	stream.indirect.scatter.add.f32 @p0 [tilespmem:s9], [sflag:$0x2], $0x20, s2, s16, $0xb8;
	[tilespmem:$0x1FD40] =	vst v63  }
0x1b5: {  	s2 =	simm.s32 @!p0 $0xE00  }
0x1b6: {  	[spmem:s3] =	stream.indirect.scatter.add.f32 @!p0 [tilespmem:s0], [sflag:$0x3], $0x1, s2, s31, $0xb8;
	[tilespmem:$0x1FD40] =	vst v63  }
0x1b7: {  	s2 =	simm.s32 @!p0 $0xE80  }
0x1b8: {  	[spmem:s3] =	stream.indirect.scatter.add.f32 @!p0 [tilespmem:s0], [sflag:$0x3], $0x1, s2, s31, $0xb8;
	[tilespmem:$0x1FD40] =	vst v63  }
0x1b9: {  	s16 =	rddreg [dreg:$0x1c];
	_ =	swait.ge @!p0 [sflag:s10], $0x1000  }
0x1ba: {  	[sflag:s10] =	ssyncset.done @!p0 $0x0  }
0x1bb: {  	[sflag:s10] =	ssyncadd.s32 @!p0 $0xFFFFF000  }
0x1bc: {  	_ =	swait.ge @!p0 [sflag:s10], $0x1000  }
0x1bd: {  	[sflag:s10] =	ssyncset.done @!p0 $0x0  }
0x1be: {  	s30 =	sadd.s32 $0x100, s30;
	s2 =	simm.s32 @!p0 $0xF00;
	[sflag:s10] =	ssyncadd.s32 @!p0 $0xFFFFF000  }
0x1bf: {  	[spmem:s1] =	stream.indirect.scatter.add.f32 @!p0 [tilespmem:s7], [sflag:$0x2], $0x20, s2, s31, $0xb8;
	[tilespmem:$0x1FD40] =	vst v63  }
0x1c0: {  	p1 =	sne.s32 s30, $0x1900;
	s7 =	simm.s32 @!p0 $0xF80  }
0x1c1: {  	[spmem:s1] =	stream.indirect.scatter.add.f32 @!p0 [tilespmem:s17], [sflag:$0x2], $0x20, s7, s31, $0xb8;
	[tilespmem:$0x1FD40] =	vst v63  }
.Ltmp4:
0x1c2: {  	_ = 	snop;
	(pc) =	sbr.rel @p1 .LBB2_10-.Ltmp4, $4  }
0x1c3: {  	s8 =	smov.u32 s24;
	s24 =	smov.u32 s25  }
0x1c4: {  	[spmem:s3] =	stream.indirect.scatter.add.f32 @!p0 [tilespmem:s0], [sflag:$0x3], $0x1, s2, s31, $0xb8;
	[tilespmem:$0x1FD40] =	vst v63  }
0x1c5: {  	s19 =	simm.s32 $0x2000;
	s9 =	simm.s32 $0x800;
	s17 =	simm.s32 $0x4  }
0x1c6: {  	[spmem:s3] =	stream.indirect.scatter.add.f32 @!p0 [tilespmem:s0], [sflag:$0x3], $0x1, s7, s31, $0xb8;
	[tilespmem:$0x1FD40] =	vst v63  }
0x1c7: {  	_ =	swait.ge [sflag:s28], $0x200  }
0x1c8: {  	[sflag:s28] =	ssyncset.done $0x0  }
0x1c9: {  	[sflag:s28] =	ssyncadd.s32 $0xFFFFFE00  }
0x1ca: {  	_ =	swait.ge [sflag:s28], $0x200  }
0x1cb: {  	[sflag:s28] =	ssyncset.done $0x0  }
0x1cc: {  	[sflag:s28] =	ssyncadd.s32 $0xFFFFFE00  }
0x1cd: {  	_ =	swait.ge [sflag:s28], $0x200  }
0x1ce: {  	[sflag:s28] =	ssyncset.done $0x0  }
0x1cf: {  	[sflag:s28] =	ssyncadd.s32 $0xFFFFFE00  }
0x1d0: {  	_ =	swait.ge [sflag:s28], $0x200  }
0x1d1: {  	[sflag:s28] =	ssyncset.done $0x0  }
0x1d2: {  	[sflag:s28] =	ssyncadd.s32 $0xFFFFFE00  }
0x1d3: {  	_ =	swait.ge @!p0 [sflag:s5], $0x80  }
0x1d4: {  	[sflag:s5] =	ssyncset.done @!p0 $0x0  }
0x1d5: {  	[sflag:s5] =	ssyncadd.s32 @!p0 $0xFFFFFF80  }
0x1d6: {  	[bflag:$0x0] =	sbarrier.arrive $0xFFFF  }
0x1d7: {  	[tilespmem:s14], [sflag:$0x5] =	stream.linear.gather [spmem:s12], $0xC40, $0x38;
	[tilespmem:$0x1FD40] =	vst v63  }
0x1d8: {  	_ =	swait.ge [sflag:s15], $0xC40  }
0x1d9: {  	[sflag:s15] =	ssyncset.done $0x0  }
0x1da: {  	s0 =	sadd.s32 $0x0, s13;
	[sflag:s15] =	ssyncadd.s32 $0xFFFFF3C0  }
0x1db: {  	[hbm4b:s0+s4] =	stream.linear.scatter [tilespmem:s14], [sflag:$0x5], $0xC40, $0x38;
	[tilespmem:$0x1FD40] =	vst v63  }
0x1dc: {  	_ =	swait.ge [sflag:s15], $0xC40  }
0x1dd: {  	s2 =	smov.u32 s12;
	s0 =	simm.s32 $0x188;
	[sflag:s15] =	ssyncset.done $0x0  }
.LBB2_12:
0x1de: {  	p1 =	sne.s32 s0, $0x2F78;
	[sflag:s15] =	ssyncadd.s32 $0xFFFFF3C0;
	s2 =	sadd.s32 $0xC40, s2  }
0x1df: {  	[tilespmem:s14], [sflag:$0x5] =	stream.linear.gather [spmem:s2], $0xC40, $0x38;
	[tilespmem:$0x1FD40] =	vst v63  }
0x1e0: {  	s5 =	smov.u32 s0;
	s0 =	sadd.s32 $0x188, s0;
	_ =	swait.ge [sflag:s15], $0xC40  }
.Ltmp5:
0x1e1: {  	[sflag:s15] =	ssyncset.done $0x0;
	(pc) =	sbr.rel @p1 .LBB2_12-.Ltmp5, $4  }
0x1e2: {  	s5 =	sadd.s32 s5, s13;
	[sflag:s15] =	ssyncadd.s32 $0xFFFFF3C0  }
0x1e3: {  	[hbm4b:s5+s4] =	stream.linear.scatter [tilespmem:s14], [sflag:$0x5], $0xC40, $0x38;
	[tilespmem:$0x1FD40] =	vst v63  }
0x1e4: {  	_ =	swait.ge [sflag:s15], $0xC40  }
0x1e5: {  	[sflag:s15] =	ssyncset.done $0x0  }
0x1e6: {  	[sflag:s15] =	ssyncadd.s32 $0xFFFFF3C0;
	s0 =	simm.s32 @!p0 $0x5C40;
	s2 =	rddreg [dreg:$0x18]  }
0x1e7: {  	[tilespmem:s0], [sflag:$0x5] =	stream.linear.gather @!p0 [spmem:s2], $0xC40, $0x38;
	[tilespmem:$0x1FD40] =	vst v63  }
0x1e8: {  	s2 =	simm.s32 @!p0 $0x5  }
0x1e9: {  	_ =	swait.ge @!p0 [sflag:s2], $0xC40  }
0x1ea: {  	[sflag:s2] =	ssyncset.done @!p0 $0x0  }
0x1eb: {  	s5 =	simm.s32 @!p0 $0x0;
	s7 =	rddreg [dreg:$0x19];
	[sflag:s2] =	ssyncadd.s32 @!p0 $0xFFFFF3C0  }
0x1ec: {  	[hbm4b:s7+s5] =	stream.linear.scatter @!p0 [tilespmem:s0], [sflag:$0x5], $0xC40, $0x38;
	[tilespmem:$0x1FD40] =	vst v63  }
0x1ed: {  	_ =	swait.ge @!p0 [sflag:s2], $0xC40  }
0x1ee: {  	s30 =	rddreg [dreg:$0x1b]  }
0x1ef: {  	s31 =	rddreg [dreg:$0x1a];
	s5 =	sadd.s32 $0x1, s30  }
0x1f0: {  	p1 =	sne.s32 s5, s31  }
.Ltmp6:
0x1f1: {  	_ = 	snop;
	(pc) =	sbr.rel @p1 .LBB2_1-.Ltmp6, $3  }
0x1f2: {  	_ =	sdelay $0x1  }
0x1f3: {  	[sflag:s2] =	ssyncset.done @!p0 $0x0  }
0x1f4: {  	[sflag:s2] =	ssyncadd.s32 @!p0 $0xFFFFF3C0  }
0x1f5: {  	_ =	sfence.sel $0x180000  }
0x1f6: {  	[bflag:$0x0] =	sbarrier.arrive $0xFFFF  }
0x1f7: {  	_ =	strace $0x90000047  }
0x1f8: {  	s0 =	stileid.u32;
	[bflag:$0x2] =	sbarrier.arrive $0xFFFF  }
0x1f9: {  	p0 =	sne.s32 s0, $0x0;
	s0 =	rddreg [dreg:$0x4]  }
0x1fa: {  	s0 =	sadd.s32 @!p0 $0x100000, s0  }
0x1fb: {  	[sflag:s0] =	ssyncadd.tile.s32 @!p0 $0x1;
	_ =	shalt  }
.Lfunc_end2:
_tile_overlayer_lowered:
.L_overlay_start_2:
0x1fc: {  	(tag) =	ssettag $0x2  }
0x1fd: {  	s0 =	rddreg [dreg:$0x0];
	s2 =	stileid.u32  }
0x1fe: {  	s1 =	rddreg [dreg:$0x1];
	p0 =	sne.s32 s2, $0x0  }
0x1ff: {  	s3 =	rddreg [dreg:$0x2];
	[bflag:$0x3] =	sbarrier.arrive $0xFFFF;
	s2 =	simm.s32 @!p0 $0x1C05  }
0x200: {  	[timem:s3], [sflag:s2] =	dma.local @!p0 [hbm:s0], s1  }
0x201: {  	s0 =	simm.s32 @!p0 $0x5  }
0x202: {  	_ =	swait.ge @!p0 [sflag:s0], s1  }
0x203: {  	s1 =	ssub.s32 @!p0 $0x0, s1;
	[sflag:s0] =	ssyncset.done @!p0 $0x0  }
0x204: {  	[sflag:s0] =	ssyncadd.s32 @!p0 s1  }
0x205: {  	[bflag:$0x3] =	sbarrier.arrive $0xFFFF  }
0x206: {  	_ =	shalt  }

</sc_bundles>
